<compile_context>
chip_gen: v7x
topology: tpu7x:2x2x1
jax: 0.10.2.dev20260603
libtpu: 0.0.44.dev20260713+nightly
codegen_flags: <defaults>
</compile_context>

<pallas_src>
import functools

import jax
import jax.numpy as jnp
from jax import lax
from jax.experimental import pallas as pl
from jax.experimental.pallas import tpu as pltpu
from jax.experimental.pallas import tpu_sc as plsc

K_CODES = 1024
LATENT_DIM = 256
N_BATCH = 16
N_PIX = 576
N_TOTAL = N_BATCH * N_PIX
N_WORKERS = 32
D_PER_W = LATENT_DIM // N_WORKERS


def _vq_body(z_ref, w2_ref, zn_ref, wn_ref, iota_ref, idx_ref, prob_ref):
    zt = z_ref[0]
    W2 = w2_ref[...]
    k = W2.shape[0]
    mm2 = jax.lax.dot_general(
        zt, W2, (((0,), (1,)), ((), ())),
        preferred_element_type=jnp.float32,
    )
    zn_col = zn_ref[0]
    wn_row = wn_ref[...]
    dist = (zn_col + wn_row) - mm2
    rowmin = jnp.min(dist, axis=1, keepdims=True)
    e = jnp.exp(rowmin - dist)
    prob_ref[0] = e * (1.0 / jnp.sum(e, axis=1, keepdims=True))
    iota_row = iota_ref[...]
    masked = jnp.where(dist == rowmin, iota_row, float(k))
    idx_col = jnp.min(masked, axis=1, keepdims=True)
    idx_ref[0] = idx_col.astype(jnp.int32)


@functools.partial(
    pl.kernel,
    mesh=plsc.VectorSubcoreMesh(core_axis_name="c", subcore_axis_name="s"),
    out_type=jax.ShapeDtypeStruct((N_BATCH, LATENT_DIM, N_PIX), jnp.float32),
    compiler_params=pltpu.CompilerParams(
        use_tc_tiling_on_sc=False, needs_layout_passes=False),
    scratch_types=[
        pltpu.VMEM((K_CODES, D_PER_W), jnp.float32),
        pltpu.VMEM((N_TOTAL,), jnp.int32),
        pltpu.VMEM((D_PER_W, N_BATCH, N_PIX), jnp.float32),
        pltpu.SemaphoreType.DMA,
    ],
)
def _sc_gather(w_hbm, idx_hbm, out_hbm, wt_v, idx_v, rows_v, sem):
    wid = lax.axis_index("s") * 2 + lax.axis_index("c")
    dd_base = wid * D_PER_W
    pltpu.sync_copy(w_hbm.at[:, pl.ds(dd_base, D_PER_W)], wt_v)
    pltpu.sync_copy(idx_hbm, idx_v)

    for b in range(N_BATCH):
        @plsc.parallel_loop(0, N_PIX // 16, unroll=4)
        def _point_chunk(j, _b=b):
            idxv = idx_v[pl.ds(_b * N_PIX + j * 16, 16)]
            for dd in range(D_PER_W):
                rows_v[dd, _b, pl.ds(j * 16, 16)] = plsc.load_gather(
                    wt_v, [idxv, jnp.full((16,), dd, jnp.int32)])

    copies = [
        pltpu.async_copy(rows_v.at[dd], out_hbm.at[:, dd_base + dd], sem)
        for dd in range(D_PER_W)
    ]
    for c in copies:
        c.wait()


@jax.jit
def kernel(z, W):
    b, d, h, w = z.shape
    n = h * w
    z_r = z.reshape(b, d, n)
    zn2 = jnp.sum(z_r ** 2, axis=1)[..., None]
    wn2 = jnp.sum(W ** 2, axis=1)
    w2 = W + W
    iota_row = jnp.arange(K_CODES, dtype=jnp.float32).reshape(1, K_CODES)
    idx, prob = pl.pallas_call(
        _vq_body,
        grid=(b,),
        in_specs=[
            pl.BlockSpec((1, d, n), lambda i: (i, 0, 0)),
            pl.BlockSpec((K_CODES, d), lambda i: (0, 0)),
            pl.BlockSpec((1, n, 1), lambda i: (i, 0, 0)),
            pl.BlockSpec((1, K_CODES), lambda i: (0, 0)),
            pl.BlockSpec((1, K_CODES), lambda i: (0, 0)),
        ],
        out_specs=[
            pl.BlockSpec((1, n, 1), lambda i: (i, 0, 0)),
            pl.BlockSpec((1, n, K_CODES), lambda i: (i, 0, 0)),
        ],
        out_shape=[
            jax.ShapeDtypeStruct((b, n, 1), jnp.int32),
            jax.ShapeDtypeStruct((b, n, K_CODES), jnp.float32),
        ],
    )(z_r, w2, zn2, wn2.reshape(1, K_CODES), iota_row)
    zq = _sc_gather(W, idx.reshape(b * n))
    return (
        zq.reshape(b, d, h, w),
        idx.reshape(b * n),
        prob.reshape(b * n, K_CODES),
    )

# --- scband reference (transcript-rebuilt; emitter-appended) ---
"""Pipeline reference for scband-dinopqgocls-34437047779986 (READ-ONLY COPY).

The authoritative reference and input builder live on the scoring server;
editing this copy changes nothing except your own understanding.
"""

import jax, jax.numpy as jnp
import numpy as np

K_CODES = 1024
LATENT_DIM = 256
JSD_TS = 1.0


def setup_inputs(seed: int = 0) -> dict:
    key = jax.random.key(seed)
    k1, k2 = jax.random.split(key)
    z = jax.random.normal(k1, (16, LATENT_DIM, 24, 24), dtype=jnp.float32)
    # embedding.weight.data.uniform_(-1/K, 1/K)
    W = jax.random.uniform(k2, (K_CODES, LATENT_DIM), minval=-1.0 / K_CODES, maxval=1.0 / K_CODES, dtype=jnp.float32)
    return {"z": z, "W": W}


def reference(z, W):
    # eval-mode forward of Codebook with normalize='none', use_weighted_sum=False,
    # pq_dropout=0.0, need_initialized='none'
    b, d, h, w = z.shape
    z_perm = jnp.transpose(z, (0, 2, 3, 1))  # (b, h, w, d)
    z_flat = z_perm.reshape(-1, d)           # (n, d)
    z_norm = z_flat
    codebook_norm = W
    dist = (
        jnp.sum(z_norm ** 2, axis=1, keepdims=True)
        + jnp.sum(codebook_norm ** 2, axis=1)
        - 2.0 * jnp.matmul(z_norm, codebook_norm.T)
    )  # (n, K)
    min_encoding_indices = jnp.argmin(dist, axis=1)
    distance_prob = jax.nn.softmax(-dist / JSD_TS, axis=1)
    # z_q = self.embedding(min_encoding_indices)  -> gather rows from codebook
    z_q = jnp.take(W, min_encoding_indices, axis=0)  # (n, d)
    z_q = z_q.reshape(b, h, w, d).transpose(0, 3, 1, 2)  # (b, d, h, w)
    return z_q, min_encoding_indices, distance_prob

if __name__ == "__main__":
    import jax
    _d = setup_inputs()
    print(jax.jit(kernel)(*tuple(_d.values())))

</pallas_src>

<mosaic_0001>
#map = affine_map<(d0, d1) -> (0, 0)>
#map1 = affine_map<(d0, d1) -> (0)>
#map2 = affine_map<(d0, d1) -> (0, 0, 0)>
module attributes {stable_mosaic.version = 14 : i64} {
  func.func @_sc_gather(%arg0: i32, %arg1: i32, %arg2: memref<1024x256xf32, #tpu.memory_space<hbm>>, %arg3: memref<9216xi32, #tpu.memory_space<hbm>>, %arg4: memref<16x256x576xf32, #tpu.memory_space<hbm>>, %arg5: memref<1024x8xf32, #tpu.memory_space<vmem>>, %arg6: memref<9216xi32, #tpu.memory_space<vmem>>, %arg7: memref<8x16x576xf32, #tpu.memory_space<vmem>>, %arg8: memref<!tpu.dma_semaphore, #tpu.memory_space<semaphore_mem>>) attributes {dimension_semantics = [#tpu.dimension_semantics<core_parallel>, #tpu.dimension_semantics<subcore_parallel>], iteration_bounds = array<i64: 2, 16>, scalar_prefetch = 0 : i64, scratch_operands = 4 : i64, tpu.core_type = #tpu.core_type<sc_vector_subcore>, window_params = [{transform_indices = #map}, {transform_indices = #map1}, {transform_indices = #map2}]} {
    %mul3A = arith.constant 2 : i32
    %mul3A_0 = arith.muli %arg1, %mul3A : i32
    %add3A = arith.addi %mul3A_0, %arg0 : i32
    %mul3A_1 = arith.constant 8 : i32
    %mul3A_2 = arith.muli %add3A, %mul3A_1 : i32
    "tpu.region"() ({
      %run_scoped3A = tpu.sem_alloc : memref<!tpu.dma_semaphore, #tpu.memory_space<semaphore_mem>>
      %dma_start3A_336 = arith.constant 0 : i32
      %dma_start3A_337 = tpu.memref_slice %arg2[%dma_start3A_336, %mul3A_2] : memref<1024x256xf32, #tpu.memory_space<hbm>> -> memref<1024x8xf32, #tpu.memory_space<hbm>>
      %dma_start3A_338 = arith.constant 0 : i32
      %dma_start3A_339 = tpu.memref_slice %arg2[%dma_start3A_338, %mul3A_2] : memref<1024x256xf32, #tpu.memory_space<hbm>> -> memref<1024x8xf32, #tpu.memory_space<hbm>>
      tpu.enqueue_dma source(%dma_start3A_339 : memref<1024x8xf32, #tpu.memory_space<hbm>>) target(%arg5 : memref<1024x8xf32, #tpu.memory_space<vmem>>) target_semaphore(%run_scoped3A : memref<!tpu.dma_semaphore, #tpu.memory_space<semaphore_mem>>)
      %dma_wait3A_340 = arith.constant 0 : i32
      %dma_wait3A_341 = tpu.memref_slice %arg2[%dma_wait3A_340, %mul3A_2] : memref<1024x256xf32, #tpu.memory_space<hbm>> -> memref<1024x8xf32, #tpu.memory_space<hbm>>
      %dma_wait3A_342 = arith.constant 0 : i32
      %dma_wait3A_343 = tpu.memref_slice %arg2[%dma_wait3A_342, %mul3A_2] : memref<1024x256xf32, #tpu.memory_space<hbm>> -> memref<1024x8xf32, #tpu.memory_space<hbm>>
      tpu.wait_dma2 semaphore(%run_scoped3A : memref<!tpu.dma_semaphore, #tpu.memory_space<semaphore_mem>>) src(%dma_wait3A_343 : memref<1024x8xf32, #tpu.memory_space<hbm>>) dst(%arg5 : memref<1024x8xf32, #tpu.memory_space<vmem>>)
      tpu.yield
    }) : () -> ()
    "tpu.region"() ({
      %run_scoped3A = tpu.sem_alloc : memref<!tpu.dma_semaphore, #tpu.memory_space<semaphore_mem>>
      tpu.enqueue_dma source(%arg3 : memref<9216xi32, #tpu.memory_space<hbm>>) target(%arg6 : memref<9216xi32, #tpu.memory_space<vmem>>) target_semaphore(%run_scoped3A : memref<!tpu.dma_semaphore, #tpu.memory_space<semaphore_mem>>)
      tpu.wait_dma2 semaphore(%run_scoped3A : memref<!tpu.dma_semaphore, #tpu.memory_space<semaphore_mem>>) src(%arg3 : memref<9216xi32, #tpu.memory_space<hbm>>) dst(%arg6 : memref<9216xi32, #tpu.memory_space<vmem>>)
      tpu.yield
    }) : () -> ()
    %parallel_loop3A = arith.constant 0 : i32
    %parallel_loop3A_3 = arith.constant 36 : i32
    %parallel_loop3A_4 = arith.constant 1 : i32
    scf.for %parallel_loop3A_336 = %parallel_loop3A to %parallel_loop3A_3 step %parallel_loop3A_4  : i32 {
      %parallel_loop3A_337 = arith.constant 16 : i32
      %parallel_loop3A_338 = arith.muli %parallel_loop3A_336, %parallel_loop3A_337 : i32
      %parallel_loop3A_339 = arith.constant 0 : i32
      %parallel_loop3A_340 = arith.addi %parallel_loop3A_339, %parallel_loop3A_338 : i32
      %parallel_loop3A_341 = arith.index_cast %parallel_loop3A_340 : i32 to index
      %parallel_loop3A_342 = tpu.vector_load %arg6[%parallel_loop3A_341] {strides = array<i32>} : memref<9216xi32, #tpu.memory_space<vmem>>, vector<16xi32>,
      %parallel_loop3A_343 = arith.constant 0 : i32
      %parallel_loop3A_344 = vector.broadcast %parallel_loop3A_343 : i32 to vector<16xi32>
      %parallel_loop3A_345 = tpu.vector_load_idx %arg5[%parallel_loop3A_342, %parallel_loop3A_344] : memref<1024x8xf32, #tpu.memory_space<vmem>>[vector<16xi32>, vector<16xi32>], vector<16xf32>,
      %parallel_loop3A_346 = arith.constant 16 : i32
      %parallel_loop3A_347 = arith.muli %parallel_loop3A_336, %parallel_loop3A_346 : i32
      %parallel_loop3A_348 = arith.constant 0 : i32
      %parallel_loop3A_349 = arith.constant 0 : i32
      %parallel_loop3A_350 = arith.index_cast %parallel_loop3A_348 : i32 to index
      %parallel_loop3A_351 = arith.index_cast %parallel_loop3A_349 : i32 to index
      %parallel_loop3A_352 = arith.index_cast %parallel_loop3A_347 : i32 to index
      %parallel_loop3A_353 = tpu.vector_load %arg7[%parallel_loop3A_350, %parallel_loop3A_351, %parallel_loop3A_352] {strides = array<i32>} : memref<8x16x576xf32, #tpu.memory_space<vmem>>, vector<16xf32>,
      tpu.vector_store %arg7[%parallel_loop3A_350, %parallel_loop3A_351, %parallel_loop3A_352], %parallel_loop3A_345 {strides = array<i32>} : memref<8x16x576xf32, #tpu.memory_space<vmem>>, vector<16xf32>,
      %parallel_loop3A_354 = arith.constant 1 : i32
      %parallel_loop3A_355 = vector.broadcast %parallel_loop3A_354 : i32 to vector<16xi32>
      %parallel_loop3A_356 = tpu.vector_load_idx %arg5[%parallel_loop3A_342, %parallel_loop3A_355] : memref<1024x8xf32, #tpu.memory_space<vmem>>[vector<16xi32>, vector<16xi32>], vector<16xf32>,
      %parallel_loop3A_357 = arith.constant 16 : i32
      %parallel_loop3A_358 = arith.muli %parallel_loop3A_336, %parallel_loop3A_357 : i32
      %parallel_loop3A_359 = arith.constant 1 : i32
      %parallel_loop3A_360 = arith.constant 0 : i32
      %parallel_loop3A_361 = arith.index_cast %parallel_loop3A_359 : i32 to index
      %parallel_loop3A_362 = arith.index_cast %parallel_loop3A_360 : i32 to index
      %parallel_loop3A_363 = arith.index_cast %parallel_loop3A_358 : i32 to index
      %parallel_loop3A_364 = tpu.vector_load %arg7[%parallel_loop3A_361, %parallel_loop3A_362, %parallel_loop3A_363] {strides = array<i32>} : memref<8x16x576xf32, #tpu.memory_space<vmem>>, vector<16xf32>,
      tpu.vector_store %arg7[%parallel_loop3A_361, %parallel_loop3A_362, %parallel_loop3A_363], %parallel_loop3A_356 {strides = array<i32>} : memref<8x16x576xf32, #tpu.memory_space<vmem>>, vector<16xf32>,
      %parallel_loop3A_365 = arith.constant 2 : i32
      %parallel_loop3A_366 = vector.broadcast %parallel_loop3A_365 : i32 to vector<16xi32>
      %parallel_loop3A_367 = tpu.vector_load_idx %arg5[%parallel_loop3A_342, %parallel_loop3A_366] : memref<1024x8xf32, #tpu.memory_space<vmem>>[vector<16xi32>, vector<16xi32>], vector<16xf32>,
      %parallel_loop3A_368 = arith.constant 16 : i32
      %parallel_loop3A_369 = arith.muli %parallel_loop3A_336, %parallel_loop3A_368 : i32
      %parallel_loop3A_370 = arith.constant 2 : i32
      %parallel_loop3A_371 = arith.constant 0 : i32
      %parallel_loop3A_372 = arith.index_cast %parallel_loop3A_370 : i32 to index
      %parallel_loop3A_373 = arith.index_cast %parallel_loop3A_371 : i32 to index
      %parallel_loop3A_374 = arith.index_cast %parallel_loop3A_369 : i32 to index
      %parallel_loop3A_375 = tpu.vector_load %arg7[%parallel_loop3A_372, %parallel_loop3A_373, %parallel_loop3A_374] {strides = array<i32>} : memref<8x16x576xf32, #tpu.memory_space<vmem>>, vector<16xf32>,
      tpu.vector_store %arg7[%parallel_loop3A_372, %parallel_loop3A_373, %parallel_loop3A_374], %parallel_loop3A_367 {strides = array<i32>} : memref<8x16x576xf32, #tpu.memory_space<vmem>>, vector<16xf32>,
      %parallel_loop3A_376 = arith.constant 3 : i32
      %parallel_loop3A_377 = vector.broadcast %parallel_loop3A_376 : i32 to vector<16xi32>
      %parallel_loop3A_378 = tpu.vector_load_idx %arg5[%parallel_loop3A_342, %parallel_loop3A_377] : memref<1024x8xf32, #tpu.memory_space<vmem>>[vector<16xi32>, vector<16xi32>], vector<16xf32>,
      %parallel_loop3A_379 = arith.constant 16 : i32
      %parallel_loop3A_380 = arith.muli %parallel_loop3A_336, %parallel_loop3A_379 : i32
      %parallel_loop3A_381 = arith.constant 3 : i32
      %parallel_loop3A_382 = arith.constant 0 : i32
      %parallel_loop3A_383 = arith.index_cast %parallel_loop3A_381 : i32 to index
      %parallel_loop3A_384 = arith.index_cast %parallel_loop3A_382 : i32 to index
      %parallel_loop3A_385 = arith.index_cast %parallel_loop3A_380 : i32 to index
      %parallel_loop3A_386 = tpu.vector_load %arg7[%parallel_loop3A_383, %parallel_loop3A_384, %parallel_loop3A_385] {strides = array<i32>} : memref<8x16x576xf32, #tpu.memory_space<vmem>>, vector<16xf32>,
      tpu.vector_store %arg7[%parallel_loop3A_383, %parallel_loop3A_384, %parallel_loop3A_385], %parallel_loop3A_378 {strides = array<i32>} : memref<8x16x576xf32, #tpu.memory_space<vmem>>, vector<16xf32>,
      %parallel_loop3A_387 = arith.constant 4 : i32
      %parallel_loop3A_388 = vector.broadcast %parallel_loop3A_387 : i32 to vector<16xi32>
      %parallel_loop3A_389 = tpu.vector_load_idx %arg5[%parallel_loop3A_342, %parallel_loop3A_388] : memref<1024x8xf32, #tpu.memory_space<vmem>>[vector<16xi32>, vector<16xi32>], vector<16xf32>,
      %parallel_loop3A_390 = arith.constant 16 : i32
      %parallel_loop3A_391 = arith.muli %parallel_loop3A_336, %parallel_loop3A_390 : i32
      %parallel_loop3A_392 = arith.constant 4 : i32
      %parallel_loop3A_393 = arith.constant 0 : i32
      %parallel_loop3A_394 = arith.index_cast %parallel_loop3A_392 : i32 to index
      %parallel_loop3A_395 = arith.index_cast %parallel_loop3A_393 : i32 to index
      %parallel_loop3A_396 = arith.index_cast %parallel_loop3A_391 : i32 to index
      %parallel_loop3A_397 = tpu.vector_load %arg7[%parallel_loop3A_394, %parallel_loop3A_395, %parallel_loop3A_396] {strides = array<i32>} : memref<8x16x576xf32, #tpu.memory_space<vmem>>, vector<16xf32>,
      tpu.vector_store %arg7[%parallel_loop3A_394, %parallel_loop3A_395, %parallel_loop3A_396], %parallel_loop3A_389 {strides = array<i32>} : memref<8x16x576xf32, #tpu.memory_space<vmem>>, vector<16xf32>,
      %parallel_loop3A_398 = arith.constant 5 : i32
      %parallel_loop3A_399 = vector.broadcast %parallel_loop3A_398 : i32 to vector<16xi32>
      %parallel_loop3A_400 = tpu.vector_load_idx %arg5[%parallel_loop3A_342, %parallel_loop3A_399] : memref<1024x8xf32, #tpu.memory_space<vmem>>[vector<16xi32>, vector<16xi32>], vector<16xf32>,
      %parallel_loop3A_401 = arith.constant 16 : i32
      %parallel_loop3A_402 = arith.muli %parallel_loop3A_336, %parallel_loop3A_401 : i32
      %parallel_loop3A_403 = arith.constant 5 : i32
      %parallel_loop3A_404 = arith.constant 0 : i32
      %parallel_loop3A_405 = arith.index_cast %parallel_loop3A_403 : i32 to index
      %parallel_loop3A_406 = arith.index_cast %parallel_loop3A_404 : i32 to index
      %parallel_loop3A_407 = arith.index_cast %parallel_loop3A_402 : i32 to index
      %parallel_loop3A_408 = tpu.vector_load %arg7[%parallel_loop3A_405, %parallel_loop3A_406, %parallel_loop3A_407] {strides = array<i32>} : memref<8x16x576xf32, #tpu.memory_space<vmem>>, vector<16xf32>,
      tpu.vector_store %arg7[%parallel_loop3A_405, %parallel_loop3A_406, %parallel_loop3A_407], %parallel_loop3A_400 {strides = array<i32>} : memref<8x16x576xf32, #tpu.memory_space<vmem>>, vector<16xf32>,
      %parallel_loop3A_409 = arith.constant 6 : i32
      %parallel_loop3A_410 = vector.broadcast %parallel_loop3A_409 : i32 to vector<16xi32>
      %parallel_loop3A_411 = tpu.vector_load_idx %arg5[%parallel_loop3A_342, %parallel_loop3A_410] : memref<1024x8xf32, #tpu.memory_space<vmem>>[vector<16xi32>, vector<16xi32>], vector<16xf32>,
      %parallel_loop3A_412 = arith.constant 16 : i32
      %parallel_loop3A_413 = arith.muli %parallel_loop3A_336, %parallel_loop3A_412 : i32
      %parallel_loop3A_414 = arith.constant 6 : i32
      %parallel_loop3A_415 = arith.constant 0 : i32
      %parallel_loop3A_416 = arith.index_cast %parallel_loop3A_414 : i32 to index
      %parallel_loop3A_417 = arith.index_cast %parallel_loop3A_415 : i32 to index
      %parallel_loop3A_418 = arith.index_cast %parallel_loop3A_413 : i32 to index
      %parallel_loop3A_419 = tpu.vector_load %arg7[%parallel_loop3A_416, %parallel_loop3A_417, %parallel_loop3A_418] {strides = array<i32>} : memref<8x16x576xf32, #tpu.memory_space<vmem>>, vector<16xf32>,
      tpu.vector_store %arg7[%parallel_loop3A_416, %parallel_loop3A_417, %parallel_loop3A_418], %parallel_loop3A_411 {strides = array<i32>} : memref<8x16x576xf32, #tpu.memory_space<vmem>>, vector<16xf32>,
      %parallel_loop3A_420 = arith.constant 7 : i32
      %parallel_loop3A_421 = vector.broadcast %parallel_loop3A_420 : i32 to vector<16xi32>
      %parallel_loop3A_422 = tpu.vector_load_idx %arg5[%parallel_loop3A_342, %parallel_loop3A_421] : memref<1024x8xf32, #tpu.memory_space<vmem>>[vector<16xi32>, vector<16xi32>], vector<16xf32>,
      %parallel_loop3A_423 = arith.constant 16 : i32
      %parallel_loop3A_424 = arith.muli %parallel_loop3A_336, %parallel_loop3A_423 : i32
      %parallel_loop3A_425 = arith.constant 7 : i32
      %parallel_loop3A_426 = arith.constant 0 : i32
      %parallel_loop3A_427 = arith.index_cast %parallel_loop3A_425 : i32 to index
      %parallel_loop3A_428 = arith.index_cast %parallel_loop3A_426 : i32 to index
      %parallel_loop3A_429 = arith.index_cast %parallel_loop3A_424 : i32 to index
      %parallel_loop3A_430 = tpu.vector_load %arg7[%parallel_loop3A_427, %parallel_loop3A_428, %parallel_loop3A_429] {strides = array<i32>} : memref<8x16x576xf32, #tpu.memory_space<vmem>>, vector<16xf32>,
      tpu.vector_store %arg7[%parallel_loop3A_427, %parallel_loop3A_428, %parallel_loop3A_429], %parallel_loop3A_422 {strides = array<i32>} : memref<8x16x576xf32, #tpu.memory_space<vmem>>, vector<16xf32>,
    } {sc.loop_unroll_factor = 4 : i64, sc.parallel_access}
    %parallel_loop3A_5 = arith.constant 0 : i32
    %parallel_loop3A_6 = arith.constant 36 : i32
    %parallel_loop3A_7 = arith.constant 1 : i32
    scf.for %parallel_loop3A_336 = %parallel_loop3A_5 to %parallel_loop3A_6 step %parallel_loop3A_7  : i32 {
      %parallel_loop3A_337 = arith.constant 16 : i32
      %parallel_loop3A_338 = arith.muli %parallel_loop3A_336, %parallel_loop3A_337 : i32
      %parallel_loop3A_339 = arith.constant 576 : i32
      %parallel_loop3A_340 = arith.addi %parallel_loop3A_339, %parallel_loop3A_338 : i32
      %parallel_loop3A_341 = arith.index_cast %parallel_loop3A_340 : i32 to index
      %parallel_loop3A_342 = tpu.vector_load %arg6[%parallel_loop3A_341] {strides = array<i32>} : memref<9216xi32, #tpu.memory_space<vmem>>, vector<16xi32>,
      %parallel_loop3A_343 = arith.constant 0 : i32
      %parallel_loop3A_344 = vector.broadcast %parallel_loop3A_343 : i32 to vector<16xi32>
      %parallel_loop3A_345 = tpu.vector_load_idx %arg5[%parallel_loop3A_342, %parallel_loop3A_344] : memref<1024x8xf32, #tpu.memory_space<vmem>>[vector<16xi32>, vector<16xi32>], vector<16xf32>,
      %parallel_loop3A_346 = arith.constant 16 : i32
      %parallel_loop3A_347 = arith.muli %parallel_loop3A_336, %parallel_loop3A_346 : i32
      %parallel_loop3A_348 = arith.constant 0 : i32
      %parallel_loop3A_349 = arith.constant 1 : i32
      %parallel_loop3A_350 = arith.index_cast %parallel_loop3A_348 : i32 to index
      %parallel_loop3A_351 = arith.index_cast %parallel_loop3A_349 : i32 to index
      %parallel_loop3A_352 = arith.index_cast %parallel_loop3A_347 : i32 to index
      %parallel_loop3A_353 = tpu.vector_load %arg7[%parallel_loop3A_350, %parallel_loop3A_351, %parallel_loop3A_352] {strides = array<i32>} : memref<8x16x576xf32, #tpu.memory_space<vmem>>, vector<16xf32>,
      tpu.vector_store %arg7[%parallel_loop3A_350, %parallel_loop3A_351, %parallel_loop3A_352], %parallel_loop3A_345 {strides = array<i32>} : memref<8x16x576xf32, #tpu.memory_space<vmem>>, vector<16xf32>,
      %parallel_loop3A_354 = arith.constant 1 : i32
      %parallel_loop3A_355 = vector.broadcast %parallel_loop3A_354 : i32 to vector<16xi32>
      %parallel_loop3A_356 = tpu.vector_load_idx %arg5[%parallel_loop3A_342, %parallel_loop3A_355] : memref<1024x8xf32, #tpu.memory_space<vmem>>[vector<16xi32>, vector<16xi32>], vector<16xf32>,
      %parallel_loop3A_357 = arith.constant 16 : i32
      %parallel_loop3A_358 = arith.muli %parallel_loop3A_336, %parallel_loop3A_357 : i32
      %parallel_loop3A_359 = arith.constant 1 : i32
      %parallel_loop3A_360 = arith.constant 1 : i32
      %parallel_loop3A_361 = arith.index_cast %parallel_loop3A_359 : i32 to index
      %parallel_loop3A_362 = arith.index_cast %parallel_loop3A_360 : i32 to index
      %parallel_loop3A_363 = arith.index_cast %parallel_loop3A_358 : i32 to index
      %parallel_loop3A_364 = tpu.vector_load %arg7[%parallel_loop3A_361, %parallel_loop3A_362, %parallel_loop3A_363] {strides = array<i32>} : memref<8x16x576xf32, #tpu.memory_space<vmem>>, vector<16xf32>,
      tpu.vector_store %arg7[%parallel_loop3A_361, %parallel_loop3A_362, %parallel_loop3A_363], %parallel_loop3A_356 {strides = array<i32>} : memref<8x16x576xf32, #tpu.memory_space<vmem>>, vector<16xf32>,
      %parallel_loop3A_365 = arith.constant 2 : i32
      %parallel_loop3A_366 = vector.broadcast %parallel_loop3A_365 : i32 to vector<16xi32>
      %parallel_loop3A_367 = tpu.vector_load_idx %arg5[%parallel_loop3A_342, %parallel_loop3A_366] : memref<1024x8xf32, #tpu.memory_space<vmem>>[vector<16xi32>, vector<16xi32>], vector<16xf32>,
      %parallel_loop3A_368 = arith.constant 16 : i32
      %parallel_loop3A_369 = arith.muli %parallel_loop3A_336, %parallel_loop3A_368 : i32
      %parallel_loop3A_370 = arith.constant 2 : i32
      %parallel_loop3A_371 = arith.constant 1 : i32
      %parallel_loop3A_372 = arith.index_cast %parallel_loop3A_370 : i32 to index
      %parallel_loop3A_373 = arith.index_cast %parallel_loop3A_371 : i32 to index
      %parallel_loop3A_374 = arith.index_cast %parallel_loop3A_369 : i32 to index
      %parallel_loop3A_375 = tpu.vector_load %arg7[%parallel_loop3A_372, %parallel_loop3A_373, %parallel_loop3A_374] {strides = array<i32>} : memref<8x16x576xf32, #tpu.memory_space<vmem>>, vector<16xf32>,
      tpu.vector_store %arg7[%parallel_loop3A_372, %parallel_loop3A_373, %parallel_loop3A_374], %parallel_loop3A_367 {strides = array<i32>} : memref<8x16x576xf32, #tpu.memory_space<vmem>>, vector<16xf32>,
      %parallel_loop3A_376 = arith.constant 3 : i32
      %parallel_loop3A_377 = vector.broadcast %parallel_loop3A_376 : i32 to vector<16xi32>
      %parallel_loop3A_378 = tpu.vector_load_idx %arg5[%parallel_loop3A_342, %parallel_loop3A_377] : memref<1024x8xf32, #tpu.memory_space<vmem>>[vector<16xi32>, vector<16xi32>], vector<16xf32>,
      %parallel_loop3A_379 = arith.constant 16 : i32
      %parallel_loop3A_380 = arith.muli %parallel_loop3A_336, %parallel_loop3A_379 : i32
      %parallel_loop3A_381 = arith.constant 3 : i32
      %parallel_loop3A_382 = arith.constant 1 : i32
      %parallel_loop3A_383 = arith.index_cast %parallel_loop3A_381 : i32 to index
      %parallel_loop3A_384 = arith.index_cast %parallel_loop3A_382 : i32 to index
      %parallel_loop3A_385 = arith.index_cast %parallel_loop3A_380 : i32 to index
      %parallel_loop3A_386 = tpu.vector_load %arg7[%parallel_loop3A_383, %parallel_loop3A_384, %parallel_loop3A_385] {strides = array<i32>} : memref<8x16x576xf32, #tpu.memory_space<vmem>>, vector<16xf32>,
      tpu.vector_store %arg7[%parallel_loop3A_383, %parallel_loop3A_384, %parallel_loop3A_385], %parallel_loop3A_378 {strides = array<i32>} : memref<8x16x576xf32, #tpu.memory_space<vmem>>, vector<16xf32>,
      %parallel_loop3A_387 = arith.constant 4 : i32
      %parallel_loop3A_388 = vector.broadcast %parallel_loop3A_387 : i32 to vector<16xi32>
      %parallel_loop3A_389 = tpu.vector_load_idx %arg5[%parallel_loop3A_342, %parallel_loop3A_388] : memref<1024x8xf32, #tpu.memory_space<vmem>>[vector<16xi32>, vector<16xi32>], vector<16xf32>,
      %parallel_loop3A_390 = arith.constant 16 : i32
      %parallel_loop3A_391 = arith.muli %parallel_loop3A_336, %parallel_loop3A_390 : i32
      %parallel_loop3A_392 = arith.constant 4 : i32
      %parallel_loop3A_393 = arith.constant 1 : i32
      %parallel_loop3A_394 = arith.index_cast %parallel_loop3A_392 : i32 to index
      %parallel_loop3A_395 = arith.index_cast %parallel_loop3A_393 : i32 to index
      %parallel_loop3A_396 = arith.index_cast %parallel_loop3A_391 : i32 to index
      %parallel_loop3A_397 = tpu.vector_load %arg7[%parallel_loop3A_394, %parallel_loop3A_395, %parallel_loop3A_396] {strides = array<i32>} : memref<8x16x576xf32, #tpu.memory_space<vmem>>, vector<16xf32>,
      tpu.vector_store %arg7[%parallel_loop3A_394, %parallel_loop3A_395, %parallel_loop3A_396], %parallel_loop3A_389 {strides = array<i32>} : memref<8x16x576xf32, #tpu.memory_space<vmem>>, vector<16xf32>,
      %parallel_loop3A_398 = arith.constant 5 : i32
      %parallel_loop3A_399 = vector.broadcast %parallel_loop3A_398 : i32 to vector<16xi32>
      %parallel_loop3A_400 = tpu.vector_load_idx %arg5[%parallel_loop3A_342, %parallel_loop3A_399] : memref<1024x8xf32, #tpu.memory_space<vmem>>[vector<16xi32>, vector<16xi32>], vector<16xf32>,
      %parallel_loop3A_401 = arith.constant 16 : i32
      %parallel_loop3A_402 = arith.muli %parallel_loop3A_336, %parallel_loop3A_401 : i32
      %parallel_loop3A_403 = arith.constant 5 : i32
      %parallel_loop3A_404 = arith.constant 1 : i32
      %parallel_loop3A_405 = arith.index_cast %parallel_loop3A_403 : i32 to index
      %parallel_loop3A_406 = arith.index_cast %parallel_loop3A_404 : i32 to index
      %parallel_loop3A_407 = arith.index_cast %parallel_loop3A_402 : i32 to index
      %parallel_loop3A_408 = tpu.vector_load %arg7[%parallel_loop3A_405, %parallel_loop3A_406, %parallel_loop3A_407] {strides = array<i32>} : memref<8x16x576xf32, #tpu.memory_space<vmem>>, vector<16xf32>,
      tpu.vector_store %arg7[%parallel_loop3A_405, %parallel_loop3A_406, %parallel_loop3A_407], %parallel_loop3A_400 {strides = array<i32>} : memref<8x16x576xf32, #tpu.memory_space<vmem>>, vector<16xf32>,
      %parallel_loop3A_409 = arith.constant 6 : i32
      %parallel_loop3A_410 = vector.broadcast %parallel_loop3A_409 : i32 to vector<16xi32>
      %parallel_loop3A_411 = tpu.vector_load_idx %arg5[%parallel_loop3A_342, %parallel_loop3A_410] : memref<1024x8xf32, #tpu.memory_space<vmem>>[vector<16xi32>, vector<16xi32>], vector<16xf32>,
      %parallel_loop3A_412 = arith.constant 16 : i32
      %parallel_loop3A_413 = arith.muli %parallel_loop3A_336, %parallel_loop3A_412 : i32
      %parallel_loop3A_414 = arith.constant 6 : i32
      %parallel_loop3A_415 = arith.constant 1 : i32
      %parallel_loop3A_416 = arith.index_cast %parallel_loop3A_414 : i32 to index
      %parallel_loop3A_417 = arith.index_cast %parallel_loop3A_415 : i32 to index
      %parallel_loop3A_418 = arith.index_cast %parallel_loop3A_413 : i32 to index
      %parallel_loop3A_419 = tpu.vector_load %arg7[%parallel_loop3A_416, %parallel_loop3A_417, %parallel_loop3A_418] {strides = array<i32>} : memref<8x16x576xf32, #tpu.memory_space<vmem>>, vector<16xf32>,
      tpu.vector_store %arg7[%parallel_loop3A_416, %parallel_loop3A_417, %parallel_loop3A_418], %parallel_loop3A_411 {strides = array<i32>} : memref<8x16x576xf32, #tpu.memory_space<vmem>>, vector<16xf32>,
      %parallel_loop3A_420 = arith.constant 7 : i32
      %parallel_loop3A_421 = vector.broadcast %parallel_loop3A_420 : i32 to vector<16xi32>
      %parallel_loop3A_422 = tpu.vector_load_idx %arg5[%parallel_loop3A_342, %parallel_loop3A_421] : memref<1024x8xf32, #tpu.memory_space<vmem>>[vector<16xi32>, vector<16xi32>], vector<16xf32>,
      %parallel_loop3A_423 = arith.constant 16 : i32
      %parallel_loop3A_424 = arith.muli %parallel_loop3A_336, %parallel_loop3A_423 : i32
      %parallel_loop3A_425 = arith.constant 7 : i32
      %parallel_loop3A_426 = arith.constant 1 : i32
      %parallel_loop3A_427 = arith.index_cast %parallel_loop3A_425 : i32 to index
      %parallel_loop3A_428 = arith.index_cast %parallel_loop3A_426 : i32 to index
      %parallel_loop3A_429 = arith.index_cast %parallel_loop3A_424 : i32 to index
      %parallel_loop3A_430 = tpu.vector_load %arg7[%parallel_loop3A_427, %parallel_loop3A_428, %parallel_loop3A_429] {strides = array<i32>} : memref<8x16x576xf32, #tpu.memory_space<vmem>>, vector<16xf32>,
      tpu.vector_store %arg7[%parallel_loop3A_427, %parallel_loop3A_428, %parallel_loop3A_429], %parallel_loop3A_422 {strides = array<i32>} : memref<8x16x576xf32, #tpu.memory_space<vmem>>, vector<16xf32>,
    } {sc.loop_unroll_factor = 4 : i64, sc.parallel_access}
    %parallel_loop3A_8 = arith.constant 0 : i32
    %parallel_loop3A_9 = arith.constant 36 : i32
    %parallel_loop3A_10 = arith.constant 1 : i32
    scf.for %parallel_loop3A_336 = %parallel_loop3A_8 to %parallel_loop3A_9 step %parallel_loop3A_10  : i32 {
      %parallel_loop3A_337 = arith.constant 16 : i32
      %parallel_loop3A_338 = arith.muli %parallel_loop3A_336, %parallel_loop3A_337 : i32
      %parallel_loop3A_339 = arith.constant 1152 : i32
      %parallel_loop3A_340 = arith.addi %parallel_loop3A_339, %parallel_loop3A_338 : i32
      %parallel_loop3A_341 = arith.index_cast %parallel_loop3A_340 : i32 to index
      %parallel_loop3A_342 = tpu.vector_load %arg6[%parallel_loop3A_341] {strides = array<i32>} : memref<9216xi32, #tpu.memory_space<vmem>>, vector<16xi32>,
      %parallel_loop3A_343 = arith.constant 0 : i32
      %parallel_loop3A_344 = vector.broadcast %parallel_loop3A_343 : i32 to vector<16xi32>
      %parallel_loop3A_345 = tpu.vector_load_idx %arg5[%parallel_loop3A_342, %parallel_loop3A_344] : memref<1024x8xf32, #tpu.memory_space<vmem>>[vector<16xi32>, vector<16xi32>], vector<16xf32>,
      %parallel_loop3A_346 = arith.constant 16 : i32
      %parallel_loop3A_347 = arith.muli %parallel_loop3A_336, %parallel_loop3A_346 : i32
      %parallel_loop3A_348 = arith.constant 0 : i32
      %parallel_loop3A_349 = arith.constant 2 : i32
      %parallel_loop3A_350 = arith.index_cast %parallel_loop3A_348 : i32 to index
      %parallel_loop3A_351 = arith.index_cast %parallel_loop3A_349 : i32 to index
      %parallel_loop3A_352 = arith.index_cast %parallel_loop3A_347 : i32 to index
      %parallel_loop3A_353 = tpu.vector_load %arg7[%parallel_loop3A_350, %parallel_loop3A_351, %parallel_loop3A_352] {strides = array<i32>} : memref<8x16x576xf32, #tpu.memory_space<vmem>>, vector<16xf32>,
      tpu.vector_store %arg7[%parallel_loop3A_350, %parallel_loop3A_351, %parallel_loop3A_352], %parallel_loop3A_345 {strides = array<i32>} : memref<8x16x576xf32, #tpu.memory_space<vmem>>, vector<16xf32>,
      %parallel_loop3A_354 = arith.constant 1 : i32
      %parallel_loop3A_355 = vector.broadcast %parallel_loop3A_354 : i32 to vector<16xi32>
      %parallel_loop3A_356 = tpu.vector_load_idx %arg5[%parallel_loop3A_342, %parallel_loop3A_355] : memref<1024x8xf32, #tpu.memory_space<vmem>>[vector<16xi32>, vector<16xi32>], vector<16xf32>,
      %parallel_loop3A_357 = arith.constant 16 : i32
      %parallel_loop3A_358 = arith.muli %parallel_loop3A_336, %parallel_loop3A_357 : i32
      %parallel_loop3A_359 = arith.constant 1 : i32
      %parallel_loop3A_360 = arith.constant 2 : i32
      %parallel_loop3A_361 = arith.index_cast %parallel_loop3A_359 : i32 to index
      %parallel_loop3A_362 = arith.index_cast %parallel_loop3A_360 : i32 to index
      %parallel_loop3A_363 = arith.index_cast %parallel_loop3A_358 : i32 to index
      %parallel_loop3A_364 = tpu.vector_load %arg7[%parallel_loop3A_361, %parallel_loop3A_362, %parallel_loop3A_363] {strides = array<i32>} : memref<8x16x576xf32, #tpu.memory_space<vmem>>, vector<16xf32>,
      tpu.vector_store %arg7[%parallel_loop3A_361, %parallel_loop3A_362, %parallel_loop3A_363], %parallel_loop3A_356 {strides = array<i32>} : memref<8x16x576xf32, #tpu.memory_space<vmem>>, vector<16xf32>,
      %parallel_loop3A_365 = arith.constant 2 : i32
      %parallel_loop3A_366 = vector.broadcast %parallel_loop3A_365 : i32 to vector<16xi32>
      %parallel_loop3A_367 = tpu.vector_load_idx %arg5[%parallel_loop3A_342, %parallel_loop3A_366] : memref<1024x8xf32, #tpu.memory_space<vmem>>[vector<16xi32>, vector<16xi32>], vector<16xf32>,
      %parallel_loop3A_368 = arith.constant 16 : i32
      %parallel_loop3A_369 = arith.muli %parallel_loop3A_336, %parallel_loop3A_368 : i32
      %parallel_loop3A_370 = arith.constant 2 : i32
      %parallel_loop3A_371 = arith.constant 2 : i32
      %parallel_loop3A_372 = arith.index_cast %parallel_loop3A_370 : i32 to index
      %parallel_loop3A_373 = arith.index_cast %parallel_loop3A_371 : i32 to index
      %parallel_loop3A_374 = arith.index_cast %parallel_loop3A_369 : i32 to index
      %parallel_loop3A_375 = tpu.vector_load %arg7[%parallel_loop3A_372, %parallel_loop3A_373, %parallel_loop3A_374] {strides = array<i32>} : memref<8x16x576xf32, #tpu.memory_space<vmem>>, vector<16xf32>,
      tpu.vector_store %arg7[%parallel_loop3A_372, %parallel_loop3A_373, %parallel_loop3A_374], %parallel_loop3A_367 {strides = array<i32>} : memref<8x16x576xf32, #tpu.memory_space<vmem>>, vector<16xf32>,
      %parallel_loop3A_376 = arith.constant 3 : i32
      %parallel_loop3A_377 = vector.broadcast %parallel_loop3A_376 : i32 to vector<16xi32>
      %parallel_loop3A_378 = tpu.vector_load_idx %arg5[%parallel_loop3A_342, %parallel_loop3A_377] : memref<1024x8xf32, #tpu.memory_space<vmem>>[vector<16xi32>, vector<16xi32>], vector<16xf32>,
      %parallel_loop3A_379 = arith.constant 16 : i32
      %parallel_loop3A_380 = arith.muli %parallel_loop3A_336, %parallel_loop3A_379 : i32
      %parallel_loop3A_381 = arith.constant 3 : i32
      %parallel_loop3A_382 = arith.constant 2 : i32
      %parallel_loop3A_383 = arith.index_cast %parallel_loop3A_381 : i32 to index
      %parallel_loop3A_384 = arith.index_cast %parallel_loop3A_382 : i32 to index
      %parallel_loop3A_385 = arith.index_cast %parallel_loop3A_380 : i32 to index
      %parallel_loop3A_386 = tpu.vector_load %arg7[%parallel_loop3A_383, %parallel_loop3A_384, %parallel_loop3A_385] {strides = array<i32>} : memref<8x16x576xf32, #tpu.memory_space<vmem>>, vector<16xf32>,
      tpu.vector_store %arg7[%parallel_loop3A_383, %parallel_loop3A_384, %parallel_loop3A_385], %parallel_loop3A_378 {strides = array<i32>} : memref<8x16x576xf32, #tpu.memory_space<vmem>>, vector<16xf32>,
      %parallel_loop3A_387 = arith.constant 4 : i32
      %parallel_loop3A_388 = vector.broadcast %parallel_loop3A_387 : i32 to vector<16xi32>
      %parallel_loop3A_389 = tpu.vector_load_idx %arg5[%parallel_loop3A_342, %parallel_loop3A_388] : memref<1024x8xf32, #tpu.memory_space<vmem>>[vector<16xi32>, vector<16xi32>], vector<16xf32>,
      %parallel_loop3A_390 = arith.constant 16 : i32
      %parallel_loop3A_391 = arith.muli %parallel_loop3A_336, %parallel_loop3A_390 : i32
      %parallel_loop3A_392 = arith.constant 4 : i32
      %parallel_loop3A_393 = arith.constant 2 : i32
      %parallel_loop3A_394 = arith.index_cast %parallel_loop3A_392 : i32 to index
      %parallel_loop3A_395 = arith.index_cast %parallel_loop3A_393 : i32 to index
      %parallel_loop3A_396 = arith.index_cast %parallel_loop3A_391 : i32 to index
      %parallel_loop3A_397 = tpu.vector_load %arg7[%parallel_loop3A_394, %parallel_loop3A_395, %parallel_loop3A_396] {strides = array<i32>} : memref<8x16x576xf32, #tpu.memory_space<vmem>>, vector<16xf32>,
      tpu.vector_store %arg7[%parallel_loop3A_394, %parallel_loop3A_395, %parallel_loop3A_396], %parallel_loop3A_389 {strides = array<i32>} : memref<8x16x576xf32, #tpu.memory_space<vmem>>, vector<16xf32>,
      %parallel_loop3A_398 = arith.constant 5 : i32
      %parallel_loop3A_399 = vector.broadcast %parallel_loop3A_398 : i32 to vector<16xi32>
      %parallel_loop3A_400 = tpu.vector_load_idx %arg5[%parallel_loop3A_342, %parallel_loop3A_399] : memref<1024x8xf32, #tpu.memory_space<vmem>>[vector<16xi32>, vector<16xi32>], vector<16xf32>,
      %parallel_loop3A_401 = arith.constant 16 : i32
      %parallel_loop3A_402 = arith.muli %parallel_loop3A_336, %parallel_loop3A_401 : i32
      %parallel_loop3A_403 = arith.constant 5 : i32
      %parallel_loop3A_404 = arith.constant 2 : i32
      %parallel_loop3A_405 = arith.index_cast %parallel_loop3A_403 : i32 to index
      %parallel_loop3A_406 = arith.index_cast %parallel_loop3A_404 : i32 to index
      %parallel_loop3A_407 = arith.index_cast %parallel_loop3A_402 : i32 to index
      %parallel_loop3A_408 = tpu.vector_load %arg7[%parallel_loop3A_405, %parallel_loop3A_406, %parallel_loop3A_407] {strides = array<i32>} : memref<8x16x576xf32, #tpu.memory_space<vmem>>, vector<16xf32>,
      tpu.vector_store %arg7[%parallel_loop3A_405, %parallel_loop3A_406, %parallel_loop3A_407], %parallel_loop3A_400 {strides = array<i32>} : memref<8x16x576xf32, #tpu.memory_space<vmem>>, vector<16xf32>,
      %parallel_loop3A_409 = arith.constant 6 : i32
      %parallel_loop3A_410 = vector.broadcast %parallel_loop3A_409 : i32 to vector<16xi32>
      %parallel_loop3A_411 = tpu.vector_load_idx %arg5[%parallel_loop3A_342, %parallel_loop3A_410] : memref<1024x8xf32, #tpu.memory_space<vmem>>[vector<16xi32>, vector<16xi32>], vector<16xf32>,
      %parallel_loop3A_412 = arith.constant 16 : i32
      %parallel_loop3A_413 = arith.muli %parallel_loop3A_336, %parallel_loop3A_412 : i32
      %parallel_loop3A_414 = arith.constant 6 : i32
      %parallel_loop3A_415 = arith.constant 2 : i32
      %parallel_loop3A_416 = arith.index_cast %parallel_loop3A_414 : i32 to index
      %parallel_loop3A_417 = arith.index_cast %parallel_loop3A_415 : i32 to index
      %parallel_loop3A_418 = arith.index_cast %parallel_loop3A_413 : i32 to index
      %parallel_loop3A_419 = tpu.vector_load %arg7[%parallel_loop3A_416, %parallel_loop3A_417, %parallel_loop3A_418] {strides = array<i32>} : memref<8x16x576xf32, #tpu.memory_space<vmem>>, vector<16xf32>,
      tpu.vector_store %arg7[%parallel_loop3A_416, %parallel_loop3A_417, %parallel_loop3A_418], %parallel_loop3A_411 {strides = array<i32>} : memref<8x16x576xf32, #tpu.memory_space<vmem>>, vector<16xf32>,
      %parallel_loop3A_420 = arith.constant 7 : i32
      %parallel_loop3A_421 = vector.broadcast %parallel_loop3A_420 : i32 to vector<16xi32>
      %parallel_loop3A_422 = tpu.vector_load_idx %arg5[%parallel_loop3A_342, %parallel_loop3A_421] : memref<1024x8xf32, #tpu.memory_space<vmem>>[vector<16xi32>, vector<16xi32>], vector<16xf32>,
      %parallel_loop3A_423 = arith.constant 16 : i32
      %parallel_loop3A_424 = arith.muli %parallel_loop3A_336, %parallel_loop3A_423 : i32
      %parallel_loop3A_425 = arith.constant 7 : i32
      %parallel_loop3A_426 = arith.constant 2 : i32
      %parallel_loop3A_427 = arith.index_cast %parallel_loop3A_425 : i32 to index
      %parallel_loop3A_428 = arith.index_cast %parallel_loop3A_426 : i32 to index
      %parallel_loop3A_429 = arith.index_cast %parallel_loop3A_424 : i32 to index
      %parallel_loop3A_430 = tpu.vector_load %arg7[%parallel_loop3A_427, %parallel_loop3A_428, %parallel_loop3A_429] {strides = array<i32>} : memref<8x16x576xf32, #tpu.memory_space<vmem>>, vector<16xf32>,
      tpu.vector_store %arg7[%parallel_loop3A_427, %parallel_loop3A_428, %parallel_loop3A_429], %parallel_loop3A_422 {strides = array<i32>} : memref<8x16x576xf32, #tpu.memory_space<vmem>>, vector<16xf32>,
    } {sc.loop_unroll_factor = 4 : i64, sc.parallel_access}
    %parallel_loop3A_11 = arith.constant 0 : i32
    %parallel_loop3A_12 = arith.constant 36 : i32
    %parallel_loop3A_13 = arith.constant 1 : i32
    scf.for %parallel_loop3A_336 = %parallel_loop3A_11 to %parallel_loop3A_12 step %parallel_loop3A_13  : i32 {
      %parallel_loop3A_337 = arith.constant 16 : i32
      %parallel_loop3A_338 = arith.muli %parallel_loop3A_336, %parallel_loop3A_337 : i32
      %parallel_loop3A_339 = arith.constant 1728 : i32
      %parallel_loop3A_340 = arith.addi %parallel_loop3A_339, %parallel_loop3A_338 : i32
      %parallel_loop3A_341 = arith.index_cast %parallel_loop3A_340 : i32 to index
      %parallel_loop3A_342 = tpu.vector_load %arg6[%parallel_loop3A_341] {strides = array<i32>} : memref<9216xi32, #tpu.memory_space<vmem>>, vector<16xi32>,
      %parallel_loop3A_343 = arith.constant 0 : i32
      %parallel_loop3A_344 = vector.broadcast %parallel_loop3A_343 : i32 to vector<16xi32>
      %parallel_loop3A_345 = tpu.vector_load_idx %arg5[%parallel_loop3A_342, %parallel_loop3A_344] : memref<1024x8xf32, #tpu.memory_space<vmem>>[vector<16xi32>, vector<16xi32>], vector<16xf32>,
      %parallel_loop3A_346 = arith.constant 16 : i32
      %parallel_loop3A_347 = arith.muli %parallel_loop3A_336, %parallel_loop3A_346 : i32
      %parallel_loop3A_348 = arith.constant 0 : i32
      %parallel_loop3A_349 = arith.constant 3 : i32
      %parallel_loop3A_350 = arith.index_cast %parallel_loop3A_348 : i32 to index
      %parallel_loop3A_351 = arith.index_cast %parallel_loop3A_349 : i32 to index
      %parallel_loop3A_352 = arith.index_cast %parallel_loop3A_347 : i32 to index
      %parallel_loop3A_353 = tpu.vector_load %arg7[%parallel_loop3A_350, %parallel_loop3A_351, %parallel_loop3A_352] {strides = array<i32>} : memref<8x16x576xf32, #tpu.memory_space<vmem>>, vector<16xf32>,
      tpu.vector_store %arg7[%parallel_loop3A_350, %parallel_loop3A_351, %parallel_loop3A_352], %parallel_loop3A_345 {strides = array<i32>} : memref<8x16x576xf32, #tpu.memory_space<vmem>>, vector<16xf32>,
      %parallel_loop3A_354 = arith.constant 1 : i32
      %parallel_loop3A_355 = vector.broadcast %parallel_loop3A_354 : i32 to vector<16xi32>
      %parallel_loop3A_356 = tpu.vector_load_idx %arg5[%parallel_loop3A_342, %parallel_loop3A_355] : memref<1024x8xf32, #tpu.memory_space<vmem>>[vector<16xi32>, vector<16xi32>], vector<16xf32>,
      %parallel_loop3A_357 = arith.constant 16 : i32
      %parallel_loop3A_358 = arith.muli %parallel_loop3A_336, %parallel_loop3A_357 : i32
      %parallel_loop3A_359 = arith.constant 1 : i32
      %parallel_loop3A_360 = arith.constant 3 : i32
      %parallel_loop3A_361 = arith.index_cast %parallel_loop3A_359 : i32 to index
      %parallel_loop3A_362 = arith.index_cast %parallel_loop3A_360 : i32 to index
      %parallel_loop3A_363 = arith.index_cast %parallel_loop3A_358 : i32 to index
      %parallel_loop3A_364 = tpu.vector_load %arg7[%parallel_loop3A_361, %parallel_loop3A_362, %parallel_loop3A_363] {strides = array<i32>} : memref<8x16x576xf32, #tpu.memory_space<vmem>>, vector<16xf32>,
      tpu.vector_store %arg7[%parallel_loop3A_361, %parallel_loop3A_362, %parallel_loop3A_363], %parallel_loop3A_356 {strides = array<i32>} : memref<8x16x576xf32, #tpu.memory_space<vmem>>, vector<16xf32>,
      %parallel_loop3A_365 = arith.constant 2 : i32
      %parallel_loop3A_366 = vector.broadcast %parallel_loop3A_365 : i32 to vector<16xi32>
      %parallel_loop3A_367 = tpu.vector_load_idx %arg5[%parallel_loop3A_342, %parallel_loop3A_366] : memref<1024x8xf32, #tpu.memory_space<vmem>>[vector<16xi32>, vector<16xi32>], vector<16xf32>,
      %parallel_loop3A_368 = arith.constant 16 : i32
      %parallel_loop3A_369 = arith.muli %parallel_loop3A_336, %parallel_loop3A_368 : i32
      %parallel_loop3A_370 = arith.constant 2 : i32
      %parallel_loop3A_371 = arith.constant 3 : i32
      %parallel_loop3A_372 = arith.index_cast %parallel_loop3A_370 : i32 to index
      %parallel_loop3A_373 = arith.index_cast %parallel_loop3A_371 : i32 to index
      %parallel_loop3A_374 = arith.index_cast %parallel_loop3A_369 : i32 to index
      %parallel_loop3A_375 = tpu.vector_load %arg7[%parallel_loop3A_372, %parallel_loop3A_373, %parallel_loop3A_374] {strides = array<i32>} : memref<8x16x576xf32, #tpu.memory_space<vmem>>, vector<16xf32>,
      tpu.vector_store %arg7[%parallel_loop3A_372, %parallel_loop3A_373, %parallel_loop3A_374], %parallel_loop3A_367 {strides = array<i32>} : memref<8x16x576xf32, #tpu.memory_space<vmem>>, vector<16xf32>,
      %parallel_loop3A_376 = arith.constant 3 : i32
      %parallel_loop3A_377 = vector.broadcast %parallel_loop3A_376 : i32 to vector<16xi32>
      %parallel_loop3A_378 = tpu.vector_load_idx %arg5[%parallel_loop3A_342, %parallel_loop3A_377] : memref<1024x8xf32, #tpu.memory_space<vmem>>[vector<16xi32>, vector<16xi32>], vector<16xf32>,
      %parallel_loop3A_379 = arith.constant 16 : i32
      %parallel_loop3A_380 = arith.muli %parallel_loop3A_336, %parallel_loop3A_379 : i32
      %parallel_loop3A_381 = arith.constant 3 : i32
      %parallel_loop3A_382 = arith.constant 3 : i32
      %parallel_loop3A_383 = arith.index_cast %parallel_loop3A_381 : i32 to index
      %parallel_loop3A_384 = arith.index_cast %parallel_loop3A_382 : i32 to index
      %parallel_loop3A_385 = arith.index_cast %parallel_loop3A_380 : i32 to index
      %parallel_loop3A_386 = tpu.vector_load %arg7[%parallel_loop3A_383, %parallel_loop3A_384, %parallel_loop3A_385] {strides = array<i32>} : memref<8x16x576xf32, #tpu.memory_space<vmem>>, vector<16xf32>,
      tpu.vector_store %arg7[%parallel_loop3A_383, %parallel_loop3A_384, %parallel_loop3A_385], %parallel_loop3A_378 {strides = array<i32>} : memref<8x16x576xf32, #tpu.memory_space<vmem>>, vector<16xf32>,
      %parallel_loop3A_387 = arith.constant 4 : i32
      %parallel_loop3A_388 = vector.broadcast %parallel_loop3A_387 : i32 to vector<16xi32>
      %parallel_loop3A_389 = tpu.vector_load_idx %arg5[%parallel_loop3A_342, %parallel_loop3A_388] : memref<1024x8xf32, #tpu.memory_space<vmem>>[vector<16xi32>, vector<16xi32>], vector<16xf32>,
      %parallel_loop3A_390 = arith.constant 16 : i32
      %parallel_loop3A_391 = arith.muli %parallel_loop3A_336, %parallel_loop3A_390 : i32
      %parallel_loop3A_392 = arith.constant 4 : i32
      %parallel_loop3A_393 = arith.constant 3 : i32
      %parallel_loop3A_394 = arith.index_cast %parallel_loop3A_392 : i32 to index
      %parallel_loop3A_395 = arith.index_cast %parallel_loop3A_393 : i32 to index
      %parallel_loop3A_396 = arith.index_cast %parallel_loop3A_391 : i32 to index
      %parallel_loop3A_397 = tpu.vector_load %arg7[%parallel_loop3A_394, %parallel_loop3A_395, %parallel_loop3A_396] {strides = array<i32>} : memref<8x16x576xf32, #tpu.memory_space<vmem>>, vector<16xf32>,
      tpu.vector_store %arg7[%parallel_loop3A_394, %parallel_loop3A_395, %parallel_loop3A_396], %parallel_loop3A_389 {strides = array<i32>} : memref<8x16x576xf32, #tpu.memory_space<vmem>>, vector<16xf32>,
      %parallel_loop3A_398 = arith.constant 5 : i32
      %parallel_loop3A_399 = vector.broadcast %parallel_loop3A_398 : i32 to vector<16xi32>
      %parallel_loop3A_400 = tpu.vector_load_idx %arg5[%parallel_loop3A_342, %parallel_loop3A_399] : memref<1024x8xf32, #tpu.memory_space<vmem>>[vector<16xi32>, vector<16xi32>], vector<16xf32>,
      %parallel_loop3A_401 = arith.constant 16 : i32
      %parallel_loop3A_402 = arith.muli %parallel_loop3A_336, %parallel_loop3A_401 : i32
      %parallel_loop3A_403 = arith.constant 5 : i32
      %parallel_loop3A_404 = arith.constant 3 : i32
      %parallel_loop3A_405 = arith.index_cast %parallel_loop3A_403 : i32 to index
      %parallel_loop3A_406 = arith.index_cast %parallel_loop3A_404 : i32 to index
      %parallel_loop3A_407 = arith.index_cast %parallel_loop3A_402 : i32 to index
      %parallel_loop3A_408 = tpu.vector_load %arg7[%parallel_loop3A_405, %parallel_loop3A_406, %parallel_loop3A_407] {strides = array<i32>} : memref<8x16x576xf32, #tpu.memory_space<vmem>>, vector<16xf32>,
      tpu.vector_store %arg7[%parallel_loop3A_405, %parallel_loop3A_406, %parallel_loop3A_407], %parallel_loop3A_400 {strides = array<i32>} : memref<8x16x576xf32, #tpu.memory_space<vmem>>, vector<16xf32>,
      %parallel_loop3A_409 = arith.constant 6 : i32
      %parallel_loop3A_410 = vector.broadcast %parallel_loop3A_409 : i32 to vector<16xi32>
      %parallel_loop3A_411 = tpu.vector_load_idx %arg5[%parallel_loop3A_342, %parallel_loop3A_410] : memref<1024x8xf32, #tpu.memory_space<vmem>>[vector<16xi32>, vector<16xi32>], vector<16xf32>,
      %parallel_loop3A_412 = arith.constant 16 : i32
      %parallel_loop3A_413 = arith.muli %parallel_loop3A_336, %parallel_loop3A_412 : i32
      %parallel_loop3A_414 = arith.constant 6 : i32
      %parallel_loop3A_415 = arith.constant 3 : i32
      %parallel_loop3A_416 = arith.index_cast %parallel_loop3A_414 : i32 to index
      %parallel_loop3A_417 = arith.index_cast %parallel_loop3A_415 : i32 to index
      %parallel_loop3A_418 = arith.index_cast %parallel_loop3A_413 : i32 to index
      %parallel_loop3A_419 = tpu.vector_load %arg7[%parallel_loop3A_416, %parallel_loop3A_417, %parallel_loop3A_418] {strides = array<i32>} : memref<8x16x576xf32, #tpu.memory_space<vmem>>, vector<16xf32>,
      tpu.vector_store %arg7[%parallel_loop3A_416, %parallel_loop3A_417, %parallel_loop3A_418], %parallel_loop3A_411 {strides = array<i32>} : memref<8x16x576xf32, #tpu.memory_space<vmem>>, vector<16xf32>,
      %parallel_loop3A_420 = arith.constant 7 : i32
      %parallel_loop3A_421 = vector.broadcast %parallel_loop3A_420 : i32 to vector<16xi32>
      %parallel_loop3A_422 = tpu.vector_load_idx %arg5[%parallel_loop3A_342, %parallel_loop3A_421] : memref<1024x8xf32, #tpu.memory_space<vmem>>[vector<16xi32>, vector<16xi32>], vector<16xf32>,
      %parallel_loop3A_423 = arith.constant 16 : i32
      %parallel_loop3A_424 = arith.muli %parallel_loop3A_336, %parallel_loop3A_423 : i32
      %parallel_loop3A_425 = arith.constant 7 : i32
      %parallel_loop3A_426 = arith.constant 3 : i32
      %parallel_loop3A_427 = arith.index_cast %parallel_loop3A_425 : i32 to index
      %parallel_loop3A_428 = arith.index_cast %parallel_loop3A_426 : i32 to index
      %parallel_loop3A_429 = arith.index_cast %parallel_loop3A_424 : i32 to index
      %parallel_loop3A_430 = tpu.vector_load %arg7[%parallel_loop3A_427, %parallel_loop3A_428, %parallel_loop3A_429] {strides = array<i32>} : memref<8x16x576xf32, #tpu.memory_space<vmem>>, vector<16xf32>,
      tpu.vector_store %arg7[%parallel_loop3A_427, %parallel_loop3A_428, %parallel_loop3A_429], %parallel_loop3A_422 {strides = array<i32>} : memref<8x16x576xf32, #tpu.memory_space<vmem>>, vector<16xf32>,
    } {sc.loop_unroll_factor = 4 : i64, sc.parallel_access}
    %parallel_loop3A_14 = arith.constant 0 : i32
    %parallel_loop3A_15 = arith.constant 36 : i32
    %parallel_loop3A_16 = arith.constant 1 : i32
    scf.for %parallel_loop3A_336 = %parallel_loop3A_14 to %parallel_loop3A_15 step %parallel_loop3A_16  : i32 {
      %parallel_loop3A_337 = arith.constant 16 : i32
      %parallel_loop3A_338 = arith.muli %parallel_loop3A_336, %parallel_loop3A_337 : i32
      %parallel_loop3A_339 = arith.constant 2304 : i32
      %parallel_loop3A_340 = arith.addi %parallel_loop3A_339, %parallel_loop3A_338 : i32
      %parallel_loop3A_341 = arith.index_cast %parallel_loop3A_340 : i32 to index
      %parallel_loop3A_342 = tpu.vector_load %arg6[%parallel_loop3A_341] {strides = array<i32>} : memref<9216xi32, #tpu.memory_space<vmem>>, vector<16xi32>,
      %parallel_loop3A_343 = arith.constant 0 : i32
      %parallel_loop3A_344 = vector.broadcast %parallel_loop3A_343 : i32 to vector<16xi32>
      %parallel_loop3A_345 = tpu.vector_load_idx %arg5[%parallel_loop3A_342, %parallel_loop3A_344] : memref<1024x8xf32, #tpu.memory_space<vmem>>[vector<16xi32>, vector<16xi32>], vector<16xf32>,
      %parallel_loop3A_346 = arith.constant 16 : i32
      %parallel_loop3A_347 = arith.muli %parallel_loop3A_336, %parallel_loop3A_346 : i32
      %parallel_loop3A_348 = arith.constant 0 : i32
      %parallel_loop3A_349 = arith.constant 4 : i32
      %parallel_loop3A_350 = arith.index_cast %parallel_loop3A_348 : i32 to index
      %parallel_loop3A_351 = arith.index_cast %parallel_loop3A_349 : i32 to index
      %parallel_loop3A_352 = arith.index_cast %parallel_loop3A_347 : i32 to index
      %parallel_loop3A_353 = tpu.vector_load %arg7[%parallel_loop3A_350, %parallel_loop3A_351, %parallel_loop3A_352] {strides = array<i32>} : memref<8x16x576xf32, #tpu.memory_space<vmem>>, vector<16xf32>,
      tpu.vector_store %arg7[%parallel_loop3A_350, %parallel_loop3A_351, %parallel_loop3A_352], %parallel_loop3A_345 {strides = array<i32>} : memref<8x16x576xf32, #tpu.memory_space<vmem>>, vector<16xf32>,
      %parallel_loop3A_354 = arith.constant 1 : i32
      %parallel_loop3A_355 = vector.broadcast %parallel_loop3A_354 : i32 to vector<16xi32>
      %parallel_loop3A_356 = tpu.vector_load_idx %arg5[%parallel_loop3A_342, %parallel_loop3A_355] : memref<1024x8xf32, #tpu.memory_space<vmem>>[vector<16xi32>, vector<16xi32>], vector<16xf32>,
      %parallel_loop3A_357 = arith.constant 16 : i32
      %parallel_loop3A_358 = arith.muli %parallel_loop3A_336, %parallel_loop3A_357 : i32
      %parallel_loop3A_359 = arith.constant 1 : i32
      %parallel_loop3A_360 = arith.constant 4 : i32
      %parallel_loop3A_361 = arith.index_cast %parallel_loop3A_359 : i32 to index
      %parallel_loop3A_362 = arith.index_cast %parallel_loop3A_360 : i32 to index
      %parallel_loop3A_363 = arith.index_cast %parallel_loop3A_358 : i32 to index
      %parallel_loop3A_364 = tpu.vector_load %arg7[%parallel_loop3A_361, %parallel_loop3A_362, %parallel_loop3A_363] {strides = array<i32>} : memref<8x16x576xf32, #tpu.memory_space<vmem>>, vector<16xf32>,
      tpu.vector_store %arg7[%parallel_loop3A_361, %parallel_loop3A_362, %parallel_loop3A_363], %parallel_loop3A_356 {strides = array<i32>} : memref<8x16x576xf32, #tpu.memory_space<vmem>>, vector<16xf32>,
      %parallel_loop3A_365 = arith.constant 2 : i32
      %parallel_loop3A_366 = vector.broadcast %parallel_loop3A_365 : i32 to vector<16xi32>
      %parallel_loop3A_367 = tpu.vector_load_idx %arg5[%parallel_loop3A_342, %parallel_loop3A_366] : memref<1024x8xf32, #tpu.memory_space<vmem>>[vector<16xi32>, vector<16xi32>], vector<16xf32>,
      %parallel_loop3A_368 = arith.constant 16 : i32
      %parallel_loop3A_369 = arith.muli %parallel_loop3A_336, %parallel_loop3A_368 : i32
      %parallel_loop3A_370 = arith.constant 2 : i32
      %parallel_loop3A_371 = arith.constant 4 : i32
      %parallel_loop3A_372 = arith.index_cast %parallel_loop3A_370 : i32 to index
      %parallel_loop3A_373 = arith.index_cast %parallel_loop3A_371 : i32 to index
      %parallel_loop3A_374 = arith.index_cast %parallel_loop3A_369 : i32 to index
      %parallel_loop3A_375 = tpu.vector_load %arg7[%parallel_loop3A_372, %parallel_loop3A_373, %parallel_loop3A_374] {strides = array<i32>} : memref<8x16x576xf32, #tpu.memory_space<vmem>>, vector<16xf32>,
      tpu.vector_store %arg7[%parallel_loop3A_372, %parallel_loop3A_373, %parallel_loop3A_374], %parallel_loop3A_367 {strides = array<i32>} : memref<8x16x576xf32, #tpu.memory_space<vmem>>, vector<16xf32>,
      %parallel_loop3A_376 = arith.constant 3 : i32
      %parallel_loop3A_377 = vector.broadcast %parallel_loop3A_376 : i32 to vector<16xi32>
      %parallel_loop3A_378 = tpu.vector_load_idx %arg5[%parallel_loop3A_342, %parallel_loop3A_377] : memref<1024x8xf32, #tpu.memory_space<vmem>>[vector<16xi32>, vector<16xi32>], vector<16xf32>,
      %parallel_loop3A_379 = arith.constant 16 : i32
      %parallel_loop3A_380 = arith.muli %parallel_loop3A_336, %parallel_loop3A_379 : i32
      %parallel_loop3A_381 = arith.constant 3 : i32
      %parallel_loop3A_382 = arith.constant 4 : i32
      %parallel_loop3A_383 = arith.index_cast %parallel_loop3A_381 : i32 to index
      %parallel_loop3A_384 = arith.index_cast %parallel_loop3A_382 : i32 to index
      %parallel_loop3A_385 = arith.index_cast %parallel_loop3A_380 : i32 to index
      %parallel_loop3A_386 = tpu.vector_load %arg7[%parallel_loop3A_383, %parallel_loop3A_384, %parallel_loop3A_385] {strides = array<i32>} : memref<8x16x576xf32, #tpu.memory_space<vmem>>, vector<16xf32>,
      tpu.vector_store %arg7[%parallel_loop3A_383, %parallel_loop3A_384, %parallel_loop3A_385], %parallel_loop3A_378 {strides = array<i32>} : memref<8x16x576xf32, #tpu.memory_space<vmem>>, vector<16xf32>,
      %parallel_loop3A_387 = arith.constant 4 : i32
      %parallel_loop3A_388 = vector.broadcast %parallel_loop3A_387 : i32 to vector<16xi32>
      %parallel_loop3A_389 = tpu.vector_load_idx %arg5[%parallel_loop3A_342, %parallel_loop3A_388] : memref<1024x8xf32, #tpu.memory_space<vmem>>[vector<16xi32>, vector<16xi32>], vector<16xf32>,
      %parallel_loop3A_390 = arith.constant 16 : i32
      %parallel_loop3A_391 = arith.muli %parallel_loop3A_336, %parallel_loop3A_390 : i32
      %parallel_loop3A_392 = arith.constant 4 : i32
      %parallel_loop3A_393 = arith.constant 4 : i32
      %parallel_loop3A_394 = arith.index_cast %parallel_loop3A_392 : i32 to index
      %parallel_loop3A_395 = arith.index_cast %parallel_loop3A_393 : i32 to index
      %parallel_loop3A_396 = arith.index_cast %parallel_loop3A_391 : i32 to index
      %parallel_loop3A_397 = tpu.vector_load %arg7[%parallel_loop3A_394, %parallel_loop3A_395, %parallel_loop3A_396] {strides = array<i32>} : memref<8x16x576xf32, #tpu.memory_space<vmem>>, vector<16xf32>,
      tpu.vector_store %arg7[%parallel_loop3A_394, %parallel_loop3A_395, %parallel_loop3A_396], %parallel_loop3A_389 {strides = array<i32>} : memref<8x16x576xf32, #tpu.memory_space<vmem>>, vector<16xf32>,
      %parallel_loop3A_398 = arith.constant 5 : i32
      %parallel_loop3A_399 = vector.broadcast %parallel_loop3A_398 : i32 to vector<16xi32>
      %parallel_loop3A_400 = tpu.vector_load_idx %arg5[%parallel_loop3A_342, %parallel_loop3A_399] : memref<1024x8xf32, #tpu.memory_space<vmem>>[vector<16xi32>, vector<16xi32>], vector<16xf32>,
      %parallel_loop3A_401 = arith.constant 16 : i32
      %parallel_loop3A_402 = arith.muli %parallel_loop3A_336, %parallel_loop3A_401 : i32
      %parallel_loop3A_403 = arith.constant 5 : i32
      %parallel_loop3A_404 = arith.constant 4 : i32
      %parallel_loop3A_405 = arith.index_cast %parallel_loop3A_403 : i32 to index
      %parallel_loop3A_406 = arith.index_cast %parallel_loop3A_404 : i32 to index
      %parallel_loop3A_407 = arith.index_cast %parallel_loop3A_402 : i32 to index
      %parallel_loop3A_408 = tpu.vector_load %arg7[%parallel_loop3A_405, %parallel_loop3A_406, %parallel_loop3A_407] {strides = array<i32>} : memref<8x16x576xf32, #tpu.memory_space<vmem>>, vector<16xf32>,
      tpu.vector_store %arg7[%parallel_loop3A_405, %parallel_loop3A_406, %parallel_loop3A_407], %parallel_loop3A_400 {strides = array<i32>} : memref<8x16x576xf32, #tpu.memory_space<vmem>>, vector<16xf32>,
      %parallel_loop3A_409 = arith.constant 6 : i32
      %parallel_loop3A_410 = vector.broadcast %parallel_loop3A_409 : i32 to vector<16xi32>
      %parallel_loop3A_411 = tpu.vector_load_idx %arg5[%parallel_loop3A_342, %parallel_loop3A_410] : memref<1024x8xf32, #tpu.memory_space<vmem>>[vector<16xi32>, vector<16xi32>], vector<16xf32>,
      %parallel_loop3A_412 = arith.constant 16 : i32
      %parallel_loop3A_413 = arith.muli %parallel_loop3A_336, %parallel_loop3A_412 : i32
      %parallel_loop3A_414 = arith.constant 6 : i32
      %parallel_loop3A_415 = arith.constant 4 : i32
      %parallel_loop3A_416 = arith.index_cast %parallel_loop3A_414 : i32 to index
      %parallel_loop3A_417 = arith.index_cast %parallel_loop3A_415 : i32 to index
      %parallel_loop3A_418 = arith.index_cast %parallel_loop3A_413 : i32 to index
      %parallel_loop3A_419 = tpu.vector_load %arg7[%parallel_loop3A_416, %parallel_loop3A_417, %parallel_loop3A_418] {strides = array<i32>} : memref<8x16x576xf32, #tpu.memory_space<vmem>>, vector<16xf32>,
      tpu.vector_store %arg7[%parallel_loop3A_416, %parallel_loop3A_417, %parallel_loop3A_418], %parallel_loop3A_411 {strides = array<i32>} : memref<8x16x576xf32, #tpu.memory_space<vmem>>, vector<16xf32>,
      %parallel_loop3A_420 = arith.constant 7 : i32
      %parallel_loop3A_421 = vector.broadcast %parallel_loop3A_420 : i32 to vector<16xi32>
      %parallel_loop3A_422 = tpu.vector_load_idx %arg5[%parallel_loop3A_342, %parallel_loop3A_421] : memref<1024x8xf32, #tpu.memory_space<vmem>>[vector<16xi32>, vector<16xi32>], vector<16xf32>,
      %parallel_loop3A_423 = arith.constant 16 : i32
      %parallel_loop3A_424 = arith.muli %parallel_loop3A_336, %parallel_loop3A_423 : i32
      %parallel_loop3A_425 = arith.constant 7 : i32
      %parallel_loop3A_426 = arith.constant 4 : i32
      %parallel_loop3A_427 = arith.index_cast %parallel_loop3A_425 : i32 to index
      %parallel_loop3A_428 = arith.index_cast %parallel_loop3A_426 : i32 to index
      %parallel_loop3A_429 = arith.index_cast %parallel_loop3A_424 : i32 to index
      %parallel_loop3A_430 = tpu.vector_load %arg7[%parallel_loop3A_427, %parallel_loop3A_428, %parallel_loop3A_429] {strides = array<i32>} : memref<8x16x576xf32, #tpu.memory_space<vmem>>, vector<16xf32>,
      tpu.vector_store %arg7[%parallel_loop3A_427, %parallel_loop3A_428, %parallel_loop3A_429], %parallel_loop3A_422 {strides = array<i32>} : memref<8x16x576xf32, #tpu.memory_space<vmem>>, vector<16xf32>,
    } {sc.loop_unroll_factor = 4 : i64, sc.parallel_access}
    %parallel_loop3A_17 = arith.constant 0 : i32
    %parallel_loop3A_18 = arith.constant 36 : i32
    %parallel_loop3A_19 = arith.constant 1 : i32
    scf.for %parallel_loop3A_336 = %parallel_loop3A_17 to %parallel_loop3A_18 step %parallel_loop3A_19  : i32 {
      %parallel_loop3A_337 = arith.constant 16 : i32
      %parallel_loop3A_338 = arith.muli %parallel_loop3A_336, %parallel_loop3A_337 : i32
      %parallel_loop3A_339 = arith.constant 2880 : i32
      %parallel_loop3A_340 = arith.addi %parallel_loop3A_339, %parallel_loop3A_338 : i32
      %parallel_loop3A_341 = arith.index_cast %parallel_loop3A_340 : i32 to index
      %parallel_loop3A_342 = tpu.vector_load %arg6[%parallel_loop3A_341] {strides = array<i32>} : memref<9216xi32, #tpu.memory_space<vmem>>, vector<16xi32>,
      %parallel_loop3A_343 = arith.constant 0 : i32
      %parallel_loop3A_344 = vector.broadcast %parallel_loop3A_343 : i32 to vector<16xi32>
      %parallel_loop3A_345 = tpu.vector_load_idx %arg5[%parallel_loop3A_342, %parallel_loop3A_344] : memref<1024x8xf32, #tpu.memory_space<vmem>>[vector<16xi32>, vector<16xi32>], vector<16xf32>,
      %parallel_loop3A_346 = arith.constant 16 : i32
      %parallel_loop3A_347 = arith.muli %parallel_loop3A_336, %parallel_loop3A_346 : i32
      %parallel_loop3A_348 = arith.constant 0 : i32
      %parallel_loop3A_349 = arith.constant 5 : i32
      %parallel_loop3A_350 = arith.index_cast %parallel_loop3A_348 : i32 to index
      %parallel_loop3A_351 = arith.index_cast %parallel_loop3A_349 : i32 to index
      %parallel_loop3A_352 = arith.index_cast %parallel_loop3A_347 : i32 to index
      %parallel_loop3A_353 = tpu.vector_load %arg7[%parallel_loop3A_350, %parallel_loop3A_351, %parallel_loop3A_352] {strides = array<i32>} : memref<8x16x576xf32, #tpu.memory_space<vmem>>, vector<16xf32>,
      tpu.vector_store %arg7[%parallel_loop3A_350, %parallel_loop3A_351, %parallel_loop3A_352], %parallel_loop3A_345 {strides = array<i32>} : memref<8x16x576xf32, #tpu.memory_space<vmem>>, vector<16xf32>,
      %parallel_loop3A_354 = arith.constant 1 : i32
      %parallel_loop3A_355 = vector.broadcast %parallel_loop3A_354 : i32 to vector<16xi32>
      %parallel_loop3A_356 = tpu.vector_load_idx %arg5[%parallel_loop3A_342, %parallel_loop3A_355] : memref<1024x8xf32, #tpu.memory_space<vmem>>[vector<16xi32>, vector<16xi32>], vector<16xf32>,
      %parallel_loop3A_357 = arith.constant 16 : i32
      %parallel_loop3A_358 = arith.muli %parallel_loop3A_336, %parallel_loop3A_357 : i32
      %parallel_loop3A_359 = arith.constant 1 : i32
      %parallel_loop3A_360 = arith.constant 5 : i32
      %parallel_loop3A_361 = arith.index_cast %parallel_loop3A_359 : i32 to index
      %parallel_loop3A_362 = arith.index_cast %parallel_loop3A_360 : i32 to index
      %parallel_loop3A_363 = arith.index_cast %parallel_loop3A_358 : i32 to index
      %parallel_loop3A_364 = tpu.vector_load %arg7[%parallel_loop3A_361, %parallel_loop3A_362, %parallel_loop3A_363] {strides = array<i32>} : memref<8x16x576xf32, #tpu.memory_space<vmem>>, vector<16xf32>,
      tpu.vector_store %arg7[%parallel_loop3A_361, %parallel_loop3A_362, %parallel_loop3A_363], %parallel_loop3A_356 {strides = array<i32>} : memref<8x16x576xf32, #tpu.memory_space<vmem>>, vector<16xf32>,
      %parallel_loop3A_365 = arith.constant 2 : i32
      %parallel_loop3A_366 = vector.broadcast %parallel_loop3A_365 : i32 to vector<16xi32>
      %parallel_loop3A_367 = tpu.vector_load_idx %arg5[%parallel_loop3A_342, %parallel_loop3A_366] : memref<1024x8xf32, #tpu.memory_space<vmem>>[vector<16xi32>, vector<16xi32>], vector<16xf32>,
      %parallel_loop3A_368 = arith.constant 16 : i32
      %parallel_loop3A_369 = arith.muli %parallel_loop3A_336, %parallel_loop3A_368 : i32
      %parallel_loop3A_370 = arith.constant 2 : i32
      %parallel_loop3A_371 = arith.constant 5 : i32
      %parallel_loop3A_372 = arith.index_cast %parallel_loop3A_370 : i32 to index
      %parallel_loop3A_373 = arith.index_cast %parallel_loop3A_371 : i32 to index
      %parallel_loop3A_374 = arith.index_cast %parallel_loop3A_369 : i32 to index
      %parallel_loop3A_375 = tpu.vector_load %arg7[%parallel_loop3A_372, %parallel_loop3A_373, %parallel_loop3A_374] {strides = array<i32>} : memref<8x16x576xf32, #tpu.memory_space<vmem>>, vector<16xf32>,
      tpu.vector_store %arg7[%parallel_loop3A_372, %parallel_loop3A_373, %parallel_loop3A_374], %parallel_loop3A_367 {strides = array<i32>} : memref<8x16x576xf32, #tpu.memory_space<vmem>>, vector<16xf32>,
      %parallel_loop3A_376 = arith.constant 3 : i32
      %parallel_loop3A_377 = vector.broadcast %parallel_loop3A_376 : i32 to vector<16xi32>
      %parallel_loop3A_378 = tpu.vector_load_idx %arg5[%parallel_loop3A_342, %parallel_loop3A_377] : memref<1024x8xf32, #tpu.memory_space<vmem>>[vector<16xi32>, vector<16xi32>], vector<16xf32>,
      %parallel_loop3A_379 = arith.constant 16 : i32
      %parallel_loop3A_380 = arith.muli %parallel_loop3A_336, %parallel_loop3A_379 : i32
      %parallel_loop3A_381 = arith.constant 3 : i32
      %parallel_loop3A_382 = arith.constant 5 : i32
      %parallel_loop3A_383 = arith.index_cast %parallel_loop3A_381 : i32 to index
      %parallel_loop3A_384 = arith.index_cast %parallel_loop3A_382 : i32 to index
      %parallel_loop3A_385 = arith.index_cast %parallel_loop3A_380 : i32 to index
      %parallel_loop3A_386 = tpu.vector_load %arg7[%parallel_loop3A_383, %parallel_loop3A_384, %parallel_loop3A_385] {strides = array<i32>} : memref<8x16x576xf32, #tpu.memory_space<vmem>>, vector<16xf32>,
      tpu.vector_store %arg7[%parallel_loop3A_383, %parallel_loop3A_384, %parallel_loop3A_385], %parallel_loop3A_378 {strides = array<i32>} : memref<8x16x576xf32, #tpu.memory_space<vmem>>, vector<16xf32>,
      %parallel_loop3A_387 = arith.constant 4 : i32
      %parallel_loop3A_388 = vector.broadcast %parallel_loop3A_387 : i32 to vector<16xi32>
      %parallel_loop3A_389 = tpu.vector_load_idx %arg5[%parallel_loop3A_342, %parallel_loop3A_388] : memref<1024x8xf32, #tpu.memory_space<vmem>>[vector<16xi32>, vector<16xi32>], vector<16xf32>,
      %parallel_loop3A_390 = arith.constant 16 : i32
      %parallel_loop3A_391 = arith.muli %parallel_loop3A_336, %parallel_loop3A_390 : i32
      %parallel_loop3A_392 = arith.constant 4 : i32
      %parallel_loop3A_393 = arith.constant 5 : i32
      %parallel_loop3A_394 = arith.index_cast %parallel_loop3A_392 : i32 to index
      %parallel_loop3A_395 = arith.index_cast %parallel_loop3A_393 : i32 to index
      %parallel_loop3A_396 = arith.index_cast %parallel_loop3A_391 : i32 to index
      %parallel_loop3A_397 = tpu.vector_load %arg7[%parallel_loop3A_394, %parallel_loop3A_395, %parallel_loop3A_396] {strides = array<i32>} : memref<8x16x576xf32, #tpu.memory_space<vmem>>, vector<16xf32>,
      tpu.vector_store %arg7[%parallel_loop3A_394, %parallel_loop3A_395, %parallel_loop3A_396], %parallel_loop3A_389 {strides = array<i32>} : memref<8x16x576xf32, #tpu.memory_space<vmem>>, vector<16xf32>,
      %parallel_loop3A_398 = arith.constant 5 : i32
      %parallel_loop3A_399 = vector.broadcast %parallel_loop3A_398 : i32 to vector<16xi32>
      %parallel_loop3A_400 = tpu.vector_load_idx %arg5[%parallel_loop3A_342, %parallel_loop3A_399] : memref<1024x8xf32, #tpu.memory_space<vmem>>[vector<16xi32>, vector<16xi32>], vector<16xf32>,
      %parallel_loop3A_401 = arith.constant 16 : i32
      %parallel_loop3A_402 = arith.muli %parallel_loop3A_336, %parallel_loop3A_401 : i32
      %parallel_loop3A_403 = arith.constant 5 : i32
      %parallel_loop3A_404 = arith.constant 5 : i32
      %parallel_loop3A_405 = arith.index_cast %parallel_loop3A_403 : i32 to index
      %parallel_loop3A_406 = arith.index_cast %parallel_loop3A_404 : i32 to index
      %parallel_loop3A_407 = arith.index_cast %parallel_loop3A_402 : i32 to index
      %parallel_loop3A_408 = tpu.vector_load %arg7[%parallel_loop3A_405, %parallel_loop3A_406, %parallel_loop3A_407] {strides = array<i32>} : memref<8x16x576xf32, #tpu.memory_space<vmem>>, vector<16xf32>,
      tpu.vector_store %arg7[%parallel_loop3A_405, %parallel_loop3A_406, %parallel_loop3A_407], %parallel_loop3A_400 {strides = array<i32>} : memref<8x16x576xf32, #tpu.memory_space<vmem>>, vector<16xf32>,
      %parallel_loop3A_409 = arith.constant 6 : i32
      %parallel_loop3A_410 = vector.broadcast %parallel_loop3A_409 : i32 to vector<16xi32>
      %parallel_loop3A_411 = tpu.vector_load_idx %arg5[%parallel_loop3A_342, %parallel_loop3A_410] : memref<1024x8xf32, #tpu.memory_space<vmem>>[vector<16xi32>, vector<16xi32>], vector<16xf32>,
      %parallel_loop3A_412 = arith.constant 16 : i32
      %parallel_loop3A_413 = arith.muli %parallel_loop3A_336, %parallel_loop3A_412 : i32
      %parallel_loop3A_414 = arith.constant 6 : i32
      %parallel_loop3A_415 = arith.constant 5 : i32
      %parallel_loop3A_416 = arith.index_cast %parallel_loop3A_414 : i32 to index
      %parallel_loop3A_417 = arith.index_cast %parallel_loop3A_415 : i32 to index
      %parallel_loop3A_418 = arith.index_cast %parallel_loop3A_413 : i32 to index
      %parallel_loop3A_419 = tpu.vector_load %arg7[%parallel_loop3A_416, %parallel_loop3A_417, %parallel_loop3A_418] {strides = array<i32>} : memref<8x16x576xf32, #tpu.memory_space<vmem>>, vector<16xf32>,
      tpu.vector_store %arg7[%parallel_loop3A_416, %parallel_loop3A_417, %parallel_loop3A_418], %parallel_loop3A_411 {strides = array<i32>} : memref<8x16x576xf32, #tpu.memory_space<vmem>>, vector<16xf32>,
      %parallel_loop3A_420 = arith.constant 7 : i32
      %parallel_loop3A_421 = vector.broadcast %parallel_loop3A_420 : i32 to vector<16xi32>
      %parallel_loop3A_422 = tpu.vector_load_idx %arg5[%parallel_loop3A_342, %parallel_loop3A_421] : memref<1024x8xf32, #tpu.memory_space<vmem>>[vector<16xi32>, vector<16xi32>], vector<16xf32>,
      %parallel_loop3A_423 = arith.constant 16 : i32
      %parallel_loop3A_424 = arith.muli %parallel_loop3A_336, %parallel_loop3A_423 : i32
      %parallel_loop3A_425 = arith.constant 7 : i32
      %parallel_loop3A_426 = arith.constant 5 : i32
      %parallel_loop3A_427 = arith.index_cast %parallel_loop3A_425 : i32 to index
      %parallel_loop3A_428 = arith.index_cast %parallel_loop3A_426 : i32 to index
      %parallel_loop3A_429 = arith.index_cast %parallel_loop3A_424 : i32 to index
      %parallel_loop3A_430 = tpu.vector_load %arg7[%parallel_loop3A_427, %parallel_loop3A_428, %parallel_loop3A_429] {strides = array<i32>} : memref<8x16x576xf32, #tpu.memory_space<vmem>>, vector<16xf32>,
      tpu.vector_store %arg7[%parallel_loop3A_427, %parallel_loop3A_428, %parallel_loop3A_429], %parallel_loop3A_422 {strides = array<i32>} : memref<8x16x576xf32, #tpu.memory_space<vmem>>, vector<16xf32>,
    } {sc.loop_unroll_factor = 4 : i64, sc.parallel_access}
    %parallel_loop3A_20 = arith.constant 0 : i32
    %parallel_loop3A_21 = arith.constant 36 : i32
    %parallel_loop3A_22 = arith.constant 1 : i32
    scf.for %parallel_loop3A_336 = %parallel_loop3A_20 to %parallel_loop3A_21 step %parallel_loop3A_22  : i32 {
      %parallel_loop3A_337 = arith.constant 16 : i32
      %parallel_loop3A_338 = arith.muli %parallel_loop3A_336, %parallel_loop3A_337 : i32
      %parallel_loop3A_339 = arith.constant 3456 : i32
      %parallel_loop3A_340 = arith.addi %parallel_loop3A_339, %parallel_loop3A_338 : i32
      %parallel_loop3A_341 = arith.index_cast %parallel_loop3A_340 : i32 to index
      %parallel_loop3A_342 = tpu.vector_load %arg6[%parallel_loop3A_341] {strides = array<i32>} : memref<9216xi32, #tpu.memory_space<vmem>>, vector<16xi32>,
      %parallel_loop3A_343 = arith.constant 0 : i32
      %parallel_loop3A_344 = vector.broadcast %parallel_loop3A_343 : i32 to vector<16xi32>
      %parallel_loop3A_345 = tpu.vector_load_idx %arg5[%parallel_loop3A_342, %parallel_loop3A_344] : memref<1024x8xf32, #tpu.memory_space<vmem>>[vector<16xi32>, vector<16xi32>], vector<16xf32>,
      %parallel_loop3A_346 = arith.constant 16 : i32
      %parallel_loop3A_347 = arith.muli %parallel_loop3A_336, %parallel_loop3A_346 : i32
      %parallel_loop3A_348 = arith.constant 0 : i32
      %parallel_loop3A_349 = arith.constant 6 : i32
      %parallel_loop3A_350 = arith.index_cast %parallel_loop3A_348 : i32 to index
      %parallel_loop3A_351 = arith.index_cast %parallel_loop3A_349 : i32 to index
      %parallel_loop3A_352 = arith.index_cast %parallel_loop3A_347 : i32 to index
      %parallel_loop3A_353 = tpu.vector_load %arg7[%parallel_loop3A_350, %parallel_loop3A_351, %parallel_loop3A_352] {strides = array<i32>} : memref<8x16x576xf32, #tpu.memory_space<vmem>>, vector<16xf32>,
      tpu.vector_store %arg7[%parallel_loop3A_350, %parallel_loop3A_351, %parallel_loop3A_352], %parallel_loop3A_345 {strides = array<i32>} : memref<8x16x576xf32, #tpu.memory_space<vmem>>, vector<16xf32>,
      %parallel_loop3A_354 = arith.constant 1 : i32
      %parallel_loop3A_355 = vector.broadcast %parallel_loop3A_354 : i32 to vector<16xi32>
      %parallel_loop3A_356 = tpu.vector_load_idx %arg5[%parallel_loop3A_342, %parallel_loop3A_355] : memref<1024x8xf32, #tpu.memory_space<vmem>>[vector<16xi32>, vector<16xi32>], vector<16xf32>,
      %parallel_loop3A_357 = arith.constant 16 : i32
      %parallel_loop3A_358 = arith.muli %parallel_loop3A_336, %parallel_loop3A_357 : i32
      %parallel_loop3A_359 = arith.constant 1 : i32
      %parallel_loop3A_360 = arith.constant 6 : i32
      %parallel_loop3A_361 = arith.index_cast %parallel_loop3A_359 : i32 to index
      %parallel_loop3A_362 = arith.index_cast %parallel_loop3A_360 : i32 to index
      %parallel_loop3A_363 = arith.index_cast %parallel_loop3A_358 : i32 to index
      %parallel_loop3A_364 = tpu.vector_load %arg7[%parallel_loop3A_361, %parallel_loop3A_362, %parallel_loop3A_363] {strides = array<i32>} : memref<8x16x576xf32, #tpu.memory_space<vmem>>, vector<16xf32>,
      tpu.vector_store %arg7[%parallel_loop3A_361, %parallel_loop3A_362, %parallel_loop3A_363], %parallel_loop3A_356 {strides = array<i32>} : memref<8x16x576xf32, #tpu.memory_space<vmem>>, vector<16xf32>,
      %parallel_loop3A_365 = arith.constant 2 : i32
      %parallel_loop3A_366 = vector.broadcast %parallel_loop3A_365 : i32 to vector<16xi32>
      %parallel_loop3A_367 = tpu.vector_load_idx %arg5[%parallel_loop3A_342, %parallel_loop3A_366] : memref<1024x8xf32, #tpu.memory_space<vmem>>[vector<16xi32>, vector<16xi32>], vector<16xf32>,
      %parallel_loop3A_368 = arith.constant 16 : i32
      %parallel_loop3A_369 = arith.muli %parallel_loop3A_336, %parallel_loop3A_368 : i32
      %parallel_loop3A_370 = arith.constant 2 : i32
      %parallel_loop3A_371 = arith.constant 6 : i32
      %parallel_loop3A_372 = arith.index_cast %parallel_loop3A_370 : i32 to index
      %parallel_loop3A_373 = arith.index_cast %parallel_loop3A_371 : i32 to index
      %parallel_loop3A_374 = arith.index_cast %parallel_loop3A_369 : i32 to index
      %parallel_loop3A_375 = tpu.vector_load %arg7[%parallel_loop3A_372, %parallel_loop3A_373, %parallel_loop3A_374] {strides = array<i32>} : memref<8x16x576xf32, #tpu.memory_space<vmem>>, vector<16xf32>,
      tpu.vector_store %arg7[%parallel_loop3A_372, %parallel_loop3A_373, %parallel_loop3A_374], %parallel_loop3A_367 {strides = array<i32>} : memref<8x16x576xf32, #tpu.memory_space<vmem>>, vector<16xf32>,
      %parallel_loop3A_376 = arith.constant 3 : i32
      %parallel_loop3A_377 = vector.broadcast %parallel_loop3A_376 : i32 to vector<16xi32>
      %parallel_loop3A_378 = tpu.vector_load_idx %arg5[%parallel_loop3A_342, %parallel_loop3A_377] : memref<1024x8xf32, #tpu.memory_space<vmem>>[vector<16xi32>, vector<16xi32>], vector<16xf32>,
      %parallel_loop3A_379 = arith.constant 16 : i32
      %parallel_loop3A_380 = arith.muli %parallel_loop3A_336, %parallel_loop3A_379 : i32
      %parallel_loop3A_381 = arith.constant 3 : i32
      %parallel_loop3A_382 = arith.constant 6 : i32
      %parallel_loop3A_383 = arith.index_cast %parallel_loop3A_381 : i32 to index
      %parallel_loop3A_384 = arith.index_cast %parallel_loop3A_382 : i32 to index
      %parallel_loop3A_385 = arith.index_cast %parallel_loop3A_380 : i32 to index
      %parallel_loop3A_386 = tpu.vector_load %arg7[%parallel_loop3A_383, %parallel_loop3A_384, %parallel_loop3A_385] {strides = array<i32>} : memref<8x16x576xf32, #tpu.memory_space<vmem>>, vector<16xf32>,
      tpu.vector_store %arg7[%parallel_loop3A_383, %parallel_loop3A_384, %parallel_loop3A_385], %parallel_loop3A_378 {strides = array<i32>} : memref<8x16x576xf32, #tpu.memory_space<vmem>>, vector<16xf32>,
      %parallel_loop3A_387 = arith.constant 4 : i32
      %parallel_loop3A_388 = vector.broadcast %parallel_loop3A_387 : i32 to vector<16xi32>
      %parallel_loop3A_389 = tpu.vector_load_idx %arg5[%parallel_loop3A_342, %parallel_loop3A_388] : memref<1024x8xf32, #tpu.memory_space<vmem>>[vector<16xi32>, vector<16xi32>], vector<16xf32>,
      %parallel_loop3A_390 = arith.constant 16 : i32
      %parallel_loop3A_391 = arith.muli %parallel_loop3A_336, %parallel_loop3A_390 : i32
      %parallel_loop3A_392 = arith.constant 4 : i32
      %parallel_loop3A_393 = arith.constant 6 : i32
      %parallel_loop3A_394 = arith.index_cast %parallel_loop3A_392 : i32 to index
      %parallel_loop3A_395 = arith.index_cast %parallel_loop3A_393 : i32 to index
      %parallel_loop3A_396 = arith.index_cast %parallel_loop3A_391 : i32 to index
      %parallel_loop3A_397 = tpu.vector_load %arg7[%parallel_loop3A_394, %parallel_loop3A_395, %parallel_loop3A_396] {strides = array<i32>} : memref<8x16x576xf32, #tpu.memory_space<vmem>>, vector<16xf32>,
      tpu.vector_store %arg7[%parallel_loop3A_394, %parallel_loop3A_395, %parallel_loop3A_396], %parallel_loop3A_389 {strides = array<i32>} : memref<8x16x576xf32, #tpu.memory_space<vmem>>, vector<16xf32>,
      %parallel_loop3A_398 = arith.constant 5 : i32
      %parallel_loop3A_399 = vector.broadcast %parallel_loop3A_398 : i32 to vector<16xi32>
      %parallel_loop3A_400 = tpu.vector_load_idx %arg5[%parallel_loop3A_342, %parallel_loop3A_399] : memref<1024x8xf32, #tpu.memory_space<vmem>>[vector<16xi32>, vector<16xi32>], vector<16xf32>,
      %parallel_loop3A_401 = arith.constant 16 : i32
      %parallel_loop3A_402 = arith.muli %parallel_loop3A_336, %parallel_loop3A_401 : i32
      %parallel_loop3A_403 = arith.constant 5 : i32
      %parallel_loop3A_404 = arith.constant 6 : i32
      %parallel_loop3A_405 = arith.index_cast %parallel_loop3A_403 : i32 to index
      %parallel_loop3A_406 = arith.index_cast %parallel_loop3A_404 : i32 to index
      %parallel_loop3A_407 = arith.index_cast %parallel_loop3A_402 : i32 to index
      %parallel_loop3A_408 = tpu.vector_load %arg7[%parallel_loop3A_405, %parallel_loop3A_406, %parallel_loop3A_407] {strides = array<i32>} : memref<8x16x576xf32, #tpu.memory_space<vmem>>, vector<16xf32>,
      tpu.vector_store %arg7[%parallel_loop3A_405, %parallel_loop3A_406, %parallel_loop3A_407], %parallel_loop3A_400 {strides = array<i32>} : memref<8x16x576xf32, #tpu.memory_space<vmem>>, vector<16xf32>,
      %parallel_loop3A_409 = arith.constant 6 : i32
      %parallel_loop3A_410 = vector.broadcast %parallel_loop3A_409 : i32 to vector<16xi32>
      %parallel_loop3A_411 = tpu.vector_load_idx %arg5[%parallel_loop3A_342, %parallel_loop3A_410] : memref<1024x8xf32, #tpu.memory_space<vmem>>[vector<16xi32>, vector<16xi32>], vector<16xf32>,
      %parallel_loop3A_412 = arith.constant 16 : i32
      %parallel_loop3A_413 = arith.muli %parallel_loop3A_336, %parallel_loop3A_412 : i32
      %parallel_loop3A_414 = arith.constant 6 : i32
      %parallel_loop3A_415 = arith.constant 6 : i32
      %parallel_loop3A_416 = arith.index_cast %parallel_loop3A_414 : i32 to index
      %parallel_loop3A_417 = arith.index_cast %parallel_loop3A_415 : i32 to index
      %parallel_loop3A_418 = arith.index_cast %parallel_loop3A_413 : i32 to index
      %parallel_loop3A_419 = tpu.vector_load %arg7[%parallel_loop3A_416, %parallel_loop3A_417, %parallel_loop3A_418] {strides = array<i32>} : memref<8x16x576xf32, #tpu.memory_space<vmem>>, vector<16xf32>,
      tpu.vector_store %arg7[%parallel_loop3A_416, %parallel_loop3A_417, %parallel_loop3A_418], %parallel_loop3A_411 {strides = array<i32>} : memref<8x16x576xf32, #tpu.memory_space<vmem>>, vector<16xf32>,
      %parallel_loop3A_420 = arith.constant 7 : i32
      %parallel_loop3A_421 = vector.broadcast %parallel_loop3A_420 : i32 to vector<16xi32>
      %parallel_loop3A_422 = tpu.vector_load_idx %arg5[%parallel_loop3A_342, %parallel_loop3A_421] : memref<1024x8xf32, #tpu.memory_space<vmem>>[vector<16xi32>, vector<16xi32>], vector<16xf32>,
      %parallel_loop3A_423 = arith.constant 16 : i32
      %parallel_loop3A_424 = arith.muli %parallel_loop3A_336, %parallel_loop3A_423 : i32
      %parallel_loop3A_425 = arith.constant 7 : i32
      %parallel_loop3A_426 = arith.constant 6 : i32
      %parallel_loop3A_427 = arith.index_cast %parallel_loop3A_425 : i32 to index
      %parallel_loop3A_428 = arith.index_cast %parallel_loop3A_426 : i32 to index
      %parallel_loop3A_429 = arith.index_cast %parallel_loop3A_424 : i32 to index
      %parallel_loop3A_430 = tpu.vector_load %arg7[%parallel_loop3A_427, %parallel_loop3A_428, %parallel_loop3A_429] {strides = array<i32>} : memref<8x16x576xf32, #tpu.memory_space<vmem>>, vector<16xf32>,
      tpu.vector_store %arg7[%parallel_loop3A_427, %parallel_loop3A_428, %parallel_loop3A_429], %parallel_loop3A_422 {strides = array<i32>} : memref<8x16x576xf32, #tpu.memory_space<vmem>>, vector<16xf32>,
    } {sc.loop_unroll_factor = 4 : i64, sc.parallel_access}
    %parallel_loop3A_23 = arith.constant 0 : i32
    %parallel_loop3A_24 = arith.constant 36 : i32
    %parallel_loop3A_25 = arith.constant 1 : i32
    scf.for %parallel_loop3A_336 = %parallel_loop3A_23 to %parallel_loop3A_24 step %parallel_loop3A_25  : i32 {
      %parallel_loop3A_337 = arith.constant 16 : i32
      %parallel_loop3A_338 = arith.muli %parallel_loop3A_336, %parallel_loop3A_337 : i32
      %parallel_loop3A_339 = arith.constant 4032 : i32
      %parallel_loop3A_340 = arith.addi %parallel_loop3A_339, %parallel_loop3A_338 : i32
      %parallel_loop3A_341 = arith.index_cast %parallel_loop3A_340 : i32 to index
      %parallel_loop3A_342 = tpu.vector_load %arg6[%parallel_loop3A_341] {strides = array<i32>} : memref<9216xi32, #tpu.memory_space<vmem>>, vector<16xi32>,
      %parallel_loop3A_343 = arith.constant 0 : i32
      %parallel_loop3A_344 = vector.broadcast %parallel_loop3A_343 : i32 to vector<16xi32>
      %parallel_loop3A_345 = tpu.vector_load_idx %arg5[%parallel_loop3A_342, %parallel_loop3A_344] : memref<1024x8xf32, #tpu.memory_space<vmem>>[vector<16xi32>, vector<16xi32>], vector<16xf32>,
      %parallel_loop3A_346 = arith.constant 16 : i32
      %parallel_loop3A_347 = arith.muli %parallel_loop3A_336, %parallel_loop3A_346 : i32
      %parallel_loop3A_348 = arith.constant 0 : i32
      %parallel_loop3A_349 = arith.constant 7 : i32
      %parallel_loop3A_350 = arith.index_cast %parallel_loop3A_348 : i32 to index
      %parallel_loop3A_351 = arith.index_cast %parallel_loop3A_349 : i32 to index
      %parallel_loop3A_352 = arith.index_cast %parallel_loop3A_347 : i32 to index
      %parallel_loop3A_353 = tpu.vector_load %arg7[%parallel_loop3A_350, %parallel_loop3A_351, %parallel_loop3A_352] {strides = array<i32>} : memref<8x16x576xf32, #tpu.memory_space<vmem>>, vector<16xf32>,
      tpu.vector_store %arg7[%parallel_loop3A_350, %parallel_loop3A_351, %parallel_loop3A_352], %parallel_loop3A_345 {strides = array<i32>} : memref<8x16x576xf32, #tpu.memory_space<vmem>>, vector<16xf32>,
      %parallel_loop3A_354 = arith.constant 1 : i32
      %parallel_loop3A_355 = vector.broadcast %parallel_loop3A_354 : i32 to vector<16xi32>
      %parallel_loop3A_356 = tpu.vector_load_idx %arg5[%parallel_loop3A_342, %parallel_loop3A_355] : memref<1024x8xf32, #tpu.memory_space<vmem>>[vector<16xi32>, vector<16xi32>], vector<16xf32>,
      %parallel_loop3A_357 = arith.constant 16 : i32
      %parallel_loop3A_358 = arith.muli %parallel_loop3A_336, %parallel_loop3A_357 : i32
      %parallel_loop3A_359 = arith.constant 1 : i32
      %parallel_loop3A_360 = arith.constant 7 : i32
      %parallel_loop3A_361 = arith.index_cast %parallel_loop3A_359 : i32 to index
      %parallel_loop3A_362 = arith.index_cast %parallel_loop3A_360 : i32 to index
      %parallel_loop3A_363 = arith.index_cast %parallel_loop3A_358 : i32 to index
      %parallel_loop3A_364 = tpu.vector_load %arg7[%parallel_loop3A_361, %parallel_loop3A_362, %parallel_loop3A_363] {strides = array<i32>} : memref<8x16x576xf32, #tpu.memory_space<vmem>>, vector<16xf32>,
      tpu.vector_store %arg7[%parallel_loop3A_361, %parallel_loop3A_362, %parallel_loop3A_363], %parallel_loop3A_356 {strides = array<i32>} : memref<8x16x576xf32, #tpu.memory_space<vmem>>, vector<16xf32>,
      %parallel_loop3A_365 = arith.constant 2 : i32
      %parallel_loop3A_366 = vector.broadcast %parallel_loop3A_365 : i32 to vector<16xi32>
      %parallel_loop3A_367 = tpu.vector_load_idx %arg5[%parallel_loop3A_342, %parallel_loop3A_366] : memref<1024x8xf32, #tpu.memory_space<vmem>>[vector<16xi32>, vector<16xi32>], vector<16xf32>,
      %parallel_loop3A_368 = arith.constant 16 : i32
      %parallel_loop3A_369 = arith.muli %parallel_loop3A_336, %parallel_loop3A_368 : i32
      %parallel_loop3A_370 = arith.constant 2 : i32
      %parallel_loop3A_371 = arith.constant 7 : i32
      %parallel_loop3A_372 = arith.index_cast %parallel_loop3A_370 : i32 to index
      %parallel_loop3A_373 = arith.index_cast %parallel_loop3A_371 : i32 to index
      %parallel_loop3A_374 = arith.index_cast %parallel_loop3A_369 : i32 to index
      %parallel_loop3A_375 = tpu.vector_load %arg7[%parallel_loop3A_372, %parallel_loop3A_373, %parallel_loop3A_374] {strides = array<i32>} : memref<8x16x576xf32, #tpu.memory_space<vmem>>, vector<16xf32>,
      tpu.vector_store %arg7[%parallel_loop3A_372, %parallel_loop3A_373, %parallel_loop3A_374], %parallel_loop3A_367 {strides = array<i32>} : memref<8x16x576xf32, #tpu.memory_space<vmem>>, vector<16xf32>,
      %parallel_loop3A_376 = arith.constant 3 : i32
      %parallel_loop3A_377 = vector.broadcast %parallel_loop3A_376 : i32 to vector<16xi32>
      %parallel_loop3A_378 = tpu.vector_load_idx %arg5[%parallel_loop3A_342, %parallel_loop3A_377] : memref<1024x8xf32, #tpu.memory_space<vmem>>[vector<16xi32>, vector<16xi32>], vector<16xf32>,
      %parallel_loop3A_379 = arith.constant 16 : i32
      %parallel_loop3A_380 = arith.muli %parallel_loop3A_336, %parallel_loop3A_379 : i32
      %parallel_loop3A_381 = arith.constant 3 : i32
      %parallel_loop3A_382 = arith.constant 7 : i32
      %parallel_loop3A_383 = arith.index_cast %parallel_loop3A_381 : i32 to index
      %parallel_loop3A_384 = arith.index_cast %parallel_loop3A_382 : i32 to index
      %parallel_loop3A_385 = arith.index_cast %parallel_loop3A_380 : i32 to index
      %parallel_loop3A_386 = tpu.vector_load %arg7[%parallel_loop3A_383, %parallel_loop3A_384, %parallel_loop3A_385] {strides = array<i32>} : memref<8x16x576xf32, #tpu.memory_space<vmem>>, vector<16xf32>,
      tpu.vector_store %arg7[%parallel_loop3A_383, %parallel_loop3A_384, %parallel_loop3A_385], %parallel_loop3A_378 {strides = array<i32>} : memref<8x16x576xf32, #tpu.memory_space<vmem>>, vector<16xf32>,
      %parallel_loop3A_387 = arith.constant 4 : i32
      %parallel_loop3A_388 = vector.broadcast %parallel_loop3A_387 : i32 to vector<16xi32>
      %parallel_loop3A_389 = tpu.vector_load_idx %arg5[%parallel_loop3A_342, %parallel_loop3A_388] : memref<1024x8xf32, #tpu.memory_space<vmem>>[vector<16xi32>, vector<16xi32>], vector<16xf32>,
      %parallel_loop3A_390 = arith.constant 16 : i32
      %parallel_loop3A_391 = arith.muli %parallel_loop3A_336, %parallel_loop3A_390 : i32
      %parallel_loop3A_392 = arith.constant 4 : i32
      %parallel_loop3A_393 = arith.constant 7 : i32
      %parallel_loop3A_394 = arith.index_cast %parallel_loop3A_392 : i32 to index
      %parallel_loop3A_395 = arith.index_cast %parallel_loop3A_393 : i32 to index
      %parallel_loop3A_396 = arith.index_cast %parallel_loop3A_391 : i32 to index
      %parallel_loop3A_397 = tpu.vector_load %arg7[%parallel_loop3A_394, %parallel_loop3A_395, %parallel_loop3A_396] {strides = array<i32>} : memref<8x16x576xf32, #tpu.memory_space<vmem>>, vector<16xf32>,
      tpu.vector_store %arg7[%parallel_loop3A_394, %parallel_loop3A_395, %parallel_loop3A_396], %parallel_loop3A_389 {strides = array<i32>} : memref<8x16x576xf32, #tpu.memory_space<vmem>>, vector<16xf32>,
      %parallel_loop3A_398 = arith.constant 5 : i32
      %parallel_loop3A_399 = vector.broadcast %parallel_loop3A_398 : i32 to vector<16xi32>
      %parallel_loop3A_400 = tpu.vector_load_idx %arg5[%parallel_loop3A_342, %parallel_loop3A_399] : memref<1024x8xf32, #tpu.memory_space<vmem>>[vector<16xi32>, vector<16xi32>], vector<16xf32>,
      %parallel_loop3A_401 = arith.constant 16 : i32
      %parallel_loop3A_402 = arith.muli %parallel_loop3A_336, %parallel_loop3A_401 : i32
      %parallel_loop3A_403 = arith.constant 5 : i32
      %parallel_loop3A_404 = arith.constant 7 : i32
      %parallel_loop3A_405 = arith.index_cast %parallel_loop3A_403 : i32 to index
      %parallel_loop3A_406 = arith.index_cast %parallel_loop3A_404 : i32 to index
      %parallel_loop3A_407 = arith.index_cast %parallel_loop3A_402 : i32 to index
      %parallel_loop3A_408 = tpu.vector_load %arg7[%parallel_loop3A_405, %parallel_loop3A_406, %parallel_loop3A_407] {strides = array<i32>} : memref<8x16x576xf32, #tpu.memory_space<vmem>>, vector<16xf32>,
      tpu.vector_store %arg7[%parallel_loop3A_405, %parallel_loop3A_406, %parallel_loop3A_407], %parallel_loop3A_400 {strides = array<i32>} : memref<8x16x576xf32, #tpu.memory_space<vmem>>, vector<16xf32>,
      %parallel_loop3A_409 = arith.constant 6 : i32
      %parallel_loop3A_410 = vector.broadcast %parallel_loop3A_409 : i32 to vector<16xi32>
      %parallel_loop3A_411 = tpu.vector_load_idx %arg5[%parallel_loop3A_342, %parallel_loop3A_410] : memref<1024x8xf32, #tpu.memory_space<vmem>>[vector<16xi32>, vector<16xi32>], vector<16xf32>,
      %parallel_loop3A_412 = arith.constant 16 : i32
      %parallel_loop3A_413 = arith.muli %parallel_loop3A_336, %parallel_loop3A_412 : i32
      %parallel_loop3A_414 = arith.constant 6 : i32
      %parallel_loop3A_415 = arith.constant 7 : i32
      %parallel_loop3A_416 = arith.index_cast %parallel_loop3A_414 : i32 to index
      %parallel_loop3A_417 = arith.index_cast %parallel_loop3A_415 : i32 to index
      %parallel_loop3A_418 = arith.index_cast %parallel_loop3A_413 : i32 to index
      %parallel_loop3A_419 = tpu.vector_load %arg7[%parallel_loop3A_416, %parallel_loop3A_417, %parallel_loop3A_418] {strides = array<i32>} : memref<8x16x576xf32, #tpu.memory_space<vmem>>, vector<16xf32>,
      tpu.vector_store %arg7[%parallel_loop3A_416, %parallel_loop3A_417, %parallel_loop3A_418], %parallel_loop3A_411 {strides = array<i32>} : memref<8x16x576xf32, #tpu.memory_space<vmem>>, vector<16xf32>,
      %parallel_loop3A_420 = arith.constant 7 : i32
      %parallel_loop3A_421 = vector.broadcast %parallel_loop3A_420 : i32 to vector<16xi32>
      %parallel_loop3A_422 = tpu.vector_load_idx %arg5[%parallel_loop3A_342, %parallel_loop3A_421] : memref<1024x8xf32, #tpu.memory_space<vmem>>[vector<16xi32>, vector<16xi32>], vector<16xf32>,
      %parallel_loop3A_423 = arith.constant 16 : i32
      %parallel_loop3A_424 = arith.muli %parallel_loop3A_336, %parallel_loop3A_423 : i32
      %parallel_loop3A_425 = arith.constant 7 : i32
      %parallel_loop3A_426 = arith.constant 7 : i32
      %parallel_loop3A_427 = arith.index_cast %parallel_loop3A_425 : i32 to index
      %parallel_loop3A_428 = arith.index_cast %parallel_loop3A_426 : i32 to index
      %parallel_loop3A_429 = arith.index_cast %parallel_loop3A_424 : i32 to index
      %parallel_loop3A_430 = tpu.vector_load %arg7[%parallel_loop3A_427, %parallel_loop3A_428, %parallel_loop3A_429] {strides = array<i32>} : memref<8x16x576xf32, #tpu.memory_space<vmem>>, vector<16xf32>,
      tpu.vector_store %arg7[%parallel_loop3A_427, %parallel_loop3A_428, %parallel_loop3A_429], %parallel_loop3A_422 {strides = array<i32>} : memref<8x16x576xf32, #tpu.memory_space<vmem>>, vector<16xf32>,
    } {sc.loop_unroll_factor = 4 : i64, sc.parallel_access}
    %parallel_loop3A_26 = arith.constant 0 : i32
    %parallel_loop3A_27 = arith.constant 36 : i32
    %parallel_loop3A_28 = arith.constant 1 : i32
    scf.for %parallel_loop3A_336 = %parallel_loop3A_26 to %parallel_loop3A_27 step %parallel_loop3A_28  : i32 {
      %parallel_loop3A_337 = arith.constant 16 : i32
      %parallel_loop3A_338 = arith.muli %parallel_loop3A_336, %parallel_loop3A_337 : i32
      %parallel_loop3A_339 = arith.constant 4608 : i32
      %parallel_loop3A_340 = arith.addi %parallel_loop3A_339, %parallel_loop3A_338 : i32
      %parallel_loop3A_341 = arith.index_cast %parallel_loop3A_340 : i32 to index
      %parallel_loop3A_342 = tpu.vector_load %arg6[%parallel_loop3A_341] {strides = array<i32>} : memref<9216xi32, #tpu.memory_space<vmem>>, vector<16xi32>,
      %parallel_loop3A_343 = arith.constant 0 : i32
      %parallel_loop3A_344 = vector.broadcast %parallel_loop3A_343 : i32 to vector<16xi32>
      %parallel_loop3A_345 = tpu.vector_load_idx %arg5[%parallel_loop3A_342, %parallel_loop3A_344] : memref<1024x8xf32, #tpu.memory_space<vmem>>[vector<16xi32>, vector<16xi32>], vector<16xf32>,
      %parallel_loop3A_346 = arith.constant 16 : i32
      %parallel_loop3A_347 = arith.muli %parallel_loop3A_336, %parallel_loop3A_346 : i32
      %parallel_loop3A_348 = arith.constant 0 : i32
      %parallel_loop3A_349 = arith.constant 8 : i32
      %parallel_loop3A_350 = arith.index_cast %parallel_loop3A_348 : i32 to index
      %parallel_loop3A_351 = arith.index_cast %parallel_loop3A_349 : i32 to index
      %parallel_loop3A_352 = arith.index_cast %parallel_loop3A_347 : i32 to index
      %parallel_loop3A_353 = tpu.vector_load %arg7[%parallel_loop3A_350, %parallel_loop3A_351, %parallel_loop3A_352] {strides = array<i32>} : memref<8x16x576xf32, #tpu.memory_space<vmem>>, vector<16xf32>,
      tpu.vector_store %arg7[%parallel_loop3A_350, %parallel_loop3A_351, %parallel_loop3A_352], %parallel_loop3A_345 {strides = array<i32>} : memref<8x16x576xf32, #tpu.memory_space<vmem>>, vector<16xf32>,
      %parallel_loop3A_354 = arith.constant 1 : i32
      %parallel_loop3A_355 = vector.broadcast %parallel_loop3A_354 : i32 to vector<16xi32>
      %parallel_loop3A_356 = tpu.vector_load_idx %arg5[%parallel_loop3A_342, %parallel_loop3A_355] : memref<1024x8xf32, #tpu.memory_space<vmem>>[vector<16xi32>, vector<16xi32>], vector<16xf32>,
      %parallel_loop3A_357 = arith.constant 16 : i32
      %parallel_loop3A_358 = arith.muli %parallel_loop3A_336, %parallel_loop3A_357 : i32
      %parallel_loop3A_359 = arith.constant 1 : i32
      %parallel_loop3A_360 = arith.constant 8 : i32
      %parallel_loop3A_361 = arith.index_cast %parallel_loop3A_359 : i32 to index
      %parallel_loop3A_362 = arith.index_cast %parallel_loop3A_360 : i32 to index
      %parallel_loop3A_363 = arith.index_cast %parallel_loop3A_358 : i32 to index
      %parallel_loop3A_364 = tpu.vector_load %arg7[%parallel_loop3A_361, %parallel_loop3A_362, %parallel_loop3A_363] {strides = array<i32>} : memref<8x16x576xf32, #tpu.memory_space<vmem>>, vector<16xf32>,
      tpu.vector_store %arg7[%parallel_loop3A_361, %parallel_loop3A_362, %parallel_loop3A_363], %parallel_loop3A_356 {strides = array<i32>} : memref<8x16x576xf32, #tpu.memory_space<vmem>>, vector<16xf32>,
      %parallel_loop3A_365 = arith.constant 2 : i32
      %parallel_loop3A_366 = vector.broadcast %parallel_loop3A_365 : i32 to vector<16xi32>
      %parallel_loop3A_367 = tpu.vector_load_idx %arg5[%parallel_loop3A_342, %parallel_loop3A_366] : memref<1024x8xf32, #tpu.memory_space<vmem>>[vector<16xi32>, vector<16xi32>], vector<16xf32>,
      %parallel_loop3A_368 = arith.constant 16 : i32
      %parallel_loop3A_369 = arith.muli %parallel_loop3A_336, %parallel_loop3A_368 : i32
      %parallel_loop3A_370 = arith.constant 2 : i32
      %parallel_loop3A_371 = arith.constant 8 : i32
      %parallel_loop3A_372 = arith.index_cast %parallel_loop3A_370 : i32 to index
      %parallel_loop3A_373 = arith.index_cast %parallel_loop3A_371 : i32 to index
      %parallel_loop3A_374 = arith.index_cast %parallel_loop3A_369 : i32 to index
      %parallel_loop3A_375 = tpu.vector_load %arg7[%parallel_loop3A_372, %parallel_loop3A_373, %parallel_loop3A_374] {strides = array<i32>} : memref<8x16x576xf32, #tpu.memory_space<vmem>>, vector<16xf32>,
      tpu.vector_store %arg7[%parallel_loop3A_372, %parallel_loop3A_373, %parallel_loop3A_374], %parallel_loop3A_367 {strides = array<i32>} : memref<8x16x576xf32, #tpu.memory_space<vmem>>, vector<16xf32>,
      %parallel_loop3A_376 = arith.constant 3 : i32
      %parallel_loop3A_377 = vector.broadcast %parallel_loop3A_376 : i32 to vector<16xi32>
      %parallel_loop3A_378 = tpu.vector_load_idx %arg5[%parallel_loop3A_342, %parallel_loop3A_377] : memref<1024x8xf32, #tpu.memory_space<vmem>>[vector<16xi32>, vector<16xi32>], vector<16xf32>,
      %parallel_loop3A_379 = arith.constant 16 : i32
      %parallel_loop3A_380 = arith.muli %parallel_loop3A_336, %parallel_loop3A_379 : i32
      %parallel_loop3A_381 = arith.constant 3 : i32
      %parallel_loop3A_382 = arith.constant 8 : i32
      %parallel_loop3A_383 = arith.index_cast %parallel_loop3A_381 : i32 to index
      %parallel_loop3A_384 = arith.index_cast %parallel_loop3A_382 : i32 to index
      %parallel_loop3A_385 = arith.index_cast %parallel_loop3A_380 : i32 to index
      %parallel_loop3A_386 = tpu.vector_load %arg7[%parallel_loop3A_383, %parallel_loop3A_384, %parallel_loop3A_385] {strides = array<i32>} : memref<8x16x576xf32, #tpu.memory_space<vmem>>, vector<16xf32>,
      tpu.vector_store %arg7[%parallel_loop3A_383, %parallel_loop3A_384, %parallel_loop3A_385], %parallel_loop3A_378 {strides = array<i32>} : memref<8x16x576xf32, #tpu.memory_space<vmem>>, vector<16xf32>,
      %parallel_loop3A_387 = arith.constant 4 : i32
      %parallel_loop3A_388 = vector.broadcast %parallel_loop3A_387 : i32 to vector<16xi32>
      %parallel_loop3A_389 = tpu.vector_load_idx %arg5[%parallel_loop3A_342, %parallel_loop3A_388] : memref<1024x8xf32, #tpu.memory_space<vmem>>[vector<16xi32>, vector<16xi32>], vector<16xf32>,
      %parallel_loop3A_390 = arith.constant 16 : i32
      %parallel_loop3A_391 = arith.muli %parallel_loop3A_336, %parallel_loop3A_390 : i32
      %parallel_loop3A_392 = arith.constant 4 : i32
      %parallel_loop3A_393 = arith.constant 8 : i32
      %parallel_loop3A_394 = arith.index_cast %parallel_loop3A_392 : i32 to index
      %parallel_loop3A_395 = arith.index_cast %parallel_loop3A_393 : i32 to index
      %parallel_loop3A_396 = arith.index_cast %parallel_loop3A_391 : i32 to index
      %parallel_loop3A_397 = tpu.vector_load %arg7[%parallel_loop3A_394, %parallel_loop3A_395, %parallel_loop3A_396] {strides = array<i32>} : memref<8x16x576xf32, #tpu.memory_space<vmem>>, vector<16xf32>,
      tpu.vector_store %arg7[%parallel_loop3A_394, %parallel_loop3A_395, %parallel_loop3A_396], %parallel_loop3A_389 {strides = array<i32>} : memref<8x16x576xf32, #tpu.memory_space<vmem>>, vector<16xf32>,
      %parallel_loop3A_398 = arith.constant 5 : i32
      %parallel_loop3A_399 = vector.broadcast %parallel_loop3A_398 : i32 to vector<16xi32>
      %parallel_loop3A_400 = tpu.vector_load_idx %arg5[%parallel_loop3A_342, %parallel_loop3A_399] : memref<1024x8xf32, #tpu.memory_space<vmem>>[vector<16xi32>, vector<16xi32>], vector<16xf32>,
      %parallel_loop3A_401 = arith.constant 16 : i32
      %parallel_loop3A_402 = arith.muli %parallel_loop3A_336, %parallel_loop3A_401 : i32
      %parallel_loop3A_403 = arith.constant 5 : i32
      %parallel_loop3A_404 = arith.constant 8 : i32
      %parallel_loop3A_405 = arith.index_cast %parallel_loop3A_403 : i32 to index
      %parallel_loop3A_406 = arith.index_cast %parallel_loop3A_404 : i32 to index
      %parallel_loop3A_407 = arith.index_cast %parallel_loop3A_402 : i32 to index
      %parallel_loop3A_408 = tpu.vector_load %arg7[%parallel_loop3A_405, %parallel_loop3A_406, %parallel_loop3A_407] {strides = array<i32>} : memref<8x16x576xf32, #tpu.memory_space<vmem>>, vector<16xf32>,
      tpu.vector_store %arg7[%parallel_loop3A_405, %parallel_loop3A_406, %parallel_loop3A_407], %parallel_loop3A_400 {strides = array<i32>} : memref<8x16x576xf32, #tpu.memory_space<vmem>>, vector<16xf32>,
      %parallel_loop3A_409 = arith.constant 6 : i32
      %parallel_loop3A_410 = vector.broadcast %parallel_loop3A_409 : i32 to vector<16xi32>
      %parallel_loop3A_411 = tpu.vector_load_idx %arg5[%parallel_loop3A_342, %parallel_loop3A_410] : memref<1024x8xf32, #tpu.memory_space<vmem>>[vector<16xi32>, vector<16xi32>], vector<16xf32>,
      %parallel_loop3A_412 = arith.constant 16 : i32
      %parallel_loop3A_413 = arith.muli %parallel_loop3A_336, %parallel_loop3A_412 : i32
      %parallel_loop3A_414 = arith.constant 6 : i32
      %parallel_loop3A_415 = arith.constant 8 : i32
      %parallel_loop3A_416 = arith.index_cast %parallel_loop3A_414 : i32 to index
      %parallel_loop3A_417 = arith.index_cast %parallel_loop3A_415 : i32 to index
      %parallel_loop3A_418 = arith.index_cast %parallel_loop3A_413 : i32 to index
      %parallel_loop3A_419 = tpu.vector_load %arg7[%parallel_loop3A_416, %parallel_loop3A_417, %parallel_loop3A_418] {strides = array<i32>} : memref<8x16x576xf32, #tpu.memory_space<vmem>>, vector<16xf32>,
      tpu.vector_store %arg7[%parallel_loop3A_416, %parallel_loop3A_417, %parallel_loop3A_418], %parallel_loop3A_411 {strides = array<i32>} : memref<8x16x576xf32, #tpu.memory_space<vmem>>, vector<16xf32>,
      %parallel_loop3A_420 = arith.constant 7 : i32
      %parallel_loop3A_421 = vector.broadcast %parallel_loop3A_420 : i32 to vector<16xi32>
      %parallel_loop3A_422 = tpu.vector_load_idx %arg5[%parallel_loop3A_342, %parallel_loop3A_421] : memref<1024x8xf32, #tpu.memory_space<vmem>>[vector<16xi32>, vector<16xi32>], vector<16xf32>,
      %parallel_loop3A_423 = arith.constant 16 : i32
      %parallel_loop3A_424 = arith.muli %parallel_loop3A_336, %parallel_loop3A_423 : i32
      %parallel_loop3A_425 = arith.constant 7 : i32
      %parallel_loop3A_426 = arith.constant 8 : i32
      %parallel_loop3A_427 = arith.index_cast %parallel_loop3A_425 : i32 to index
      %parallel_loop3A_428 = arith.index_cast %parallel_loop3A_426 : i32 to index
      %parallel_loop3A_429 = arith.index_cast %parallel_loop3A_424 : i32 to index
      %parallel_loop3A_430 = tpu.vector_load %arg7[%parallel_loop3A_427, %parallel_loop3A_428, %parallel_loop3A_429] {strides = array<i32>} : memref<8x16x576xf32, #tpu.memory_space<vmem>>, vector<16xf32>,
      tpu.vector_store %arg7[%parallel_loop3A_427, %parallel_loop3A_428, %parallel_loop3A_429], %parallel_loop3A_422 {strides = array<i32>} : memref<8x16x576xf32, #tpu.memory_space<vmem>>, vector<16xf32>,
    } {sc.loop_unroll_factor = 4 : i64, sc.parallel_access}
    %parallel_loop3A_29 = arith.constant 0 : i32
    %parallel_loop3A_30 = arith.constant 36 : i32
    %parallel_loop3A_31 = arith.constant 1 : i32
    scf.for %parallel_loop3A_336 = %parallel_loop3A_29 to %parallel_loop3A_30 step %parallel_loop3A_31  : i32 {
      %parallel_loop3A_337 = arith.constant 16 : i32
      %parallel_loop3A_338 = arith.muli %parallel_loop3A_336, %parallel_loop3A_337 : i32
      %parallel_loop3A_339 = arith.constant 5184 : i32
      %parallel_loop3A_340 = arith.addi %parallel_loop3A_339, %parallel_loop3A_338 : i32
      %parallel_loop3A_341 = arith.index_cast %parallel_loop3A_340 : i32 to index
      %parallel_loop3A_342 = tpu.vector_load %arg6[%parallel_loop3A_341] {strides = array<i32>} : memref<9216xi32, #tpu.memory_space<vmem>>, vector<16xi32>,
      %parallel_loop3A_343 = arith.constant 0 : i32
      %parallel_loop3A_344 = vector.broadcast %parallel_loop3A_343 : i32 to vector<16xi32>
      %parallel_loop3A_345 = tpu.vector_load_idx %arg5[%parallel_loop3A_342, %parallel_loop3A_344] : memref<1024x8xf32, #tpu.memory_space<vmem>>[vector<16xi32>, vector<16xi32>], vector<16xf32>,
      %parallel_loop3A_346 = arith.constant 16 : i32
      %parallel_loop3A_347 = arith.muli %parallel_loop3A_336, %parallel_loop3A_346 : i32
      %parallel_loop3A_348 = arith.constant 0 : i32
      %parallel_loop3A_349 = arith.constant 9 : i32
      %parallel_loop3A_350 = arith.index_cast %parallel_loop3A_348 : i32 to index
      %parallel_loop3A_351 = arith.index_cast %parallel_loop3A_349 : i32 to index
      %parallel_loop3A_352 = arith.index_cast %parallel_loop3A_347 : i32 to index
      %parallel_loop3A_353 = tpu.vector_load %arg7[%parallel_loop3A_350, %parallel_loop3A_351, %parallel_loop3A_352] {strides = array<i32>} : memref<8x16x576xf32, #tpu.memory_space<vmem>>, vector<16xf32>,
      tpu.vector_store %arg7[%parallel_loop3A_350, %parallel_loop3A_351, %parallel_loop3A_352], %parallel_loop3A_345 {strides = array<i32>} : memref<8x16x576xf32, #tpu.memory_space<vmem>>, vector<16xf32>,
      %parallel_loop3A_354 = arith.constant 1 : i32
      %parallel_loop3A_355 = vector.broadcast %parallel_loop3A_354 : i32 to vector<16xi32>
      %parallel_loop3A_356 = tpu.vector_load_idx %arg5[%parallel_loop3A_342, %parallel_loop3A_355] : memref<1024x8xf32, #tpu.memory_space<vmem>>[vector<16xi32>, vector<16xi32>], vector<16xf32>,
      %parallel_loop3A_357 = arith.constant 16 : i32
      %parallel_loop3A_358 = arith.muli %parallel_loop3A_336, %parallel_loop3A_357 : i32
      %parallel_loop3A_359 = arith.constant 1 : i32
      %parallel_loop3A_360 = arith.constant 9 : i32
      %parallel_loop3A_361 = arith.index_cast %parallel_loop3A_359 : i32 to index
      %parallel_loop3A_362 = arith.index_cast %parallel_loop3A_360 : i32 to index
      %parallel_loop3A_363 = arith.index_cast %parallel_loop3A_358 : i32 to index
      %parallel_loop3A_364 = tpu.vector_load %arg7[%parallel_loop3A_361, %parallel_loop3A_362, %parallel_loop3A_363] {strides = array<i32>} : memref<8x16x576xf32, #tpu.memory_space<vmem>>, vector<16xf32>,
      tpu.vector_store %arg7[%parallel_loop3A_361, %parallel_loop3A_362, %parallel_loop3A_363], %parallel_loop3A_356 {strides = array<i32>} : memref<8x16x576xf32, #tpu.memory_space<vmem>>, vector<16xf32>,
      %parallel_loop3A_365 = arith.constant 2 : i32
      %parallel_loop3A_366 = vector.broadcast %parallel_loop3A_365 : i32 to vector<16xi32>
      %parallel_loop3A_367 = tpu.vector_load_idx %arg5[%parallel_loop3A_342, %parallel_loop3A_366] : memref<1024x8xf32, #tpu.memory_space<vmem>>[vector<16xi32>, vector<16xi32>], vector<16xf32>,
      %parallel_loop3A_368 = arith.constant 16 : i32
      %parallel_loop3A_369 = arith.muli %parallel_loop3A_336, %parallel_loop3A_368 : i32
      %parallel_loop3A_370 = arith.constant 2 : i32
      %parallel_loop3A_371 = arith.constant 9 : i32
      %parallel_loop3A_372 = arith.index_cast %parallel_loop3A_370 : i32 to index
      %parallel_loop3A_373 = arith.index_cast %parallel_loop3A_371 : i32 to index
      %parallel_loop3A_374 = arith.index_cast %parallel_loop3A_369 : i32 to index
      %parallel_loop3A_375 = tpu.vector_load %arg7[%parallel_loop3A_372, %parallel_loop3A_373, %parallel_loop3A_374] {strides = array<i32>} : memref<8x16x576xf32, #tpu.memory_space<vmem>>, vector<16xf32>,
      tpu.vector_store %arg7[%parallel_loop3A_372, %parallel_loop3A_373, %parallel_loop3A_374], %parallel_loop3A_367 {strides = array<i32>} : memref<8x16x576xf32, #tpu.memory_space<vmem>>, vector<16xf32>,
      %parallel_loop3A_376 = arith.constant 3 : i32
      %parallel_loop3A_377 = vector.broadcast %parallel_loop3A_376 : i32 to vector<16xi32>
      %parallel_loop3A_378 = tpu.vector_load_idx %arg5[%parallel_loop3A_342, %parallel_loop3A_377] : memref<1024x8xf32, #tpu.memory_space<vmem>>[vector<16xi32>, vector<16xi32>], vector<16xf32>,
      %parallel_loop3A_379 = arith.constant 16 : i32
      %parallel_loop3A_380 = arith.muli %parallel_loop3A_336, %parallel_loop3A_379 : i32
      %parallel_loop3A_381 = arith.constant 3 : i32
      %parallel_loop3A_382 = arith.constant 9 : i32
      %parallel_loop3A_383 = arith.index_cast %parallel_loop3A_381 : i32 to index
      %parallel_loop3A_384 = arith.index_cast %parallel_loop3A_382 : i32 to index
      %parallel_loop3A_385 = arith.index_cast %parallel_loop3A_380 : i32 to index
      %parallel_loop3A_386 = tpu.vector_load %arg7[%parallel_loop3A_383, %parallel_loop3A_384, %parallel_loop3A_385] {strides = array<i32>} : memref<8x16x576xf32, #tpu.memory_space<vmem>>, vector<16xf32>,
      tpu.vector_store %arg7[%parallel_loop3A_383, %parallel_loop3A_384, %parallel_loop3A_385], %parallel_loop3A_378 {strides = array<i32>} : memref<8x16x576xf32, #tpu.memory_space<vmem>>, vector<16xf32>,
      %parallel_loop3A_387 = arith.constant 4 : i32
      %parallel_loop3A_388 = vector.broadcast %parallel_loop3A_387 : i32 to vector<16xi32>
      %parallel_loop3A_389 = tpu.vector_load_idx %arg5[%parallel_loop3A_342, %parallel_loop3A_388] : memref<1024x8xf32, #tpu.memory_space<vmem>>[vector<16xi32>, vector<16xi32>], vector<16xf32>,
      %parallel_loop3A_390 = arith.constant 16 : i32
      %parallel_loop3A_391 = arith.muli %parallel_loop3A_336, %parallel_loop3A_390 : i32
      %parallel_loop3A_392 = arith.constant 4 : i32
      %parallel_loop3A_393 = arith.constant 9 : i32
      %parallel_loop3A_394 = arith.index_cast %parallel_loop3A_392 : i32 to index
      %parallel_loop3A_395 = arith.index_cast %parallel_loop3A_393 : i32 to index
      %parallel_loop3A_396 = arith.index_cast %parallel_loop3A_391 : i32 to index
      %parallel_loop3A_397 = tpu.vector_load %arg7[%parallel_loop3A_394, %parallel_loop3A_395, %parallel_loop3A_396] {strides = array<i32>} : memref<8x16x576xf32, #tpu.memory_space<vmem>>, vector<16xf32>,
      tpu.vector_store %arg7[%parallel_loop3A_394, %parallel_loop3A_395, %parallel_loop3A_396], %parallel_loop3A_389 {strides = array<i32>} : memref<8x16x576xf32, #tpu.memory_space<vmem>>, vector<16xf32>,
      %parallel_loop3A_398 = arith.constant 5 : i32
      %parallel_loop3A_399 = vector.broadcast %parallel_loop3A_398 : i32 to vector<16xi32>
      %parallel_loop3A_400 = tpu.vector_load_idx %arg5[%parallel_loop3A_342, %parallel_loop3A_399] : memref<1024x8xf32, #tpu.memory_space<vmem>>[vector<16xi32>, vector<16xi32>], vector<16xf32>,
      %parallel_loop3A_401 = arith.constant 16 : i32
      %parallel_loop3A_402 = arith.muli %parallel_loop3A_336, %parallel_loop3A_401 : i32
      %parallel_loop3A_403 = arith.constant 5 : i32
      %parallel_loop3A_404 = arith.constant 9 : i32
      %parallel_loop3A_405 = arith.index_cast %parallel_loop3A_403 : i32 to index
      %parallel_loop3A_406 = arith.index_cast %parallel_loop3A_404 : i32 to index
      %parallel_loop3A_407 = arith.index_cast %parallel_loop3A_402 : i32 to index
      %parallel_loop3A_408 = tpu.vector_load %arg7[%parallel_loop3A_405, %parallel_loop3A_406, %parallel_loop3A_407] {strides = array<i32>} : memref<8x16x576xf32, #tpu.memory_space<vmem>>, vector<16xf32>,
      tpu.vector_store %arg7[%parallel_loop3A_405, %parallel_loop3A_406, %parallel_loop3A_407], %parallel_loop3A_400 {strides = array<i32>} : memref<8x16x576xf32, #tpu.memory_space<vmem>>, vector<16xf32>,
      %parallel_loop3A_409 = arith.constant 6 : i32
      %parallel_loop3A_410 = vector.broadcast %parallel_loop3A_409 : i32 to vector<16xi32>
      %parallel_loop3A_411 = tpu.vector_load_idx %arg5[%parallel_loop3A_342, %parallel_loop3A_410] : memref<1024x8xf32, #tpu.memory_space<vmem>>[vector<16xi32>, vector<16xi32>], vector<16xf32>,
      %parallel_loop3A_412 = arith.constant 16 : i32
      %parallel_loop3A_413 = arith.muli %parallel_loop3A_336, %parallel_loop3A_412 : i32
      %parallel_loop3A_414 = arith.constant 6 : i32
      %parallel_loop3A_415 = arith.constant 9 : i32
      %parallel_loop3A_416 = arith.index_cast %parallel_loop3A_414 : i32 to index
      %parallel_loop3A_417 = arith.index_cast %parallel_loop3A_415 : i32 to index
      %parallel_loop3A_418 = arith.index_cast %parallel_loop3A_413 : i32 to index
      %parallel_loop3A_419 = tpu.vector_load %arg7[%parallel_loop3A_416, %parallel_loop3A_417, %parallel_loop3A_418] {strides = array<i32>} : memref<8x16x576xf32, #tpu.memory_space<vmem>>, vector<16xf32>,
      tpu.vector_store %arg7[%parallel_loop3A_416, %parallel_loop3A_417, %parallel_loop3A_418], %parallel_loop3A_411 {strides = array<i32>} : memref<8x16x576xf32, #tpu.memory_space<vmem>>, vector<16xf32>,
      %parallel_loop3A_420 = arith.constant 7 : i32
      %parallel_loop3A_421 = vector.broadcast %parallel_loop3A_420 : i32 to vector<16xi32>
      %parallel_loop3A_422 = tpu.vector_load_idx %arg5[%parallel_loop3A_342, %parallel_loop3A_421] : memref<1024x8xf32, #tpu.memory_space<vmem>>[vector<16xi32>, vector<16xi32>], vector<16xf32>,
      %parallel_loop3A_423 = arith.constant 16 : i32
      %parallel_loop3A_424 = arith.muli %parallel_loop3A_336, %parallel_loop3A_423 : i32
      %parallel_loop3A_425 = arith.constant 7 : i32
      %parallel_loop3A_426 = arith.constant 9 : i32
      %parallel_loop3A_427 = arith.index_cast %parallel_loop3A_425 : i32 to index
      %parallel_loop3A_428 = arith.index_cast %parallel_loop3A_426 : i32 to index
      %parallel_loop3A_429 = arith.index_cast %parallel_loop3A_424 : i32 to index
      %parallel_loop3A_430 = tpu.vector_load %arg7[%parallel_loop3A_427, %parallel_loop3A_428, %parallel_loop3A_429] {strides = array<i32>} : memref<8x16x576xf32, #tpu.memory_space<vmem>>, vector<16xf32>,
      tpu.vector_store %arg7[%parallel_loop3A_427, %parallel_loop3A_428, %parallel_loop3A_429], %parallel_loop3A_422 {strides = array<i32>} : memref<8x16x576xf32, #tpu.memory_space<vmem>>, vector<16xf32>,
    } {sc.loop_unroll_factor = 4 : i64, sc.parallel_access}
    %parallel_loop3A_32 = arith.constant 0 : i32
    %parallel_loop3A_33 = arith.constant 36 : i32
    %parallel_loop3A_34 = arith.constant 1 : i32
    scf.for %parallel_loop3A_336 = %parallel_loop3A_32 to %parallel_loop3A_33 step %parallel_loop3A_34  : i32 {
      %parallel_loop3A_337 = arith.constant 16 : i32
      %parallel_loop3A_338 = arith.muli %parallel_loop3A_336, %parallel_loop3A_337 : i32
      %parallel_loop3A_339 = arith.constant 5760 : i32
      %parallel_loop3A_340 = arith.addi %parallel_loop3A_339, %parallel_loop3A_338 : i32
      %parallel_loop3A_341 = arith.index_cast %parallel_loop3A_340 : i32 to index
      %parallel_loop3A_342 = tpu.vector_load %arg6[%parallel_loop3A_341] {strides = array<i32>} : memref<9216xi32, #tpu.memory_space<vmem>>, vector<16xi32>,
      %parallel_loop3A_343 = arith.constant 0 : i32
      %parallel_loop3A_344 = vector.broadcast %parallel_loop3A_343 : i32 to vector<16xi32>
      %parallel_loop3A_345 = tpu.vector_load_idx %arg5[%parallel_loop3A_342, %parallel_loop3A_344] : memref<1024x8xf32, #tpu.memory_space<vmem>>[vector<16xi32>, vector<16xi32>], vector<16xf32>,
      %parallel_loop3A_346 = arith.constant 16 : i32
      %parallel_loop3A_347 = arith.muli %parallel_loop3A_336, %parallel_loop3A_346 : i32
      %parallel_loop3A_348 = arith.constant 0 : i32
      %parallel_loop3A_349 = arith.constant 10 : i32
      %parallel_loop3A_350 = arith.index_cast %parallel_loop3A_348 : i32 to index
      %parallel_loop3A_351 = arith.index_cast %parallel_loop3A_349 : i32 to index
      %parallel_loop3A_352 = arith.index_cast %parallel_loop3A_347 : i32 to index
      %parallel_loop3A_353 = tpu.vector_load %arg7[%parallel_loop3A_350, %parallel_loop3A_351, %parallel_loop3A_352] {strides = array<i32>} : memref<8x16x576xf32, #tpu.memory_space<vmem>>, vector<16xf32>,
      tpu.vector_store %arg7[%parallel_loop3A_350, %parallel_loop3A_351, %parallel_loop3A_352], %parallel_loop3A_345 {strides = array<i32>} : memref<8x16x576xf32, #tpu.memory_space<vmem>>, vector<16xf32>,
      %parallel_loop3A_354 = arith.constant 1 : i32
      %parallel_loop3A_355 = vector.broadcast %parallel_loop3A_354 : i32 to vector<16xi32>
      %parallel_loop3A_356 = tpu.vector_load_idx %arg5[%parallel_loop3A_342, %parallel_loop3A_355] : memref<1024x8xf32, #tpu.memory_space<vmem>>[vector<16xi32>, vector<16xi32>], vector<16xf32>,
      %parallel_loop3A_357 = arith.constant 16 : i32
      %parallel_loop3A_358 = arith.muli %parallel_loop3A_336, %parallel_loop3A_357 : i32
      %parallel_loop3A_359 = arith.constant 1 : i32
      %parallel_loop3A_360 = arith.constant 10 : i32
      %parallel_loop3A_361 = arith.index_cast %parallel_loop3A_359 : i32 to index
      %parallel_loop3A_362 = arith.index_cast %parallel_loop3A_360 : i32 to index
      %parallel_loop3A_363 = arith.index_cast %parallel_loop3A_358 : i32 to index
      %parallel_loop3A_364 = tpu.vector_load %arg7[%parallel_loop3A_361, %parallel_loop3A_362, %parallel_loop3A_363] {strides = array<i32>} : memref<8x16x576xf32, #tpu.memory_space<vmem>>, vector<16xf32>,
      tpu.vector_store %arg7[%parallel_loop3A_361, %parallel_loop3A_362, %parallel_loop3A_363], %parallel_loop3A_356 {strides = array<i32>} : memref<8x16x576xf32, #tpu.memory_space<vmem>>, vector<16xf32>,
      %parallel_loop3A_365 = arith.constant 2 : i32
      %parallel_loop3A_366 = vector.broadcast %parallel_loop3A_365 : i32 to vector<16xi32>
      %parallel_loop3A_367 = tpu.vector_load_idx %arg5[%parallel_loop3A_342, %parallel_loop3A_366] : memref<1024x8xf32, #tpu.memory_space<vmem>>[vector<16xi32>, vector<16xi32>], vector<16xf32>,
      %parallel_loop3A_368 = arith.constant 16 : i32
      %parallel_loop3A_369 = arith.muli %parallel_loop3A_336, %parallel_loop3A_368 : i32
      %parallel_loop3A_370 = arith.constant 2 : i32
      %parallel_loop3A_371 = arith.constant 10 : i32
      %parallel_loop3A_372 = arith.index_cast %parallel_loop3A_370 : i32 to index
      %parallel_loop3A_373 = arith.index_cast %parallel_loop3A_371 : i32 to index
      %parallel_loop3A_374 = arith.index_cast %parallel_loop3A_369 : i32 to index
      %parallel_loop3A_375 = tpu.vector_load %arg7[%parallel_loop3A_372, %parallel_loop3A_373, %parallel_loop3A_374] {strides = array<i32>} : memref<8x16x576xf32, #tpu.memory_space<vmem>>, vector<16xf32>,
      tpu.vector_store %arg7[%parallel_loop3A_372, %parallel_loop3A_373, %parallel_loop3A_374], %parallel_loop3A_367 {strides = array<i32>} : memref<8x16x576xf32, #tpu.memory_space<vmem>>, vector<16xf32>,
      %parallel_loop3A_376 = arith.constant 3 : i32
      %parallel_loop3A_377 = vector.broadcast %parallel_loop3A_376 : i32 to vector<16xi32>
      %parallel_loop3A_378 = tpu.vector_load_idx %arg5[%parallel_loop3A_342, %parallel_loop3A_377] : memref<1024x8xf32, #tpu.memory_space<vmem>>[vector<16xi32>, vector<16xi32>], vector<16xf32>,
      %parallel_loop3A_379 = arith.constant 16 : i32
      %parallel_loop3A_380 = arith.muli %parallel_loop3A_336, %parallel_loop3A_379 : i32
      %parallel_loop3A_381 = arith.constant 3 : i32
      %parallel_loop3A_382 = arith.constant 10 : i32
      %parallel_loop3A_383 = arith.index_cast %parallel_loop3A_381 : i32 to index
      %parallel_loop3A_384 = arith.index_cast %parallel_loop3A_382 : i32 to index
      %parallel_loop3A_385 = arith.index_cast %parallel_loop3A_380 : i32 to index
      %parallel_loop3A_386 = tpu.vector_load %arg7[%parallel_loop3A_383, %parallel_loop3A_384, %parallel_loop3A_385] {strides = array<i32>} : memref<8x16x576xf32, #tpu.memory_space<vmem>>, vector<16xf32>,
      tpu.vector_store %arg7[%parallel_loop3A_383, %parallel_loop3A_384, %parallel_loop3A_385], %parallel_loop3A_378 {strides = array<i32>} : memref<8x16x576xf32, #tpu.memory_space<vmem>>, vector<16xf32>,
      %parallel_loop3A_387 = arith.constant 4 : i32
      %parallel_loop3A_388 = vector.broadcast %parallel_loop3A_387 : i32 to vector<16xi32>
      %parallel_loop3A_389 = tpu.vector_load_idx %arg5[%parallel_loop3A_342, %parallel_loop3A_388] : memref<1024x8xf32, #tpu.memory_space<vmem>>[vector<16xi32>, vector<16xi32>], vector<16xf32>,
      %parallel_loop3A_390 = arith.constant 16 : i32
      %parallel_loop3A_391 = arith.muli %parallel_loop3A_336, %parallel_loop3A_390 : i32
      %parallel_loop3A_392 = arith.constant 4 : i32
      %parallel_loop3A_393 = arith.constant 10 : i32
      %parallel_loop3A_394 = arith.index_cast %parallel_loop3A_392 : i32 to index
      %parallel_loop3A_395 = arith.index_cast %parallel_loop3A_393 : i32 to index
      %parallel_loop3A_396 = arith.index_cast %parallel_loop3A_391 : i32 to index
      %parallel_loop3A_397 = tpu.vector_load %arg7[%parallel_loop3A_394, %parallel_loop3A_395, %parallel_loop3A_396] {strides = array<i32>} : memref<8x16x576xf32, #tpu.memory_space<vmem>>, vector<16xf32>,
      tpu.vector_store %arg7[%parallel_loop3A_394, %parallel_loop3A_395, %parallel_loop3A_396], %parallel_loop3A_389 {strides = array<i32>} : memref<8x16x576xf32, #tpu.memory_space<vmem>>, vector<16xf32>,
      %parallel_loop3A_398 = arith.constant 5 : i32
      %parallel_loop3A_399 = vector.broadcast %parallel_loop3A_398 : i32 to vector<16xi32>
      %parallel_loop3A_400 = tpu.vector_load_idx %arg5[%parallel_loop3A_342, %parallel_loop3A_399] : memref<1024x8xf32, #tpu.memory_space<vmem>>[vector<16xi32>, vector<16xi32>], vector<16xf32>,
      %parallel_loop3A_401 = arith.constant 16 : i32
      %parallel_loop3A_402 = arith.muli %parallel_loop3A_336, %parallel_loop3A_401 : i32
      %parallel_loop3A_403 = arith.constant 5 : i32
      %parallel_loop3A_404 = arith.constant 10 : i32
      %parallel_loop3A_405 = arith.index_cast %parallel_loop3A_403 : i32 to index
      %parallel_loop3A_406 = arith.index_cast %parallel_loop3A_404 : i32 to index
      %parallel_loop3A_407 = arith.index_cast %parallel_loop3A_402 : i32 to index
      %parallel_loop3A_408 = tpu.vector_load %arg7[%parallel_loop3A_405, %parallel_loop3A_406, %parallel_loop3A_407] {strides = array<i32>} : memref<8x16x576xf32, #tpu.memory_space<vmem>>, vector<16xf32>,
      tpu.vector_store %arg7[%parallel_loop3A_405, %parallel_loop3A_406, %parallel_loop3A_407], %parallel_loop3A_400 {strides = array<i32>} : memref<8x16x576xf32, #tpu.memory_space<vmem>>, vector<16xf32>,
      %parallel_loop3A_409 = arith.constant 6 : i32
      %parallel_loop3A_410 = vector.broadcast %parallel_loop3A_409 : i32 to vector<16xi32>
      %parallel_loop3A_411 = tpu.vector_load_idx %arg5[%parallel_loop3A_342, %parallel_loop3A_410] : memref<1024x8xf32, #tpu.memory_space<vmem>>[vector<16xi32>, vector<16xi32>], vector<16xf32>,
      %parallel_loop3A_412 = arith.constant 16 : i32
      %parallel_loop3A_413 = arith.muli %parallel_loop3A_336, %parallel_loop3A_412 : i32
      %parallel_loop3A_414 = arith.constant 6 : i32
      %parallel_loop3A_415 = arith.constant 10 : i32
      %parallel_loop3A_416 = arith.index_cast %parallel_loop3A_414 : i32 to index
      %parallel_loop3A_417 = arith.index_cast %parallel_loop3A_415 : i32 to index
      %parallel_loop3A_418 = arith.index_cast %parallel_loop3A_413 : i32 to index
      %parallel_loop3A_419 = tpu.vector_load %arg7[%parallel_loop3A_416, %parallel_loop3A_417, %parallel_loop3A_418] {strides = array<i32>} : memref<8x16x576xf32, #tpu.memory_space<vmem>>, vector<16xf32>,
      tpu.vector_store %arg7[%parallel_loop3A_416, %parallel_loop3A_417, %parallel_loop3A_418], %parallel_loop3A_411 {strides = array<i32>} : memref<8x16x576xf32, #tpu.memory_space<vmem>>, vector<16xf32>,
      %parallel_loop3A_420 = arith.constant 7 : i32
      %parallel_loop3A_421 = vector.broadcast %parallel_loop3A_420 : i32 to vector<16xi32>
      %parallel_loop3A_422 = tpu.vector_load_idx %arg5[%parallel_loop3A_342, %parallel_loop3A_421] : memref<1024x8xf32, #tpu.memory_space<vmem>>[vector<16xi32>, vector<16xi32>], vector<16xf32>,
      %parallel_loop3A_423 = arith.constant 16 : i32
      %parallel_loop3A_424 = arith.muli %parallel_loop3A_336, %parallel_loop3A_423 : i32
      %parallel_loop3A_425 = arith.constant 7 : i32
      %parallel_loop3A_426 = arith.constant 10 : i32
      %parallel_loop3A_427 = arith.index_cast %parallel_loop3A_425 : i32 to index
      %parallel_loop3A_428 = arith.index_cast %parallel_loop3A_426 : i32 to index
      %parallel_loop3A_429 = arith.index_cast %parallel_loop3A_424 : i32 to index
      %parallel_loop3A_430 = tpu.vector_load %arg7[%parallel_loop3A_427, %parallel_loop3A_428, %parallel_loop3A_429] {strides = array<i32>} : memref<8x16x576xf32, #tpu.memory_space<vmem>>, vector<16xf32>,
      tpu.vector_store %arg7[%parallel_loop3A_427, %parallel_loop3A_428, %parallel_loop3A_429], %parallel_loop3A_422 {strides = array<i32>} : memref<8x16x576xf32, #tpu.memory_space<vmem>>, vector<16xf32>,
    } {sc.loop_unroll_factor = 4 : i64, sc.parallel_access}
    %parallel_loop3A_35 = arith.constant 0 : i32
    %parallel_loop3A_36 = arith.constant 36 : i32
    %parallel_loop3A_37 = arith.constant 1 : i32
    scf.for %parallel_loop3A_336 = %parallel_loop3A_35 to %parallel_loop3A_36 step %parallel_loop3A_37  : i32 {
      %parallel_loop3A_337 = arith.constant 16 : i32
      %parallel_loop3A_338 = arith.muli %parallel_loop3A_336, %parallel_loop3A_337 : i32
      %parallel_loop3A_339 = arith.constant 6336 : i32
      %parallel_loop3A_340 = arith.addi %parallel_loop3A_339, %parallel_loop3A_338 : i32
      %parallel_loop3A_341 = arith.index_cast %parallel_loop3A_340 : i32 to index
      %parallel_loop3A_342 = tpu.vector_load %arg6[%parallel_loop3A_341] {strides = array<i32>} : memref<9216xi32, #tpu.memory_space<vmem>>, vector<16xi32>,
      %parallel_loop3A_343 = arith.constant 0 : i32
      %parallel_loop3A_344 = vector.broadcast %parallel_loop3A_343 : i32 to vector<16xi32>
      %parallel_loop3A_345 = tpu.vector_load_idx %arg5[%parallel_loop3A_342, %parallel_loop3A_344] : memref<1024x8xf32, #tpu.memory_space<vmem>>[vector<16xi32>, vector<16xi32>], vector<16xf32>,
      %parallel_loop3A_346 = arith.constant 16 : i32
      %parallel_loop3A_347 = arith.muli %parallel_loop3A_336, %parallel_loop3A_346 : i32
      %parallel_loop3A_348 = arith.constant 0 : i32
      %parallel_loop3A_349 = arith.constant 11 : i32
      %parallel_loop3A_350 = arith.index_cast %parallel_loop3A_348 : i32 to index
      %parallel_loop3A_351 = arith.index_cast %parallel_loop3A_349 : i32 to index
      %parallel_loop3A_352 = arith.index_cast %parallel_loop3A_347 : i32 to index
      %parallel_loop3A_353 = tpu.vector_load %arg7[%parallel_loop3A_350, %parallel_loop3A_351, %parallel_loop3A_352] {strides = array<i32>} : memref<8x16x576xf32, #tpu.memory_space<vmem>>, vector<16xf32>,
      tpu.vector_store %arg7[%parallel_loop3A_350, %parallel_loop3A_351, %parallel_loop3A_352], %parallel_loop3A_345 {strides = array<i32>} : memref<8x16x576xf32, #tpu.memory_space<vmem>>, vector<16xf32>,
      %parallel_loop3A_354 = arith.constant 1 : i32
      %parallel_loop3A_355 = vector.broadcast %parallel_loop3A_354 : i32 to vector<16xi32>
      %parallel_loop3A_356 = tpu.vector_load_idx %arg5[%parallel_loop3A_342, %parallel_loop3A_355] : memref<1024x8xf32, #tpu.memory_space<vmem>>[vector<16xi32>, vector<16xi32>], vector<16xf32>,
      %parallel_loop3A_357 = arith.constant 16 : i32
      %parallel_loop3A_358 = arith.muli %parallel_loop3A_336, %parallel_loop3A_357 : i32
      %parallel_loop3A_359 = arith.constant 1 : i32
      %parallel_loop3A_360 = arith.constant 11 : i32
      %parallel_loop3A_361 = arith.index_cast %parallel_loop3A_359 : i32 to index
      %parallel_loop3A_362 = arith.index_cast %parallel_loop3A_360 : i32 to index
      %parallel_loop3A_363 = arith.index_cast %parallel_loop3A_358 : i32 to index
      %parallel_loop3A_364 = tpu.vector_load %arg7[%parallel_loop3A_361, %parallel_loop3A_362, %parallel_loop3A_363] {strides = array<i32>} : memref<8x16x576xf32, #tpu.memory_space<vmem>>, vector<16xf32>,
      tpu.vector_store %arg7[%parallel_loop3A_361, %parallel_loop3A_362, %parallel_loop3A_363], %parallel_loop3A_356 {strides = array<i32>} : memref<8x16x576xf32, #tpu.memory_space<vmem>>, vector<16xf32>,
      %parallel_loop3A_365 = arith.constant 2 : i32
      %parallel_loop3A_366 = vector.broadcast %parallel_loop3A_365 : i32 to vector<16xi32>
      %parallel_loop3A_367 = tpu.vector_load_idx %arg5[%parallel_loop3A_342, %parallel_loop3A_366] : memref<1024x8xf32, #tpu.memory_space<vmem>>[vector<16xi32>, vector<16xi32>], vector<16xf32>,
      %parallel_loop3A_368 = arith.constant 16 : i32
      %parallel_loop3A_369 = arith.muli %parallel_loop3A_336, %parallel_loop3A_368 : i32
      %parallel_loop3A_370 = arith.constant 2 : i32
      %parallel_loop3A_371 = arith.constant 11 : i32
      %parallel_loop3A_372 = arith.index_cast %parallel_loop3A_370 : i32 to index
      %parallel_loop3A_373 = arith.index_cast %parallel_loop3A_371 : i32 to index
      %parallel_loop3A_374 = arith.index_cast %parallel_loop3A_369 : i32 to index
      %parallel_loop3A_375 = tpu.vector_load %arg7[%parallel_loop3A_372, %parallel_loop3A_373, %parallel_loop3A_374] {strides = array<i32>} : memref<8x16x576xf32, #tpu.memory_space<vmem>>, vector<16xf32>,
      tpu.vector_store %arg7[%parallel_loop3A_372, %parallel_loop3A_373, %parallel_loop3A_374], %parallel_loop3A_367 {strides = array<i32>} : memref<8x16x576xf32, #tpu.memory_space<vmem>>, vector<16xf32>,
      %parallel_loop3A_376 = arith.constant 3 : i32
      %parallel_loop3A_377 = vector.broadcast %parallel_loop3A_376 : i32 to vector<16xi32>
      %parallel_loop3A_378 = tpu.vector_load_idx %arg5[%parallel_loop3A_342, %parallel_loop3A_377] : memref<1024x8xf32, #tpu.memory_space<vmem>>[vector<16xi32>, vector<16xi32>], vector<16xf32>,
      %parallel_loop3A_379 = arith.constant 16 : i32
      %parallel_loop3A_380 = arith.muli %parallel_loop3A_336, %parallel_loop3A_379 : i32
      %parallel_loop3A_381 = arith.constant 3 : i32
      %parallel_loop3A_382 = arith.constant 11 : i32
      %parallel_loop3A_383 = arith.index_cast %parallel_loop3A_381 : i32 to index
      %parallel_loop3A_384 = arith.index_cast %parallel_loop3A_382 : i32 to index
      %parallel_loop3A_385 = arith.index_cast %parallel_loop3A_380 : i32 to index
      %parallel_loop3A_386 = tpu.vector_load %arg7[%parallel_loop3A_383, %parallel_loop3A_384, %parallel_loop3A_385] {strides = array<i32>} : memref<8x16x576xf32, #tpu.memory_space<vmem>>, vector<16xf32>,
      tpu.vector_store %arg7[%parallel_loop3A_383, %parallel_loop3A_384, %parallel_loop3A_385], %parallel_loop3A_378 {strides = array<i32>} : memref<8x16x576xf32, #tpu.memory_space<vmem>>, vector<16xf32>,
      %parallel_loop3A_387 = arith.constant 4 : i32
      %parallel_loop3A_388 = vector.broadcast %parallel_loop3A_387 : i32 to vector<16xi32>
      %parallel_loop3A_389 = tpu.vector_load_idx %arg5[%parallel_loop3A_342, %parallel_loop3A_388] : memref<1024x8xf32, #tpu.memory_space<vmem>>[vector<16xi32>, vector<16xi32>], vector<16xf32>,
      %parallel_loop3A_390 = arith.constant 16 : i32
      %parallel_loop3A_391 = arith.muli %parallel_loop3A_336, %parallel_loop3A_390 : i32
      %parallel_loop3A_392 = arith.constant 4 : i32
      %parallel_loop3A_393 = arith.constant 11 : i32
      %parallel_loop3A_394 = arith.index_cast %parallel_loop3A_392 : i32 to index
      %parallel_loop3A_395 = arith.index_cast %parallel_loop3A_393 : i32 to index
      %parallel_loop3A_396 = arith.index_cast %parallel_loop3A_391 : i32 to index
      %parallel_loop3A_397 = tpu.vector_load %arg7[%parallel_loop3A_394, %parallel_loop3A_395, %parallel_loop3A_396] {strides = array<i32>} : memref<8x16x576xf32, #tpu.memory_space<vmem>>, vector<16xf32>,
      tpu.vector_store %arg7[%parallel_loop3A_394, %parallel_loop3A_395, %parallel_loop3A_396], %parallel_loop3A_389 {strides = array<i32>} : memref<8x16x576xf32, #tpu.memory_space<vmem>>, vector<16xf32>,
      %parallel_loop3A_398 = arith.constant 5 : i32
      %parallel_loop3A_399 = vector.broadcast %parallel_loop3A_398 : i32 to vector<16xi32>
      %parallel_loop3A_400 = tpu.vector_load_idx %arg5[%parallel_loop3A_342, %parallel_loop3A_399] : memref<1024x8xf32, #tpu.memory_space<vmem>>[vector<16xi32>, vector<16xi32>], vector<16xf32>,
      %parallel_loop3A_401 = arith.constant 16 : i32
      %parallel_loop3A_402 = arith.muli %parallel_loop3A_336, %parallel_loop3A_401 : i32
      %parallel_loop3A_403 = arith.constant 5 : i32
      %parallel_loop3A_404 = arith.constant 11 : i32
      %parallel_loop3A_405 = arith.index_cast %parallel_loop3A_403 : i32 to index
      %parallel_loop3A_406 = arith.index_cast %parallel_loop3A_404 : i32 to index
      %parallel_loop3A_407 = arith.index_cast %parallel_loop3A_402 : i32 to index
      %parallel_loop3A_408 = tpu.vector_load %arg7[%parallel_loop3A_405, %parallel_loop3A_406, %parallel_loop3A_407] {strides = array<i32>} : memref<8x16x576xf32, #tpu.memory_space<vmem>>, vector<16xf32>,
      tpu.vector_store %arg7[%parallel_loop3A_405, %parallel_loop3A_406, %parallel_loop3A_407], %parallel_loop3A_400 {strides = array<i32>} : memref<8x16x576xf32, #tpu.memory_space<vmem>>, vector<16xf32>,
      %parallel_loop3A_409 = arith.constant 6 : i32
      %parallel_loop3A_410 = vector.broadcast %parallel_loop3A_409 : i32 to vector<16xi32>
      %parallel_loop3A_411 = tpu.vector_load_idx %arg5[%parallel_loop3A_342, %parallel_loop3A_410] : memref<1024x8xf32, #tpu.memory_space<vmem>>[vector<16xi32>, vector<16xi32>], vector<16xf32>,
      %parallel_loop3A_412 = arith.constant 16 : i32
      %parallel_loop3A_413 = arith.muli %parallel_loop3A_336, %parallel_loop3A_412 : i32
      %parallel_loop3A_414 = arith.constant 6 : i32
      %parallel_loop3A_415 = arith.constant 11 : i32
      %parallel_loop3A_416 = arith.index_cast %parallel_loop3A_414 : i32 to index
      %parallel_loop3A_417 = arith.index_cast %parallel_loop3A_415 : i32 to index
      %parallel_loop3A_418 = arith.index_cast %parallel_loop3A_413 : i32 to index
      %parallel_loop3A_419 = tpu.vector_load %arg7[%parallel_loop3A_416, %parallel_loop3A_417, %parallel_loop3A_418] {strides = array<i32>} : memref<8x16x576xf32, #tpu.memory_space<vmem>>, vector<16xf32>,
      tpu.vector_store %arg7[%parallel_loop3A_416, %parallel_loop3A_417, %parallel_loop3A_418], %parallel_loop3A_411 {strides = array<i32>} : memref<8x16x576xf32, #tpu.memory_space<vmem>>, vector<16xf32>,
      %parallel_loop3A_420 = arith.constant 7 : i32
      %parallel_loop3A_421 = vector.broadcast %parallel_loop3A_420 : i32 to vector<16xi32>
      %parallel_loop3A_422 = tpu.vector_load_idx %arg5[%parallel_loop3A_342, %parallel_loop3A_421] : memref<1024x8xf32, #tpu.memory_space<vmem>>[vector<16xi32>, vector<16xi32>], vector<16xf32>,
      %parallel_loop3A_423 = arith.constant 16 : i32
      %parallel_loop3A_424 = arith.muli %parallel_loop3A_336, %parallel_loop3A_423 : i32
      %parallel_loop3A_425 = arith.constant 7 : i32
      %parallel_loop3A_426 = arith.constant 11 : i32
      %parallel_loop3A_427 = arith.index_cast %parallel_loop3A_425 : i32 to index
      %parallel_loop3A_428 = arith.index_cast %parallel_loop3A_426 : i32 to index
      %parallel_loop3A_429 = arith.index_cast %parallel_loop3A_424 : i32 to index
      %parallel_loop3A_430 = tpu.vector_load %arg7[%parallel_loop3A_427, %parallel_loop3A_428, %parallel_loop3A_429] {strides = array<i32>} : memref<8x16x576xf32, #tpu.memory_space<vmem>>, vector<16xf32>,
      tpu.vector_store %arg7[%parallel_loop3A_427, %parallel_loop3A_428, %parallel_loop3A_429], %parallel_loop3A_422 {strides = array<i32>} : memref<8x16x576xf32, #tpu.memory_space<vmem>>, vector<16xf32>,
    } {sc.loop_unroll_factor = 4 : i64, sc.parallel_access}
    %parallel_loop3A_38 = arith.constant 0 : i32
    %parallel_loop3A_39 = arith.constant 36 : i32
    %parallel_loop3A_40 = arith.constant 1 : i32
    scf.for %parallel_loop3A_336 = %parallel_loop3A_38 to %parallel_loop3A_39 step %parallel_loop3A_40  : i32 {
      %parallel_loop3A_337 = arith.constant 16 : i32
      %parallel_loop3A_338 = arith.muli %parallel_loop3A_336, %parallel_loop3A_337 : i32
      %parallel_loop3A_339 = arith.constant 6912 : i32
      %parallel_loop3A_340 = arith.addi %parallel_loop3A_339, %parallel_loop3A_338 : i32
      %parallel_loop3A_341 = arith.index_cast %parallel_loop3A_340 : i32 to index
      %parallel_loop3A_342 = tpu.vector_load %arg6[%parallel_loop3A_341] {strides = array<i32>} : memref<9216xi32, #tpu.memory_space<vmem>>, vector<16xi32>,
      %parallel_loop3A_343 = arith.constant 0 : i32
      %parallel_loop3A_344 = vector.broadcast %parallel_loop3A_343 : i32 to vector<16xi32>
      %parallel_loop3A_345 = tpu.vector_load_idx %arg5[%parallel_loop3A_342, %parallel_loop3A_344] : memref<1024x8xf32, #tpu.memory_space<vmem>>[vector<16xi32>, vector<16xi32>], vector<16xf32>,
      %parallel_loop3A_346 = arith.constant 16 : i32
      %parallel_loop3A_347 = arith.muli %parallel_loop3A_336, %parallel_loop3A_346 : i32
      %parallel_loop3A_348 = arith.constant 0 : i32
      %parallel_loop3A_349 = arith.constant 12 : i32
      %parallel_loop3A_350 = arith.index_cast %parallel_loop3A_348 : i32 to index
      %parallel_loop3A_351 = arith.index_cast %parallel_loop3A_349 : i32 to index
      %parallel_loop3A_352 = arith.index_cast %parallel_loop3A_347 : i32 to index
      %parallel_loop3A_353 = tpu.vector_load %arg7[%parallel_loop3A_350, %parallel_loop3A_351, %parallel_loop3A_352] {strides = array<i32>} : memref<8x16x576xf32, #tpu.memory_space<vmem>>, vector<16xf32>,
      tpu.vector_store %arg7[%parallel_loop3A_350, %parallel_loop3A_351, %parallel_loop3A_352], %parallel_loop3A_345 {strides = array<i32>} : memref<8x16x576xf32, #tpu.memory_space<vmem>>, vector<16xf32>,
      %parallel_loop3A_354 = arith.constant 1 : i32
      %parallel_loop3A_355 = vector.broadcast %parallel_loop3A_354 : i32 to vector<16xi32>
      %parallel_loop3A_356 = tpu.vector_load_idx %arg5[%parallel_loop3A_342, %parallel_loop3A_355] : memref<1024x8xf32, #tpu.memory_space<vmem>>[vector<16xi32>, vector<16xi32>], vector<16xf32>,
      %parallel_loop3A_357 = arith.constant 16 : i32
      %parallel_loop3A_358 = arith.muli %parallel_loop3A_336, %parallel_loop3A_357 : i32
      %parallel_loop3A_359 = arith.constant 1 : i32
      %parallel_loop3A_360 = arith.constant 12 : i32
      %parallel_loop3A_361 = arith.index_cast %parallel_loop3A_359 : i32 to index
      %parallel_loop3A_362 = arith.index_cast %parallel_loop3A_360 : i32 to index
      %parallel_loop3A_363 = arith.index_cast %parallel_loop3A_358 : i32 to index
      %parallel_loop3A_364 = tpu.vector_load %arg7[%parallel_loop3A_361, %parallel_loop3A_362, %parallel_loop3A_363] {strides = array<i32>} : memref<8x16x576xf32, #tpu.memory_space<vmem>>, vector<16xf32>,
      tpu.vector_store %arg7[%parallel_loop3A_361, %parallel_loop3A_362, %parallel_loop3A_363], %parallel_loop3A_356 {strides = array<i32>} : memref<8x16x576xf32, #tpu.memory_space<vmem>>, vector<16xf32>,
      %parallel_loop3A_365 = arith.constant 2 : i32
      %parallel_loop3A_366 = vector.broadcast %parallel_loop3A_365 : i32 to vector<16xi32>
      %parallel_loop3A_367 = tpu.vector_load_idx %arg5[%parallel_loop3A_342, %parallel_loop3A_366] : memref<1024x8xf32, #tpu.memory_space<vmem>>[vector<16xi32>, vector<16xi32>], vector<16xf32>,
      %parallel_loop3A_368 = arith.constant 16 : i32
      %parallel_loop3A_369 = arith.muli %parallel_loop3A_336, %parallel_loop3A_368 : i32
      %parallel_loop3A_370 = arith.constant 2 : i32
      %parallel_loop3A_371 = arith.constant 12 : i32
      %parallel_loop3A_372 = arith.index_cast %parallel_loop3A_370 : i32 to index
      %parallel_loop3A_373 = arith.index_cast %parallel_loop3A_371 : i32 to index
      %parallel_loop3A_374 = arith.index_cast %parallel_loop3A_369 : i32 to index
      %parallel_loop3A_375 = tpu.vector_load %arg7[%parallel_loop3A_372, %parallel_loop3A_373, %parallel_loop3A_374] {strides = array<i32>} : memref<8x16x576xf32, #tpu.memory_space<vmem>>, vector<16xf32>,
      tpu.vector_store %arg7[%parallel_loop3A_372, %parallel_loop3A_373, %parallel_loop3A_374], %parallel_loop3A_367 {strides = array<i32>} : memref<8x16x576xf32, #tpu.memory_space<vmem>>, vector<16xf32>,
      %parallel_loop3A_376 = arith.constant 3 : i32
      %parallel_loop3A_377 = vector.broadcast %parallel_loop3A_376 : i32 to vector<16xi32>
      %parallel_loop3A_378 = tpu.vector_load_idx %arg5[%parallel_loop3A_342, %parallel_loop3A_377] : memref<1024x8xf32, #tpu.memory_space<vmem>>[vector<16xi32>, vector<16xi32>], vector<16xf32>,
      %parallel_loop3A_379 = arith.constant 16 : i32
      %parallel_loop3A_380 = arith.muli %parallel_loop3A_336, %parallel_loop3A_379 : i32
      %parallel_loop3A_381 = arith.constant 3 : i32
      %parallel_loop3A_382 = arith.constant 12 : i32
      %parallel_loop3A_383 = arith.index_cast %parallel_loop3A_381 : i32 to index
      %parallel_loop3A_384 = arith.index_cast %parallel_loop3A_382 : i32 to index
      %parallel_loop3A_385 = arith.index_cast %parallel_loop3A_380 : i32 to index
      %parallel_loop3A_386 = tpu.vector_load %arg7[%parallel_loop3A_383, %parallel_loop3A_384, %parallel_loop3A_385] {strides = array<i32>} : memref<8x16x576xf32, #tpu.memory_space<vmem>>, vector<16xf32>,
      tpu.vector_store %arg7[%parallel_loop3A_383, %parallel_loop3A_384, %parallel_loop3A_385], %parallel_loop3A_378 {strides = array<i32>} : memref<8x16x576xf32, #tpu.memory_space<vmem>>, vector<16xf32>,
      %parallel_loop3A_387 = arith.constant 4 : i32
      %parallel_loop3A_388 = vector.broadcast %parallel_loop3A_387 : i32 to vector<16xi32>
      %parallel_loop3A_389 = tpu.vector_load_idx %arg5[%parallel_loop3A_342, %parallel_loop3A_388] : memref<1024x8xf32, #tpu.memory_space<vmem>>[vector<16xi32>, vector<16xi32>], vector<16xf32>,
      %parallel_loop3A_390 = arith.constant 16 : i32
      %parallel_loop3A_391 = arith.muli %parallel_loop3A_336, %parallel_loop3A_390 : i32
      %parallel_loop3A_392 = arith.constant 4 : i32
      %parallel_loop3A_393 = arith.constant 12 : i32
      %parallel_loop3A_394 = arith.index_cast %parallel_loop3A_392 : i32 to index
      %parallel_loop3A_395 = arith.index_cast %parallel_loop3A_393 : i32 to index
      %parallel_loop3A_396 = arith.index_cast %parallel_loop3A_391 : i32 to index
      %parallel_loop3A_397 = tpu.vector_load %arg7[%parallel_loop3A_394, %parallel_loop3A_395, %parallel_loop3A_396] {strides = array<i32>} : memref<8x16x576xf32, #tpu.memory_space<vmem>>, vector<16xf32>,
      tpu.vector_store %arg7[%parallel_loop3A_394, %parallel_loop3A_395, %parallel_loop3A_396], %parallel_loop3A_389 {strides = array<i32>} : memref<8x16x576xf32, #tpu.memory_space<vmem>>, vector<16xf32>,
      %parallel_loop3A_398 = arith.constant 5 : i32
      %parallel_loop3A_399 = vector.broadcast %parallel_loop3A_398 : i32 to vector<16xi32>
      %parallel_loop3A_400 = tpu.vector_load_idx %arg5[%parallel_loop3A_342, %parallel_loop3A_399] : memref<1024x8xf32, #tpu.memory_space<vmem>>[vector<16xi32>, vector<16xi32>], vector<16xf32>,
      %parallel_loop3A_401 = arith.constant 16 : i32
      %parallel_loop3A_402 = arith.muli %parallel_loop3A_336, %parallel_loop3A_401 : i32
      %parallel_loop3A_403 = arith.constant 5 : i32
      %parallel_loop3A_404 = arith.constant 12 : i32
      %parallel_loop3A_405 = arith.index_cast %parallel_loop3A_403 : i32 to index
      %parallel_loop3A_406 = arith.index_cast %parallel_loop3A_404 : i32 to index
      %parallel_loop3A_407 = arith.index_cast %parallel_loop3A_402 : i32 to index
      %parallel_loop3A_408 = tpu.vector_load %arg7[%parallel_loop3A_405, %parallel_loop3A_406, %parallel_loop3A_407] {strides = array<i32>} : memref<8x16x576xf32, #tpu.memory_space<vmem>>, vector<16xf32>,
      tpu.vector_store %arg7[%parallel_loop3A_405, %parallel_loop3A_406, %parallel_loop3A_407], %parallel_loop3A_400 {strides = array<i32>} : memref<8x16x576xf32, #tpu.memory_space<vmem>>, vector<16xf32>,
      %parallel_loop3A_409 = arith.constant 6 : i32
      %parallel_loop3A_410 = vector.broadcast %parallel_loop3A_409 : i32 to vector<16xi32>
      %parallel_loop3A_411 = tpu.vector_load_idx %arg5[%parallel_loop3A_342, %parallel_loop3A_410] : memref<1024x8xf32, #tpu.memory_space<vmem>>[vector<16xi32>, vector<16xi32>], vector<16xf32>,
      %parallel_loop3A_412 = arith.constant 16 : i32
      %parallel_loop3A_413 = arith.muli %parallel_loop3A_336, %parallel_loop3A_412 : i32
      %parallel_loop3A_414 = arith.constant 6 : i32
      %parallel_loop3A_415 = arith.constant 12 : i32
      %parallel_loop3A_416 = arith.index_cast %parallel_loop3A_414 : i32 to index
      %parallel_loop3A_417 = arith.index_cast %parallel_loop3A_415 : i32 to index
      %parallel_loop3A_418 = arith.index_cast %parallel_loop3A_413 : i32 to index
      %parallel_loop3A_419 = tpu.vector_load %arg7[%parallel_loop3A_416, %parallel_loop3A_417, %parallel_loop3A_418] {strides = array<i32>} : memref<8x16x576xf32, #tpu.memory_space<vmem>>, vector<16xf32>,
      tpu.vector_store %arg7[%parallel_loop3A_416, %parallel_loop3A_417, %parallel_loop3A_418], %parallel_loop3A_411 {strides = array<i32>} : memref<8x16x576xf32, #tpu.memory_space<vmem>>, vector<16xf32>,
      %parallel_loop3A_420 = arith.constant 7 : i32
      %parallel_loop3A_421 = vector.broadcast %parallel_loop3A_420 : i32 to vector<16xi32>
      %parallel_loop3A_422 = tpu.vector_load_idx %arg5[%parallel_loop3A_342, %parallel_loop3A_421] : memref<1024x8xf32, #tpu.memory_space<vmem>>[vector<16xi32>, vector<16xi32>], vector<16xf32>,
      %parallel_loop3A_423 = arith.constant 16 : i32
      %parallel_loop3A_424 = arith.muli %parallel_loop3A_336, %parallel_loop3A_423 : i32
      %parallel_loop3A_425 = arith.constant 7 : i32
      %parallel_loop3A_426 = arith.constant 12 : i32
      %parallel_loop3A_427 = arith.index_cast %parallel_loop3A_425 : i32 to index
      %parallel_loop3A_428 = arith.index_cast %parallel_loop3A_426 : i32 to index
      %parallel_loop3A_429 = arith.index_cast %parallel_loop3A_424 : i32 to index
      %parallel_loop3A_430 = tpu.vector_load %arg7[%parallel_loop3A_427, %parallel_loop3A_428, %parallel_loop3A_429] {strides = array<i32>} : memref<8x16x576xf32, #tpu.memory_space<vmem>>, vector<16xf32>,
      tpu.vector_store %arg7[%parallel_loop3A_427, %parallel_loop3A_428, %parallel_loop3A_429], %parallel_loop3A_422 {strides = array<i32>} : memref<8x16x576xf32, #tpu.memory_space<vmem>>, vector<16xf32>,
    } {sc.loop_unroll_factor = 4 : i64, sc.parallel_access}
    %parallel_loop3A_41 = arith.constant 0 : i32
    %parallel_loop3A_42 = arith.constant 36 : i32
    %parallel_loop3A_43 = arith.constant 1 : i32
    scf.for %parallel_loop3A_336 = %parallel_loop3A_41 to %parallel_loop3A_42 step %parallel_loop3A_43  : i32 {
      %parallel_loop3A_337 = arith.constant 16 : i32
      %parallel_loop3A_338 = arith.muli %parallel_loop3A_336, %parallel_loop3A_337 : i32
      %parallel_loop3A_339 = arith.constant 7488 : i32
      %parallel_loop3A_340 = arith.addi %parallel_loop3A_339, %parallel_loop3A_338 : i32
      %parallel_loop3A_341 = arith.index_cast %parallel_loop3A_340 : i32 to index
      %parallel_loop3A_342 = tpu.vector_load %arg6[%parallel_loop3A_341] {strides = array<i32>} : memref<9216xi32, #tpu.memory_space<vmem>>, vector<16xi32>,
      %parallel_loop3A_343 = arith.constant 0 : i32
      %parallel_loop3A_344 = vector.broadcast %parallel_loop3A_343 : i32 to vector<16xi32>
      %parallel_loop3A_345 = tpu.vector_load_idx %arg5[%parallel_loop3A_342, %parallel_loop3A_344] : memref<1024x8xf32, #tpu.memory_space<vmem>>[vector<16xi32>, vector<16xi32>], vector<16xf32>,
      %parallel_loop3A_346 = arith.constant 16 : i32
      %parallel_loop3A_347 = arith.muli %parallel_loop3A_336, %parallel_loop3A_346 : i32
      %parallel_loop3A_348 = arith.constant 0 : i32
      %parallel_loop3A_349 = arith.constant 13 : i32
      %parallel_loop3A_350 = arith.index_cast %parallel_loop3A_348 : i32 to index
      %parallel_loop3A_351 = arith.index_cast %parallel_loop3A_349 : i32 to index
      %parallel_loop3A_352 = arith.index_cast %parallel_loop3A_347 : i32 to index
      %parallel_loop3A_353 = tpu.vector_load %arg7[%parallel_loop3A_350, %parallel_loop3A_351, %parallel_loop3A_352] {strides = array<i32>} : memref<8x16x576xf32, #tpu.memory_space<vmem>>, vector<16xf32>,
      tpu.vector_store %arg7[%parallel_loop3A_350, %parallel_loop3A_351, %parallel_loop3A_352], %parallel_loop3A_345 {strides = array<i32>} : memref<8x16x576xf32, #tpu.memory_space<vmem>>, vector<16xf32>,
      %parallel_loop3A_354 = arith.constant 1 : i32
      %parallel_loop3A_355 = vector.broadcast %parallel_loop3A_354 : i32 to vector<16xi32>
      %parallel_loop3A_356 = tpu.vector_load_idx %arg5[%parallel_loop3A_342, %parallel_loop3A_355] : memref<1024x8xf32, #tpu.memory_space<vmem>>[vector<16xi32>, vector<16xi32>], vector<16xf32>,
      %parallel_loop3A_357 = arith.constant 16 : i32
      %parallel_loop3A_358 = arith.muli %parallel_loop3A_336, %parallel_loop3A_357 : i32
      %parallel_loop3A_359 = arith.constant 1 : i32
      %parallel_loop3A_360 = arith.constant 13 : i32
      %parallel_loop3A_361 = arith.index_cast %parallel_loop3A_359 : i32 to index
      %parallel_loop3A_362 = arith.index_cast %parallel_loop3A_360 : i32 to index
      %parallel_loop3A_363 = arith.index_cast %parallel_loop3A_358 : i32 to index
      %parallel_loop3A_364 = tpu.vector_load %arg7[%parallel_loop3A_361, %parallel_loop3A_362, %parallel_loop3A_363] {strides = array<i32>} : memref<8x16x576xf32, #tpu.memory_space<vmem>>, vector<16xf32>,
      tpu.vector_store %arg7[%parallel_loop3A_361, %parallel_loop3A_362, %parallel_loop3A_363], %parallel_loop3A_356 {strides = array<i32>} : memref<8x16x576xf32, #tpu.memory_space<vmem>>, vector<16xf32>,
      %parallel_loop3A_365 = arith.constant 2 : i32
      %parallel_loop3A_366 = vector.broadcast %parallel_loop3A_365 : i32 to vector<16xi32>
      %parallel_loop3A_367 = tpu.vector_load_idx %arg5[%parallel_loop3A_342, %parallel_loop3A_366] : memref<1024x8xf32, #tpu.memory_space<vmem>>[vector<16xi32>, vector<16xi32>], vector<16xf32>,
      %parallel_loop3A_368 = arith.constant 16 : i32
      %parallel_loop3A_369 = arith.muli %parallel_loop3A_336, %parallel_loop3A_368 : i32
      %parallel_loop3A_370 = arith.constant 2 : i32
      %parallel_loop3A_371 = arith.constant 13 : i32
      %parallel_loop3A_372 = arith.index_cast %parallel_loop3A_370 : i32 to index
      %parallel_loop3A_373 = arith.index_cast %parallel_loop3A_371 : i32 to index
      %parallel_loop3A_374 = arith.index_cast %parallel_loop3A_369 : i32 to index
      %parallel_loop3A_375 = tpu.vector_load %arg7[%parallel_loop3A_372, %parallel_loop3A_373, %parallel_loop3A_374] {strides = array<i32>} : memref<8x16x576xf32, #tpu.memory_space<vmem>>, vector<16xf32>,
      tpu.vector_store %arg7[%parallel_loop3A_372, %parallel_loop3A_373, %parallel_loop3A_374], %parallel_loop3A_367 {strides = array<i32>} : memref<8x16x576xf32, #tpu.memory_space<vmem>>, vector<16xf32>,
      %parallel_loop3A_376 = arith.constant 3 : i32
      %parallel_loop3A_377 = vector.broadcast %parallel_loop3A_376 : i32 to vector<16xi32>
      %parallel_loop3A_378 = tpu.vector_load_idx %arg5[%parallel_loop3A_342, %parallel_loop3A_377] : memref<1024x8xf32, #tpu.memory_space<vmem>>[vector<16xi32>, vector<16xi32>], vector<16xf32>,
      %parallel_loop3A_379 = arith.constant 16 : i32
      %parallel_loop3A_380 = arith.muli %parallel_loop3A_336, %parallel_loop3A_379 : i32
      %parallel_loop3A_381 = arith.constant 3 : i32
      %parallel_loop3A_382 = arith.constant 13 : i32
      %parallel_loop3A_383 = arith.index_cast %parallel_loop3A_381 : i32 to index
      %parallel_loop3A_384 = arith.index_cast %parallel_loop3A_382 : i32 to index
      %parallel_loop3A_385 = arith.index_cast %parallel_loop3A_380 : i32 to index
      %parallel_loop3A_386 = tpu.vector_load %arg7[%parallel_loop3A_383, %parallel_loop3A_384, %parallel_loop3A_385] {strides = array<i32>} : memref<8x16x576xf32, #tpu.memory_space<vmem>>, vector<16xf32>,
      tpu.vector_store %arg7[%parallel_loop3A_383, %parallel_loop3A_384, %parallel_loop3A_385], %parallel_loop3A_378 {strides = array<i32>} : memref<8x16x576xf32, #tpu.memory_space<vmem>>, vector<16xf32>,
      %parallel_loop3A_387 = arith.constant 4 : i32
      %parallel_loop3A_388 = vector.broadcast %parallel_loop3A_387 : i32 to vector<16xi32>
      %parallel_loop3A_389 = tpu.vector_load_idx %arg5[%parallel_loop3A_342, %parallel_loop3A_388] : memref<1024x8xf32, #tpu.memory_space<vmem>>[vector<16xi32>, vector<16xi32>], vector<16xf32>,
      %parallel_loop3A_390 = arith.constant 16 : i32
      %parallel_loop3A_391 = arith.muli %parallel_loop3A_336, %parallel_loop3A_390 : i32
      %parallel_loop3A_392 = arith.constant 4 : i32
      %parallel_loop3A_393 = arith.constant 13 : i32
      %parallel_loop3A_394 = arith.index_cast %parallel_loop3A_392 : i32 to index
      %parallel_loop3A_395 = arith.index_cast %parallel_loop3A_393 : i32 to index
      %parallel_loop3A_396 = arith.index_cast %parallel_loop3A_391 : i32 to index
      %parallel_loop3A_397 = tpu.vector_load %arg7[%parallel_loop3A_394, %parallel_loop3A_395, %parallel_loop3A_396] {strides = array<i32>} : memref<8x16x576xf32, #tpu.memory_space<vmem>>, vector<16xf32>,
      tpu.vector_store %arg7[%parallel_loop3A_394, %parallel_loop3A_395, %parallel_loop3A_396], %parallel_loop3A_389 {strides = array<i32>} : memref<8x16x576xf32, #tpu.memory_space<vmem>>, vector<16xf32>,
      %parallel_loop3A_398 = arith.constant 5 : i32
      %parallel_loop3A_399 = vector.broadcast %parallel_loop3A_398 : i32 to vector<16xi32>
      %parallel_loop3A_400 = tpu.vector_load_idx %arg5[%parallel_loop3A_342, %parallel_loop3A_399] : memref<1024x8xf32, #tpu.memory_space<vmem>>[vector<16xi32>, vector<16xi32>], vector<16xf32>,
      %parallel_loop3A_401 = arith.constant 16 : i32
      %parallel_loop3A_402 = arith.muli %parallel_loop3A_336, %parallel_loop3A_401 : i32
      %parallel_loop3A_403 = arith.constant 5 : i32
      %parallel_loop3A_404 = arith.constant 13 : i32
      %parallel_loop3A_405 = arith.index_cast %parallel_loop3A_403 : i32 to index
      %parallel_loop3A_406 = arith.index_cast %parallel_loop3A_404 : i32 to index
      %parallel_loop3A_407 = arith.index_cast %parallel_loop3A_402 : i32 to index
      %parallel_loop3A_408 = tpu.vector_load %arg7[%parallel_loop3A_405, %parallel_loop3A_406, %parallel_loop3A_407] {strides = array<i32>} : memref<8x16x576xf32, #tpu.memory_space<vmem>>, vector<16xf32>,
      tpu.vector_store %arg7[%parallel_loop3A_405, %parallel_loop3A_406, %parallel_loop3A_407], %parallel_loop3A_400 {strides = array<i32>} : memref<8x16x576xf32, #tpu.memory_space<vmem>>, vector<16xf32>,
      %parallel_loop3A_409 = arith.constant 6 : i32
      %parallel_loop3A_410 = vector.broadcast %parallel_loop3A_409 : i32 to vector<16xi32>
      %parallel_loop3A_411 = tpu.vector_load_idx %arg5[%parallel_loop3A_342, %parallel_loop3A_410] : memref<1024x8xf32, #tpu.memory_space<vmem>>[vector<16xi32>, vector<16xi32>], vector<16xf32>,
      %parallel_loop3A_412 = arith.constant 16 : i32
      %parallel_loop3A_413 = arith.muli %parallel_loop3A_336, %parallel_loop3A_412 : i32
      %parallel_loop3A_414 = arith.constant 6 : i32
      %parallel_loop3A_415 = arith.constant 13 : i32
      %parallel_loop3A_416 = arith.index_cast %parallel_loop3A_414 : i32 to index
      %parallel_loop3A_417 = arith.index_cast %parallel_loop3A_415 : i32 to index
      %parallel_loop3A_418 = arith.index_cast %parallel_loop3A_413 : i32 to index
      %parallel_loop3A_419 = tpu.vector_load %arg7[%parallel_loop3A_416, %parallel_loop3A_417, %parallel_loop3A_418] {strides = array<i32>} : memref<8x16x576xf32, #tpu.memory_space<vmem>>, vector<16xf32>,
      tpu.vector_store %arg7[%parallel_loop3A_416, %parallel_loop3A_417, %parallel_loop3A_418], %parallel_loop3A_411 {strides = array<i32>} : memref<8x16x576xf32, #tpu.memory_space<vmem>>, vector<16xf32>,
      %parallel_loop3A_420 = arith.constant 7 : i32
      %parallel_loop3A_421 = vector.broadcast %parallel_loop3A_420 : i32 to vector<16xi32>
      %parallel_loop3A_422 = tpu.vector_load_idx %arg5[%parallel_loop3A_342, %parallel_loop3A_421] : memref<1024x8xf32, #tpu.memory_space<vmem>>[vector<16xi32>, vector<16xi32>], vector<16xf32>,
      %parallel_loop3A_423 = arith.constant 16 : i32
      %parallel_loop3A_424 = arith.muli %parallel_loop3A_336, %parallel_loop3A_423 : i32
      %parallel_loop3A_425 = arith.constant 7 : i32
      %parallel_loop3A_426 = arith.constant 13 : i32
      %parallel_loop3A_427 = arith.index_cast %parallel_loop3A_425 : i32 to index
      %parallel_loop3A_428 = arith.index_cast %parallel_loop3A_426 : i32 to index
      %parallel_loop3A_429 = arith.index_cast %parallel_loop3A_424 : i32 to index
      %parallel_loop3A_430 = tpu.vector_load %arg7[%parallel_loop3A_427, %parallel_loop3A_428, %parallel_loop3A_429] {strides = array<i32>} : memref<8x16x576xf32, #tpu.memory_space<vmem>>, vector<16xf32>,
      tpu.vector_store %arg7[%parallel_loop3A_427, %parallel_loop3A_428, %parallel_loop3A_429], %parallel_loop3A_422 {strides = array<i32>} : memref<8x16x576xf32, #tpu.memory_space<vmem>>, vector<16xf32>,
    } {sc.loop_unroll_factor = 4 : i64, sc.parallel_access}
    %parallel_loop3A_44 = arith.constant 0 : i32
    %parallel_loop3A_45 = arith.constant 36 : i32
    %parallel_loop3A_46 = arith.constant 1 : i32
    scf.for %parallel_loop3A_336 = %parallel_loop3A_44 to %parallel_loop3A_45 step %parallel_loop3A_46  : i32 {
      %parallel_loop3A_337 = arith.constant 16 : i32
      %parallel_loop3A_338 = arith.muli %parallel_loop3A_336, %parallel_loop3A_337 : i32
      %parallel_loop3A_339 = arith.constant 8064 : i32
      %parallel_loop3A_340 = arith.addi %parallel_loop3A_339, %parallel_loop3A_338 : i32
      %parallel_loop3A_341 = arith.index_cast %parallel_loop3A_340 : i32 to index
      %parallel_loop3A_342 = tpu.vector_load %arg6[%parallel_loop3A_341] {strides = array<i32>} : memref<9216xi32, #tpu.memory_space<vmem>>, vector<16xi32>,
      %parallel_loop3A_343 = arith.constant 0 : i32
      %parallel_loop3A_344 = vector.broadcast %parallel_loop3A_343 : i32 to vector<16xi32>
      %parallel_loop3A_345 = tpu.vector_load_idx %arg5[%parallel_loop3A_342, %parallel_loop3A_344] : memref<1024x8xf32, #tpu.memory_space<vmem>>[vector<16xi32>, vector<16xi32>], vector<16xf32>,
      %parallel_loop3A_346 = arith.constant 16 : i32
      %parallel_loop3A_347 = arith.muli %parallel_loop3A_336, %parallel_loop3A_346 : i32
      %parallel_loop3A_348 = arith.constant 0 : i32
      %parallel_loop3A_349 = arith.constant 14 : i32
      %parallel_loop3A_350 = arith.index_cast %parallel_loop3A_348 : i32 to index
      %parallel_loop3A_351 = arith.index_cast %parallel_loop3A_349 : i32 to index
      %parallel_loop3A_352 = arith.index_cast %parallel_loop3A_347 : i32 to index
      %parallel_loop3A_353 = tpu.vector_load %arg7[%parallel_loop3A_350, %parallel_loop3A_351, %parallel_loop3A_352] {strides = array<i32>} : memref<8x16x576xf32, #tpu.memory_space<vmem>>, vector<16xf32>,
      tpu.vector_store %arg7[%parallel_loop3A_350, %parallel_loop3A_351, %parallel_loop3A_352], %parallel_loop3A_345 {strides = array<i32>} : memref<8x16x576xf32, #tpu.memory_space<vmem>>, vector<16xf32>,
      %parallel_loop3A_354 = arith.constant 1 : i32
      %parallel_loop3A_355 = vector.broadcast %parallel_loop3A_354 : i32 to vector<16xi32>
      %parallel_loop3A_356 = tpu.vector_load_idx %arg5[%parallel_loop3A_342, %parallel_loop3A_355] : memref<1024x8xf32, #tpu.memory_space<vmem>>[vector<16xi32>, vector<16xi32>], vector<16xf32>,
      %parallel_loop3A_357 = arith.constant 16 : i32
      %parallel_loop3A_358 = arith.muli %parallel_loop3A_336, %parallel_loop3A_357 : i32
      %parallel_loop3A_359 = arith.constant 1 : i32
      %parallel_loop3A_360 = arith.constant 14 : i32
      %parallel_loop3A_361 = arith.index_cast %parallel_loop3A_359 : i32 to index
      %parallel_loop3A_362 = arith.index_cast %parallel_loop3A_360 : i32 to index
      %parallel_loop3A_363 = arith.index_cast %parallel_loop3A_358 : i32 to index
      %parallel_loop3A_364 = tpu.vector_load %arg7[%parallel_loop3A_361, %parallel_loop3A_362, %parallel_loop3A_363] {strides = array<i32>} : memref<8x16x576xf32, #tpu.memory_space<vmem>>, vector<16xf32>,
      tpu.vector_store %arg7[%parallel_loop3A_361, %parallel_loop3A_362, %parallel_loop3A_363], %parallel_loop3A_356 {strides = array<i32>} : memref<8x16x576xf32, #tpu.memory_space<vmem>>, vector<16xf32>,
      %parallel_loop3A_365 = arith.constant 2 : i32
      %parallel_loop3A_366 = vector.broadcast %parallel_loop3A_365 : i32 to vector<16xi32>
      %parallel_loop3A_367 = tpu.vector_load_idx %arg5[%parallel_loop3A_342, %parallel_loop3A_366] : memref<1024x8xf32, #tpu.memory_space<vmem>>[vector<16xi32>, vector<16xi32>], vector<16xf32>,
      %parallel_loop3A_368 = arith.constant 16 : i32
      %parallel_loop3A_369 = arith.muli %parallel_loop3A_336, %parallel_loop3A_368 : i32
      %parallel_loop3A_370 = arith.constant 2 : i32
      %parallel_loop3A_371 = arith.constant 14 : i32
      %parallel_loop3A_372 = arith.index_cast %parallel_loop3A_370 : i32 to index
      %parallel_loop3A_373 = arith.index_cast %parallel_loop3A_371 : i32 to index
      %parallel_loop3A_374 = arith.index_cast %parallel_loop3A_369 : i32 to index
      %parallel_loop3A_375 = tpu.vector_load %arg7[%parallel_loop3A_372, %parallel_loop3A_373, %parallel_loop3A_374] {strides = array<i32>} : memref<8x16x576xf32, #tpu.memory_space<vmem>>, vector<16xf32>,
      tpu.vector_store %arg7[%parallel_loop3A_372, %parallel_loop3A_373, %parallel_loop3A_374], %parallel_loop3A_367 {strides = array<i32>} : memref<8x16x576xf32, #tpu.memory_space<vmem>>, vector<16xf32>,
      %parallel_loop3A_376 = arith.constant 3 : i32
      %parallel_loop3A_377 = vector.broadcast %parallel_loop3A_376 : i32 to vector<16xi32>
      %parallel_loop3A_378 = tpu.vector_load_idx %arg5[%parallel_loop3A_342, %parallel_loop3A_377] : memref<1024x8xf32, #tpu.memory_space<vmem>>[vector<16xi32>, vector<16xi32>], vector<16xf32>,
      %parallel_loop3A_379 = arith.constant 16 : i32
      %parallel_loop3A_380 = arith.muli %parallel_loop3A_336, %parallel_loop3A_379 : i32
      %parallel_loop3A_381 = arith.constant 3 : i32
      %parallel_loop3A_382 = arith.constant 14 : i32
      %parallel_loop3A_383 = arith.index_cast %parallel_loop3A_381 : i32 to index
      %parallel_loop3A_384 = arith.index_cast %parallel_loop3A_382 : i32 to index
      %parallel_loop3A_385 = arith.index_cast %parallel_loop3A_380 : i32 to index
      %parallel_loop3A_386 = tpu.vector_load %arg7[%parallel_loop3A_383, %parallel_loop3A_384, %parallel_loop3A_385] {strides = array<i32>} : memref<8x16x576xf32, #tpu.memory_space<vmem>>, vector<16xf32>,
      tpu.vector_store %arg7[%parallel_loop3A_383, %parallel_loop3A_384, %parallel_loop3A_385], %parallel_loop3A_378 {strides = array<i32>} : memref<8x16x576xf32, #tpu.memory_space<vmem>>, vector<16xf32>,
      %parallel_loop3A_387 = arith.constant 4 : i32
      %parallel_loop3A_388 = vector.broadcast %parallel_loop3A_387 : i32 to vector<16xi32>
      %parallel_loop3A_389 = tpu.vector_load_idx %arg5[%parallel_loop3A_342, %parallel_loop3A_388] : memref<1024x8xf32, #tpu.memory_space<vmem>>[vector<16xi32>, vector<16xi32>], vector<16xf32>,
      %parallel_loop3A_390 = arith.constant 16 : i32
      %parallel_loop3A_391 = arith.muli %parallel_loop3A_336, %parallel_loop3A_390 : i32
      %parallel_loop3A_392 = arith.constant 4 : i32
      %parallel_loop3A_393 = arith.constant 14 : i32
      %parallel_loop3A_394 = arith.index_cast %parallel_loop3A_392 : i32 to index
      %parallel_loop3A_395 = arith.index_cast %parallel_loop3A_393 : i32 to index
      %parallel_loop3A_396 = arith.index_cast %parallel_loop3A_391 : i32 to index
      %parallel_loop3A_397 = tpu.vector_load %arg7[%parallel_loop3A_394, %parallel_loop3A_395, %parallel_loop3A_396] {strides = array<i32>} : memref<8x16x576xf32, #tpu.memory_space<vmem>>, vector<16xf32>,
      tpu.vector_store %arg7[%parallel_loop3A_394, %parallel_loop3A_395, %parallel_loop3A_396], %parallel_loop3A_389 {strides = array<i32>} : memref<8x16x576xf32, #tpu.memory_space<vmem>>, vector<16xf32>,
      %parallel_loop3A_398 = arith.constant 5 : i32
      %parallel_loop3A_399 = vector.broadcast %parallel_loop3A_398 : i32 to vector<16xi32>
      %parallel_loop3A_400 = tpu.vector_load_idx %arg5[%parallel_loop3A_342, %parallel_loop3A_399] : memref<1024x8xf32, #tpu.memory_space<vmem>>[vector<16xi32>, vector<16xi32>], vector<16xf32>,
      %parallel_loop3A_401 = arith.constant 16 : i32
      %parallel_loop3A_402 = arith.muli %parallel_loop3A_336, %parallel_loop3A_401 : i32
      %parallel_loop3A_403 = arith.constant 5 : i32
      %parallel_loop3A_404 = arith.constant 14 : i32
      %parallel_loop3A_405 = arith.index_cast %parallel_loop3A_403 : i32 to index
      %parallel_loop3A_406 = arith.index_cast %parallel_loop3A_404 : i32 to index
      %parallel_loop3A_407 = arith.index_cast %parallel_loop3A_402 : i32 to index
      %parallel_loop3A_408 = tpu.vector_load %arg7[%parallel_loop3A_405, %parallel_loop3A_406, %parallel_loop3A_407] {strides = array<i32>} : memref<8x16x576xf32, #tpu.memory_space<vmem>>, vector<16xf32>,
      tpu.vector_store %arg7[%parallel_loop3A_405, %parallel_loop3A_406, %parallel_loop3A_407], %parallel_loop3A_400 {strides = array<i32>} : memref<8x16x576xf32, #tpu.memory_space<vmem>>, vector<16xf32>,
      %parallel_loop3A_409 = arith.constant 6 : i32
      %parallel_loop3A_410 = vector.broadcast %parallel_loop3A_409 : i32 to vector<16xi32>
      %parallel_loop3A_411 = tpu.vector_load_idx %arg5[%parallel_loop3A_342, %parallel_loop3A_410] : memref<1024x8xf32, #tpu.memory_space<vmem>>[vector<16xi32>, vector<16xi32>], vector<16xf32>,
      %parallel_loop3A_412 = arith.constant 16 : i32
      %parallel_loop3A_413 = arith.muli %parallel_loop3A_336, %parallel_loop3A_412 : i32
      %parallel_loop3A_414 = arith.constant 6 : i32
      %parallel_loop3A_415 = arith.constant 14 : i32
      %parallel_loop3A_416 = arith.index_cast %parallel_loop3A_414 : i32 to index
      %parallel_loop3A_417 = arith.index_cast %parallel_loop3A_415 : i32 to index
      %parallel_loop3A_418 = arith.index_cast %parallel_loop3A_413 : i32 to index
      %parallel_loop3A_419 = tpu.vector_load %arg7[%parallel_loop3A_416, %parallel_loop3A_417, %parallel_loop3A_418] {strides = array<i32>} : memref<8x16x576xf32, #tpu.memory_space<vmem>>, vector<16xf32>,
      tpu.vector_store %arg7[%parallel_loop3A_416, %parallel_loop3A_417, %parallel_loop3A_418], %parallel_loop3A_411 {strides = array<i32>} : memref<8x16x576xf32, #tpu.memory_space<vmem>>, vector<16xf32>,
      %parallel_loop3A_420 = arith.constant 7 : i32
      %parallel_loop3A_421 = vector.broadcast %parallel_loop3A_420 : i32 to vector<16xi32>
      %parallel_loop3A_422 = tpu.vector_load_idx %arg5[%parallel_loop3A_342, %parallel_loop3A_421] : memref<1024x8xf32, #tpu.memory_space<vmem>>[vector<16xi32>, vector<16xi32>], vector<16xf32>,
      %parallel_loop3A_423 = arith.constant 16 : i32
      %parallel_loop3A_424 = arith.muli %parallel_loop3A_336, %parallel_loop3A_423 : i32
      %parallel_loop3A_425 = arith.constant 7 : i32
      %parallel_loop3A_426 = arith.constant 14 : i32
      %parallel_loop3A_427 = arith.index_cast %parallel_loop3A_425 : i32 to index
      %parallel_loop3A_428 = arith.index_cast %parallel_loop3A_426 : i32 to index
      %parallel_loop3A_429 = arith.index_cast %parallel_loop3A_424 : i32 to index
      %parallel_loop3A_430 = tpu.vector_load %arg7[%parallel_loop3A_427, %parallel_loop3A_428, %parallel_loop3A_429] {strides = array<i32>} : memref<8x16x576xf32, #tpu.memory_space<vmem>>, vector<16xf32>,
      tpu.vector_store %arg7[%parallel_loop3A_427, %parallel_loop3A_428, %parallel_loop3A_429], %parallel_loop3A_422 {strides = array<i32>} : memref<8x16x576xf32, #tpu.memory_space<vmem>>, vector<16xf32>,
    } {sc.loop_unroll_factor = 4 : i64, sc.parallel_access}
    %parallel_loop3A_47 = arith.constant 0 : i32
    %parallel_loop3A_48 = arith.constant 36 : i32
    %parallel_loop3A_49 = arith.constant 1 : i32
    scf.for %parallel_loop3A_336 = %parallel_loop3A_47 to %parallel_loop3A_48 step %parallel_loop3A_49  : i32 {
      %parallel_loop3A_337 = arith.constant 16 : i32
      %parallel_loop3A_338 = arith.muli %parallel_loop3A_336, %parallel_loop3A_337 : i32
      %parallel_loop3A_339 = arith.constant 8640 : i32
      %parallel_loop3A_340 = arith.addi %parallel_loop3A_339, %parallel_loop3A_338 : i32
      %parallel_loop3A_341 = arith.index_cast %parallel_loop3A_340 : i32 to index
      %parallel_loop3A_342 = tpu.vector_load %arg6[%parallel_loop3A_341] {strides = array<i32>} : memref<9216xi32, #tpu.memory_space<vmem>>, vector<16xi32>,
      %parallel_loop3A_343 = arith.constant 0 : i32
      %parallel_loop3A_344 = vector.broadcast %parallel_loop3A_343 : i32 to vector<16xi32>
      %parallel_loop3A_345 = tpu.vector_load_idx %arg5[%parallel_loop3A_342, %parallel_loop3A_344] : memref<1024x8xf32, #tpu.memory_space<vmem>>[vector<16xi32>, vector<16xi32>], vector<16xf32>,
      %parallel_loop3A_346 = arith.constant 16 : i32
      %parallel_loop3A_347 = arith.muli %parallel_loop3A_336, %parallel_loop3A_346 : i32
      %parallel_loop3A_348 = arith.constant 0 : i32
      %parallel_loop3A_349 = arith.constant 15 : i32
      %parallel_loop3A_350 = arith.index_cast %parallel_loop3A_348 : i32 to index
      %parallel_loop3A_351 = arith.index_cast %parallel_loop3A_349 : i32 to index
      %parallel_loop3A_352 = arith.index_cast %parallel_loop3A_347 : i32 to index
      %parallel_loop3A_353 = tpu.vector_load %arg7[%parallel_loop3A_350, %parallel_loop3A_351, %parallel_loop3A_352] {strides = array<i32>} : memref<8x16x576xf32, #tpu.memory_space<vmem>>, vector<16xf32>,
      tpu.vector_store %arg7[%parallel_loop3A_350, %parallel_loop3A_351, %parallel_loop3A_352], %parallel_loop3A_345 {strides = array<i32>} : memref<8x16x576xf32, #tpu.memory_space<vmem>>, vector<16xf32>,
      %parallel_loop3A_354 = arith.constant 1 : i32
      %parallel_loop3A_355 = vector.broadcast %parallel_loop3A_354 : i32 to vector<16xi32>
      %parallel_loop3A_356 = tpu.vector_load_idx %arg5[%parallel_loop3A_342, %parallel_loop3A_355] : memref<1024x8xf32, #tpu.memory_space<vmem>>[vector<16xi32>, vector<16xi32>], vector<16xf32>,
      %parallel_loop3A_357 = arith.constant 16 : i32
      %parallel_loop3A_358 = arith.muli %parallel_loop3A_336, %parallel_loop3A_357 : i32
      %parallel_loop3A_359 = arith.constant 1 : i32
      %parallel_loop3A_360 = arith.constant 15 : i32
      %parallel_loop3A_361 = arith.index_cast %parallel_loop3A_359 : i32 to index
      %parallel_loop3A_362 = arith.index_cast %parallel_loop3A_360 : i32 to index
      %parallel_loop3A_363 = arith.index_cast %parallel_loop3A_358 : i32 to index
      %parallel_loop3A_364 = tpu.vector_load %arg7[%parallel_loop3A_361, %parallel_loop3A_362, %parallel_loop3A_363] {strides = array<i32>} : memref<8x16x576xf32, #tpu.memory_space<vmem>>, vector<16xf32>,
      tpu.vector_store %arg7[%parallel_loop3A_361, %parallel_loop3A_362, %parallel_loop3A_363], %parallel_loop3A_356 {strides = array<i32>} : memref<8x16x576xf32, #tpu.memory_space<vmem>>, vector<16xf32>,
      %parallel_loop3A_365 = arith.constant 2 : i32
      %parallel_loop3A_366 = vector.broadcast %parallel_loop3A_365 : i32 to vector<16xi32>
      %parallel_loop3A_367 = tpu.vector_load_idx %arg5[%parallel_loop3A_342, %parallel_loop3A_366] : memref<1024x8xf32, #tpu.memory_space<vmem>>[vector<16xi32>, vector<16xi32>], vector<16xf32>,
      %parallel_loop3A_368 = arith.constant 16 : i32
      %parallel_loop3A_369 = arith.muli %parallel_loop3A_336, %parallel_loop3A_368 : i32
      %parallel_loop3A_370 = arith.constant 2 : i32
      %parallel_loop3A_371 = arith.constant 15 : i32
      %parallel_loop3A_372 = arith.index_cast %parallel_loop3A_370 : i32 to index
      %parallel_loop3A_373 = arith.index_cast %parallel_loop3A_371 : i32 to index
      %parallel_loop3A_374 = arith.index_cast %parallel_loop3A_369 : i32 to index
      %parallel_loop3A_375 = tpu.vector_load %arg7[%parallel_loop3A_372, %parallel_loop3A_373, %parallel_loop3A_374] {strides = array<i32>} : memref<8x16x576xf32, #tpu.memory_space<vmem>>, vector<16xf32>,
      tpu.vector_store %arg7[%parallel_loop3A_372, %parallel_loop3A_373, %parallel_loop3A_374], %parallel_loop3A_367 {strides = array<i32>} : memref<8x16x576xf32, #tpu.memory_space<vmem>>, vector<16xf32>,
      %parallel_loop3A_376 = arith.constant 3 : i32
      %parallel_loop3A_377 = vector.broadcast %parallel_loop3A_376 : i32 to vector<16xi32>
      %parallel_loop3A_378 = tpu.vector_load_idx %arg5[%parallel_loop3A_342, %parallel_loop3A_377] : memref<1024x8xf32, #tpu.memory_space<vmem>>[vector<16xi32>, vector<16xi32>], vector<16xf32>,
      %parallel_loop3A_379 = arith.constant 16 : i32
      %parallel_loop3A_380 = arith.muli %parallel_loop3A_336, %parallel_loop3A_379 : i32
      %parallel_loop3A_381 = arith.constant 3 : i32
      %parallel_loop3A_382 = arith.constant 15 : i32
      %parallel_loop3A_383 = arith.index_cast %parallel_loop3A_381 : i32 to index
      %parallel_loop3A_384 = arith.index_cast %parallel_loop3A_382 : i32 to index
      %parallel_loop3A_385 = arith.index_cast %parallel_loop3A_380 : i32 to index
      %parallel_loop3A_386 = tpu.vector_load %arg7[%parallel_loop3A_383, %parallel_loop3A_384, %parallel_loop3A_385] {strides = array<i32>} : memref<8x16x576xf32, #tpu.memory_space<vmem>>, vector<16xf32>,
      tpu.vector_store %arg7[%parallel_loop3A_383, %parallel_loop3A_384, %parallel_loop3A_385], %parallel_loop3A_378 {strides = array<i32>} : memref<8x16x576xf32, #tpu.memory_space<vmem>>, vector<16xf32>,
      %parallel_loop3A_387 = arith.constant 4 : i32
      %parallel_loop3A_388 = vector.broadcast %parallel_loop3A_387 : i32 to vector<16xi32>
      %parallel_loop3A_389 = tpu.vector_load_idx %arg5[%parallel_loop3A_342, %parallel_loop3A_388] : memref<1024x8xf32, #tpu.memory_space<vmem>>[vector<16xi32>, vector<16xi32>], vector<16xf32>,
      %parallel_loop3A_390 = arith.constant 16 : i32
      %parallel_loop3A_391 = arith.muli %parallel_loop3A_336, %parallel_loop3A_390 : i32
      %parallel_loop3A_392 = arith.constant 4 : i32
      %parallel_loop3A_393 = arith.constant 15 : i32
      %parallel_loop3A_394 = arith.index_cast %parallel_loop3A_392 : i32 to index
      %parallel_loop3A_395 = arith.index_cast %parallel_loop3A_393 : i32 to index
      %parallel_loop3A_396 = arith.index_cast %parallel_loop3A_391 : i32 to index
      %parallel_loop3A_397 = tpu.vector_load %arg7[%parallel_loop3A_394, %parallel_loop3A_395, %parallel_loop3A_396] {strides = array<i32>} : memref<8x16x576xf32, #tpu.memory_space<vmem>>, vector<16xf32>,
      tpu.vector_store %arg7[%parallel_loop3A_394, %parallel_loop3A_395, %parallel_loop3A_396], %parallel_loop3A_389 {strides = array<i32>} : memref<8x16x576xf32, #tpu.memory_space<vmem>>, vector<16xf32>,
      %parallel_loop3A_398 = arith.constant 5 : i32
      %parallel_loop3A_399 = vector.broadcast %parallel_loop3A_398 : i32 to vector<16xi32>
      %parallel_loop3A_400 = tpu.vector_load_idx %arg5[%parallel_loop3A_342, %parallel_loop3A_399] : memref<1024x8xf32, #tpu.memory_space<vmem>>[vector<16xi32>, vector<16xi32>], vector<16xf32>,
      %parallel_loop3A_401 = arith.constant 16 : i32
      %parallel_loop3A_402 = arith.muli %parallel_loop3A_336, %parallel_loop3A_401 : i32
      %parallel_loop3A_403 = arith.constant 5 : i32
      %parallel_loop3A_404 = arith.constant 15 : i32
      %parallel_loop3A_405 = arith.index_cast %parallel_loop3A_403 : i32 to index
      %parallel_loop3A_406 = arith.index_cast %parallel_loop3A_404 : i32 to index
      %parallel_loop3A_407 = arith.index_cast %parallel_loop3A_402 : i32 to index
      %parallel_loop3A_408 = tpu.vector_load %arg7[%parallel_loop3A_405, %parallel_loop3A_406, %parallel_loop3A_407] {strides = array<i32>} : memref<8x16x576xf32, #tpu.memory_space<vmem>>, vector<16xf32>,
      tpu.vector_store %arg7[%parallel_loop3A_405, %parallel_loop3A_406, %parallel_loop3A_407], %parallel_loop3A_400 {strides = array<i32>} : memref<8x16x576xf32, #tpu.memory_space<vmem>>, vector<16xf32>,
      %parallel_loop3A_409 = arith.constant 6 : i32
      %parallel_loop3A_410 = vector.broadcast %parallel_loop3A_409 : i32 to vector<16xi32>
      %parallel_loop3A_411 = tpu.vector_load_idx %arg5[%parallel_loop3A_342, %parallel_loop3A_410] : memref<1024x8xf32, #tpu.memory_space<vmem>>[vector<16xi32>, vector<16xi32>], vector<16xf32>,
      %parallel_loop3A_412 = arith.constant 16 : i32
      %parallel_loop3A_413 = arith.muli %parallel_loop3A_336, %parallel_loop3A_412 : i32
      %parallel_loop3A_414 = arith.constant 6 : i32
      %parallel_loop3A_415 = arith.constant 15 : i32
      %parallel_loop3A_416 = arith.index_cast %parallel_loop3A_414 : i32 to index
      %parallel_loop3A_417 = arith.index_cast %parallel_loop3A_415 : i32 to index
      %parallel_loop3A_418 = arith.index_cast %parallel_loop3A_413 : i32 to index
      %parallel_loop3A_419 = tpu.vector_load %arg7[%parallel_loop3A_416, %parallel_loop3A_417, %parallel_loop3A_418] {strides = array<i32>} : memref<8x16x576xf32, #tpu.memory_space<vmem>>, vector<16xf32>,
      tpu.vector_store %arg7[%parallel_loop3A_416, %parallel_loop3A_417, %parallel_loop3A_418], %parallel_loop3A_411 {strides = array<i32>} : memref<8x16x576xf32, #tpu.memory_space<vmem>>, vector<16xf32>,
      %parallel_loop3A_420 = arith.constant 7 : i32
      %parallel_loop3A_421 = vector.broadcast %parallel_loop3A_420 : i32 to vector<16xi32>
      %parallel_loop3A_422 = tpu.vector_load_idx %arg5[%parallel_loop3A_342, %parallel_loop3A_421] : memref<1024x8xf32, #tpu.memory_space<vmem>>[vector<16xi32>, vector<16xi32>], vector<16xf32>,
      %parallel_loop3A_423 = arith.constant 16 : i32
      %parallel_loop3A_424 = arith.muli %parallel_loop3A_336, %parallel_loop3A_423 : i32
      %parallel_loop3A_425 = arith.constant 7 : i32
      %parallel_loop3A_426 = arith.constant 15 : i32
      %parallel_loop3A_427 = arith.index_cast %parallel_loop3A_425 : i32 to index
      %parallel_loop3A_428 = arith.index_cast %parallel_loop3A_426 : i32 to index
      %parallel_loop3A_429 = arith.index_cast %parallel_loop3A_424 : i32 to index
      %parallel_loop3A_430 = tpu.vector_load %arg7[%parallel_loop3A_427, %parallel_loop3A_428, %parallel_loop3A_429] {strides = array<i32>} : memref<8x16x576xf32, #tpu.memory_space<vmem>>, vector<16xf32>,
      tpu.vector_store %arg7[%parallel_loop3A_427, %parallel_loop3A_428, %parallel_loop3A_429], %parallel_loop3A_422 {strides = array<i32>} : memref<8x16x576xf32, #tpu.memory_space<vmem>>, vector<16xf32>,
    } {sc.loop_unroll_factor = 4 : i64, sc.parallel_access}
    %add3A_50 = arith.constant 0 : i32
    %add3A_51 = arith.addi %mul3A_2, %add3A_50 : i32
    %dma_start3A = arith.constant 0 : i32
    %dma_start3A_52 = arith.constant 0 : i32
    %dma_start3A_53 = arith.constant 0 : i32
    %dma_start3A_54 = tpu.memref_slice %arg7[%dma_start3A, %dma_start3A_52, %dma_start3A_53] : memref<8x16x576xf32, #tpu.memory_space<vmem>> -> memref<1x16x576xf32, #tpu.memory_space<vmem>>
    %dma_start3A_55 = tpu.memref_squeeze %dma_start3A_54 : memref<1x16x576xf32, #tpu.memory_space<vmem>> -> memref<16x576xf32, #tpu.memory_space<vmem>>
    %dma_start3A_56 = arith.constant 0 : i32
    %dma_start3A_57 = arith.constant 0 : i32
    %dma_start3A_58 = tpu.memref_slice %arg4[%dma_start3A_56, %add3A_51, %dma_start3A_57] : memref<16x256x576xf32, #tpu.memory_space<hbm>> -> memref<16x1x576xf32, #tpu.memory_space<hbm>>
    %dma_start3A_59 = tpu.memref_squeeze %dma_start3A_58 : memref<16x1x576xf32, #tpu.memory_space<hbm>> -> memref<16x576xf32, #tpu.memory_space<hbm>>
    %dma_start3A_60 = arith.constant 0 : i32
    %dma_start3A_61 = arith.constant 0 : i32
    %dma_start3A_62 = tpu.memref_slice %arg4[%dma_start3A_60, %add3A_51, %dma_start3A_61] : memref<16x256x576xf32, #tpu.memory_space<hbm>> -> memref<16x1x576xf32, #tpu.memory_space<hbm>>
    %dma_start3A_63 = tpu.memref_squeeze %dma_start3A_62 : memref<16x1x576xf32, #tpu.memory_space<hbm>> -> memref<16x576xf32, #tpu.memory_space<hbm>>
    %dma_start3A_64 = arith.constant 0 : i32
    %dma_start3A_65 = arith.constant 0 : i32
    %dma_start3A_66 = tpu.memref_slice %arg7[%dma_start3A, %dma_start3A_64, %dma_start3A_65] : memref<8x16x576xf32, #tpu.memory_space<vmem>> -> memref<1x16x576xf32, #tpu.memory_space<vmem>>
    %dma_start3A_67 = tpu.memref_squeeze %dma_start3A_66 : memref<1x16x576xf32, #tpu.memory_space<vmem>> -> memref<16x576xf32, #tpu.memory_space<vmem>>
    tpu.enqueue_dma source(%dma_start3A_67 : memref<16x576xf32, #tpu.memory_space<vmem>>) target(%dma_start3A_63 : memref<16x576xf32, #tpu.memory_space<hbm>>) target_semaphore(%arg8 : memref<!tpu.dma_semaphore, #tpu.memory_space<semaphore_mem>>)
    %add3A_68 = arith.constant 1 : i32
    %add3A_69 = arith.addi %mul3A_2, %add3A_68 : i32
    %dma_start3A_70 = arith.constant 1 : i32
    %dma_start3A_71 = arith.constant 0 : i32
    %dma_start3A_72 = arith.constant 0 : i32
    %dma_start3A_73 = tpu.memref_slice %arg7[%dma_start3A_70, %dma_start3A_71, %dma_start3A_72] : memref<8x16x576xf32, #tpu.memory_space<vmem>> -> memref<1x16x576xf32, #tpu.memory_space<vmem>>
    %dma_start3A_74 = tpu.memref_squeeze %dma_start3A_73 : memref<1x16x576xf32, #tpu.memory_space<vmem>> -> memref<16x576xf32, #tpu.memory_space<vmem>>
    %dma_start3A_75 = arith.constant 0 : i32
    %dma_start3A_76 = arith.constant 0 : i32
    %dma_start3A_77 = tpu.memref_slice %arg4[%dma_start3A_75, %add3A_69, %dma_start3A_76] : memref<16x256x576xf32, #tpu.memory_space<hbm>> -> memref<16x1x576xf32, #tpu.memory_space<hbm>>
    %dma_start3A_78 = tpu.memref_squeeze %dma_start3A_77 : memref<16x1x576xf32, #tpu.memory_space<hbm>> -> memref<16x576xf32, #tpu.memory_space<hbm>>
    %dma_start3A_79 = arith.constant 0 : i32
    %dma_start3A_80 = arith.constant 0 : i32
    %dma_start3A_81 = tpu.memref_slice %arg4[%dma_start3A_79, %add3A_69, %dma_start3A_80] : memref<16x256x576xf32, #tpu.memory_space<hbm>> -> memref<16x1x576xf32, #tpu.memory_space<hbm>>
    %dma_start3A_82 = tpu.memref_squeeze %dma_start3A_81 : memref<16x1x576xf32, #tpu.memory_space<hbm>> -> memref<16x576xf32, #tpu.memory_space<hbm>>
    %dma_start3A_83 = arith.constant 0 : i32
    %dma_start3A_84 = arith.constant 0 : i32
    %dma_start3A_85 = tpu.memref_slice %arg7[%dma_start3A_70, %dma_start3A_83, %dma_start3A_84] : memref<8x16x576xf32, #tpu.memory_space<vmem>> -> memref<1x16x576xf32, #tpu.memory_space<vmem>>
    %dma_start3A_86 = tpu.memref_squeeze %dma_start3A_85 : memref<1x16x576xf32, #tpu.memory_space<vmem>> -> memref<16x576xf32, #tpu.memory_space<vmem>>
    tpu.enqueue_dma source(%dma_start3A_86 : memref<16x576xf32, #tpu.memory_space<vmem>>) target(%dma_start3A_82 : memref<16x576xf32, #tpu.memory_space<hbm>>) target_semaphore(%arg8 : memref<!tpu.dma_semaphore, #tpu.memory_space<semaphore_mem>>)
    %add3A_87 = arith.constant 2 : i32
    %add3A_88 = arith.addi %mul3A_2, %add3A_87 : i32
    %dma_start3A_89 = arith.constant 2 : i32
    %dma_start3A_90 = arith.constant 0 : i32
    %dma_start3A_91 = arith.constant 0 : i32
    %dma_start3A_92 = tpu.memref_slice %arg7[%dma_start3A_89, %dma_start3A_90, %dma_start3A_91] : memref<8x16x576xf32, #tpu.memory_space<vmem>> -> memref<1x16x576xf32, #tpu.memory_space<vmem>>
    %dma_start3A_93 = tpu.memref_squeeze %dma_start3A_92 : memref<1x16x576xf32, #tpu.memory_space<vmem>> -> memref<16x576xf32, #tpu.memory_space<vmem>>
    %dma_start3A_94 = arith.constant 0 : i32
    %dma_start3A_95 = arith.constant 0 : i32
    %dma_start3A_96 = tpu.memref_slice %arg4[%dma_start3A_94, %add3A_88, %dma_start3A_95] : memref<16x256x576xf32, #tpu.memory_space<hbm>> -> memref<16x1x576xf32, #tpu.memory_space<hbm>>
    %dma_start3A_97 = tpu.memref_squeeze %dma_start3A_96 : memref<16x1x576xf32, #tpu.memory_space<hbm>> -> memref<16x576xf32, #tpu.memory_space<hbm>>
    %dma_start3A_98 = arith.constant 0 : i32
    %dma_start3A_99 = arith.constant 0 : i32
    %dma_start3A_100 = tpu.memref_slice %arg4[%dma_start3A_98, %add3A_88, %dma_start3A_99] : memref<16x256x576xf32, #tpu.memory_space<hbm>> -> memref<16x1x576xf32, #tpu.memory_space<hbm>>
    %dma_start3A_101 = tpu.memref_squeeze %dma_start3A_100 : memref<16x1x576xf32, #tpu.memory_space<hbm>> -> memref<16x576xf32, #tpu.memory_space<hbm>>
    %dma_start3A_102 = arith.constant 0 : i32
    %dma_start3A_103 = arith.constant 0 : i32
    %dma_start3A_104 = tpu.memref_slice %arg7[%dma_start3A_89, %dma_start3A_102, %dma_start3A_103] : memref<8x16x576xf32, #tpu.memory_space<vmem>> -> memref<1x16x576xf32, #tpu.memory_space<vmem>>
    %dma_start3A_105 = tpu.memref_squeeze %dma_start3A_104 : memref<1x16x576xf32, #tpu.memory_space<vmem>> -> memref<16x576xf32, #tpu.memory_space<vmem>>
    tpu.enqueue_dma source(%dma_start3A_105 : memref<16x576xf32, #tpu.memory_space<vmem>>) target(%dma_start3A_101 : memref<16x576xf32, #tpu.memory_space<hbm>>) target_semaphore(%arg8 : memref<!tpu.dma_semaphore, #tpu.memory_space<semaphore_mem>>)
    %add3A_106 = arith.constant 3 : i32
    %add3A_107 = arith.addi %mul3A_2, %add3A_106 : i32
    %dma_start3A_108 = arith.constant 3 : i32
    %dma_start3A_109 = arith.constant 0 : i32
    %dma_start3A_110 = arith.constant 0 : i32
    %dma_start3A_111 = tpu.memref_slice %arg7[%dma_start3A_108, %dma_start3A_109, %dma_start3A_110] : memref<8x16x576xf32, #tpu.memory_space<vmem>> -> memref<1x16x576xf32, #tpu.memory_space<vmem>>
    %dma_start3A_112 = tpu.memref_squeeze %dma_start3A_111 : memref<1x16x576xf32, #tpu.memory_space<vmem>> -> memref<16x576xf32, #tpu.memory_space<vmem>>
    %dma_start3A_113 = arith.constant 0 : i32
    %dma_start3A_114 = arith.constant 0 : i32
    %dma_start3A_115 = tpu.memref_slice %arg4[%dma_start3A_113, %add3A_107, %dma_start3A_114] : memref<16x256x576xf32, #tpu.memory_space<hbm>> -> memref<16x1x576xf32, #tpu.memory_space<hbm>>
    %dma_start3A_116 = tpu.memref_squeeze %dma_start3A_115 : memref<16x1x576xf32, #tpu.memory_space<hbm>> -> memref<16x576xf32, #tpu.memory_space<hbm>>
    %dma_start3A_117 = arith.constant 0 : i32
    %dma_start3A_118 = arith.constant 0 : i32
    %dma_start3A_119 = tpu.memref_slice %arg4[%dma_start3A_117, %add3A_107, %dma_start3A_118] : memref<16x256x576xf32, #tpu.memory_space<hbm>> -> memref<16x1x576xf32, #tpu.memory_space<hbm>>
    %dma_start3A_120 = tpu.memref_squeeze %dma_start3A_119 : memref<16x1x576xf32, #tpu.memory_space<hbm>> -> memref<16x576xf32, #tpu.memory_space<hbm>>
    %dma_start3A_121 = arith.constant 0 : i32
    %dma_start3A_122 = arith.constant 0 : i32
    %dma_start3A_123 = tpu.memref_slice %arg7[%dma_start3A_108, %dma_start3A_121, %dma_start3A_122] : memref<8x16x576xf32, #tpu.memory_space<vmem>> -> memref<1x16x576xf32, #tpu.memory_space<vmem>>
    %dma_start3A_124 = tpu.memref_squeeze %dma_start3A_123 : memref<1x16x576xf32, #tpu.memory_space<vmem>> -> memref<16x576xf32, #tpu.memory_space<vmem>>
    tpu.enqueue_dma source(%dma_start3A_124 : memref<16x576xf32, #tpu.memory_space<vmem>>) target(%dma_start3A_120 : memref<16x576xf32, #tpu.memory_space<hbm>>) target_semaphore(%arg8 : memref<!tpu.dma_semaphore, #tpu.memory_space<semaphore_mem>>)
    %add3A_125 = arith.constant 4 : i32
    %add3A_126 = arith.addi %mul3A_2, %add3A_125 : i32
    %dma_start3A_127 = arith.constant 4 : i32
    %dma_start3A_128 = arith.constant 0 : i32
    %dma_start3A_129 = arith.constant 0 : i32
    %dma_start3A_130 = tpu.memref_slice %arg7[%dma_start3A_127, %dma_start3A_128, %dma_start3A_129] : memref<8x16x576xf32, #tpu.memory_space<vmem>> -> memref<1x16x576xf32, #tpu.memory_space<vmem>>
    %dma_start3A_131 = tpu.memref_squeeze %dma_start3A_130 : memref<1x16x576xf32, #tpu.memory_space<vmem>> -> memref<16x576xf32, #tpu.memory_space<vmem>>
    %dma_start3A_132 = arith.constant 0 : i32
    %dma_start3A_133 = arith.constant 0 : i32
    %dma_start3A_134 = tpu.memref_slice %arg4[%dma_start3A_132, %add3A_126, %dma_start3A_133] : memref<16x256x576xf32, #tpu.memory_space<hbm>> -> memref<16x1x576xf32, #tpu.memory_space<hbm>>
    %dma_start3A_135 = tpu.memref_squeeze %dma_start3A_134 : memref<16x1x576xf32, #tpu.memory_space<hbm>> -> memref<16x576xf32, #tpu.memory_space<hbm>>
    %dma_start3A_136 = arith.constant 0 : i32
    %dma_start3A_137 = arith.constant 0 : i32
    %dma_start3A_138 = tpu.memref_slice %arg4[%dma_start3A_136, %add3A_126, %dma_start3A_137] : memref<16x256x576xf32, #tpu.memory_space<hbm>> -> memref<16x1x576xf32, #tpu.memory_space<hbm>>
    %dma_start3A_139 = tpu.memref_squeeze %dma_start3A_138 : memref<16x1x576xf32, #tpu.memory_space<hbm>> -> memref<16x576xf32, #tpu.memory_space<hbm>>
    %dma_start3A_140 = arith.constant 0 : i32
    %dma_start3A_141 = arith.constant 0 : i32
    %dma_start3A_142 = tpu.memref_slice %arg7[%dma_start3A_127, %dma_start3A_140, %dma_start3A_141] : memref<8x16x576xf32, #tpu.memory_space<vmem>> -> memref<1x16x576xf32, #tpu.memory_space<vmem>>
    %dma_start3A_143 = tpu.memref_squeeze %dma_start3A_142 : memref<1x16x576xf32, #tpu.memory_space<vmem>> -> memref<16x576xf32, #tpu.memory_space<vmem>>
    tpu.enqueue_dma source(%dma_start3A_143 : memref<16x576xf32, #tpu.memory_space<vmem>>) target(%dma_start3A_139 : memref<16x576xf32, #tpu.memory_space<hbm>>) target_semaphore(%arg8 : memref<!tpu.dma_semaphore, #tpu.memory_space<semaphore_mem>>)
    %add3A_144 = arith.constant 5 : i32
    %add3A_145 = arith.addi %mul3A_2, %add3A_144 : i32
    %dma_start3A_146 = arith.constant 5 : i32
    %dma_start3A_147 = arith.constant 0 : i32
    %dma_start3A_148 = arith.constant 0 : i32
    %dma_start3A_149 = tpu.memref_slice %arg7[%dma_start3A_146, %dma_start3A_147, %dma_start3A_148] : memref<8x16x576xf32, #tpu.memory_space<vmem>> -> memref<1x16x576xf32, #tpu.memory_space<vmem>>
    %dma_start3A_150 = tpu.memref_squeeze %dma_start3A_149 : memref<1x16x576xf32, #tpu.memory_space<vmem>> -> memref<16x576xf32, #tpu.memory_space<vmem>>
    %dma_start3A_151 = arith.constant 0 : i32
    %dma_start3A_152 = arith.constant 0 : i32
    %dma_start3A_153 = tpu.memref_slice %arg4[%dma_start3A_151, %add3A_145, %dma_start3A_152] : memref<16x256x576xf32, #tpu.memory_space<hbm>> -> memref<16x1x576xf32, #tpu.memory_space<hbm>>
    %dma_start3A_154 = tpu.memref_squeeze %dma_start3A_153 : memref<16x1x576xf32, #tpu.memory_space<hbm>> -> memref<16x576xf32, #tpu.memory_space<hbm>>
    %dma_start3A_155 = arith.constant 0 : i32
    %dma_start3A_156 = arith.constant 0 : i32
    %dma_start3A_157 = tpu.memref_slice %arg4[%dma_start3A_155, %add3A_145, %dma_start3A_156] : memref<16x256x576xf32, #tpu.memory_space<hbm>> -> memref<16x1x576xf32, #tpu.memory_space<hbm>>
    %dma_start3A_158 = tpu.memref_squeeze %dma_start3A_157 : memref<16x1x576xf32, #tpu.memory_space<hbm>> -> memref<16x576xf32, #tpu.memory_space<hbm>>
    %dma_start3A_159 = arith.constant 0 : i32
    %dma_start3A_160 = arith.constant 0 : i32
    %dma_start3A_161 = tpu.memref_slice %arg7[%dma_start3A_146, %dma_start3A_159, %dma_start3A_160] : memref<8x16x576xf32, #tpu.memory_space<vmem>> -> memref<1x16x576xf32, #tpu.memory_space<vmem>>
    %dma_start3A_162 = tpu.memref_squeeze %dma_start3A_161 : memref<1x16x576xf32, #tpu.memory_space<vmem>> -> memref<16x576xf32, #tpu.memory_space<vmem>>
    tpu.enqueue_dma source(%dma_start3A_162 : memref<16x576xf32, #tpu.memory_space<vmem>>) target(%dma_start3A_158 : memref<16x576xf32, #tpu.memory_space<hbm>>) target_semaphore(%arg8 : memref<!tpu.dma_semaphore, #tpu.memory_space<semaphore_mem>>)
    %add3A_163 = arith.constant 6 : i32
    %add3A_164 = arith.addi %mul3A_2, %add3A_163 : i32
    %dma_start3A_165 = arith.constant 6 : i32
    %dma_start3A_166 = arith.constant 0 : i32
    %dma_start3A_167 = arith.constant 0 : i32
    %dma_start3A_168 = tpu.memref_slice %arg7[%dma_start3A_165, %dma_start3A_166, %dma_start3A_167] : memref<8x16x576xf32, #tpu.memory_space<vmem>> -> memref<1x16x576xf32, #tpu.memory_space<vmem>>
    %dma_start3A_169 = tpu.memref_squeeze %dma_start3A_168 : memref<1x16x576xf32, #tpu.memory_space<vmem>> -> memref<16x576xf32, #tpu.memory_space<vmem>>
    %dma_start3A_170 = arith.constant 0 : i32
    %dma_start3A_171 = arith.constant 0 : i32
    %dma_start3A_172 = tpu.memref_slice %arg4[%dma_start3A_170, %add3A_164, %dma_start3A_171] : memref<16x256x576xf32, #tpu.memory_space<hbm>> -> memref<16x1x576xf32, #tpu.memory_space<hbm>>
    %dma_start3A_173 = tpu.memref_squeeze %dma_start3A_172 : memref<16x1x576xf32, #tpu.memory_space<hbm>> -> memref<16x576xf32, #tpu.memory_space<hbm>>
    %dma_start3A_174 = arith.constant 0 : i32
    %dma_start3A_175 = arith.constant 0 : i32
    %dma_start3A_176 = tpu.memref_slice %arg4[%dma_start3A_174, %add3A_164, %dma_start3A_175] : memref<16x256x576xf32, #tpu.memory_space<hbm>> -> memref<16x1x576xf32, #tpu.memory_space<hbm>>
    %dma_start3A_177 = tpu.memref_squeeze %dma_start3A_176 : memref<16x1x576xf32, #tpu.memory_space<hbm>> -> memref<16x576xf32, #tpu.memory_space<hbm>>
    %dma_start3A_178 = arith.constant 0 : i32
    %dma_start3A_179 = arith.constant 0 : i32
    %dma_start3A_180 = tpu.memref_slice %arg7[%dma_start3A_165, %dma_start3A_178, %dma_start3A_179] : memref<8x16x576xf32, #tpu.memory_space<vmem>> -> memref<1x16x576xf32, #tpu.memory_space<vmem>>
    %dma_start3A_181 = tpu.memref_squeeze %dma_start3A_180 : memref<1x16x576xf32, #tpu.memory_space<vmem>> -> memref<16x576xf32, #tpu.memory_space<vmem>>
    tpu.enqueue_dma source(%dma_start3A_181 : memref<16x576xf32, #tpu.memory_space<vmem>>) target(%dma_start3A_177 : memref<16x576xf32, #tpu.memory_space<hbm>>) target_semaphore(%arg8 : memref<!tpu.dma_semaphore, #tpu.memory_space<semaphore_mem>>)
    %add3A_182 = arith.constant 7 : i32
    %add3A_183 = arith.addi %mul3A_2, %add3A_182 : i32
    %dma_start3A_184 = arith.constant 7 : i32
    %dma_start3A_185 = arith.constant 0 : i32
    %dma_start3A_186 = arith.constant 0 : i32
    %dma_start3A_187 = tpu.memref_slice %arg7[%dma_start3A_184, %dma_start3A_185, %dma_start3A_186] : memref<8x16x576xf32, #tpu.memory_space<vmem>> -> memref<1x16x576xf32, #tpu.memory_space<vmem>>
    %dma_start3A_188 = tpu.memref_squeeze %dma_start3A_187 : memref<1x16x576xf32, #tpu.memory_space<vmem>> -> memref<16x576xf32, #tpu.memory_space<vmem>>
    %dma_start3A_189 = arith.constant 0 : i32
    %dma_start3A_190 = arith.constant 0 : i32
    %dma_start3A_191 = tpu.memref_slice %arg4[%dma_start3A_189, %add3A_183, %dma_start3A_190] : memref<16x256x576xf32, #tpu.memory_space<hbm>> -> memref<16x1x576xf32, #tpu.memory_space<hbm>>
    %dma_start3A_192 = tpu.memref_squeeze %dma_start3A_191 : memref<16x1x576xf32, #tpu.memory_space<hbm>> -> memref<16x576xf32, #tpu.memory_space<hbm>>
    %dma_start3A_193 = arith.constant 0 : i32
    %dma_start3A_194 = arith.constant 0 : i32
    %dma_start3A_195 = tpu.memref_slice %arg4[%dma_start3A_193, %add3A_183, %dma_start3A_194] : memref<16x256x576xf32, #tpu.memory_space<hbm>> -> memref<16x1x576xf32, #tpu.memory_space<hbm>>
    %dma_start3A_196 = tpu.memref_squeeze %dma_start3A_195 : memref<16x1x576xf32, #tpu.memory_space<hbm>> -> memref<16x576xf32, #tpu.memory_space<hbm>>
    %dma_start3A_197 = arith.constant 0 : i32
    %dma_start3A_198 = arith.constant 0 : i32
    %dma_start3A_199 = tpu.memref_slice %arg7[%dma_start3A_184, %dma_start3A_197, %dma_start3A_198] : memref<8x16x576xf32, #tpu.memory_space<vmem>> -> memref<1x16x576xf32, #tpu.memory_space<vmem>>
    %dma_start3A_200 = tpu.memref_squeeze %dma_start3A_199 : memref<1x16x576xf32, #tpu.memory_space<vmem>> -> memref<16x576xf32, #tpu.memory_space<vmem>>
    tpu.enqueue_dma source(%dma_start3A_200 : memref<16x576xf32, #tpu.memory_space<vmem>>) target(%dma_start3A_196 : memref<16x576xf32, #tpu.memory_space<hbm>>) target_semaphore(%arg8 : memref<!tpu.dma_semaphore, #tpu.memory_space<semaphore_mem>>)
    %dma_wait3A = arith.constant 0 : i32
    %dma_wait3A_201 = arith.constant 0 : i32
    %dma_wait3A_202 = arith.constant 0 : i32
    %dma_wait3A_203 = tpu.memref_slice %arg7[%dma_wait3A, %dma_wait3A_201, %dma_wait3A_202] : memref<8x16x576xf32, #tpu.memory_space<vmem>> -> memref<1x16x576xf32, #tpu.memory_space<vmem>>
    %dma_wait3A_204 = tpu.memref_squeeze %dma_wait3A_203 : memref<1x16x576xf32, #tpu.memory_space<vmem>> -> memref<16x576xf32, #tpu.memory_space<vmem>>
    %dma_wait3A_205 = arith.constant 0 : i32
    %dma_wait3A_206 = arith.constant 0 : i32
    %dma_wait3A_207 = tpu.memref_slice %arg4[%dma_wait3A_205, %add3A_51, %dma_wait3A_206] : memref<16x256x576xf32, #tpu.memory_space<hbm>> -> memref<16x1x576xf32, #tpu.memory_space<hbm>>
    %dma_wait3A_208 = tpu.memref_squeeze %dma_wait3A_207 : memref<16x1x576xf32, #tpu.memory_space<hbm>> -> memref<16x576xf32, #tpu.memory_space<hbm>>
    %dma_wait3A_209 = arith.constant 0 : i32
    %dma_wait3A_210 = arith.constant 0 : i32
    %dma_wait3A_211 = tpu.memref_slice %arg4[%dma_wait3A_209, %add3A_51, %dma_wait3A_210] : memref<16x256x576xf32, #tpu.memory_space<hbm>> -> memref<16x1x576xf32, #tpu.memory_space<hbm>>
    %dma_wait3A_212 = tpu.memref_squeeze %dma_wait3A_211 : memref<16x1x576xf32, #tpu.memory_space<hbm>> -> memref<16x576xf32, #tpu.memory_space<hbm>>
    %dma_wait3A_213 = arith.constant 0 : i32
    %dma_wait3A_214 = arith.constant 0 : i32
    %dma_wait3A_215 = tpu.memref_slice %arg7[%dma_wait3A, %dma_wait3A_213, %dma_wait3A_214] : memref<8x16x576xf32, #tpu.memory_space<vmem>> -> memref<1x16x576xf32, #tpu.memory_space<vmem>>
    %dma_wait3A_216 = tpu.memref_squeeze %dma_wait3A_215 : memref<1x16x576xf32, #tpu.memory_space<vmem>> -> memref<16x576xf32, #tpu.memory_space<vmem>>
    tpu.wait_dma2 semaphore(%arg8 : memref<!tpu.dma_semaphore, #tpu.memory_space<semaphore_mem>>) src(%dma_wait3A_216 : memref<16x576xf32, #tpu.memory_space<vmem>>) dst(%dma_wait3A_212 : memref<16x576xf32, #tpu.memory_space<hbm>>)
    %dma_wait3A_217 = arith.constant 1 : i32
    %dma_wait3A_218 = arith.constant 0 : i32
    %dma_wait3A_219 = arith.constant 0 : i32
    %dma_wait3A_220 = tpu.memref_slice %arg7[%dma_wait3A_217, %dma_wait3A_218, %dma_wait3A_219] : memref<8x16x576xf32, #tpu.memory_space<vmem>> -> memref<1x16x576xf32, #tpu.memory_space<vmem>>
    %dma_wait3A_221 = tpu.memref_squeeze %dma_wait3A_220 : memref<1x16x576xf32, #tpu.memory_space<vmem>> -> memref<16x576xf32, #tpu.memory_space<vmem>>
    %dma_wait3A_222 = arith.constant 0 : i32
    %dma_wait3A_223 = arith.constant 0 : i32
    %dma_wait3A_224 = tpu.memref_slice %arg4[%dma_wait3A_222, %add3A_69, %dma_wait3A_223] : memref<16x256x576xf32, #tpu.memory_space<hbm>> -> memref<16x1x576xf32, #tpu.memory_space<hbm>>
    %dma_wait3A_225 = tpu.memref_squeeze %dma_wait3A_224 : memref<16x1x576xf32, #tpu.memory_space<hbm>> -> memref<16x576xf32, #tpu.memory_space<hbm>>
    %dma_wait3A_226 = arith.constant 0 : i32
    %dma_wait3A_227 = arith.constant 0 : i32
    %dma_wait3A_228 = tpu.memref_slice %arg4[%dma_wait3A_226, %add3A_69, %dma_wait3A_227] : memref<16x256x576xf32, #tpu.memory_space<hbm>> -> memref<16x1x576xf32, #tpu.memory_space<hbm>>
    %dma_wait3A_229 = tpu.memref_squeeze %dma_wait3A_228 : memref<16x1x576xf32, #tpu.memory_space<hbm>> -> memref<16x576xf32, #tpu.memory_space<hbm>>
    %dma_wait3A_230 = arith.constant 0 : i32
    %dma_wait3A_231 = arith.constant 0 : i32
    %dma_wait3A_232 = tpu.memref_slice %arg7[%dma_wait3A_217, %dma_wait3A_230, %dma_wait3A_231] : memref<8x16x576xf32, #tpu.memory_space<vmem>> -> memref<1x16x576xf32, #tpu.memory_space<vmem>>
    %dma_wait3A_233 = tpu.memref_squeeze %dma_wait3A_232 : memref<1x16x576xf32, #tpu.memory_space<vmem>> -> memref<16x576xf32, #tpu.memory_space<vmem>>
    tpu.wait_dma2 semaphore(%arg8 : memref<!tpu.dma_semaphore, #tpu.memory_space<semaphore_mem>>) src(%dma_wait3A_233 : memref<16x576xf32, #tpu.memory_space<vmem>>) dst(%dma_wait3A_229 : memref<16x576xf32, #tpu.memory_space<hbm>>)
    %dma_wait3A_234 = arith.constant 2 : i32
    %dma_wait3A_235 = arith.constant 0 : i32
    %dma_wait3A_236 = arith.constant 0 : i32
    %dma_wait3A_237 = tpu.memref_slice %arg7[%dma_wait3A_234, %dma_wait3A_235, %dma_wait3A_236] : memref<8x16x576xf32, #tpu.memory_space<vmem>> -> memref<1x16x576xf32, #tpu.memory_space<vmem>>
    %dma_wait3A_238 = tpu.memref_squeeze %dma_wait3A_237 : memref<1x16x576xf32, #tpu.memory_space<vmem>> -> memref<16x576xf32, #tpu.memory_space<vmem>>
    %dma_wait3A_239 = arith.constant 0 : i32
    %dma_wait3A_240 = arith.constant 0 : i32
    %dma_wait3A_241 = tpu.memref_slice %arg4[%dma_wait3A_239, %add3A_88, %dma_wait3A_240] : memref<16x256x576xf32, #tpu.memory_space<hbm>> -> memref<16x1x576xf32, #tpu.memory_space<hbm>>
    %dma_wait3A_242 = tpu.memref_squeeze %dma_wait3A_241 : memref<16x1x576xf32, #tpu.memory_space<hbm>> -> memref<16x576xf32, #tpu.memory_space<hbm>>
    %dma_wait3A_243 = arith.constant 0 : i32
    %dma_wait3A_244 = arith.constant 0 : i32
    %dma_wait3A_245 = tpu.memref_slice %arg4[%dma_wait3A_243, %add3A_88, %dma_wait3A_244] : memref<16x256x576xf32, #tpu.memory_space<hbm>> -> memref<16x1x576xf32, #tpu.memory_space<hbm>>
    %dma_wait3A_246 = tpu.memref_squeeze %dma_wait3A_245 : memref<16x1x576xf32, #tpu.memory_space<hbm>> -> memref<16x576xf32, #tpu.memory_space<hbm>>
    %dma_wait3A_247 = arith.constant 0 : i32
    %dma_wait3A_248 = arith.constant 0 : i32
    %dma_wait3A_249 = tpu.memref_slice %arg7[%dma_wait3A_234, %dma_wait3A_247, %dma_wait3A_248] : memref<8x16x576xf32, #tpu.memory_space<vmem>> -> memref<1x16x576xf32, #tpu.memory_space<vmem>>
    %dma_wait3A_250 = tpu.memref_squeeze %dma_wait3A_249 : memref<1x16x576xf32, #tpu.memory_space<vmem>> -> memref<16x576xf32, #tpu.memory_space<vmem>>
    tpu.wait_dma2 semaphore(%arg8 : memref<!tpu.dma_semaphore, #tpu.memory_space<semaphore_mem>>) src(%dma_wait3A_250 : memref<16x576xf32, #tpu.memory_space<vmem>>) dst(%dma_wait3A_246 : memref<16x576xf32, #tpu.memory_space<hbm>>)
    %dma_wait3A_251 = arith.constant 3 : i32
    %dma_wait3A_252 = arith.constant 0 : i32
    %dma_wait3A_253 = arith.constant 0 : i32
    %dma_wait3A_254 = tpu.memref_slice %arg7[%dma_wait3A_251, %dma_wait3A_252, %dma_wait3A_253] : memref<8x16x576xf32, #tpu.memory_space<vmem>> -> memref<1x16x576xf32, #tpu.memory_space<vmem>>
    %dma_wait3A_255 = tpu.memref_squeeze %dma_wait3A_254 : memref<1x16x576xf32, #tpu.memory_space<vmem>> -> memref<16x576xf32, #tpu.memory_space<vmem>>
    %dma_wait3A_256 = arith.constant 0 : i32
    %dma_wait3A_257 = arith.constant 0 : i32
    %dma_wait3A_258 = tpu.memref_slice %arg4[%dma_wait3A_256, %add3A_107, %dma_wait3A_257] : memref<16x256x576xf32, #tpu.memory_space<hbm>> -> memref<16x1x576xf32, #tpu.memory_space<hbm>>
    %dma_wait3A_259 = tpu.memref_squeeze %dma_wait3A_258 : memref<16x1x576xf32, #tpu.memory_space<hbm>> -> memref<16x576xf32, #tpu.memory_space<hbm>>
    %dma_wait3A_260 = arith.constant 0 : i32
    %dma_wait3A_261 = arith.constant 0 : i32
    %dma_wait3A_262 = tpu.memref_slice %arg4[%dma_wait3A_260, %add3A_107, %dma_wait3A_261] : memref<16x256x576xf32, #tpu.memory_space<hbm>> -> memref<16x1x576xf32, #tpu.memory_space<hbm>>
    %dma_wait3A_263 = tpu.memref_squeeze %dma_wait3A_262 : memref<16x1x576xf32, #tpu.memory_space<hbm>> -> memref<16x576xf32, #tpu.memory_space<hbm>>
    %dma_wait3A_264 = arith.constant 0 : i32
    %dma_wait3A_265 = arith.constant 0 : i32
    %dma_wait3A_266 = tpu.memref_slice %arg7[%dma_wait3A_251, %dma_wait3A_264, %dma_wait3A_265] : memref<8x16x576xf32, #tpu.memory_space<vmem>> -> memref<1x16x576xf32, #tpu.memory_space<vmem>>
    %dma_wait3A_267 = tpu.memref_squeeze %dma_wait3A_266 : memref<1x16x576xf32, #tpu.memory_space<vmem>> -> memref<16x576xf32, #tpu.memory_space<vmem>>
    tpu.wait_dma2 semaphore(%arg8 : memref<!tpu.dma_semaphore, #tpu.memory_space<semaphore_mem>>) src(%dma_wait3A_267 : memref<16x576xf32, #tpu.memory_space<vmem>>) dst(%dma_wait3A_263 : memref<16x576xf32, #tpu.memory_space<hbm>>)
    %dma_wait3A_268 = arith.constant 4 : i32
    %dma_wait3A_269 = arith.constant 0 : i32
    %dma_wait3A_270 = arith.constant 0 : i32
    %dma_wait3A_271 = tpu.memref_slice %arg7[%dma_wait3A_268, %dma_wait3A_269, %dma_wait3A_270] : memref<8x16x576xf32, #tpu.memory_space<vmem>> -> memref<1x16x576xf32, #tpu.memory_space<vmem>>
    %dma_wait3A_272 = tpu.memref_squeeze %dma_wait3A_271 : memref<1x16x576xf32, #tpu.memory_space<vmem>> -> memref<16x576xf32, #tpu.memory_space<vmem>>
    %dma_wait3A_273 = arith.constant 0 : i32
    %dma_wait3A_274 = arith.constant 0 : i32
    %dma_wait3A_275 = tpu.memref_slice %arg4[%dma_wait3A_273, %add3A_126, %dma_wait3A_274] : memref<16x256x576xf32, #tpu.memory_space<hbm>> -> memref<16x1x576xf32, #tpu.memory_space<hbm>>
    %dma_wait3A_276 = tpu.memref_squeeze %dma_wait3A_275 : memref<16x1x576xf32, #tpu.memory_space<hbm>> -> memref<16x576xf32, #tpu.memory_space<hbm>>
    %dma_wait3A_277 = arith.constant 0 : i32
    %dma_wait3A_278 = arith.constant 0 : i32
    %dma_wait3A_279 = tpu.memref_slice %arg4[%dma_wait3A_277, %add3A_126, %dma_wait3A_278] : memref<16x256x576xf32, #tpu.memory_space<hbm>> -> memref<16x1x576xf32, #tpu.memory_space<hbm>>
    %dma_wait3A_280 = tpu.memref_squeeze %dma_wait3A_279 : memref<16x1x576xf32, #tpu.memory_space<hbm>> -> memref<16x576xf32, #tpu.memory_space<hbm>>
    %dma_wait3A_281 = arith.constant 0 : i32
    %dma_wait3A_282 = arith.constant 0 : i32
    %dma_wait3A_283 = tpu.memref_slice %arg7[%dma_wait3A_268, %dma_wait3A_281, %dma_wait3A_282] : memref<8x16x576xf32, #tpu.memory_space<vmem>> -> memref<1x16x576xf32, #tpu.memory_space<vmem>>
    %dma_wait3A_284 = tpu.memref_squeeze %dma_wait3A_283 : memref<1x16x576xf32, #tpu.memory_space<vmem>> -> memref<16x576xf32, #tpu.memory_space<vmem>>
    tpu.wait_dma2 semaphore(%arg8 : memref<!tpu.dma_semaphore, #tpu.memory_space<semaphore_mem>>) src(%dma_wait3A_284 : memref<16x576xf32, #tpu.memory_space<vmem>>) dst(%dma_wait3A_280 : memref<16x576xf32, #tpu.memory_space<hbm>>)
    %dma_wait3A_285 = arith.constant 5 : i32
    %dma_wait3A_286 = arith.constant 0 : i32
    %dma_wait3A_287 = arith.constant 0 : i32
    %dma_wait3A_288 = tpu.memref_slice %arg7[%dma_wait3A_285, %dma_wait3A_286, %dma_wait3A_287] : memref<8x16x576xf32, #tpu.memory_space<vmem>> -> memref<1x16x576xf32, #tpu.memory_space<vmem>>
    %dma_wait3A_289 = tpu.memref_squeeze %dma_wait3A_288 : memref<1x16x576xf32, #tpu.memory_space<vmem>> -> memref<16x576xf32, #tpu.memory_space<vmem>>
    %dma_wait3A_290 = arith.constant 0 : i32
    %dma_wait3A_291 = arith.constant 0 : i32
    %dma_wait3A_292 = tpu.memref_slice %arg4[%dma_wait3A_290, %add3A_145, %dma_wait3A_291] : memref<16x256x576xf32, #tpu.memory_space<hbm>> -> memref<16x1x576xf32, #tpu.memory_space<hbm>>
    %dma_wait3A_293 = tpu.memref_squeeze %dma_wait3A_292 : memref<16x1x576xf32, #tpu.memory_space<hbm>> -> memref<16x576xf32, #tpu.memory_space<hbm>>
    %dma_wait3A_294 = arith.constant 0 : i32
    %dma_wait3A_295 = arith.constant 0 : i32
    %dma_wait3A_296 = tpu.memref_slice %arg4[%dma_wait3A_294, %add3A_145, %dma_wait3A_295] : memref<16x256x576xf32, #tpu.memory_space<hbm>> -> memref<16x1x576xf32, #tpu.memory_space<hbm>>
    %dma_wait3A_297 = tpu.memref_squeeze %dma_wait3A_296 : memref<16x1x576xf32, #tpu.memory_space<hbm>> -> memref<16x576xf32, #tpu.memory_space<hbm>>
    %dma_wait3A_298 = arith.constant 0 : i32
    %dma_wait3A_299 = arith.constant 0 : i32
    %dma_wait3A_300 = tpu.memref_slice %arg7[%dma_wait3A_285, %dma_wait3A_298, %dma_wait3A_299] : memref<8x16x576xf32, #tpu.memory_space<vmem>> -> memref<1x16x576xf32, #tpu.memory_space<vmem>>
    %dma_wait3A_301 = tpu.memref_squeeze %dma_wait3A_300 : memref<1x16x576xf32, #tpu.memory_space<vmem>> -> memref<16x576xf32, #tpu.memory_space<vmem>>
    tpu.wait_dma2 semaphore(%arg8 : memref<!tpu.dma_semaphore, #tpu.memory_space<semaphore_mem>>) src(%dma_wait3A_301 : memref<16x576xf32, #tpu.memory_space<vmem>>) dst(%dma_wait3A_297 : memref<16x576xf32, #tpu.memory_space<hbm>>)
    %dma_wait3A_302 = arith.constant 6 : i32
    %dma_wait3A_303 = arith.constant 0 : i32
    %dma_wait3A_304 = arith.constant 0 : i32
    %dma_wait3A_305 = tpu.memref_slice %arg7[%dma_wait3A_302, %dma_wait3A_303, %dma_wait3A_304] : memref<8x16x576xf32, #tpu.memory_space<vmem>> -> memref<1x16x576xf32, #tpu.memory_space<vmem>>
    %dma_wait3A_306 = tpu.memref_squeeze %dma_wait3A_305 : memref<1x16x576xf32, #tpu.memory_space<vmem>> -> memref<16x576xf32, #tpu.memory_space<vmem>>
    %dma_wait3A_307 = arith.constant 0 : i32
    %dma_wait3A_308 = arith.constant 0 : i32
    %dma_wait3A_309 = tpu.memref_slice %arg4[%dma_wait3A_307, %add3A_164, %dma_wait3A_308] : memref<16x256x576xf32, #tpu.memory_space<hbm>> -> memref<16x1x576xf32, #tpu.memory_space<hbm>>
    %dma_wait3A_310 = tpu.memref_squeeze %dma_wait3A_309 : memref<16x1x576xf32, #tpu.memory_space<hbm>> -> memref<16x576xf32, #tpu.memory_space<hbm>>
    %dma_wait3A_311 = arith.constant 0 : i32
    %dma_wait3A_312 = arith.constant 0 : i32
    %dma_wait3A_313 = tpu.memref_slice %arg4[%dma_wait3A_311, %add3A_164, %dma_wait3A_312] : memref<16x256x576xf32, #tpu.memory_space<hbm>> -> memref<16x1x576xf32, #tpu.memory_space<hbm>>
    %dma_wait3A_314 = tpu.memref_squeeze %dma_wait3A_313 : memref<16x1x576xf32, #tpu.memory_space<hbm>> -> memref<16x576xf32, #tpu.memory_space<hbm>>
    %dma_wait3A_315 = arith.constant 0 : i32
    %dma_wait3A_316 = arith.constant 0 : i32
    %dma_wait3A_317 = tpu.memref_slice %arg7[%dma_wait3A_302, %dma_wait3A_315, %dma_wait3A_316] : memref<8x16x576xf32, #tpu.memory_space<vmem>> -> memref<1x16x576xf32, #tpu.memory_space<vmem>>
    %dma_wait3A_318 = tpu.memref_squeeze %dma_wait3A_317 : memref<1x16x576xf32, #tpu.memory_space<vmem>> -> memref<16x576xf32, #tpu.memory_space<vmem>>
    tpu.wait_dma2 semaphore(%arg8 : memref<!tpu.dma_semaphore, #tpu.memory_space<semaphore_mem>>) src(%dma_wait3A_318 : memref<16x576xf32, #tpu.memory_space<vmem>>) dst(%dma_wait3A_314 : memref<16x576xf32, #tpu.memory_space<hbm>>)
    %dma_wait3A_319 = arith.constant 7 : i32
    %dma_wait3A_320 = arith.constant 0 : i32
    %dma_wait3A_321 = arith.constant 0 : i32
    %dma_wait3A_322 = tpu.memref_slice %arg7[%dma_wait3A_319, %dma_wait3A_320, %dma_wait3A_321] : memref<8x16x576xf32, #tpu.memory_space<vmem>> -> memref<1x16x576xf32, #tpu.memory_space<vmem>>
    %dma_wait3A_323 = tpu.memref_squeeze %dma_wait3A_322 : memref<1x16x576xf32, #tpu.memory_space<vmem>> -> memref<16x576xf32, #tpu.memory_space<vmem>>
    %dma_wait3A_324 = arith.constant 0 : i32
    %dma_wait3A_325 = arith.constant 0 : i32
    %dma_wait3A_326 = tpu.memref_slice %arg4[%dma_wait3A_324, %add3A_183, %dma_wait3A_325] : memref<16x256x576xf32, #tpu.memory_space<hbm>> -> memref<16x1x576xf32, #tpu.memory_space<hbm>>
    %dma_wait3A_327 = tpu.memref_squeeze %dma_wait3A_326 : memref<16x1x576xf32, #tpu.memory_space<hbm>> -> memref<16x576xf32, #tpu.memory_space<hbm>>
    %dma_wait3A_328 = arith.constant 0 : i32
    %dma_wait3A_329 = arith.constant 0 : i32
    %dma_wait3A_330 = tpu.memref_slice %arg4[%dma_wait3A_328, %add3A_183, %dma_wait3A_329] : memref<16x256x576xf32, #tpu.memory_space<hbm>> -> memref<16x1x576xf32, #tpu.memory_space<hbm>>
    %dma_wait3A_331 = tpu.memref_squeeze %dma_wait3A_330 : memref<16x1x576xf32, #tpu.memory_space<hbm>> -> memref<16x576xf32, #tpu.memory_space<hbm>>
    %dma_wait3A_332 = arith.constant 0 : i32
    %dma_wait3A_333 = arith.constant 0 : i32
    %dma_wait3A_334 = tpu.memref_slice %arg7[%dma_wait3A_319, %dma_wait3A_332, %dma_wait3A_333] : memref<8x16x576xf32, #tpu.memory_space<vmem>> -> memref<1x16x576xf32, #tpu.memory_space<vmem>>
    %dma_wait3A_335 = tpu.memref_squeeze %dma_wait3A_334 : memref<1x16x576xf32, #tpu.memory_space<vmem>> -> memref<16x576xf32, #tpu.memory_space<vmem>>
    tpu.wait_dma2 semaphore(%arg8 : memref<!tpu.dma_semaphore, #tpu.memory_space<semaphore_mem>>) src(%dma_wait3A_335 : memref<16x576xf32, #tpu.memory_space<vmem>>) dst(%dma_wait3A_331 : memref<16x576xf32, #tpu.memory_space<hbm>>)
    return
  }
}

module attributes {stable_mosaic.version = 14 : i64} {
  func.func @_vq_body(%arg0: i32, %arg1: memref<1x256x576xf32, #tpu.memory_space<vmem>>, %arg2: memref<1024x256xf32, #tpu.memory_space<vmem>>, %arg3: memref<1x576x1xf32, #tpu.memory_space<vmem>>, %arg4: memref<1x1024xf32, #tpu.memory_space<vmem>>, %arg5: memref<1x1024xf32, #tpu.memory_space<vmem>>, %arg6: memref<1x576x1xi32, #tpu.memory_space<vmem>>, %arg7: memref<1x576x1024xf32, #tpu.memory_space<vmem>>) attributes {dimension_semantics = [#tpu.dimension_semantics<arbitrary>], iteration_bounds = array<i64: 16>, scalar_prefetch = 0 : i64, scratch_operands = 0 : i64, tpu.core_type = #tpu.core_type<tc>, window_params = [{transform_indices = @transform_0, window_bounds = array<i64: 1, 256, 576>}, {pipeline_mode = #tpu.pipeline_mode<synchronous>, transform_indices = @transform_1, window_bounds = array<i64: 1024, 256>}, {transform_indices = @transform_2, window_bounds = array<i64: 1, 576, 1>}, {pipeline_mode = #tpu.pipeline_mode<synchronous>, transform_indices = @transform_3, window_bounds = array<i64: 1, 1024>}, {pipeline_mode = #tpu.pipeline_mode<synchronous>, transform_indices = @transform_4, window_bounds = array<i64: 1, 1024>}, {transform_indices = @transform_5, window_bounds = array<i64: 1, 576, 1>}, {transform_indices = @transform_6, window_bounds = array<i64: 1, 576, 1024>}]} {
    %get3A = arith.constant 0 : index
    %get3A_0 = arith.constant 0 : index
    %get3A_1 = arith.constant 0 : index
    %get3A_2 = vector.load %arg1[%get3A, %get3A_0, %get3A_1] : memref<1x256x576xf32, #tpu.memory_space<vmem>>, vector<1x256x576xf32>
    %get3A_3 = vector.shape_cast %get3A_2 : vector<1x256x576xf32> to vector<256x576xf32>
    %get3A_4 = arith.constant 0 : index
    %get3A_5 = arith.constant 0 : index
    %get3A_6 = vector.load %arg2[%get3A_4, %get3A_5] : memref<1024x256xf32, #tpu.memory_space<vmem>>, vector<1024x256xf32>
    %dot_general3A = arith.constant dense<0.000000e+00> : vector<576x1024xf32>
    %dot_general3A_7 = tpu.matmul %get3A_3, %get3A_6, %dot_general3A {dimension_numbers = #tpu.dot_dimension_numbers<[0], [1], [1], [0], [0, 1, 1, 0], [], []>, transpose_lhs_hint = false} : vector<256x576xf32>, vector<1024x256xf32>, vector<576x1024xf32> -> vector<576x1024xf32>
    %get3A_8 = arith.constant 0 : index
    %get3A_9 = arith.constant 0 : index
    %get3A_10 = arith.constant 0 : index
    %get3A_11 = vector.load %arg3[%get3A_8, %get3A_9, %get3A_10] : memref<1x576x1xf32, #tpu.memory_space<vmem>>, vector<1x576x1xf32>
    %get3A_12 = vector.shape_cast %get3A_11 : vector<1x576x1xf32> to vector<576x1xf32>
    %get3A_13 = arith.constant 0 : index
    %get3A_14 = arith.constant 0 : index
    %get3A_15 = vector.load %arg4[%get3A_13, %get3A_14] : memref<1x1024xf32, #tpu.memory_space<vmem>>, vector<1x1024xf32>
    %add3A = vector.broadcast %get3A_12 : vector<576x1xf32> to vector<576x1024xf32>
    %add3A_16 = vector.broadcast %get3A_15 : vector<1x1024xf32> to vector<576x1024xf32>
    %add3A_17 = arith.addf %add3A, %add3A_16 : vector<576x1024xf32>
    %sub3A = arith.subf %add3A_17, %dot_general3A_7 : vector<576x1024xf32>
    %reduce_min3A = arith.constant dense<0x7F800000> : vector<576xf32>
    %reduce_min3A_18 = vector.multi_reduction <minimumf>, %sub3A, %reduce_min3A [1] : vector<576x1024xf32> to vector<576xf32>
    %broadcast_in_dim3A = vector.shape_cast %reduce_min3A_18 : vector<576xf32> to vector<576x1xf32>
    %sub3A_19 = vector.broadcast %broadcast_in_dim3A : vector<576x1xf32> to vector<576x1024xf32>
    %sub3A_20 = arith.subf %sub3A_19, %sub3A : vector<576x1024xf32>
    %exp3A = math.exp %sub3A_20 : vector<576x1024xf32>
    %reduce_sum3A = arith.constant dense<0.000000e+00> : vector<576xf32>
    %reduce_sum3A_21 = vector.multi_reduction <add>, %exp3A, %reduce_sum3A [1] : vector<576x1024xf32> to vector<576xf32>
    %broadcast_in_dim3A_22 = vector.shape_cast %reduce_sum3A_21 : vector<576xf32> to vector<576x1xf32>
    %div3A = arith.constant 1.000000e+00 : f32
    %div3A_23 = vector.broadcast %div3A : f32 to vector<576x1xf32>
    %div3A_24 = arith.divf %div3A_23, %broadcast_in_dim3A_22 : vector<576x1xf32>
    %mul3A = vector.broadcast %div3A_24 : vector<576x1xf32> to vector<576x1024xf32>
    %mul3A_25 = arith.mulf %exp3A, %mul3A : vector<576x1024xf32>
    %swap3A = arith.constant 0 : index
    %swap3A_26 = arith.constant 0 : index
    %swap3A_27 = arith.constant 0 : index
    %swap3A_28 = vector.load %arg7[%swap3A, %swap3A_26, %swap3A_27] : memref<1x576x1024xf32, #tpu.memory_space<vmem>>, vector<1x576x1024xf32>
    %swap3A_29 = vector.shape_cast %swap3A_28 : vector<1x576x1024xf32> to vector<576x1024xf32>
    %swap3A_30 = vector.shape_cast %mul3A_25 : vector<576x1024xf32> to vector<1x576x1024xf32>
    tpu.vector_store %arg7[%swap3A, %swap3A_26, %swap3A_27], %swap3A_30 {strides = array<i32>} : memref<1x576x1024xf32, #tpu.memory_space<vmem>>, vector<1x576x1024xf32>,
    %get3A_31 = arith.constant 0 : index
    %get3A_32 = arith.constant 0 : index
    %get3A_33 = vector.load %arg5[%get3A_31, %get3A_32] : memref<1x1024xf32, #tpu.memory_space<vmem>>, vector<1x1024xf32>
    %eq3A = vector.broadcast %broadcast_in_dim3A : vector<576x1xf32> to vector<576x1024xf32>
    %eq3A_34 = arith.cmpf oeq, %sub3A, %eq3A : vector<576x1024xf32>
    %jit3A = arith.constant 1.024000e+03 : f32
    %broadcast_in_dim3A_35 = vector.shape_cast %get3A_33 : vector<1x1024xf32> to vector<1x1024xf32>
    %broadcast_in_dim3A_36 = vector.broadcast %broadcast_in_dim3A_35 : vector<1x1024xf32> to vector<576x1024xf32>
    %broadcast_in_dim3A_37 = vector.broadcast %jit3A : f32 to vector<576x1024xf32>
    %select_n3A = arith.select %eq3A_34, %broadcast_in_dim3A_36, %broadcast_in_dim3A_37 : vector<576x1024xi1>, vector<576x1024xf32>
    %reduce_min3A_38 = arith.constant dense<0x7F800000> : vector<576xf32>
    %reduce_min3A_39 = vector.multi_reduction <minimumf>, %select_n3A, %reduce_min3A_38 [1] : vector<576x1024xf32> to vector<576xf32>
    %broadcast_in_dim3A_40 = vector.shape_cast %reduce_min3A_39 : vector<576xf32> to vector<576x1xf32>
    %convert_element_type3A = arith.fptosi %broadcast_in_dim3A_40 : vector<576x1xf32> to vector<576x1xi32>
    %swap3A_41 = arith.constant 0 : index
    %swap3A_42 = arith.constant 0 : index
    %swap3A_43 = arith.constant 0 : index
    %swap3A_44 = vector.load %arg6[%swap3A_41, %swap3A_42, %swap3A_43] : memref<1x576x1xi32, #tpu.memory_space<vmem>>, vector<1x576x1xi32>
    %swap3A_45 = vector.shape_cast %swap3A_44 : vector<1x576x1xi32> to vector<576x1xi32>
    %swap3A_46 = vector.shape_cast %convert_element_type3A : vector<576x1xi32> to vector<1x576x1xi32>
    tpu.vector_store %arg6[%swap3A_41, %swap3A_42, %swap3A_43], %swap3A_46 {strides = array<i32>} : memref<1x576x1xi32, #tpu.memory_space<vmem>>, vector<1x576x1xi32>,
    return
  }
  func.func @transform_0(%arg0: i32) -> (i32, i32, i32) {
    %c0_i32 = arith.constant 0 : i32
    %c0_i32_0 = arith.constant 0 : i32
    %c0_i32_1 = arith.constant 0 : i32
    return %arg0, %c0_i32, %c0_i32_0 : i32, i32, i32
  }
  func.func @transform_1(%arg0: i32) -> (i32, i32) {
    %c0_i32 = arith.constant 0 : i32
    %c0_i32_0 = arith.constant 0 : i32
    %c0_i32_1 = arith.constant 0 : i32
    return %c0_i32, %c0_i32_0 : i32, i32
  }
  func.func @transform_2(%arg0: i32) -> (i32, i32, i32) {
    %c0_i32 = arith.constant 0 : i32
    %c0_i32_0 = arith.constant 0 : i32
    %c0_i32_1 = arith.constant 0 : i32
    return %arg0, %c0_i32, %c0_i32_0 : i32, i32, i32
  }
  func.func @transform_3(%arg0: i32) -> (i32, i32) {
    %c0_i32 = arith.constant 0 : i32
    %c0_i32_0 = arith.constant 0 : i32
    %c0_i32_1 = arith.constant 0 : i32
    return %c0_i32, %c0_i32_0 : i32, i32
  }
  func.func @transform_4(%arg0: i32) -> (i32, i32) {
    %c0_i32 = arith.constant 0 : i32
    %c0_i32_0 = arith.constant 0 : i32
    %c0_i32_1 = arith.constant 0 : i32
    return %c0_i32, %c0_i32_0 : i32, i32
  }
  func.func @transform_5(%arg0: i32) -> (i32, i32, i32) {
    %c0_i32 = arith.constant 0 : i32
    %c0_i32_0 = arith.constant 0 : i32
    %c0_i32_1 = arith.constant 0 : i32
    return %arg0, %c0_i32, %c0_i32_0 : i32, i32, i32
  }
  func.func @transform_6(%arg0: i32) -> (i32, i32, i32) {
    %c0_i32 = arith.constant 0 : i32
    %c0_i32_0 = arith.constant 0 : i32
    %c0_i32_1 = arith.constant 0 : i32
    return %arg0, %c0_i32, %c0_i32_0 : i32, i32, i32
  }
}

</mosaic_0001>

<sc_bundles>
// kernel: kernel.4.cloned.1.call-start
scs
__scs_entry_jumppad:
0x0: {  	(pc) =	sbr.rel $0x88, $3  }
0x1: {  	(tag) =	ssettag $0x0;
	lr =	simm.s32 $0x1  }
0x2: {  	[smem:$0x3F9F] =	sst lr;
	_ =	strace $0xD0000000  }
0x3: {  	_ = 	snop  }
0x4: {  	_ = 	snop  }
0x5: {  	_ = 	snop  }
0x6: {  	_ = 	snop  }
0x7: {  	_ = 	snop  }
__scs_overlays_trampoline_lowered:
0x8: {  	[smem:$0x3FAE] =	sst s0  }
0x9: {  	[smem:$0x3FAF] =	sst s1  }
0xa: {  	[smem:$0x3FB0] =	sst s2  }
0xb: {  	[smem:$0x3FB1] =	sst s3  }
0xc: {  	[smem:$0x3FB2] =	sst s4  }
0xd: {  	[smem:$0x3FB3] =	sst s5  }
0xe: {  	[smem:$0x3FB4] =	sst s6  }
0xf: {  	[smem:$0x3FB5] =	sst s7  }
0x10: {  	[smem:$0x3FB6] =	sst s8  }
0x11: {  	[smem:$0x3FB7] =	sst s9;
	s0 =	simm.s32 @!p0 $0x0  }
0x12: {  	s1 =	sld [smem:$0x3F9D];
	s0 =	simm.s32 @p0 $0x1  }
0x13: {  	[smem:$0x3FB8] =	sst s0;
	s0 =	simm.s32 @!p1 $0x0  }
0x14: {  	s2 =	sld [smem:$0x3F9C];
	s0 =	simm.s32 @p1 $0x1  }
0x15: {  	[smem:$0x3FB9] =	sst s0;
	s0 =	simm.s32 @!p2 $0x0  }
0x16: {  	s3 =	sld [smem:$0x3FDB];
	s0 =	simm.s32 @p2 $0x1  }
0x17: {  	s4 =	simm.s32 $0x1BF5;
	[smem:$0x3FBB] =	sst s0  }
0x18: {  	s0 =	sld [smem:$0x3F9E];
	_ =	swait.ge [sflag:s4], $0x0  }
0x19: {  	s7 =	sld [smem:$0x3F9F]  }
0x1a: {  	s8 =	sadd.s32 $0xFFFFE003, lr  }
0x1b: {  	s9 =	sadd.s32 $0xFFFFFEF7, lr;
	s5 =	simm.s32 $0xFFFFFFFF;
	p2 =	slt.u32 s8, $0xFFFFF086  }
0x1c: {  	p1 =	slt.u32 s9, $0xF7A;
	s5 =	simm.s32 @!p2 $0x0  }
0x1d: {  	s5 =	simm.s32 @p1 $0x1;
	p0 =	seq.s32 s7, s2  }
0x1e: {  	s7 =	smul.u32 @!p0 $0xF7A, s2;
	p2 =	seq.s32 @!p0 s5, $0x0  }
0x1f: {  	s9 =	smul.u32 $0xF7A, s1;
	s8 =	simm.s32 @!p0 $0x1BF5;
	p2 =	por !p2, p0  }
0x20: {  	[sflag:s8] =	ssyncset.s32 @!p0 $0xFFFFF086;
	s6 =	sadd.s32 @!p0 s3, s7;
	s7 =	simm.s32 @!p0 $0x108  }
0x21: {  	s3 =	sadd.s32 s3, s9;
	s6 =	sadd.s32 @!p0 $0x88, s6;
	s7 =	simm.s32 @p2 $0x1082  }
0x22: {  	[simem:s7], [sflag:s8] =	dma.local @!p0 [hbm:s6], $0xF7A  }
0x23: {  	s9 =	sor.u32 $0xD0000000, s2;
	s6 =	simm.s32 $0x108;
	_ =	swait.ge @!p0 [sflag:s8], $0x0  }
0x24: {  	s3 =	sadd.s32 $0x88, s3;
	s6 =	simm.s32 @!p1 $0x1082;
	[sflag:s4] =	ssyncset.s32 $0xFFFFF086  }
0x25: {  	[simem:s6], [sflag:s4] =	dma.local [hbm:s3], $0xF7A  }
0x26: {  	[smem:$0x3F9F] =	sst s1;
	(tag) =	ssettag s2;
	_ =	strace s9  }
0x27: {  	s1 =	sld [smem:$0x3FAF]  }
0x28: {  	s2 =	sld [smem:$0x3FB0]  }
0x29: {  	s4 =	sld [smem:$0x3FB2]  }
0x2a: {  	p0 =	seq.s32 s5, $0x0;
	s5 =	sld [smem:$0x3FB3]  }
0x2b: {  	s6 =	sld [smem:$0x3FB4]  }
0x2c: {  	s7 =	sld [smem:$0x3FB5]  }
0x2d: {  	s3 =	simm.s32 $0x108;
	s8 =	sld [smem:$0x3FB6]  }
0x2e: {  	s3 =	simm.s32 @!p0 $0x1082;
	s9 =	sld [smem:$0x3FB7]  }
0x2f: {  	lr =	sadd.s32 s0, s3;
	s0 =	sld [smem:$0x3FAE]  }
0x30: {  	s3 =	sld [smem:$0x3FB1]  }
0x31: {  	[smem:$0x3FBA] =	sst s10  }
0x32: {  	s10 =	sld [smem:$0x3FB8];
	_ =	sdelay $0x3  }
0x33: {  	p0 =	seq.s32 s10, $0x1;
	s10 =	sld [smem:$0x3FBA];
	_ =	sdelay $0x3  }
0x34: {  	[smem:$0x3FBA] =	sst s10  }
0x35: {  	s10 =	sld [smem:$0x3FB9];
	_ =	sdelay $0x3  }
0x36: {  	p1 =	seq.s32 s10, $0x1;
	s10 =	sld [smem:$0x3FBA];
	_ =	sdelay $0x3  }
0x37: {  	[smem:$0x3FBA] =	sst s10  }
0x38: {  	s10 =	sld [smem:$0x3FBB]  }
0x39: {  	_ = 	snop;
	(pc) =	sbr.ind lr, $3  }
0x3a: {  	_ = 	snop  }
0x3b: {  	_ = 	snop  }
0x3c: {  	p2 =	seq.s32 s10, $0x1;
	s10 =	sld [smem:$0x3FBA]  }
0x3d: {  	_ =	shalt  }
0x3e: {  	_ =	shalt  }
0x3f: {  	_ =	shalt  }
0x40: {  	_ =	shalt  }
0x41: {  	_ =	shalt  }
0x42: {  	_ =	shalt  }
0x43: {  	_ =	shalt  }
0x44: {  	_ =	shalt  }
0x45: {  	_ =	shalt  }
0x46: {  	_ =	shalt  }
0x47: {  	_ =	shalt  }
0x48: {  	_ =	shalt  }
0x49: {  	_ =	shalt  }
0x4a: {  	_ =	shalt  }
0x4b: {  	_ =	shalt  }
0x4c: {  	_ =	shalt  }
0x4d: {  	_ =	shalt  }
0x4e: {  	_ =	shalt  }
0x4f: {  	_ =	shalt  }
0x50: {  	_ =	shalt  }
0x51: {  	_ =	shalt  }
0x52: {  	_ =	shalt  }
0x53: {  	_ =	shalt  }
0x54: {  	_ =	shalt  }
0x55: {  	_ =	shalt  }
0x56: {  	_ =	shalt  }
0x57: {  	_ =	shalt  }
0x58: {  	_ =	shalt  }
0x59: {  	_ =	shalt  }
0x5a: {  	_ =	shalt  }
0x5b: {  	_ =	shalt  }
0x5c: {  	_ =	shalt  }
0x5d: {  	_ =	shalt  }
0x5e: {  	_ =	shalt  }
0x5f: {  	_ =	shalt  }
0x60: {  	_ =	shalt  }
0x61: {  	_ =	shalt  }
0x62: {  	_ =	shalt  }
0x63: {  	_ =	shalt  }
0x64: {  	_ =	shalt  }
0x65: {  	_ =	shalt  }
0x66: {  	_ =	shalt  }
0x67: {  	_ =	shalt  }
0x68: {  	_ =	shalt  }
0x69: {  	_ =	shalt  }
0x6a: {  	_ =	shalt  }
0x6b: {  	_ =	shalt  }
0x6c: {  	_ =	shalt  }
0x6d: {  	_ =	shalt  }
0x6e: {  	_ =	shalt  }
0x6f: {  	_ =	shalt  }
0x70: {  	_ =	shalt  }
0x71: {  	_ =	shalt  }
0x72: {  	_ =	shalt  }
0x73: {  	_ =	shalt  }
0x74: {  	_ =	shalt  }
0x75: {  	_ =	shalt  }
0x76: {  	_ =	shalt  }
0x77: {  	_ =	shalt  }
0x78: {  	_ =	shalt  }
0x79: {  	_ =	shalt  }
0x7a: {  	_ =	shalt  }
0x7b: {  	_ =	shalt  }
0x7c: {  	_ =	shalt  }
0x7d: {  	_ =	shalt  }
0x7e: {  	_ =	shalt  }
0x7f: {  	_ =	shalt  }
0x80: {  	_ =	shalt  }
0x81: {  	_ =	shalt  }
0x82: {  	_ =	shalt  }
0x83: {  	_ =	shalt  }
0x84: {  	_ =	shalt  }
0x85: {  	_ =	shalt  }
0x86: {  	_ =	shalt  }
0x87: {  	_ =	shalt  }
.Lfunc_end0:
.L_simem_size_0:
called_computation_lowered:
.L_overlay_start_0:
0x88: {  	s2 =	sld [smem:$0x3FD9]  }
0x89: {  	s3 =	sld [smem:$0x3FFE];
	_ =	sdelay $0x1  }
0x8a: {  	s1 =	srdreg.scid  }
0x8b: {  	s0 =	sand.u32 $0x1, s1  }
0x8c: {  	s14 =	sshll.u32 s0, $0xA;
	s2 =	sadd.s32 s3, s2  }
0x8d: {  	s2 =	sadd.s32 s2, s14  }
0x8e: {  	[smem:$0x3FC6] =	sst s2  }
0x8f: {  	_ = 	snop  }
0x90: {  	s2 =	sld [smem:$0x3FD0];
	_ =	sdelay $0x2  }
0x91: {  	s15 =	simm.s32 $0xA;
	s4 =	simm.s32 $0x10  }
0x92: {  	[smem:s4], [sflag:s15] =	dma.local [hbm:s2], $0x1  }
0x93: {  	_ =	swait.eq [sflag:s15], $0x1  }
0x94: {  	[sflag:s15] =	ssyncset.done $0x0  }
0x95: {  	s16 =	sld [smem:$0x10];
	[sflag:s15] =	ssyncadd.s32 $0xFFFFFFFF  }
0x96: {  	s17 =	sld [smem:$0x11];
	(tm) =	ssettm $0x1  }
0x97: {  	s18 =	sld [smem:$0x3FFB];
	_ =	sdelay $0x3  }
0x98: {  	_ =	strace s18  }
0x99: {  	s4 =	sld [smem:$0x3FFC];
	_ =	sdelay $0x3  }
0x9a: {  	_ =	strace s4  }
0x9b: {  	s4 =	sld [smem:$0x3FFD];
	_ =	sdelay $0x3  }
0x9c: {  	_ =	strace s4  }
0x9d: {  	_ =	strace $0x8FFFFFFF  }
0x9e: {  	s19 =	sld [smem:$0x3FDB];
	_ =	sdelay $0x1  }
0x9f: {  	s5 =	simm.s32 $_scs_section_size  }
0xa0: {  	s6 =	simm.s32 $_size__tile_overlayer_lowered;
	s7 =	simm.s32 $_tile_overlayer_lowered  }
0xa1: {  	s22 =	simm.s32 $0x1BFF;
	s21 =	sshll.u32 s7, $0x1;
	s4 =	sadd.s32 s5, s19  }
0xa2: {  	s8 =	simm.s32 $0x0;
	s20 =	sshll.u32 s6, $0x1;
	s6 =	sadd.s32 s21, s4  }
0xa3: {  	[timem:s8], [sflag:s22] =	dma.local [hbm:s6], s20  }
0xa4: {  	_ =	swait.ge [sflag:s22], s20  }
0xa5: {  	s5 =	ssub.s32 $0x0, s20;
	[sflag:s22] =	ssyncset.done $0x0  }
0xa6: {  	[sflag:s22] =	ssyncadd.s32 s5;
	_ =	sdelay $0x1  }
0xa7: {  	s23 =	simm.s32 $0x1B8B  }
0xa8: {  	_ =	swait.ge [sflag:s23], $0x1  }
0xa9: {  	[sflag:s23] =	ssyncset.done $0x0  }
0xaa: {  	s25 =	simm.s32 $0x1B8E;
	s24 =	sld [smem:$0x3FFE];
	[sflag:s23] =	ssyncadd.s32 $0xFFFFFFFF  }
0xab: {  	s26 =	simm.s32 $execute0_lowered;
	[smem:$0x3FD2] =	sst s25  }
0xac: {  	s6 =	sshll.u32 s26, $0x1;
	_ =	strace $0x80000046;
	[dreg:$0x1] =	wrdreg $0xFFFFFFFF  }
0xad: {  	s28 =	simm.s32 $_size_execute0_lowered;
	s4 =	sadd.s32 s4, s6;
	[dreg:$0x0] =	wrdreg $0x0  }
0xae: {  	s6 =	sshll.u32 s28, $0x1;
	[dreg:$0x2] =	wrdreg s4  }
0xaf: {  	[dreg:$0x3] =	wrdreg s6  }
0xb0: {  	[dreg:$0x4] =	wrdreg $0xC0  }
0xb1: {  	_ =	task [dreg:s8], $0x5FFFF  }
0xb2: {  	[dreg:$0x1] =	wrdreg $0xFFFFFFFF  }
0xb3: {  	[dreg:$0x0] =	wrdreg $0x60  }
0xb4: {  	[dreg:$0x2] =	wrdreg s24  }
0xb5: {  	[dreg:$0x3] =	wrdreg s17  }
0xb6: {  	[dreg:$0x4] =	wrdreg s16  }
0xb7: {  	[dreg:$0x5] =	wrdreg $0x9  }
0xb8: {  	_ =	task.clear_ibuf [dreg:s8], $0x6FFFF;
	_ =	strace $0x90000046  }
0xb9: {  	s29 =	simm.s32 $0x9;
	_ =	strace $0x80000048  }
0xba: {  	_ =	swait.ge [sflag:s29], $0x1  }
0xbb: {  	[sflag:s29] =	ssyncadd.s32 $0xFFFFFFFF  }
0xbc: {  	_ =	strace $0x90000048  }
0xbd: {  	_ =	sfence  }
0xbe: {  	s30 =	sld [smem:$0x0];
	_ =	sdelay $0x2  }
0xbf: {  	s31 =	sshll.u32 s1, $0xD;
	s1 =	sshrl.u32 s1, $0x2  }
0xc0: {  	s3 =	sand.u32 $0x4000, s31;
	s1 =	sadd.s32 s1, s30  }
0xc1: {  	s0 =	sor.u32 s3, s0;
	s1 =	sshll.u32 s1, $0x11  }
0xc2: {  	s0 =	sor.u32 s1, s0  }
0xc3: {  	s0 =	sadd.s32 $0x8F2B, s0  }
0xc4: {  	[sflag:s0] =	ssyncadd.remote.s32 $0x1  }
0xc5: {  	_ =	sfence.sel $0xFFFF  }
0xc6: {  	[dreg:$0x0] =	wrdreg $0xFFFFFFFF;
	(pc) =	sbr.abs _section_cstart, $3  }
0xc7: {  	[dreg:$0x1] =	wrdreg $0xFFFFFFFF  }
0xc8: {  	_ =	task.clear_ibuf [dreg:s8], $0x2FFFF;
	_ =	strace $0x9FFFFFFF  }
0xc9: {  	(tm) =	ssettm $0x7FFFFFFF  }
tec
execute0_lowered:
.L_overlay_start_1:
0x0: {  	(tag) =	ssettag $0x1  }
0x1: {  	s0 =	rddreg [dreg:$0x0];
	s1 =	srdreg.scid  }
0x2: {  	s3 =	stileid.u32;
	s2 =	rddreg [dreg:$0x2];
	s16 =	simm.s32 $0x2  }
0x3: {  	s18 =	simm.s32 $0x240;
	s19 =	simm.s32 $0x24000;
	s21 =	simm.s32 $0x6800  }
0x4: {  	s22 =	simm.s32 $0x8C00;
	s23 =	simm.s32 $0xB000;
	s24 =	simm.s32 $0xD400  }
0x5: {  	s25 =	simm.s32 $0xF800;
	s28 =	simm.s32 $0x14000;
	s1 =	sand.u32 $0x1, s1  }
0x6: {  	s29 =	simm.s32 $0x1;
	s4 =	sshll.u32 s3, $0x4;
	s5 =	sshll.u32 s1, $0x3  }
0x7: {  	s30 =	simm.s32 $0x0;
	s3 =	simm.s32 $0x0;
	s4 =	sor.u32 s5, s4  }
0x8: {  	[smem:$0x7FF] =	sst s3;
	s1 =	ssub.s32 $0x2, s1;
	s5 =	smul.u32 $0x240, s4  }
0x9: {  	_ =	strace $0x80000047;
	s6 =	sshrl.u32 s1, $0x1;
	s7 =	smul.u32 $0x48, s4  }
0xa: {  	s1 =	ssub.s32 s1, s6;
	s4 =	sshrl.u32 s4, $0x3;
	s26 =	sshrl.u32 s5, $0x3  }
0xb: {  	s4 =	sadd.s32 s0, s4;
	s13 =	smax.u32 s1, $0x1;
	s31 =	sadd.s32 s2, s26  }
0xc: {  	s5 =	sadd.s32 s2, s7;
	s26 =	simm.s32 $0x11C00;
	s6 =	sadd.s32 $0x48, s31  }
0xd: {  	s7 =	sadd.s32 $0x90, s31;
	s8 =	sadd.s32 $0xD8, s31;
	s9 =	sadd.s32 $0x120, s31  }
0xe: {  	s10 =	sadd.s32 $0x168, s31;
	s11 =	sadd.s32 $0x1B0, s31;
	s12 =	sadd.s32 $0x1F8, s31  }
.LBB2_1:
0xf: {  	s0 =	simm.s32 $0x8;
	s1 =	simm.s32 $0x100  }
0x10: {  	[tilespmem:s3], [sflag:$0x2] =	stream.strided.gather [hbm4b:s4+s0], $0x2000, s1, s0, $0x38;
	[tilespmem:$0x16400] =	vst v63  }
0x11: {  	_ =	swait.ge [sflag:s16], $0x2000  }
0x12: {  	[sflag:s16] =	ssyncset.done $0x0  }
0x13: {  	[sflag:s16] =	ssyncadd.s32 $0xFFFFE000  }
0x14: {  	s20 =	simm.s32 $0x2000;
	s17 =	rddreg [dreg:$0x1]  }
0x15: {  	[tilespmem:s20], [sflag:$0x2] =	stream.linear.gather [hbm4b:s17+s3], $0x2400, $0x38;
	[tilespmem:$0x16400] =	vst v63  }
0x16: {  	_ =	swait.ge [sflag:s16], $0x2400  }
0x17: {  	[sflag:s16] =	ssyncset.done $0x0  }
0x18: {  	s0 =	simm.s32 $0x0;
	[sflag:s16] =	ssyncadd.s32 $0xFFFFDC00  }
0x19: {  	v0 =	vld [tilespmem:s0+$0x2030]  }
0x1a: {  	v1 =	vld [tilespmem:s0+$0x2000]  }
0x1b: {  	v2 =	vld [tilespmem:s0+$0x2010]  }
0x1c: {  	v3 =	vld [tilespmem:s0+$0x2020];
	_ =	sdelay $0x1  }
0x1d: {  	v4 =	vshll.u32 v0, $0x3  }
0x1e: {  	v1 =	vshll.u32 v1, $0x3  }
0x1f: {  	v2 =	vshll.u32 v2, $0x3  }
0x20: {  	v3 =	vshll.u32 v3, $0x3;
	_ =	sdelay $0x1  }
0x21: {  	v0 =	vld.idx.msk [tilespmem:v4+s3+$0x0], $0xffff  }
0x22: {  	v6 =	vor.u32 $0x1, v4;
	v5 =	vld.idx.msk [tilespmem:v1+s3+$0x0], $0xffff  }
0x23: {  	v7 =	vor.u32 $0x1, v1;
	v8 =	vld.idx.msk [tilespmem:v2+s3+$0x0], $0xffff  }
0x24: {  	v9 =	vor.u32 $0x1, v2;
	v10 =	vld.idx.msk [tilespmem:v3+s3+$0x0], $0xffff  }
0x25: {  	v11 =	vor.u32 $0x1, v3  }
0x26: {  	[tilespmem:s0+$0x4430] =	vst v0  }
0x27: {  	[tilespmem:s0+$0x4400] =	vst v5;
	v0 =	vld.idx.msk [tilespmem:v6+s3+$0x0], $0xffff  }
0x28: {  	[tilespmem:s0+$0x4410] =	vst v8;
	v5 =	vld.idx.msk [tilespmem:v7+s3+$0x0], $0xffff;
	v6 =	vor.u32 $0x2, v4  }
0x29: {  	[tilespmem:s0+$0x4420] =	vst v10;
	v7 =	vor.u32 $0x2, v1;
	v8 =	vld.idx.msk [tilespmem:v9+s3+$0x0], $0xffff  }
0x2a: {  	v9 =	vor.u32 $0x2, v2;
	v10 =	vld.idx.msk [tilespmem:v11+s3+$0x0], $0xffff  }
0x2b: {  	v11 =	vor.u32 $0x2, v3  }
0x2c: {  	[tilespmem:s0+$0x6830] =	vst v0  }
0x2d: {  	[tilespmem:s0+$0x6800] =	vst v5;
	v0 =	vld.idx.msk [tilespmem:v6+s3+$0x0], $0xffff  }
0x2e: {  	[tilespmem:s0+$0x6810] =	vst v8;
	v5 =	vld.idx.msk [tilespmem:v7+s3+$0x0], $0xffff;
	v6 =	vor.u32 $0x3, v4  }
0x2f: {  	[tilespmem:s0+$0x6820] =	vst v10;
	v7 =	vor.u32 $0x3, v1;
	v8 =	vld.idx.msk [tilespmem:v9+s3+$0x0], $0xffff  }
0x30: {  	v9 =	vor.u32 $0x3, v2;
	v10 =	vld.idx.msk [tilespmem:v11+s3+$0x0], $0xffff  }
0x31: {  	v11 =	vor.u32 $0x3, v3  }
0x32: {  	[tilespmem:s0+$0x8C30] =	vst v0  }
0x33: {  	[tilespmem:s0+$0x8C00] =	vst v5;
	v0 =	vld.idx.msk [tilespmem:v6+s3+$0x0], $0xffff  }
0x34: {  	[tilespmem:s0+$0x8C10] =	vst v8;
	v5 =	vld.idx.msk [tilespmem:v7+s3+$0x0], $0xffff  }
0x35: {  	[tilespmem:s0+$0x8C20] =	vst v10;
	v7 =	vld.idx.msk [tilespmem:v9+s3+$0x0], $0xffff  }
0x36: {  	s2 =	simm.s32 $0x40;
	v8 =	vld.idx.msk [tilespmem:v11+s3+$0x0], $0xffff  }
0x37: {  	v9 =	vld [tilespmem:s2+$0x2030]  }
0x38: {  	v6 =	vor.u32 $0x4, v4;
	v11 =	vld [tilespmem:s2+$0x2000]  }
0x39: {  	v14 =	vld [tilespmem:s2+$0x2010];
	v12 =	vor.u32 $0x4, v2  }
0x3a: {  	v15 =	vld [tilespmem:s2+$0x2020];
	v13 =	vor.u32 $0x4, v3  }
0x3b: {  	v10 =	vor.u32 $0x4, v1  }
0x3c: {  	[tilespmem:s0+$0xB030] =	vst v0;
	v0 =	vshll.u32 v9, $0x3  }
0x3d: {  	[tilespmem:s0+$0xB010] =	vst v7;
	v17 =	vshll.u32 v11, $0x3;
	v6 =	vld.idx.msk [tilespmem:v6+s3+$0x0], $0xffff  }
0x3e: {  	[tilespmem:s0+$0xB020] =	vst v8;
	v8 =	vld.idx.msk [tilespmem:v12+s3+$0x0], $0xffff;
	v12 =	vshll.u32 v14, $0x3  }
0x3f: {  	v20 =	vshll.u32 v15, $0x3;
	[tilespmem:s0+$0xB000] =	vst v5;
	v9 =	vld.idx.msk [tilespmem:v13+s3+$0x0], $0xffff  }
0x40: {  	v16 =	vor.u32 $0x5, v4;
	v5 =	vld.idx.msk [tilespmem:v10+s3+$0x0], $0xffff  }
0x41: {  	v7 =	vor.u32 $0x5, v1;
	v11 =	vld.idx.msk [tilespmem:v0+s3+$0x0], $0xffff  }
0x42: {  	v10 =	vor.u32 $0x5, v2;
	v13 =	vld.idx.msk [tilespmem:v17+s3+$0x0], $0xffff;
	[tilespmem:s0+$0xD430] =	vst v6  }
0x43: {  	v14 =	vor.u32 $0x1, v0;
	[tilespmem:s0+$0xD410] =	vst v8;
	v8 =	vld.idx.msk [tilespmem:v12+s3+$0x0], $0xffff  }
0x44: {  	v15 =	vor.u32 $0x1, v17;
	[tilespmem:s0+$0xD420] =	vst v9;
	v9 =	vld.idx.msk [tilespmem:v20+s3+$0x0], $0xffff  }
0x45: {  	[tilespmem:s0+$0xD400] =	vst v5;
	v6 =	vld.idx.msk [tilespmem:v16+s3+$0x0], $0xffff;
	v16 =	vor.u32 $0x5, v3  }
0x46: {  	v5 =	vor.u32 $0x6, v4;
	v7 =	vld.idx.msk [tilespmem:v7+s3+$0x0], $0xffff;
	[tilespmem:s2+$0x4430] =	vst v11  }
0x47: {  	v18 =	vor.u32 $0x1, v12;
	v10 =	vld.idx.msk [tilespmem:v10+s3+$0x0], $0xffff;
	[tilespmem:s2+$0x4400] =	vst v13  }
0x48: {  	v11 =	vor.u32 $0x6, v1;
	v13 =	vld.idx.msk [tilespmem:v14+s3+$0x0], $0xffff;
	[tilespmem:s2+$0x4410] =	vst v8  }
0x49: {  	v14 =	vld.idx.msk [tilespmem:v15+s3+$0x0], $0xffff;
	[tilespmem:s2+$0x4420] =	vst v9;
	v9 =	vor.u32 $0x6, v2  }
0x4a: {  	[tilespmem:s0+$0xF830] =	vst v6;
	v6 =	vor.u32 $0x1, v20;
	v8 =	vld.idx.msk [tilespmem:v16+s3+$0x0], $0xffff  }
0x4b: {  	[tilespmem:s0+$0xF800] =	vst v7;
	v7 =	vor.u32 $0x2, v0;
	v5 =	vld.idx.msk [tilespmem:v5+s3+$0x0], $0xffff  }
0x4c: {  	v15 =	vor.u32 $0x2, v17;
	v16 =	vld.idx.msk [tilespmem:v18+s3+$0x0], $0xffff  }
0x4d: {  	[tilespmem:s0+$0xF810] =	vst v10;
	v10 =	vor.u32 $0x2, v12;
	v11 =	vld.idx.msk [tilespmem:v11+s3+$0x0], $0xffff  }
0x4e: {  	v4 =	vor.u32 $0x7, v4;
	[tilespmem:s2+$0x6830] =	vst v13;
	v9 =	vld.idx.msk [tilespmem:v9+s3+$0x0], $0xffff  }
0x4f: {  	v13 =	vor.u32 $0x6, v3;
	[tilespmem:s2+$0x6800] =	vst v14;
	v6 =	vld.idx.msk [tilespmem:v6+s3+$0x0], $0xffff  }
0x50: {  	v7 =	vld.idx.msk [tilespmem:v7+s3+$0x0], $0xffff;
	[tilespmem:s0+$0x11C30] =	vst v5;
	v5 =	vor.u32 $0x2, v20  }
0x51: {  	v14 =	vor.u32 $0x7, v1;
	v18 =	vld.idx.msk [tilespmem:v15+s3+$0x0], $0xffff;
	[tilespmem:s2+$0x6810] =	vst v16  }
0x52: {  	[tilespmem:s0+$0xF820] =	vst v8;
	v8 =	vor.u32 $0x3, v0;
	v21 =	vld.idx.msk [tilespmem:v10+s3+$0x0], $0xffff  }
0x53: {  	v19 =	vor.u32 $0x3, v17;
	v4 =	vld.idx.msk [tilespmem:v4+s3+$0x0], $0xffff;
	[tilespmem:s0+$0x11C00] =	vst v11  }
0x54: {  	v22 =	vor.u32 $0x7, v2;
	v15 =	vld.idx.msk [tilespmem:v13+s3+$0x0], $0xffff;
	[tilespmem:s2+$0x6820] =	vst v6  }
0x55: {  	v24 =	vor.u32 $0x3, v12;
	[tilespmem:s0+$0x11C10] =	vst v9;
	v23 =	vld.idx.msk [tilespmem:v5+s3+$0x0], $0xffff  }
0x56: {  	v2 =	vor.u32 $0x7, v12;
	v1 =	vor.u32 $0x7, v3;
	v16 =	vld.idx.msk [tilespmem:v14+s3+$0x0], $0xffff;
	v14 =	vor.u32 $0x3, v20;
	[tilespmem:s2+$0x8C30] =	vst v7  }
0x57: {  	v3 =	vor.u32 $0x7, v17;
	v10 =	vor.u32 $0x4, v17;
	v11 =	vor.u32 $0x4, v12;
	[tilespmem:s2+$0x8C00] =	vst v18;
	v18 =	vld.idx.msk [tilespmem:v8+s3+$0x0], $0xffff  }
0x58: {  	v13 =	vor.u32 $0x4, v20;
	v9 =	vor.u32 $0x5, v20;
	v6 =	vor.u32 $0x5, v17;
	v19 =	vld.idx.msk [tilespmem:v19+s3+$0x0], $0xffff;
	[tilespmem:s2+$0x8C10] =	vst v21  }
0x59: {  	s31 =	simm.s32 $0x4;
	v7 =	vor.u32 $0x5, v12;
	v5 =	vor.u32 $0x6, v17;
	v17 =	vld.idx.msk [tilespmem:v22+s3+$0x0], $0xffff;
	v21 =	vor.u32 $0x4, v0;
	[tilespmem:s0+$0x14030] =	vst v4  }
0x5a: {  	s15 =	simm.s32 $0x200;
	s14 =	simm.s32 $0x0;
	s1 =	simm.s32 $0x0;
	v8 =	vor.u32 $0x6, v20;
	v4 =	vor.u32 $0x6, v12;
	v12 =	vor.u32 $0x7, v20;
	v20 =	vld.idx.msk [tilespmem:v24+s3+$0x0], $0xffff;
	[tilespmem:s2+$0x8C20] =	vst v23  }
.LBB2_2:
0x5b: {  	s17 =	sshra.s32 s15, $0x2;
	s31 =	sadd.s32 $0x4, s31;
	v14 =	vld.idx.msk [tilespmem:v14+s1+$0x0], $0xffff;
	[tilespmem:s0+$0x11C20] =	vst v15  }
0x5c: {  	v15 =	vld [tilespmem:s17+$0x2030];
	p0 =	slt.u32 s31, $0x20;
	[tilespmem:s0+$0x14000] =	vst v16  }
0x5d: {  	v16 =	vld [tilespmem:s17+$0x2000];
	[tilespmem:s2+$0xB030] =	vst v18  }
0x5e: {  	[tilespmem:s2+$0xB000] =	vst v19;
	v18 =	vld.idx.msk [tilespmem:v21+s1+$0x0], $0xffff  }
0x5f: {  	v19 =	vld [tilespmem:s17+$0x2010];
	[tilespmem:s0+$0x14010] =	vst v17  }
0x60: {  	v17 =	vld [tilespmem:s17+$0x2020];
	[tilespmem:s2+$0xB010] =	vst v20;
	v20 =	vor.u32 $0x5, v0  }
0x61: {  	v15 =	vshll.u32 v15, $0x3;
	v21 =	vld.idx.msk [tilespmem:v10+s1+$0x0], $0xffff;
	[tilespmem:s2+$0xB020] =	vst v14  }
0x62: {  	v16 =	vshll.u32 v16, $0x3;
	v22 =	vld.idx.msk [tilespmem:v11+s1+$0x0], $0xffff  }
0x63: {  	v23 =	vor.u32 $0x1, v16;
	v24 =	vor.u32 $0x2, v16;
	v25 =	vor.u32 $0x3, v16;
	v26 =	vld.idx.msk [tilespmem:v13+s1+$0x0], $0xffff  }
0x64: {  	v10 =	vor.u32 $0x4, v16;
	v27 =	vor.u32 $0x5, v16;
	v19 =	vshll.u32 v19, $0x3;
	[tilespmem:s2+$0xD430] =	vst v18;
	v18 =	vld.idx.msk [tilespmem:v1+s14+$0x0], $0xffff;
	v1 =	vmovc v12;
	s14 =	smov.u32 s1  }
0x65: {  	s1 =	simm.s32 $0x0;
	v28 =	vor.u32 $0x1, v19;
	v29 =	vor.u32 $0x2, v19;
	v12 =	vshll.u32 v17, $0x3;
	v17 =	vld.idx.msk [tilespmem:v20+s14+$0x0], $0xffff  }
0x66: {  	v20 =	vor.u32 $0x3, v19;
	v30 =	vor.u32 $0x1, v12;
	v31 =	vor.u32 $0x2, v12;
	v32 =	vld.idx.msk [tilespmem:v15+s1+$0x0], $0xffff  }
0x67: {  	v11 =	vor.u32 $0x4, v19;
	v14 =	vor.u32 $0x3, v12;
	v33 =	vld.idx.msk [tilespmem:v16+s1+$0x0], $0xffff;
	[tilespmem:s2+$0xD400] =	vst v21;
	v21 =	vor.u32 $0x6, v0  }
0x68: {  	v35 =	vor.u32 $0x1, v15;
	v34 =	vor.u32 $0x5, v19;
	v13 =	vor.u32 $0x4, v12;
	v36 =	vld.idx.msk [tilespmem:v6+s14+$0x0], $0xffff;
	[tilespmem:s2+$0xD410] =	vst v22;
	v6 =	vmovc v27  }
0x69: {  	v37 =	vor.u32 $0x6, v19;
	v38 =	vor.u32 $0x5, v12;
	v22 =	vor.u32 $0x6, v16;
	v27 =	vld.idx.msk [tilespmem:v19+s1+$0x0], $0xffff;
	[tilespmem:s2+$0xD420] =	vst v26  }
0x6a: {  	v39 =	vor.u32 $0x7, v19;
	v26 =	vor.u32 $0x7, v16;
	v19 =	vor.u32 $0x6, v12;
	v16 =	vld.idx.msk [tilespmem:v12+s1+$0x0], $0xffff;
	[tilespmem:s0+$0x14020] =	vst v18;
	s0 =	smov.u32 s2;
	s2 =	smov.u32 s17  }
0x6b: {  	v12 =	vor.u32 $0x7, v12;
	v18 =	vld.idx.msk [tilespmem:v7+s14+$0x0], $0xffff;
	[tilespmem:s0+$0xF830] =	vst v17;
	v7 =	vmov v34  }
0x6c: {  	[tilespmem:s2+$0x4430] =	vst v32;
	v17 =	vld.idx.msk [tilespmem:v21+s14+$0x0], $0xffff  }
0x6d: {  	[tilespmem:s2+$0x4400] =	vst v33;
	v21 =	vld.idx.msk [tilespmem:v35+s1+$0x0], $0xffff  }
0x6e: {  	v32 =	vor.u32 $0x7, v0;
	v0 =	vmov v15;
	v23 =	vld.idx.msk [tilespmem:v23+s1+$0x0], $0xffff;
	[tilespmem:s0+$0xF800] =	vst v36  }
0x6f: {  	v15 =	vor.u32 $0x2, v0;
	[tilespmem:s2+$0x4410] =	vst v27;
	v27 =	vld.idx.msk [tilespmem:v9+s14+$0x0], $0xffff;
	v9 =	vmov v38  }
0x70: {  	v28 =	vld.idx.msk [tilespmem:v28+s1+$0x0], $0xffff;
	[tilespmem:s2+$0x4420] =	vst v16  }
0x71: {  	v16 =	vld.idx.msk [tilespmem:v30+s1+$0x0], $0xffff;
	[tilespmem:s0+$0xF810] =	vst v18  }
0x72: {  	v18 =	vld.idx.msk [tilespmem:v5+s14+$0x0], $0xffff;
	[tilespmem:s0+$0x11C30] =	vst v17;
	v5 =	vmov v22  }
0x73: {  	[tilespmem:s2+$0x6830] =	vst v21;
	v17 =	vld.idx.msk [tilespmem:v32+s14+$0x0], $0xffff  }
0x74: {  	[tilespmem:s2+$0x6800] =	vst v23;
	v21 =	vld.idx.msk [tilespmem:v15+s1+$0x0], $0xffff  }
0x75: {  	v22 =	vld.idx.msk [tilespmem:v24+s1+$0x0], $0xffff;
	[tilespmem:s0+$0xF820] =	vst v27  }
0x76: {  	v23 =	vor.u32 $0x3, v0;
	[tilespmem:s2+$0x6810] =	vst v28;
	v24 =	vld.idx.msk [tilespmem:v4+s14+$0x0], $0xffff;
	v4 =	vmov v37  }
0x77: {  	v27 =	vld.idx.msk [tilespmem:v29+s1+$0x0], $0xffff;
	[tilespmem:s2+$0x6820] =	vst v16  }
0x78: {  	v28 =	vld.idx.msk [tilespmem:v31+s1+$0x0], $0xffff;
	[tilespmem:s0+$0x11C00] =	vst v18  }
0x79: {  	v15 =	vld.idx.msk [tilespmem:v8+s14+$0x0], $0xffff;
	[tilespmem:s0+$0x14030] =	vst v17;
	v8 =	vmov v19  }
.Ltmp0:
0x7a: {  	[tilespmem:s2+$0x8C30] =	vst v21;
	v16 =	vld.idx.msk [tilespmem:v3+s14+$0x0], $0xffff;
	v3 =	vmov v26;
	(pc) =	sbr.rel @p0 .LBB2_2-.Ltmp0, $4  }
0x7b: {  	[tilespmem:s2+$0x8C00] =	vst v22;
	v18 =	vld.idx.msk [tilespmem:v23+s1+$0x0], $0xffff  }
0x7c: {  	v19 =	vld.idx.msk [tilespmem:v25+s1+$0x0], $0xffff;
	[tilespmem:s0+$0x11C10] =	vst v24  }
0x7d: {  	v21 =	vor.u32 $0x4, v0;
	[tilespmem:s2+$0x8C10] =	vst v27;
	v17 =	vld.idx.msk [tilespmem:v2+s14+$0x0], $0xffff;
	v2 =	vmov v39  }
0x7e: {  	s15 =	sadd.s32 $0x100, s15;
	v20 =	vld.idx.msk [tilespmem:v20+s1+$0x0], $0xffff;
	[tilespmem:s2+$0x8C20] =	vst v28  }
0x7f: {  	_ =	sdelay $0x3  }
0x80: {  	v14 =	vld.idx.msk [tilespmem:v14+s1+$0x0], $0xffff;
	_ =	sdelay $0x1  }
0x81: {  	[tilespmem:s2+$0xB030] =	vst v18  }
0x82: {  	[tilespmem:s2+$0xB000] =	vst v19;
	v18 =	vld.idx.msk [tilespmem:v21+s1+$0x0], $0xffff  }
0x83: {  	v19 =	vor.u32 $0x5, v0;
	v10 =	vld.idx.msk [tilespmem:v10+s1+$0x0], $0xffff;
	[tilespmem:s2+$0xB010] =	vst v20  }
0x84: {  	[tilespmem:s2+$0xB020] =	vst v14;
	v11 =	vld.idx.msk [tilespmem:v11+s1+$0x0], $0xffff  }
0x85: {  	v13 =	vld.idx.msk [tilespmem:v13+s1+$0x0], $0xffff;
	_ =	sdelay $0x1  }
0x86: {  	[tilespmem:s2+$0xD430] =	vst v18  }
0x87: {  	v14 =	vld.idx.msk [tilespmem:v19+s1+$0x0], $0xffff;
	[tilespmem:s2+$0xD400] =	vst v10  }
0x88: {  	v10 =	vor.u32 $0x6, v0;
	v6 =	vld.idx.msk [tilespmem:v6+s1+$0x0], $0xffff;
	[tilespmem:s2+$0xD410] =	vst v11  }
0x89: {  	[tilespmem:s2+$0xD420] =	vst v13;
	v7 =	vld.idx.msk [tilespmem:v7+s1+$0x0], $0xffff  }
0x8a: {  	v9 =	vld.idx.msk [tilespmem:v9+s1+$0x0], $0xffff;
	_ =	sdelay $0x1  }
0x8b: {  	[tilespmem:s2+$0xF830] =	vst v14  }
0x8c: {  	v10 =	vld.idx.msk [tilespmem:v10+s1+$0x0], $0xffff;
	[tilespmem:s2+$0xF800] =	vst v6  }
0x8d: {  	v0 =	vor.u32 $0x7, v0;
	v5 =	vld.idx.msk [tilespmem:v5+s1+$0x0], $0xffff;
	[tilespmem:s2+$0xF810] =	vst v7  }
0x8e: {  	[tilespmem:s2+$0xF820] =	vst v9;
	v4 =	vld.idx.msk [tilespmem:v4+s1+$0x0], $0xffff  }
0x8f: {  	[tilespmem:s0+$0x11C20] =	vst v15;
	v6 =	vld.idx.msk [tilespmem:v8+s1+$0x0], $0xffff  }
0x90: {  	[tilespmem:s0+$0x14000] =	vst v16  }
0x91: {  	v1 =	vld.idx.msk [tilespmem:v1+s14+$0x0], $0xffff;
	[tilespmem:s2+$0x11C30] =	vst v10  }
0x92: {  	v0 =	vld.idx.msk [tilespmem:v0+s1+$0x0], $0xffff;
	[tilespmem:s2+$0x11C00] =	vst v5  }
0x93: {  	v3 =	vld.idx.msk [tilespmem:v3+s1+$0x0], $0xffff;
	[tilespmem:s2+$0x11C10] =	vst v4  }
0x94: {  	v2 =	vld.idx.msk [tilespmem:v2+s1+$0x0], $0xffff;
	[tilespmem:s2+$0x11C20] =	vst v6  }
0x95: {  	[tilespmem:s0+$0x14010] =	vst v17;
	v4 =	vld.idx.msk [tilespmem:v12+s1+$0x0], $0xffff  }
0x96: {  	[tilespmem:s0+$0x14020] =	vst v1  }
0x97: {  	[tilespmem:s2+$0x14030] =	vst v0  }
0x98: {  	[tilespmem:s2+$0x14000] =	vst v3  }
0x99: {  	[tilespmem:s2+$0x14010] =	vst v2  }
0x9a: {  	s0 =	simm.s32 $0x0;
	[tilespmem:s2+$0x14020] =	vst v4  }
0x9b: {  	v0 =	vld [tilespmem:s0+$0x2270]  }
0x9c: {  	v1 =	vld [tilespmem:s0+$0x2240]  }
0x9d: {  	v2 =	vld [tilespmem:s0+$0x2250]  }
0x9e: {  	v3 =	vld [tilespmem:s0+$0x2260];
	_ =	sdelay $0x1  }
0x9f: {  	v4 =	vshll.u32 v0, $0x3  }
0xa0: {  	v1 =	vshll.u32 v1, $0x3  }
0xa1: {  	v2 =	vshll.u32 v2, $0x3  }
0xa2: {  	v3 =	vshll.u32 v3, $0x3;
	_ =	sdelay $0x1  }
0xa3: {  	v0 =	vld.idx.msk [tilespmem:v4+s1+$0x0], $0xffff  }
0xa4: {  	v6 =	vor.u32 $0x1, v4;
	v5 =	vld.idx.msk [tilespmem:v1+s1+$0x0], $0xffff  }
0xa5: {  	v7 =	vor.u32 $0x1, v1;
	v8 =	vld.idx.msk [tilespmem:v2+s1+$0x0], $0xffff  }
0xa6: {  	v9 =	vor.u32 $0x1, v2;
	v10 =	vld.idx.msk [tilespmem:v3+s1+$0x0], $0xffff  }
0xa7: {  	v11 =	vor.u32 $0x1, v3  }
0xa8: {  	[tilespmem:s0+$0x4670] =	vst v0  }
0xa9: {  	[tilespmem:s0+$0x4640] =	vst v5;
	v0 =	vld.idx.msk [tilespmem:v6+s1+$0x0], $0xffff  }
0xaa: {  	[tilespmem:s0+$0x4650] =	vst v8;
	v5 =	vld.idx.msk [tilespmem:v7+s1+$0x0], $0xffff;
	v6 =	vor.u32 $0x2, v4  }
0xab: {  	[tilespmem:s0+$0x4660] =	vst v10;
	v7 =	vor.u32 $0x2, v1;
	v8 =	vld.idx.msk [tilespmem:v9+s1+$0x0], $0xffff  }
0xac: {  	v9 =	vor.u32 $0x2, v2;
	v10 =	vld.idx.msk [tilespmem:v11+s1+$0x0], $0xffff  }
0xad: {  	v11 =	vor.u32 $0x2, v3  }
0xae: {  	[tilespmem:s0+$0x6A70] =	vst v0  }
0xaf: {  	[tilespmem:s0+$0x6A40] =	vst v5;
	v0 =	vld.idx.msk [tilespmem:v6+s1+$0x0], $0xffff  }
0xb0: {  	[tilespmem:s0+$0x6A50] =	vst v8;
	v5 =	vld.idx.msk [tilespmem:v7+s1+$0x0], $0xffff;
	v6 =	vor.u32 $0x3, v4  }
0xb1: {  	[tilespmem:s0+$0x6A60] =	vst v10;
	v7 =	vor.u32 $0x3, v1;
	v8 =	vld.idx.msk [tilespmem:v9+s1+$0x0], $0xffff  }
0xb2: {  	v9 =	vor.u32 $0x3, v2;
	v10 =	vld.idx.msk [tilespmem:v11+s1+$0x0], $0xffff  }
0xb3: {  	v11 =	vor.u32 $0x3, v3  }
0xb4: {  	[tilespmem:s0+$0x8E70] =	vst v0  }
0xb5: {  	[tilespmem:s0+$0x8E40] =	vst v5;
	v0 =	vld.idx.msk [tilespmem:v6+s1+$0x0], $0xffff  }
0xb6: {  	[tilespmem:s0+$0x8E50] =	vst v8;
	v5 =	vld.idx.msk [tilespmem:v7+s1+$0x0], $0xffff  }
0xb7: {  	[tilespmem:s0+$0x8E60] =	vst v10;
	v7 =	vld.idx.msk [tilespmem:v9+s1+$0x0], $0xffff  }
0xb8: {  	s31 =	simm.s32 $0x40;
	v8 =	vld.idx.msk [tilespmem:v11+s1+$0x0], $0xffff  }
0xb9: {  	v9 =	vld [tilespmem:s31+$0x2270]  }
0xba: {  	v6 =	vor.u32 $0x4, v4;
	v11 =	vld [tilespmem:s31+$0x2240]  }
0xbb: {  	v14 =	vld [tilespmem:s31+$0x2250];
	v12 =	vor.u32 $0x4, v2  }
0xbc: {  	v15 =	vld [tilespmem:s31+$0x2260];
	v13 =	vor.u32 $0x4, v3  }
0xbd: {  	v10 =	vor.u32 $0x4, v1  }
0xbe: {  	[tilespmem:s0+$0xB270] =	vst v0;
	v0 =	vshll.u32 v9, $0x3  }
0xbf: {  	[tilespmem:s0+$0xB250] =	vst v7;
	v17 =	vshll.u32 v11, $0x3;
	v6 =	vld.idx.msk [tilespmem:v6+s1+$0x0], $0xffff  }
0xc0: {  	[tilespmem:s0+$0xB260] =	vst v8;
	v8 =	vld.idx.msk [tilespmem:v12+s1+$0x0], $0xffff;
	v12 =	vshll.u32 v14, $0x3  }
0xc1: {  	v20 =	vshll.u32 v15, $0x3;
	[tilespmem:s0+$0xB240] =	vst v5;
	v9 =	vld.idx.msk [tilespmem:v13+s1+$0x0], $0xffff  }
0xc2: {  	v16 =	vor.u32 $0x5, v4;
	v5 =	vld.idx.msk [tilespmem:v10+s1+$0x0], $0xffff  }
0xc3: {  	v7 =	vor.u32 $0x5, v1;
	v11 =	vld.idx.msk [tilespmem:v0+s1+$0x0], $0xffff  }
0xc4: {  	v10 =	vor.u32 $0x5, v2;
	v13 =	vld.idx.msk [tilespmem:v17+s1+$0x0], $0xffff;
	[tilespmem:s0+$0xD670] =	vst v6  }
0xc5: {  	v14 =	vor.u32 $0x1, v0;
	[tilespmem:s0+$0xD650] =	vst v8;
	v8 =	vld.idx.msk [tilespmem:v12+s1+$0x0], $0xffff  }
0xc6: {  	v15 =	vor.u32 $0x1, v17;
	[tilespmem:s0+$0xD660] =	vst v9;
	v9 =	vld.idx.msk [tilespmem:v20+s1+$0x0], $0xffff  }
0xc7: {  	[tilespmem:s0+$0xD640] =	vst v5;
	v6 =	vld.idx.msk [tilespmem:v16+s1+$0x0], $0xffff;
	v16 =	vor.u32 $0x5, v3  }
0xc8: {  	v5 =	vor.u32 $0x6, v4;
	v7 =	vld.idx.msk [tilespmem:v7+s1+$0x0], $0xffff;
	[tilespmem:s31+$0x4670] =	vst v11  }
0xc9: {  	v18 =	vor.u32 $0x1, v12;
	v10 =	vld.idx.msk [tilespmem:v10+s1+$0x0], $0xffff;
	[tilespmem:s31+$0x4640] =	vst v13  }
0xca: {  	v11 =	vor.u32 $0x6, v1;
	v13 =	vld.idx.msk [tilespmem:v14+s1+$0x0], $0xffff;
	[tilespmem:s31+$0x4650] =	vst v8  }
0xcb: {  	v14 =	vld.idx.msk [tilespmem:v15+s1+$0x0], $0xffff;
	[tilespmem:s31+$0x4660] =	vst v9;
	v9 =	vor.u32 $0x6, v2  }
0xcc: {  	[tilespmem:s0+$0xFA70] =	vst v6;
	v6 =	vor.u32 $0x1, v20;
	v8 =	vld.idx.msk [tilespmem:v16+s1+$0x0], $0xffff  }
0xcd: {  	[tilespmem:s0+$0xFA40] =	vst v7;
	v7 =	vor.u32 $0x2, v0;
	v5 =	vld.idx.msk [tilespmem:v5+s1+$0x0], $0xffff  }
0xce: {  	v15 =	vor.u32 $0x2, v17;
	v16 =	vld.idx.msk [tilespmem:v18+s1+$0x0], $0xffff  }
0xcf: {  	[tilespmem:s0+$0xFA50] =	vst v10;
	v10 =	vor.u32 $0x2, v12;
	v11 =	vld.idx.msk [tilespmem:v11+s1+$0x0], $0xffff  }
0xd0: {  	v4 =	vor.u32 $0x7, v4;
	[tilespmem:s31+$0x6A70] =	vst v13;
	v9 =	vld.idx.msk [tilespmem:v9+s1+$0x0], $0xffff  }
0xd1: {  	v13 =	vor.u32 $0x6, v3;
	[tilespmem:s31+$0x6A40] =	vst v14;
	v6 =	vld.idx.msk [tilespmem:v6+s1+$0x0], $0xffff  }
0xd2: {  	v7 =	vld.idx.msk [tilespmem:v7+s1+$0x0], $0xffff;
	[tilespmem:s0+$0x11E70] =	vst v5;
	v5 =	vor.u32 $0x2, v20  }
0xd3: {  	v14 =	vor.u32 $0x7, v1;
	v18 =	vld.idx.msk [tilespmem:v15+s1+$0x0], $0xffff;
	[tilespmem:s31+$0x6A50] =	vst v16  }
0xd4: {  	[tilespmem:s0+$0xFA60] =	vst v8;
	v8 =	vor.u32 $0x3, v0;
	v21 =	vld.idx.msk [tilespmem:v10+s1+$0x0], $0xffff  }
0xd5: {  	v19 =	vor.u32 $0x3, v17;
	v4 =	vld.idx.msk [tilespmem:v4+s1+$0x0], $0xffff;
	[tilespmem:s0+$0x11E40] =	vst v11  }
0xd6: {  	v22 =	vor.u32 $0x7, v2;
	v15 =	vld.idx.msk [tilespmem:v13+s1+$0x0], $0xffff;
	[tilespmem:s31+$0x6A60] =	vst v6  }
0xd7: {  	v24 =	vor.u32 $0x3, v12;
	[tilespmem:s0+$0x11E50] =	vst v9;
	v23 =	vld.idx.msk [tilespmem:v5+s1+$0x0], $0xffff  }
0xd8: {  	v2 =	vor.u32 $0x7, v12;
	v1 =	vor.u32 $0x7, v3;
	v16 =	vld.idx.msk [tilespmem:v14+s1+$0x0], $0xffff;
	v14 =	vor.u32 $0x3, v20;
	[tilespmem:s31+$0x8E70] =	vst v7  }
0xd9: {  	v3 =	vor.u32 $0x7, v17;
	v10 =	vor.u32 $0x4, v17;
	v11 =	vor.u32 $0x4, v12;
	[tilespmem:s31+$0x8E40] =	vst v18;
	v18 =	vld.idx.msk [tilespmem:v8+s1+$0x0], $0xffff  }
0xda: {  	v13 =	vor.u32 $0x4, v20;
	v9 =	vor.u32 $0x5, v20;
	v6 =	vor.u32 $0x5, v17;
	v19 =	vld.idx.msk [tilespmem:v19+s1+$0x0], $0xffff;
	[tilespmem:s31+$0x8E50] =	vst v21  }
0xdb: {  	s15 =	simm.s32 $0x4;
	v7 =	vor.u32 $0x5, v12;
	v5 =	vor.u32 $0x6, v17;
	v17 =	vld.idx.msk [tilespmem:v22+s1+$0x0], $0xffff;
	v21 =	vor.u32 $0x4, v0;
	[tilespmem:s0+$0x14270] =	vst v4  }
0xdc: {  	s17 =	simm.s32 $0x200;
	s14 =	simm.s32 $0x0;
	s2 =	simm.s32 $0x40;
	v8 =	vor.u32 $0x6, v20;
	v4 =	vor.u32 $0x6, v12;
	v12 =	vor.u32 $0x7, v20;
	v20 =	vld.idx.msk [tilespmem:v24+s1+$0x0], $0xffff;
	[tilespmem:s31+$0x8E60] =	vst v23  }
.LBB2_4:
0xdd: {  	s20 =	sshra.s32 s17, $0x2;
	s15 =	sadd.s32 $0x4, s15;
	v14 =	vld.idx.msk [tilespmem:v14+s1+$0x0], $0xffff;
	[tilespmem:s14+$0x11E60] =	vst v15  }
0xde: {  	v15 =	vld [tilespmem:s20+$0x2270];
	p0 =	slt.u32 s15, $0x20;
	[tilespmem:s14+$0x14240] =	vst v16  }
0xdf: {  	v16 =	vld [tilespmem:s20+$0x2240];
	[tilespmem:s2+$0xB270] =	vst v18  }
0xe0: {  	[tilespmem:s2+$0xB240] =	vst v19;
	v18 =	vld.idx.msk [tilespmem:v21+s1+$0x0], $0xffff  }
0xe1: {  	v19 =	vld [tilespmem:s20+$0x2250];
	[tilespmem:s14+$0x14250] =	vst v17  }
0xe2: {  	v17 =	vld [tilespmem:s20+$0x2260];
	[tilespmem:s2+$0xB250] =	vst v20;
	v20 =	vor.u32 $0x5, v0  }
0xe3: {  	v15 =	vshll.u32 v15, $0x3;
	v21 =	vld.idx.msk [tilespmem:v10+s1+$0x0], $0xffff;
	[tilespmem:s2+$0xB260] =	vst v14  }
0xe4: {  	v16 =	vshll.u32 v16, $0x3;
	v22 =	vld.idx.msk [tilespmem:v11+s1+$0x0], $0xffff  }
0xe5: {  	v23 =	vor.u32 $0x1, v16;
	v24 =	vor.u32 $0x2, v16;
	v25 =	vor.u32 $0x3, v16;
	v26 =	vld.idx.msk [tilespmem:v13+s1+$0x0], $0xffff  }
0xe6: {  	v10 =	vor.u32 $0x4, v16;
	v27 =	vor.u32 $0x5, v16;
	v19 =	vshll.u32 v19, $0x3;
	[tilespmem:s2+$0xD670] =	vst v18;
	v18 =	vld.idx.msk [tilespmem:v1+s1+$0x0], $0xffff;
	v1 =	vmovc v12  }
0xe7: {  	v28 =	vor.u32 $0x1, v19;
	v29 =	vor.u32 $0x2, v19;
	v12 =	vshll.u32 v17, $0x3;
	v17 =	vld.idx.msk [tilespmem:v20+s1+$0x0], $0xffff  }
0xe8: {  	v20 =	vor.u32 $0x3, v19;
	v30 =	vor.u32 $0x1, v12;
	v31 =	vor.u32 $0x2, v12;
	v32 =	vld.idx.msk [tilespmem:v15+s1+$0x0], $0xffff  }
0xe9: {  	v11 =	vor.u32 $0x4, v19;
	v14 =	vor.u32 $0x3, v12;
	v33 =	vld.idx.msk [tilespmem:v16+s1+$0x0], $0xffff;
	[tilespmem:s2+$0xD640] =	vst v21;
	v21 =	vor.u32 $0x6, v0  }
0xea: {  	v35 =	vor.u32 $0x1, v15;
	v34 =	vor.u32 $0x5, v19;
	v13 =	vor.u32 $0x4, v12;
	v36 =	vld.idx.msk [tilespmem:v6+s1+$0x0], $0xffff;
	[tilespmem:s2+$0xD650] =	vst v22;
	v6 =	vmovc v27  }
0xeb: {  	v37 =	vor.u32 $0x6, v19;
	v38 =	vor.u32 $0x5, v12;
	v22 =	vor.u32 $0x6, v16;
	v27 =	vld.idx.msk [tilespmem:v19+s1+$0x0], $0xffff;
	[tilespmem:s2+$0xD660] =	vst v26  }
0xec: {  	v39 =	vor.u32 $0x7, v19;
	v26 =	vor.u32 $0x7, v16;
	v19 =	vor.u32 $0x6, v12;
	v16 =	vld.idx.msk [tilespmem:v12+s1+$0x0], $0xffff;
	[tilespmem:s14+$0x14260] =	vst v18;
	s14 =	smov.u32 s2;
	s2 =	smov.u32 s20  }
0xed: {  	v12 =	vor.u32 $0x7, v12;
	v18 =	vld.idx.msk [tilespmem:v7+s1+$0x0], $0xffff;
	[tilespmem:s14+$0xFA70] =	vst v17;
	v7 =	vmov v34  }
0xee: {  	[tilespmem:s2+$0x4670] =	vst v32;
	v17 =	vld.idx.msk [tilespmem:v21+s1+$0x0], $0xffff  }
0xef: {  	[tilespmem:s2+$0x4640] =	vst v33;
	v21 =	vld.idx.msk [tilespmem:v35+s1+$0x0], $0xffff  }
0xf0: {  	v32 =	vor.u32 $0x7, v0;
	v0 =	vmov v15;
	v23 =	vld.idx.msk [tilespmem:v23+s1+$0x0], $0xffff;
	[tilespmem:s14+$0xFA40] =	vst v36  }
0xf1: {  	v15 =	vor.u32 $0x2, v0;
	[tilespmem:s2+$0x4650] =	vst v27;
	v27 =	vld.idx.msk [tilespmem:v9+s1+$0x0], $0xffff;
	v9 =	vmov v38  }
0xf2: {  	v28 =	vld.idx.msk [tilespmem:v28+s1+$0x0], $0xffff;
	[tilespmem:s2+$0x4660] =	vst v16  }
0xf3: {  	v16 =	vld.idx.msk [tilespmem:v30+s1+$0x0], $0xffff;
	[tilespmem:s14+$0xFA50] =	vst v18  }
0xf4: {  	v18 =	vld.idx.msk [tilespmem:v5+s1+$0x0], $0xffff;
	[tilespmem:s14+$0x11E70] =	vst v17;
	v5 =	vmov v22  }
0xf5: {  	[tilespmem:s2+$0x6A70] =	vst v21;
	v17 =	vld.idx.msk [tilespmem:v32+s1+$0x0], $0xffff  }
0xf6: {  	[tilespmem:s2+$0x6A40] =	vst v23;
	v21 =	vld.idx.msk [tilespmem:v15+s1+$0x0], $0xffff  }
0xf7: {  	v22 =	vld.idx.msk [tilespmem:v24+s1+$0x0], $0xffff;
	[tilespmem:s14+$0xFA60] =	vst v27  }
0xf8: {  	v23 =	vor.u32 $0x3, v0;
	[tilespmem:s2+$0x6A50] =	vst v28;
	v24 =	vld.idx.msk [tilespmem:v4+s1+$0x0], $0xffff;
	v4 =	vmov v37  }
0xf9: {  	v27 =	vld.idx.msk [tilespmem:v29+s1+$0x0], $0xffff;
	[tilespmem:s2+$0x6A60] =	vst v16  }
0xfa: {  	v28 =	vld.idx.msk [tilespmem:v31+s1+$0x0], $0xffff;
	[tilespmem:s14+$0x11E40] =	vst v18  }
0xfb: {  	v15 =	vld.idx.msk [tilespmem:v8+s1+$0x0], $0xffff;
	[tilespmem:s14+$0x14270] =	vst v17;
	v8 =	vmov v19  }
.Ltmp1:
0xfc: {  	[tilespmem:s2+$0x8E70] =	vst v21;
	v16 =	vld.idx.msk [tilespmem:v3+s1+$0x0], $0xffff;
	v3 =	vmov v26;
	(pc) =	sbr.rel @p0 .LBB2_4-.Ltmp1, $4  }
0xfd: {  	[tilespmem:s2+$0x8E40] =	vst v22;
	v18 =	vld.idx.msk [tilespmem:v23+s1+$0x0], $0xffff  }
0xfe: {  	v19 =	vld.idx.msk [tilespmem:v25+s1+$0x0], $0xffff;
	[tilespmem:s14+$0x11E50] =	vst v24  }
0xff: {  	v21 =	vor.u32 $0x4, v0;
	[tilespmem:s2+$0x8E50] =	vst v27;
	v17 =	vld.idx.msk [tilespmem:v2+s1+$0x0], $0xffff;
	v2 =	vmov v39  }
0x100: {  	s17 =	sadd.s32 $0x100, s17;
	v20 =	vld.idx.msk [tilespmem:v20+s1+$0x0], $0xffff;
	[tilespmem:s2+$0x8E60] =	vst v28  }
0x101: {  	_ =	sdelay $0x3  }
0x102: {  	v14 =	vld.idx.msk [tilespmem:v14+s1+$0x0], $0xffff;
	_ =	sdelay $0x1  }
0x103: {  	[tilespmem:s2+$0xB270] =	vst v18  }
0x104: {  	[tilespmem:s2+$0xB240] =	vst v19;
	v18 =	vld.idx.msk [tilespmem:v21+s1+$0x0], $0xffff  }
0x105: {  	v19 =	vor.u32 $0x5, v0;
	v10 =	vld.idx.msk [tilespmem:v10+s1+$0x0], $0xffff;
	[tilespmem:s2+$0xB250] =	vst v20  }
0x106: {  	[tilespmem:s2+$0xB260] =	vst v14;
	v11 =	vld.idx.msk [tilespmem:v11+s1+$0x0], $0xffff  }
0x107: {  	v13 =	vld.idx.msk [tilespmem:v13+s1+$0x0], $0xffff;
	_ =	sdelay $0x1  }
0x108: {  	[tilespmem:s2+$0xD670] =	vst v18  }
0x109: {  	v14 =	vld.idx.msk [tilespmem:v19+s1+$0x0], $0xffff;
	[tilespmem:s2+$0xD640] =	vst v10  }
0x10a: {  	v10 =	vor.u32 $0x6, v0;
	v6 =	vld.idx.msk [tilespmem:v6+s1+$0x0], $0xffff;
	[tilespmem:s2+$0xD650] =	vst v11  }
0x10b: {  	[tilespmem:s2+$0xD660] =	vst v13;
	v7 =	vld.idx.msk [tilespmem:v7+s1+$0x0], $0xffff  }
0x10c: {  	v9 =	vld.idx.msk [tilespmem:v9+s1+$0x0], $0xffff;
	_ =	sdelay $0x1  }
0x10d: {  	[tilespmem:s2+$0xFA70] =	vst v14  }
0x10e: {  	v10 =	vld.idx.msk [tilespmem:v10+s1+$0x0], $0xffff;
	[tilespmem:s2+$0xFA40] =	vst v6  }
0x10f: {  	v0 =	vor.u32 $0x7, v0;
	v5 =	vld.idx.msk [tilespmem:v5+s1+$0x0], $0xffff;
	[tilespmem:s2+$0xFA50] =	vst v7  }
0x110: {  	[tilespmem:s2+$0xFA60] =	vst v9;
	v4 =	vld.idx.msk [tilespmem:v4+s1+$0x0], $0xffff  }
0x111: {  	[tilespmem:s14+$0x11E60] =	vst v15;
	v6 =	vld.idx.msk [tilespmem:v8+s1+$0x0], $0xffff  }
0x112: {  	[tilespmem:s14+$0x14240] =	vst v16  }
0x113: {  	v1 =	vld.idx.msk [tilespmem:v1+s1+$0x0], $0xffff;
	[tilespmem:s2+$0x11E70] =	vst v10  }
0x114: {  	v0 =	vld.idx.msk [tilespmem:v0+s1+$0x0], $0xffff;
	[tilespmem:s2+$0x11E40] =	vst v5  }
0x115: {  	v3 =	vld.idx.msk [tilespmem:v3+s1+$0x0], $0xffff;
	[tilespmem:s2+$0x11E50] =	vst v4  }
0x116: {  	v2 =	vld.idx.msk [tilespmem:v2+s1+$0x0], $0xffff;
	[tilespmem:s2+$0x11E60] =	vst v6  }
0x117: {  	[tilespmem:s14+$0x14250] =	vst v17;
	v4 =	vld.idx.msk [tilespmem:v12+s1+$0x0], $0xffff  }
0x118: {  	[tilespmem:s14+$0x14260] =	vst v1  }
0x119: {  	[tilespmem:s2+$0x14270] =	vst v0  }
0x11a: {  	[tilespmem:s2+$0x14240] =	vst v3  }
0x11b: {  	[tilespmem:s2+$0x14250] =	vst v2  }
0x11c: {  	[tilespmem:s2+$0x14260] =	vst v4  }
0x11d: {  	v0 =	vld [tilespmem:s0+$0x24B0]  }
0x11e: {  	v1 =	vld [tilespmem:s0+$0x2480]  }
0x11f: {  	v2 =	vld [tilespmem:s0+$0x2490]  }
0x120: {  	v3 =	vld [tilespmem:s0+$0x24A0];
	_ =	sdelay $0x1  }
0x121: {  	v14 =	vshll.u32 v0, $0x3  }
0x122: {  	v0 =	vshll.u32 v1, $0x3  }
0x123: {  	v2 =	vshll.u32 v2, $0x3  }
0x124: {  	v7 =	vshll.u32 v3, $0x3  }
0x125: {  	s1 =	simm.s32 $0x0  }
0x126: {  	v1 =	vld.idx.msk [tilespmem:v14+s1+$0x0], $0xffff  }
0x127: {  	v4 =	vor.u32 $0x1, v14;
	v3 =	vld.idx.msk [tilespmem:v0+s1+$0x0], $0xffff  }
0x128: {  	v5 =	vor.u32 $0x1, v0;
	v6 =	vld.idx.msk [tilespmem:v2+s1+$0x0], $0xffff  }
0x129: {  	v8 =	vor.u32 $0x1, v2;
	v9 =	vld.idx.msk [tilespmem:v7+s1+$0x0], $0xffff  }
0x12a: {  	v10 =	vor.u32 $0x1, v7  }
0x12b: {  	[tilespmem:s0+$0x48B0] =	vst v1  }
0x12c: {  	[tilespmem:s0+$0x4880] =	vst v3;
	v1 =	vld.idx.msk [tilespmem:v4+s1+$0x0], $0xffff  }
0x12d: {  	[tilespmem:s0+$0x4890] =	vst v6;
	v3 =	vld.idx.msk [tilespmem:v5+s1+$0x0], $0xffff;
	v4 =	vor.u32 $0x2, v14  }
0x12e: {  	[tilespmem:s0+$0x48A0] =	vst v9;
	v5 =	vor.u32 $0x2, v0;
	v6 =	vld.idx.msk [tilespmem:v8+s1+$0x0], $0xffff  }
0x12f: {  	v8 =	vor.u32 $0x2, v2;
	v9 =	vld.idx.msk [tilespmem:v10+s1+$0x0], $0xffff  }
0x130: {  	v10 =	vor.u32 $0x2, v7  }
0x131: {  	[tilespmem:s0+$0x6CB0] =	vst v1  }
0x132: {  	[tilespmem:s0+$0x6C80] =	vst v3;
	v4 =	vld.idx.msk [tilespmem:v4+s1+$0x0], $0xffff  }
0x133: {  	v12 =	vor.u32 $0x3, v14;
	[tilespmem:s0+$0x6C90] =	vst v6;
	v5 =	vld.idx.msk [tilespmem:v5+s1+$0x0], $0xffff  }
0x134: {  	v16 =	vor.u32 $0x3, v0;
	[tilespmem:s0+$0x6CA0] =	vst v9;
	v17 =	vld.idx.msk [tilespmem:v8+s1+$0x0], $0xffff  }
0x135: {  	p1 =	por $0x1, $0x1;
	v18 =	vor.u32 $0x3, v2;
	v23 =	vld.idx.msk [tilespmem:v10+s1+$0x0], $0xffff  }
.Ltmp2:
0x136: {  	v15 =	vor.u32 $0x5, v0;
	v11 =	vor.u32 $0x3, v7;
	(pc) =	sbr.rel @!p1 .LBB2_6-.Ltmp2, $4  }
0x137: {  	v13 =	vor.u32 $0x7, v2;
	v22 =	vor.u32 $0x4, v14;
	v1 =	vor.u32 $0x4, v0;
	[tilespmem:s0+$0x90B0] =	vst v4  }
0x138: {  	v3 =	vor.u32 $0x4, v2;
	v9 =	vor.u32 $0x6, v0;
	v6 =	vor.u32 $0x6, v2;
	[tilespmem:s0+$0x9080] =	vst v5;
	v19 =	vld.idx.msk [tilespmem:v12+s1+$0x0], $0xffff  }
0x139: {  	v8 =	vor.u32 $0x5, v2;
	v10 =	vor.u32 $0x7, v0;
	v0 =	vor.u32 $0x7, v7;
	[tilespmem:s0+$0x9090] =	vst v17;
	v20 =	vld.idx.msk [tilespmem:v16+s1+$0x0], $0xffff  }
0x13a: {  	p0 =	por $0x0, $0x0;
	v4 =	vor.u32 $0x4, v7;
	v5 =	vor.u32 $0x6, v7;
	[tilespmem:s0+$0x90A0] =	vst v23;
	v12 =	vor.u32 $0x5, v7;
	v21 =	vld.idx.msk [tilespmem:v18+s1+$0x0], $0xffff  }
0x13b: {  	_ =	sdelay $0x3  }
0x13c: {  	v7 =	vld.idx.msk [tilespmem:v11+s1+$0x0], $0xffff  }
0x13d: {  	v2 =	vld [tilespmem:s31+$0x24B0]  }
0x13e: {  	v11 =	vld [tilespmem:s31+$0x2480]  }
0x13f: {  	v17 =	vld [tilespmem:s31+$0x2490];
	[tilespmem:s0+$0xB4B0] =	vst v19  }
0x140: {  	v16 =	vld.idx.msk [tilespmem:v22+s1+$0x0], $0xffff  }
0x141: {  	v18 =	vld [tilespmem:s31+$0x24A0];
	v19 =	vor.u32 $0x5, v14  }
0x142: {  	[tilespmem:s0+$0xB480] =	vst v20;
	v2 =	vshll.u32 v2, $0x3  }
0x143: {  	[tilespmem:s0+$0xB490] =	vst v21;
	v1 =	vld.idx.msk [tilespmem:v1+s1+$0x0], $0xffff;
	v21 =	vshll.u32 v11, $0x3  }
0x144: {  	[tilespmem:s0+$0xB4A0] =	vst v7;
	v3 =	vld.idx.msk [tilespmem:v3+s1+$0x0], $0xffff  }
0x145: {  	v7 =	vshll.u32 v17, $0x3;
	v4 =	vld.idx.msk [tilespmem:v4+s1+$0x0], $0xffff;
	[tilespmem:s0+$0xD8B0] =	vst v16  }
0x146: {  	v22 =	vshll.u32 v18, $0x3;
	v11 =	vld.idx.msk [tilespmem:v19+s1+$0x0], $0xffff  }
0x147: {  	v16 =	vld.idx.msk [tilespmem:v2+s1+$0x0], $0xffff  }
0x148: {  	[tilespmem:s0+$0xD880] =	vst v1;
	v17 =	vld.idx.msk [tilespmem:v21+s1+$0x0], $0xffff  }
0x149: {  	v1 =	vor.u32 $0x6, v14;
	v15 =	vld.idx.msk [tilespmem:v15+s1+$0x0], $0xffff  }
0x14a: {  	v18 =	vor.u32 $0x1, v2;
	[tilespmem:s0+$0xD890] =	vst v3;
	v3 =	vld.idx.msk [tilespmem:v7+s1+$0x0], $0xffff  }
0x14b: {  	v19 =	vor.u32 $0x1, v21;
	[tilespmem:s0+$0xD8A0] =	vst v4;
	v4 =	vld.idx.msk [tilespmem:v22+s1+$0x0], $0xffff  }
0x14c: {  	v20 =	vor.u32 $0x1, v7;
	v8 =	vld.idx.msk [tilespmem:v8+s1+$0x0], $0xffff;
	[tilespmem:s0+$0xFCB0] =	vst v11  }
0x14d: {  	v12 =	vld.idx.msk [tilespmem:v12+s1+$0x0], $0xffff;
	[tilespmem:s31+$0x48B0] =	vst v16  }
0x14e: {  	v11 =	vor.u32 $0x1, v22;
	v1 =	vld.idx.msk [tilespmem:v1+s1+$0x0], $0xffff;
	[tilespmem:s31+$0x4880] =	vst v17  }
0x14f: {  	v14 =	vor.u32 $0x7, v14;
	[tilespmem:s0+$0xFC80] =	vst v15;
	v16 =	vld.idx.msk [tilespmem:v18+s1+$0x0], $0xffff  }
0x150: {  	[tilespmem:s31+$0x4890] =	vst v3;
	v17 =	vld.idx.msk [tilespmem:v19+s1+$0x0], $0xffff  }
0x151: {  	v3 =	vor.u32 $0x2, v2;
	v18 =	vld.idx.msk [tilespmem:v20+s1+$0x0], $0xffff;
	[tilespmem:s31+$0x48A0] =	vst v4  }
0x152: {  	v15 =	vor.u32 $0x2, v21;
	[tilespmem:s0+$0xFC90] =	vst v8;
	v9 =	vld.idx.msk [tilespmem:v9+s1+$0x0], $0xffff  }
0x153: {  	v4 =	vld.idx.msk [tilespmem:v11+s1+$0x0], $0xffff;
	[tilespmem:s0+$0x120B0] =	vst v1  }
0x154: {  	v8 =	vor.u32 $0x2, v7;
	[tilespmem:s0+$0xFCA0] =	vst v12;
	v11 =	vld.idx.msk [tilespmem:v14+s1+$0x0], $0xffff  }
0x155: {  	v1 =	vor.u32 $0x2, v22;
	[tilespmem:s31+$0x6CB0] =	vst v16;
	v16 =	vld.idx.msk [tilespmem:v5+s1+$0x0], $0xffff  }
0x156: {  	[tilespmem:s31+$0x6C80] =	vst v17;
	v3 =	vld.idx.msk [tilespmem:v3+s1+$0x0], $0xffff  }
0x157: {  	v12 =	vor.u32 $0x3, v2;
	[tilespmem:s31+$0x6C90] =	vst v18;
	v14 =	vld.idx.msk [tilespmem:v15+s1+$0x0], $0xffff  }
0x158: {  	v18 =	vor.u32 $0x3, v21;
	[tilespmem:s0+$0x12080] =	vst v9;
	v15 =	vld.idx.msk [tilespmem:v6+s1+$0x0], $0xffff  }
0x159: {  	v23 =	vld.idx.msk [tilespmem:v8+s1+$0x0], $0xffff;
	[tilespmem:s31+$0x6CA0] =	vst v4  }
0x15a: {  	p3 =	por $0x1, $0x1;
	v25 =	vor.u32 $0x3, v7;
	v24 =	vld.idx.msk [tilespmem:v1+s1+$0x0], $0xffff;
	[tilespmem:s0+$0x144B0] =	vst v11  }
.Ltmp3:
0x15b: {  	v5 =	vor.u32 $0x5, v21;
	v17 =	vld.idx.msk [tilespmem:v10+s1+$0x0], $0xffff;
	v11 =	vor.u32 $0x3, v22;
	[tilespmem:s31+$0x90B0] =	vst v3;
	(pc) =	sbr.rel @!p3 .LBB2_8-.Ltmp3, $4  }
0x15c: {  	v9 =	vor.u32 $0x6, v21;
	v8 =	vor.u32 $0x5, v7;
	v6 =	vor.u32 $0x6, v7;
	[tilespmem:s31+$0x9080] =	vst v14;
	v19 =	vld.idx.msk [tilespmem:v12+s1+$0x0], $0xffff  }
0x15d: {  	v10 =	vor.u32 $0x7, v21;
	v4 =	vor.u32 $0x4, v22;
	[tilespmem:s0+$0x12090] =	vst v15;
	v15 =	vor.u32 $0x7, v22;
	v20 =	vld.idx.msk [tilespmem:v18+s1+$0x0], $0xffff  }
0x15e: {  	s14 =	simm.s32 $0x4;
	[tilespmem:s31+$0x9090] =	vst v23;
	v12 =	vor.u32 $0x5, v22;
	v18 =	vld.idx.msk [tilespmem:v13+s1+$0x0], $0xffff;
	v13 =	vor.u32 $0x6, v22;
	v22 =	vor.u32 $0x4, v2  }
0x15f: {  	s15 =	simm.s32 $0x200;
	p2 =	por $0x1, $0x1;
	s2 =	simm.s32 $0x0;
	v1 =	vor.u32 $0x4, v21;
	v3 =	vor.u32 $0x4, v7;
	v7 =	vor.u32 $0x7, v7;
	v21 =	vld.idx.msk [tilespmem:v25+s1+$0x0], $0xffff;
	[tilespmem:s31+$0x90A0] =	vst v24  }
.LBB2_9:
0x160: {  	s17 =	sshra.s32 s15, $0x2;
	s14 =	sadd.s32 $0x4, s14;
	v11 =	vld.idx.msk [tilespmem:v11+s1+$0x0], $0xffff;
	[tilespmem:s0+$0x120A0] =	vst v16  }
0x161: {  	v14 =	vld [tilespmem:s17+$0x24B0];
	p3 =	slt.u32 s14, $0x20;
	[tilespmem:s0+$0x14480] =	vst v17  }
0x162: {  	v16 =	vld [tilespmem:s17+$0x2480];
	[tilespmem:s31+$0xB4B0] =	vst v19  }
0x163: {  	[tilespmem:s31+$0xB480] =	vst v20;
	v17 =	vld.idx.msk [tilespmem:v22+s1+$0x0], $0xffff  }
0x164: {  	v19 =	vld [tilespmem:s17+$0x2490];
	[tilespmem:s0+$0x14490] =	vst v18  }
0x165: {  	v20 =	vor.u32 $0x5, v2;
	v18 =	vld [tilespmem:s17+$0x24A0];
	[tilespmem:s31+$0xB490] =	vst v21  }
0x166: {  	v14 =	vshll.u32 v14, $0x3;
	v21 =	vld.idx.msk [tilespmem:v1+s1+$0x0], $0xffff;
	[tilespmem:s31+$0xB4A0] =	vst v11  }
0x167: {  	v16 =	vshll.u32 v16, $0x3;
	v22 =	vld.idx.msk [tilespmem:v3+s1+$0x0], $0xffff  }
0x168: {  	v23 =	vor.u32 $0x1, v16;
	v24 =	vor.u32 $0x2, v16;
	v25 =	vor.u32 $0x3, v16;
	v26 =	vld.idx.msk [tilespmem:v4+s1+$0x0], $0xffff  }
0x169: {  	v1 =	vor.u32 $0x4, v16;
	v27 =	vor.u32 $0x5, v16;
	v19 =	vshll.u32 v19, $0x3;
	[tilespmem:s31+$0xD8B0] =	vst v17;
	v17 =	vld.idx.msk [tilespmem:v0+s2+$0x0], $0xffff;
	v0 =	vmovc v15;
	s2 =	smov.u32 s1  }
0x16a: {  	s1 =	simm.s32 $0x0;
	v28 =	vor.u32 $0x1, v19;
	v29 =	vor.u32 $0x2, v19;
	v15 =	vshll.u32 v18, $0x3;
	v18 =	vld.idx.msk [tilespmem:v20+s2+$0x0], $0xffff  }
0x16b: {  	v30 =	vor.u32 $0x3, v19;
	v20 =	vor.u32 $0x1, v15;
	v31 =	vor.u32 $0x2, v15;
	v32 =	vld.idx.msk [tilespmem:v14+s1+$0x0], $0xffff  }
0x16c: {  	v3 =	vor.u32 $0x4, v19;
	v11 =	vor.u32 $0x3, v15;
	v33 =	vld.idx.msk [tilespmem:v16+s1+$0x0], $0xffff;
	[tilespmem:s31+$0xD880] =	vst v21;
	v21 =	vor.u32 $0x6, v2  }
0x16d: {  	v35 =	vor.u32 $0x1, v14;
	v34 =	vor.u32 $0x5, v19;
	v4 =	vor.u32 $0x4, v15;
	v36 =	vld.idx.msk [tilespmem:v5+s2+$0x0], $0xffff;
	[tilespmem:s31+$0xD890] =	vst v22;
	v5 =	vmovc v27  }
0x16e: {  	v37 =	vor.u32 $0x6, v19;
	v38 =	vor.u32 $0x5, v15;
	v22 =	vor.u32 $0x6, v16;
	v27 =	vld.idx.msk [tilespmem:v19+s1+$0x0], $0xffff;
	[tilespmem:s31+$0xD8A0] =	vst v26  }
0x16f: {  	v39 =	vor.u32 $0x7, v19;
	v26 =	vor.u32 $0x7, v16;
	v19 =	vor.u32 $0x6, v15;
	v16 =	vld.idx.msk [tilespmem:v15+s1+$0x0], $0xffff;
	[tilespmem:s0+$0x144A0] =	vst v17;
	s0 =	smov.u32 s31;
	s31 =	smov.u32 s17  }
0x170: {  	v15 =	vor.u32 $0x7, v15;
	v17 =	vld.idx.msk [tilespmem:v8+s2+$0x0], $0xffff;
	[tilespmem:s0+$0xFCB0] =	vst v18;
	v8 =	vmov v34  }
0x171: {  	[tilespmem:s31+$0x48B0] =	vst v32;
	v18 =	vld.idx.msk [tilespmem:v21+s2+$0x0], $0xffff  }
0x172: {  	[tilespmem:s31+$0x4880] =	vst v33;
	v21 =	vld.idx.msk [tilespmem:v35+s1+$0x0], $0xffff  }
0x173: {  	v32 =	vor.u32 $0x7, v2;
	v2 =	vmov v14;
	v23 =	vld.idx.msk [tilespmem:v23+s1+$0x0], $0xffff;
	[tilespmem:s0+$0xFC80] =	vst v36  }
0x174: {  	v14 =	vor.u32 $0x2, v2;
	[tilespmem:s31+$0x4890] =	vst v27;
	v27 =	vld.idx.msk [tilespmem:v12+s2+$0x0], $0xffff;
	v12 =	vmov v38  }
0x175: {  	v28 =	vld.idx.msk [tilespmem:v28+s1+$0x0], $0xffff;
	[tilespmem:s31+$0x48A0] =	vst v16  }
0x176: {  	v16 =	vld.idx.msk [tilespmem:v20+s1+$0x0], $0xffff;
	[tilespmem:s0+$0xFC90] =	vst v17  }
0x177: {  	v17 =	vld.idx.msk [tilespmem:v9+s2+$0x0], $0xffff;
	[tilespmem:s0+$0x120B0] =	vst v18;
	v9 =	vmov v22  }
0x178: {  	[tilespmem:s31+$0x6CB0] =	vst v21;
	v18 =	vld.idx.msk [tilespmem:v32+s2+$0x0], $0xffff  }
0x179: {  	[tilespmem:s31+$0x6C80] =	vst v23;
	v14 =	vld.idx.msk [tilespmem:v14+s1+$0x0], $0xffff  }
0x17a: {  	v20 =	vld.idx.msk [tilespmem:v24+s1+$0x0], $0xffff;
	[tilespmem:s0+$0xFCA0] =	vst v27  }
0x17b: {  	v21 =	vor.u32 $0x3, v2;
	[tilespmem:s31+$0x6C90] =	vst v28;
	v22 =	vld.idx.msk [tilespmem:v6+s2+$0x0], $0xffff;
	v6 =	vmov v37  }
0x17c: {  	v23 =	vld.idx.msk [tilespmem:v29+s1+$0x0], $0xffff;
	[tilespmem:s31+$0x6CA0] =	vst v16  }
0x17d: {  	v24 =	vld.idx.msk [tilespmem:v31+s1+$0x0], $0xffff;
	[tilespmem:s0+$0x12080] =	vst v17  }
0x17e: {  	v16 =	vld.idx.msk [tilespmem:v13+s2+$0x0], $0xffff;
	[tilespmem:s0+$0x144B0] =	vst v18;
	v13 =	vmov v19  }
.Ltmp4:
0x17f: {  	[tilespmem:s31+$0x90B0] =	vst v14;
	v17 =	vld.idx.msk [tilespmem:v10+s2+$0x0], $0xffff;
	v10 =	vmov v26;
	(pc) =	sbr.rel @p3 .LBB2_9-.Ltmp4, $4  }
0x180: {  	[tilespmem:s31+$0x9080] =	vst v20;
	v19 =	vld.idx.msk [tilespmem:v21+s1+$0x0], $0xffff  }
0x181: {  	v20 =	vld.idx.msk [tilespmem:v25+s1+$0x0], $0xffff;
	[tilespmem:s0+$0x12090] =	vst v22  }
0x182: {  	v22 =	vor.u32 $0x4, v2;
	[tilespmem:s31+$0x9090] =	vst v23;
	v18 =	vld.idx.msk [tilespmem:v7+s2+$0x0], $0xffff;
	v7 =	vmov v39  }
0x183: {  	s15 =	sadd.s32 $0x100, s15;
	v21 =	vld.idx.msk [tilespmem:v30+s1+$0x0], $0xffff;
	[tilespmem:s31+$0x90A0] =	vst v24  }
0x184: {  	v23 =	vmov v0  }
0x185: {  	s14 =	smov.u32 s0;
	s0 =	smov.u32 s31;
	v14 =	vmovc v2;
	v0 =	vmovc v15;
	v15 =	vmov v5;
	v5 =	vmov v13;
	v13 =	vmov v7  }
.LBB2_11:
0x186: {  	_ =	sdelay $0x3  }
0x187: {  	v2 =	vld.idx.msk [tilespmem:v11+s1+$0x0], $0xffff;
	_ =	sdelay $0x1  }
0x188: {  	[tilespmem:s0+$0xB4B0] =	vst v19  }
0x189: {  	[tilespmem:s0+$0xB480] =	vst v20;
	v7 =	vld.idx.msk [tilespmem:v22+s1+$0x0], $0xffff  }
0x18a: {  	v11 =	vor.u32 $0x5, v14;
	v1 =	vld.idx.msk [tilespmem:v1+s1+$0x0], $0xffff;
	[tilespmem:s0+$0xB490] =	vst v21  }
0x18b: {  	[tilespmem:s0+$0xB4A0] =	vst v2;
	v2 =	vld.idx.msk [tilespmem:v3+s1+$0x0], $0xffff  }
0x18c: {  	v3 =	vld.idx.msk [tilespmem:v4+s1+$0x0], $0xffff;
	_ =	sdelay $0x1  }
0x18d: {  	[tilespmem:s0+$0xD8B0] =	vst v7  }
0x18e: {  	[tilespmem:s0+$0xD880] =	vst v1;
	v4 =	vld.idx.msk [tilespmem:v11+s1+$0x0], $0xffff  }
0x18f: {  	v1 =	vor.u32 $0x6, v14;
	v7 =	vld.idx.msk [tilespmem:v15+s1+$0x0], $0xffff;
	[tilespmem:s0+$0xD890] =	vst v2  }
0x190: {  	[tilespmem:s0+$0xD8A0] =	vst v3;
	v2 =	vld.idx.msk [tilespmem:v8+s1+$0x0], $0xffff  }
0x191: {  	v3 =	vld.idx.msk [tilespmem:v12+s1+$0x0], $0xffff;
	_ =	sdelay $0x1  }
0x192: {  	[tilespmem:s0+$0xFCB0] =	vst v4  }
0x193: {  	[tilespmem:s0+$0xFC80] =	vst v7;
	v1 =	vld.idx.msk [tilespmem:v1+s1+$0x0], $0xffff  }
0x194: {  	v4 =	vor.u32 $0x7, v14;
	[tilespmem:s0+$0xFC90] =	vst v2;
	v2 =	vld.idx.msk [tilespmem:v9+s1+$0x0], $0xffff  }
0x195: {  	[tilespmem:s0+$0xFCA0] =	vst v3;
	v3 =	vld.idx.msk [tilespmem:v6+s1+$0x0], $0xffff  }
0x196: {  	[tilespmem:s14+$0x120A0] =	vst @p2 v16;
	v5 =	vld.idx.msk [tilespmem:v5+s1+$0x0], $0xffff  }
0x197: {  	[tilespmem:s14+$0x14480] =	vst @p2 v17  }
0x198: {  	v6 =	vld.idx.msk @p2 [tilespmem:v23+s2+$0x0], $0xffff;
	[tilespmem:s0+$0x120B0] =	vst v1  }
0x199: {  	v1 =	vld.idx.msk [tilespmem:v4+s1+$0x0], $0xffff;
	[tilespmem:s0+$0x12080] =	vst v2  }
0x19a: {  	v2 =	vld.idx.msk [tilespmem:v10+s1+$0x0], $0xffff;
	[tilespmem:s0+$0x12090] =	vst v3  }
0x19b: {  	v3 =	vld.idx.msk [tilespmem:v13+s1+$0x0], $0xffff;
	[tilespmem:s0+$0x120A0] =	vst v5  }
0x19c: {  	[tilespmem:s14+$0x14490] =	vst @p2 v18;
	v0 =	vld.idx.msk [tilespmem:v0+s1+$0x0], $0xffff  }
0x19d: {  	[tilespmem:s14+$0x144A0] =	vst @p2 v6  }
0x19e: {  	[tilespmem:s0+$0x144B0] =	vst v1  }
0x19f: {  	[tilespmem:s0+$0x14480] =	vst v2  }
0x1a0: {  	[tilespmem:s0+$0x14490] =	vst v3  }
0x1a1: {  	s14 =	sshra.s32 s1, $0x2;
	[tilespmem:s0+$0x144A0] =	vst v0  }
0x1a2: {  	v0 =	vld [tilespmem:s14+$0x26F0]  }
0x1a3: {  	v1 =	vld [tilespmem:s14+$0x26C0]  }
0x1a4: {  	v2 =	vld [tilespmem:s14+$0x26D0]  }
0x1a5: {  	v3 =	vld [tilespmem:s14+$0x26E0];
	_ =	sdelay $0x1  }
0x1a6: {  	v14 =	vshll.u32 v0, $0x3  }
0x1a7: {  	v0 =	vshll.u32 v1, $0x3  }
0x1a8: {  	v1 =	vshll.u32 v2, $0x3  }
0x1a9: {  	v7 =	vshll.u32 v3, $0x3;
	_ =	sdelay $0x1  }
0x1aa: {  	v2 =	vld.idx.msk [tilespmem:v14+s1+$0x0], $0xffff  }
0x1ab: {  	v4 =	vor.u32 $0x1, v14;
	v3 =	vld.idx.msk [tilespmem:v0+s1+$0x0], $0xffff  }
0x1ac: {  	v5 =	vor.u32 $0x1, v0;
	v6 =	vld.idx.msk [tilespmem:v1+s1+$0x0], $0xffff  }
0x1ad: {  	v8 =	vor.u32 $0x1, v1;
	v9 =	vld.idx.msk [tilespmem:v7+s1+$0x0], $0xffff  }
0x1ae: {  	v10 =	vor.u32 $0x1, v7  }
0x1af: {  	[tilespmem:s14+$0x4AF0] =	vst v2  }
0x1b0: {  	[tilespmem:s14+$0x4AC0] =	vst v3;
	v2 =	vld.idx.msk [tilespmem:v4+s1+$0x0], $0xffff  }
0x1b1: {  	[tilespmem:s14+$0x4AD0] =	vst v6;
	v3 =	vld.idx.msk [tilespmem:v5+s1+$0x0], $0xffff;
	v4 =	vor.u32 $0x2, v14  }
0x1b2: {  	[tilespmem:s14+$0x4AE0] =	vst v9;
	v5 =	vor.u32 $0x2, v0;
	v6 =	vld.idx.msk [tilespmem:v8+s1+$0x0], $0xffff  }
0x1b3: {  	v8 =	vor.u32 $0x2, v1;
	v9 =	vld.idx.msk [tilespmem:v10+s1+$0x0], $0xffff  }
0x1b4: {  	v10 =	vor.u32 $0x2, v7  }
0x1b5: {  	[tilespmem:s14+$0x6EF0] =	vst v2  }
0x1b6: {  	[tilespmem:s14+$0x6EC0] =	vst v3;
	v4 =	vld.idx.msk [tilespmem:v4+s1+$0x0], $0xffff  }
0x1b7: {  	v12 =	vor.u32 $0x3, v14;
	[tilespmem:s14+$0x6ED0] =	vst v6;
	v5 =	vld.idx.msk [tilespmem:v5+s1+$0x0], $0xffff  }
0x1b8: {  	v16 =	vor.u32 $0x3, v0;
	[tilespmem:s14+$0x6EE0] =	vst v9;
	v17 =	vld.idx.msk [tilespmem:v8+s1+$0x0], $0xffff  }
0x1b9: {  	v18 =	vor.u32 $0x3, v1;
	v23 =	vld.idx.msk [tilespmem:v10+s1+$0x0], $0xffff  }
.Ltmp5:
0x1ba: {  	v15 =	vor.u32 $0x5, v0;
	v11 =	vor.u32 $0x3, v7;
	(pc) =	sbr.rel @!p1 .LBB2_12-.Ltmp5, $4  }
0x1bb: {  	v13 =	vor.u32 $0x7, v1;
	v22 =	vor.u32 $0x4, v14;
	v2 =	vor.u32 $0x4, v0;
	[tilespmem:s14+$0x92F0] =	vst v4  }
0x1bc: {  	v3 =	vor.u32 $0x4, v1;
	v9 =	vor.u32 $0x5, v1;
	v6 =	vor.u32 $0x6, v1;
	[tilespmem:s14+$0x92C0] =	vst v5;
	v19 =	vld.idx.msk [tilespmem:v12+s1+$0x0], $0xffff  }
0x1bd: {  	v10 =	vor.u32 $0x6, v0;
	v8 =	vor.u32 $0x7, v0;
	v0 =	vor.u32 $0x7, v7;
	[tilespmem:s14+$0x92D0] =	vst v17;
	v20 =	vld.idx.msk [tilespmem:v16+s1+$0x0], $0xffff  }
0x1be: {  	s0 =	sadd.s32 $0x100, s1;
	v4 =	vor.u32 $0x4, v7;
	v5 =	vor.u32 $0x6, v7;
	[tilespmem:s14+$0x92E0] =	vst v23;
	v12 =	vor.u32 $0x5, v7;
	v21 =	vld.idx.msk [tilespmem:v18+s1+$0x0], $0xffff  }
0x1bf: {  	_ =	sdelay $0x3  }
0x1c0: {  	s31 =	sshra.s32 s0, $0x2;
	v7 =	vld.idx.msk [tilespmem:v11+s1+$0x0], $0xffff  }
0x1c1: {  	v1 =	vld [tilespmem:s31+$0x26F0]  }
0x1c2: {  	v11 =	vld [tilespmem:s31+$0x26C0]  }
0x1c3: {  	v17 =	vld [tilespmem:s31+$0x26D0]  }
0x1c4: {  	v18 =	vld [tilespmem:s31+$0x26E0];
	[tilespmem:s14+$0xB6F0] =	vst v19  }
0x1c5: {  	v16 =	vld.idx.msk [tilespmem:v22+s1+$0x0], $0xffff;
	[tilespmem:s14+$0xB6C0] =	vst v20  }
0x1c6: {  	v19 =	vor.u32 $0x5, v14;
	v2 =	vld.idx.msk [tilespmem:v2+s1+$0x0], $0xffff;
	_ =	sdelay $0x1  }
0x1c7: {  	[tilespmem:s14+$0xB6D0] =	vst v21;
	v1 =	vshll.u32 v1, $0x3  }
0x1c8: {  	[tilespmem:s14+$0xB6E0] =	vst v7;
	v3 =	vld.idx.msk [tilespmem:v3+s1+$0x0], $0xffff;
	v21 =	vshll.u32 v11, $0x3  }
0x1c9: {  	v4 =	vld.idx.msk [tilespmem:v4+s1+$0x0], $0xffff;
	v7 =	vshll.u32 v17, $0x3;
	[tilespmem:s14+$0xDAF0] =	vst v16  }
0x1ca: {  	v22 =	vshll.u32 v18, $0x3;
	v11 =	vld.idx.msk [tilespmem:v19+s1+$0x0], $0xffff;
	[tilespmem:s14+$0xDAC0] =	vst v2  }
0x1cb: {  	v15 =	vld.idx.msk [tilespmem:v15+s1+$0x0], $0xffff  }
0x1cc: {  	v16 =	vld.idx.msk [tilespmem:v1+s1+$0x0], $0xffff  }
0x1cd: {  	v2 =	vor.u32 $0x6, v14;
	v17 =	vld.idx.msk [tilespmem:v21+s1+$0x0], $0xffff  }
0x1ce: {  	[tilespmem:s14+$0xDAD0] =	vst v3;
	v3 =	vld.idx.msk [tilespmem:v7+s1+$0x0], $0xffff  }
0x1cf: {  	v18 =	vor.u32 $0x1, v1;
	[tilespmem:s14+$0xDAE0] =	vst v4;
	v4 =	vld.idx.msk [tilespmem:v22+s1+$0x0], $0xffff  }
0x1d0: {  	v19 =	vor.u32 $0x1, v21;
	v9 =	vld.idx.msk [tilespmem:v9+s1+$0x0], $0xffff;
	[tilespmem:s14+$0xFEF0] =	vst v11  }
0x1d1: {  	v20 =	vor.u32 $0x1, v7;
	v12 =	vld.idx.msk [tilespmem:v12+s1+$0x0], $0xffff;
	[tilespmem:s14+$0xFEC0] =	vst v15  }
0x1d2: {  	v11 =	vor.u32 $0x1, v22;
	v2 =	vld.idx.msk [tilespmem:v2+s1+$0x0], $0xffff;
	[tilespmem:s31+$0x4AF0] =	vst v16  }
0x1d3: {  	v14 =	vor.u32 $0x7, v14;
	[tilespmem:s31+$0x4AC0] =	vst v17;
	v10 =	vld.idx.msk [tilespmem:v10+s1+$0x0], $0xffff  }
0x1d4: {  	[tilespmem:s31+$0x4AD0] =	vst v3;
	v16 =	vld.idx.msk [tilespmem:v18+s1+$0x0], $0xffff  }
0x1d5: {  	v3 =	vor.u32 $0x2, v1;
	[tilespmem:s31+$0x4AE0] =	vst v4;
	v17 =	vld.idx.msk [tilespmem:v19+s1+$0x0], $0xffff  }
0x1d6: {  	v15 =	vor.u32 $0x2, v21;
	[tilespmem:s14+$0xFED0] =	vst v9;
	v18 =	vld.idx.msk [tilespmem:v20+s1+$0x0], $0xffff  }
0x1d7: {  	v4 =	vld.idx.msk [tilespmem:v11+s1+$0x0], $0xffff;
	[tilespmem:s14+$0x122F0] =	vst v2  }
0x1d8: {  	v9 =	vor.u32 $0x2, v7;
	[tilespmem:s14+$0xFEE0] =	vst v12;
	v11 =	vld.idx.msk [tilespmem:v14+s1+$0x0], $0xffff  }
0x1d9: {  	v2 =	vor.u32 $0x2, v22;
	[tilespmem:s31+$0x6EF0] =	vst v16;
	v16 =	vld.idx.msk [tilespmem:v5+s1+$0x0], $0xffff  }
0x1da: {  	[tilespmem:s31+$0x6EC0] =	vst v17;
	v3 =	vld.idx.msk [tilespmem:v3+s1+$0x0], $0xffff  }
0x1db: {  	v12 =	vor.u32 $0x3, v1;
	[tilespmem:s14+$0x122C0] =	vst v10;
	v14 =	vld.idx.msk [tilespmem:v15+s1+$0x0], $0xffff  }
0x1dc: {  	[tilespmem:s31+$0x6ED0] =	vst v18;
	v18 =	vor.u32 $0x3, v21;
	v15 =	vld.idx.msk [tilespmem:v6+s1+$0x0], $0xffff  }
0x1dd: {  	v23 =	vld.idx.msk [tilespmem:v9+s1+$0x0], $0xffff;
	[tilespmem:s31+$0x6EE0] =	vst v4  }
0x1de: {  	p1 =	por $0x1, $0x1;
	v25 =	vor.u32 $0x3, v7;
	v24 =	vld.idx.msk [tilespmem:v2+s1+$0x0], $0xffff;
	[tilespmem:s14+$0x146F0] =	vst v11  }
.Ltmp6:
0x1df: {  	v10 =	vor.u32 $0x6, v21;
	v17 =	vld.idx.msk [tilespmem:v8+s1+$0x0], $0xffff;
	v11 =	vor.u32 $0x3, v22;
	[tilespmem:s31+$0x92F0] =	vst v3;
	(pc) =	sbr.rel @!p1 .LBB2_14-.Ltmp6, $4  }
0x1e0: {  	v5 =	vor.u32 $0x5, v21;
	v8 =	vor.u32 $0x7, v21;
	v9 =	vor.u32 $0x5, v7;
	[tilespmem:s31+$0x92C0] =	vst v14;
	v19 =	vld.idx.msk [tilespmem:v12+s1+$0x0], $0xffff  }
0x1e1: {  	v6 =	vor.u32 $0x6, v7;
	v4 =	vor.u32 $0x4, v22;
	[tilespmem:s14+$0x122D0] =	vst v15;
	v15 =	vor.u32 $0x7, v22;
	v20 =	vld.idx.msk [tilespmem:v18+s1+$0x0], $0xffff  }
0x1e2: {  	s15 =	simm.s32 $0x4;
	[tilespmem:s31+$0x92D0] =	vst v23;
	v12 =	vor.u32 $0x5, v22;
	v18 =	vld.idx.msk [tilespmem:v13+s1+$0x0], $0xffff;
	v13 =	vor.u32 $0x6, v22;
	v22 =	vor.u32 $0x4, v1  }
0x1e3: {  	s17 =	sadd.s32 $0x100, s0;
	p0 =	por $0x1, $0x1;
	s2 =	smov.u32 s14;
	v2 =	vor.u32 $0x4, v21;
	v3 =	vor.u32 $0x4, v7;
	v7 =	vor.u32 $0x7, v7;
	v21 =	vld.idx.msk [tilespmem:v25+s1+$0x0], $0xffff;
	[tilespmem:s31+$0x92E0] =	vst v24  }
.LBB2_15:
0x1e4: {  	s20 =	sshra.s32 s17, $0x2;
	s15 =	sadd.s32 $0x4, s15;
	v11 =	vld.idx.msk [tilespmem:v11+s1+$0x0], $0xffff;
	[tilespmem:s2+$0x122E0] =	vst v16  }
0x1e5: {  	v14 =	vld [tilespmem:s20+$0x26F0];
	p1 =	slt.u32 s15, $0x20;
	[tilespmem:s2+$0x146C0] =	vst v17  }
0x1e6: {  	v16 =	vld [tilespmem:s20+$0x26C0];
	[tilespmem:s31+$0xB6F0] =	vst v19  }
0x1e7: {  	[tilespmem:s31+$0xB6C0] =	vst v20;
	v17 =	vld.idx.msk [tilespmem:v22+s1+$0x0], $0xffff  }
0x1e8: {  	v19 =	vld [tilespmem:s20+$0x26D0];
	[tilespmem:s2+$0x146D0] =	vst v18  }
0x1e9: {  	v20 =	vor.u32 $0x5, v1;
	v18 =	vld [tilespmem:s20+$0x26E0];
	[tilespmem:s31+$0xB6D0] =	vst v21  }
0x1ea: {  	v14 =	vshll.u32 v14, $0x3;
	v21 =	vld.idx.msk [tilespmem:v2+s1+$0x0], $0xffff;
	[tilespmem:s31+$0xB6E0] =	vst v11  }
0x1eb: {  	v16 =	vshll.u32 v16, $0x3;
	v22 =	vld.idx.msk [tilespmem:v3+s1+$0x0], $0xffff  }
0x1ec: {  	v23 =	vor.u32 $0x1, v16;
	v24 =	vor.u32 $0x2, v16;
	v25 =	vor.u32 $0x3, v16;
	v26 =	vld.idx.msk [tilespmem:v4+s1+$0x0], $0xffff  }
0x1ed: {  	v2 =	vor.u32 $0x4, v16;
	v27 =	vor.u32 $0x5, v16;
	v19 =	vshll.u32 v19, $0x3;
	[tilespmem:s31+$0xDAF0] =	vst v17;
	v17 =	vld.idx.msk [tilespmem:v0+s1+$0x0], $0xffff;
	v0 =	vmovc v15  }
0x1ee: {  	v28 =	vor.u32 $0x1, v19;
	v29 =	vor.u32 $0x2, v19;
	v15 =	vshll.u32 v18, $0x3;
	v18 =	vld.idx.msk [tilespmem:v20+s1+$0x0], $0xffff  }
0x1ef: {  	v30 =	vor.u32 $0x3, v19;
	v20 =	vor.u32 $0x1, v15;
	v31 =	vor.u32 $0x2, v15;
	v32 =	vld.idx.msk [tilespmem:v14+s1+$0x0], $0xffff  }
0x1f0: {  	v3 =	vor.u32 $0x4, v19;
	v11 =	vor.u32 $0x3, v15;
	v33 =	vld.idx.msk [tilespmem:v16+s1+$0x0], $0xffff;
	[tilespmem:s31+$0xDAC0] =	vst v21;
	v21 =	vor.u32 $0x6, v1  }
0x1f1: {  	v35 =	vor.u32 $0x1, v14;
	v34 =	vor.u32 $0x5, v19;
	v4 =	vor.u32 $0x4, v15;
	v36 =	vld.idx.msk [tilespmem:v5+s1+$0x0], $0xffff;
	[tilespmem:s31+$0xDAD0] =	vst v22;
	v5 =	vmovc v27  }
0x1f2: {  	v37 =	vor.u32 $0x6, v19;
	v38 =	vor.u32 $0x5, v15;
	v22 =	vor.u32 $0x6, v16;
	v27 =	vld.idx.msk [tilespmem:v19+s1+$0x0], $0xffff;
	[tilespmem:s31+$0xDAE0] =	vst v26  }
0x1f3: {  	v39 =	vor.u32 $0x7, v19;
	v26 =	vor.u32 $0x7, v16;
	v19 =	vor.u32 $0x6, v15;
	v16 =	vld.idx.msk [tilespmem:v15+s1+$0x0], $0xffff;
	[tilespmem:s2+$0x146E0] =	vst v17;
	s2 =	smov.u32 s31;
	s31 =	smov.u32 s20  }
0x1f4: {  	v15 =	vor.u32 $0x7, v15;
	v17 =	vld.idx.msk [tilespmem:v9+s1+$0x0], $0xffff;
	[tilespmem:s2+$0xFEF0] =	vst v18;
	v9 =	vmov v34  }
0x1f5: {  	[tilespmem:s31+$0x4AF0] =	vst v32;
	v18 =	vld.idx.msk [tilespmem:v21+s1+$0x0], $0xffff  }
0x1f6: {  	[tilespmem:s31+$0x4AC0] =	vst v33;
	v21 =	vld.idx.msk [tilespmem:v35+s1+$0x0], $0xffff  }
0x1f7: {  	v32 =	vor.u32 $0x7, v1;
	v1 =	vmov v14;
	v23 =	vld.idx.msk [tilespmem:v23+s1+$0x0], $0xffff;
	[tilespmem:s2+$0xFEC0] =	vst v36  }
0x1f8: {  	v14 =	vor.u32 $0x2, v1;
	[tilespmem:s31+$0x4AD0] =	vst v27;
	v27 =	vld.idx.msk [tilespmem:v12+s1+$0x0], $0xffff;
	v12 =	vmov v38  }
0x1f9: {  	v28 =	vld.idx.msk [tilespmem:v28+s1+$0x0], $0xffff;
	[tilespmem:s31+$0x4AE0] =	vst v16  }
0x1fa: {  	v16 =	vld.idx.msk [tilespmem:v20+s1+$0x0], $0xffff;
	[tilespmem:s2+$0xFED0] =	vst v17  }
0x1fb: {  	v17 =	vld.idx.msk [tilespmem:v10+s1+$0x0], $0xffff;
	[tilespmem:s2+$0x122F0] =	vst v18;
	v10 =	vmov v22  }
0x1fc: {  	[tilespmem:s31+$0x6EF0] =	vst v21;
	v18 =	vld.idx.msk [tilespmem:v32+s1+$0x0], $0xffff  }
0x1fd: {  	[tilespmem:s31+$0x6EC0] =	vst v23;
	v14 =	vld.idx.msk [tilespmem:v14+s1+$0x0], $0xffff  }
0x1fe: {  	v20 =	vld.idx.msk [tilespmem:v24+s1+$0x0], $0xffff;
	[tilespmem:s2+$0xFEE0] =	vst v27  }
0x1ff: {  	v21 =	vor.u32 $0x3, v1;
	[tilespmem:s31+$0x6ED0] =	vst v28;
	v22 =	vld.idx.msk [tilespmem:v6+s1+$0x0], $0xffff;
	v6 =	vmov v37  }
0x200: {  	v23 =	vld.idx.msk [tilespmem:v29+s1+$0x0], $0xffff;
	[tilespmem:s31+$0x6EE0] =	vst v16  }
0x201: {  	v24 =	vld.idx.msk [tilespmem:v31+s1+$0x0], $0xffff;
	[tilespmem:s2+$0x122C0] =	vst v17  }
0x202: {  	v16 =	vld.idx.msk [tilespmem:v13+s1+$0x0], $0xffff;
	[tilespmem:s2+$0x146F0] =	vst v18;
	v13 =	vmov v19  }
.Ltmp7:
0x203: {  	[tilespmem:s31+$0x92F0] =	vst v14;
	v17 =	vld.idx.msk [tilespmem:v8+s1+$0x0], $0xffff;
	v8 =	vmov v26;
	(pc) =	sbr.rel @p1 .LBB2_15-.Ltmp7, $4  }
0x204: {  	[tilespmem:s31+$0x92C0] =	vst v20;
	v19 =	vld.idx.msk [tilespmem:v21+s1+$0x0], $0xffff  }
0x205: {  	v20 =	vld.idx.msk [tilespmem:v25+s1+$0x0], $0xffff;
	[tilespmem:s2+$0x122D0] =	vst v22  }
0x206: {  	v22 =	vor.u32 $0x4, v1;
	[tilespmem:s31+$0x92D0] =	vst v23;
	v18 =	vld.idx.msk [tilespmem:v7+s1+$0x0], $0xffff;
	v7 =	vmov v39  }
0x207: {  	s17 =	sadd.s32 $0x100, s17;
	v21 =	vld.idx.msk [tilespmem:v30+s1+$0x0], $0xffff;
	[tilespmem:s31+$0x92E0] =	vst v24  }
0x208: {  	v23 =	vmov v0  }
0x209: {  	v14 =	vmovc v1;
	v0 =	vmovc v15;
	v15 =	vmov v5;
	v5 =	vmov v13;
	v13 =	vmov v7  }
.LBB2_17:
0x20a: {  	_ =	sdelay $0x3  }
0x20b: {  	v1 =	vld.idx.msk [tilespmem:v11+s1+$0x0], $0xffff;
	_ =	sdelay $0x1  }
0x20c: {  	[tilespmem:s31+$0xB6F0] =	vst v19  }
0x20d: {  	[tilespmem:s31+$0xB6C0] =	vst v20;
	v7 =	vld.idx.msk [tilespmem:v22+s1+$0x0], $0xffff  }
0x20e: {  	v11 =	vor.u32 $0x5, v14;
	v2 =	vld.idx.msk [tilespmem:v2+s1+$0x0], $0xffff;
	[tilespmem:s31+$0xB6D0] =	vst v21  }
0x20f: {  	[tilespmem:s31+$0xB6E0] =	vst v1;
	v1 =	vld.idx.msk [tilespmem:v3+s1+$0x0], $0xffff  }
0x210: {  	v3 =	vld.idx.msk [tilespmem:v4+s1+$0x0], $0xffff;
	_ =	sdelay $0x1  }
0x211: {  	[tilespmem:s31+$0xDAF0] =	vst v7  }
0x212: {  	[tilespmem:s31+$0xDAC0] =	vst v2;
	v4 =	vld.idx.msk [tilespmem:v11+s1+$0x0], $0xffff  }
0x213: {  	v2 =	vor.u32 $0x6, v14;
	v7 =	vld.idx.msk [tilespmem:v15+s1+$0x0], $0xffff;
	[tilespmem:s31+$0xDAD0] =	vst v1  }
0x214: {  	[tilespmem:s31+$0xDAE0] =	vst v3;
	v1 =	vld.idx.msk [tilespmem:v9+s1+$0x0], $0xffff  }
0x215: {  	v3 =	vld.idx.msk [tilespmem:v12+s1+$0x0], $0xffff;
	_ =	sdelay $0x1  }
0x216: {  	[tilespmem:s31+$0xFEF0] =	vst v4  }
0x217: {  	[tilespmem:s31+$0xFEC0] =	vst v7;
	v2 =	vld.idx.msk [tilespmem:v2+s1+$0x0], $0xffff  }
0x218: {  	v4 =	vor.u32 $0x7, v14;
	[tilespmem:s31+$0xFED0] =	vst v1;
	v1 =	vld.idx.msk [tilespmem:v10+s1+$0x0], $0xffff  }
0x219: {  	[tilespmem:s31+$0xFEE0] =	vst v3;
	v3 =	vld.idx.msk [tilespmem:v6+s1+$0x0], $0xffff  }
0x21a: {  	[tilespmem:s2+$0x122E0] =	vst @p0 v16;
	v5 =	vld.idx.msk [tilespmem:v5+s1+$0x0], $0xffff  }
0x21b: {  	[tilespmem:s2+$0x146C0] =	vst @p0 v17  }
0x21c: {  	v6 =	vld.idx.msk @p0 [tilespmem:v23+s1+$0x0], $0xffff;
	[tilespmem:s31+$0x122F0] =	vst v2  }
0x21d: {  	v2 =	vld.idx.msk [tilespmem:v4+s1+$0x0], $0xffff;
	[tilespmem:s31+$0x122C0] =	vst v1  }
0x21e: {  	v1 =	vld.idx.msk [tilespmem:v8+s1+$0x0], $0xffff;
	[tilespmem:s31+$0x122D0] =	vst v3  }
0x21f: {  	v3 =	vld.idx.msk [tilespmem:v13+s1+$0x0], $0xffff;
	[tilespmem:s31+$0x122E0] =	vst v5  }
0x220: {  	[tilespmem:s2+$0x146D0] =	vst @p0 v18;
	v0 =	vld.idx.msk [tilespmem:v0+s1+$0x0], $0xffff  }
0x221: {  	[tilespmem:s2+$0x146E0] =	vst @p0 v6  }
0x222: {  	[tilespmem:s31+$0x146F0] =	vst v2  }
0x223: {  	[tilespmem:s31+$0x146C0] =	vst v1  }
0x224: {  	[tilespmem:s31+$0x146D0] =	vst v3  }
0x225: {  	[tilespmem:s31+$0x146E0] =	vst v0  }
0x226: {  	v0 =	vld [tilespmem:s14+$0x2930]  }
0x227: {  	v1 =	vld [tilespmem:s14+$0x2900]  }
0x228: {  	v2 =	vld [tilespmem:s14+$0x2910]  }
0x229: {  	v3 =	vld [tilespmem:s14+$0x2920];
	_ =	sdelay $0x1  }
0x22a: {  	v14 =	vshll.u32 v0, $0x3  }
0x22b: {  	v0 =	vshll.u32 v1, $0x3  }
0x22c: {  	v2 =	vshll.u32 v2, $0x3  }
0x22d: {  	v7 =	vshll.u32 v3, $0x3  }
0x22e: {  	s1 =	simm.s32 $0x0  }
0x22f: {  	v1 =	vld.idx.msk [tilespmem:v14+s1+$0x0], $0xffff  }
0x230: {  	v4 =	vor.u32 $0x1, v14;
	v3 =	vld.idx.msk [tilespmem:v0+s1+$0x0], $0xffff  }
0x231: {  	v5 =	vor.u32 $0x1, v0;
	v6 =	vld.idx.msk [tilespmem:v2+s1+$0x0], $0xffff  }
0x232: {  	v8 =	vor.u32 $0x1, v2;
	v9 =	vld.idx.msk [tilespmem:v7+s1+$0x0], $0xffff  }
0x233: {  	v10 =	vor.u32 $0x1, v7  }
0x234: {  	[tilespmem:s14+$0x4D30] =	vst v1  }
0x235: {  	[tilespmem:s14+$0x4D00] =	vst v3;
	v1 =	vld.idx.msk [tilespmem:v4+s1+$0x0], $0xffff  }
0x236: {  	[tilespmem:s14+$0x4D10] =	vst v6;
	v3 =	vld.idx.msk [tilespmem:v5+s1+$0x0], $0xffff;
	v4 =	vor.u32 $0x2, v14  }
0x237: {  	[tilespmem:s14+$0x4D20] =	vst v9;
	v5 =	vor.u32 $0x2, v0;
	v6 =	vld.idx.msk [tilespmem:v8+s1+$0x0], $0xffff  }
0x238: {  	v8 =	vor.u32 $0x2, v2;
	v9 =	vld.idx.msk [tilespmem:v10+s1+$0x0], $0xffff  }
0x239: {  	v10 =	vor.u32 $0x2, v7  }
0x23a: {  	[tilespmem:s14+$0x7130] =	vst v1  }
0x23b: {  	[tilespmem:s14+$0x7100] =	vst v3;
	v4 =	vld.idx.msk [tilespmem:v4+s1+$0x0], $0xffff  }
0x23c: {  	v12 =	vor.u32 $0x3, v14;
	[tilespmem:s14+$0x7110] =	vst v6;
	v5 =	vld.idx.msk [tilespmem:v5+s1+$0x0], $0xffff  }
0x23d: {  	v16 =	vor.u32 $0x3, v0;
	[tilespmem:s14+$0x7120] =	vst v9;
	v17 =	vld.idx.msk [tilespmem:v8+s1+$0x0], $0xffff  }
0x23e: {  	p1 =	por $0x1, $0x1;
	v18 =	vor.u32 $0x3, v2;
	v23 =	vld.idx.msk [tilespmem:v10+s1+$0x0], $0xffff  }
.Ltmp8:
0x23f: {  	v15 =	vor.u32 $0x5, v0;
	v11 =	vor.u32 $0x3, v7;
	(pc) =	sbr.rel @!p1 .LBB2_18-.Ltmp8, $4  }
0x240: {  	v13 =	vor.u32 $0x7, v2;
	v22 =	vor.u32 $0x4, v14;
	v1 =	vor.u32 $0x4, v0;
	[tilespmem:s14+$0x9530] =	vst v4  }
0x241: {  	v3 =	vor.u32 $0x4, v2;
	v9 =	vor.u32 $0x6, v0;
	v6 =	vor.u32 $0x6, v2;
	[tilespmem:s14+$0x9500] =	vst v5;
	v19 =	vld.idx.msk [tilespmem:v12+s1+$0x0], $0xffff  }
0x242: {  	v8 =	vor.u32 $0x5, v2;
	v10 =	vor.u32 $0x7, v0;
	v0 =	vor.u32 $0x7, v7;
	[tilespmem:s14+$0x9510] =	vst v17;
	v20 =	vld.idx.msk [tilespmem:v16+s1+$0x0], $0xffff  }
0x243: {  	p0 =	por $0x0, $0x0;
	v4 =	vor.u32 $0x4, v7;
	v5 =	vor.u32 $0x6, v7;
	[tilespmem:s14+$0x9520] =	vst v23;
	v12 =	vor.u32 $0x5, v7;
	v21 =	vld.idx.msk [tilespmem:v18+s1+$0x0], $0xffff  }
0x244: {  	_ =	sdelay $0x3  }
0x245: {  	s31 =	sshra.s32 s0, $0x2;
	v7 =	vld.idx.msk [tilespmem:v11+s1+$0x0], $0xffff  }
0x246: {  	v2 =	vld [tilespmem:s31+$0x2930]  }
0x247: {  	v11 =	vld [tilespmem:s31+$0x2900]  }
0x248: {  	v17 =	vld [tilespmem:s31+$0x2910]  }
0x249: {  	v18 =	vld [tilespmem:s31+$0x2920];
	[tilespmem:s14+$0xB930] =	vst v19  }
0x24a: {  	v16 =	vld.idx.msk [tilespmem:v22+s1+$0x0], $0xffff;
	[tilespmem:s14+$0xB900] =	vst v20  }
0x24b: {  	v19 =	vor.u32 $0x5, v14;
	v1 =	vld.idx.msk [tilespmem:v1+s1+$0x0], $0xffff;
	_ =	sdelay $0x1  }
0x24c: {  	[tilespmem:s14+$0xB910] =	vst v21;
	v2 =	vshll.u32 v2, $0x3  }
0x24d: {  	[tilespmem:s14+$0xB920] =	vst v7;
	v3 =	vld.idx.msk [tilespmem:v3+s1+$0x0], $0xffff;
	v21 =	vshll.u32 v11, $0x3  }
0x24e: {  	v4 =	vld.idx.msk [tilespmem:v4+s1+$0x0], $0xffff;
	v7 =	vshll.u32 v17, $0x3;
	[tilespmem:s14+$0xDD30] =	vst v16  }
0x24f: {  	v22 =	vshll.u32 v18, $0x3;
	v11 =	vld.idx.msk [tilespmem:v19+s1+$0x0], $0xffff;
	[tilespmem:s14+$0xDD00] =	vst v1  }
0x250: {  	v15 =	vld.idx.msk [tilespmem:v15+s1+$0x0], $0xffff  }
0x251: {  	v16 =	vld.idx.msk [tilespmem:v2+s1+$0x0], $0xffff  }
0x252: {  	v1 =	vor.u32 $0x6, v14;
	v17 =	vld.idx.msk [tilespmem:v21+s1+$0x0], $0xffff  }
0x253: {  	[tilespmem:s14+$0xDD10] =	vst v3;
	v3 =	vld.idx.msk [tilespmem:v7+s1+$0x0], $0xffff  }
0x254: {  	v18 =	vor.u32 $0x1, v2;
	[tilespmem:s14+$0xDD20] =	vst v4;
	v4 =	vld.idx.msk [tilespmem:v22+s1+$0x0], $0xffff  }
0x255: {  	v19 =	vor.u32 $0x1, v21;
	v8 =	vld.idx.msk [tilespmem:v8+s1+$0x0], $0xffff;
	[tilespmem:s14+$0x10130] =	vst v11  }
0x256: {  	v20 =	vor.u32 $0x1, v7;
	v12 =	vld.idx.msk [tilespmem:v12+s1+$0x0], $0xffff;
	[tilespmem:s14+$0x10100] =	vst v15  }
0x257: {  	v11 =	vor.u32 $0x1, v22;
	v1 =	vld.idx.msk [tilespmem:v1+s1+$0x0], $0xffff;
	[tilespmem:s31+$0x4D30] =	vst v16  }
0x258: {  	v14 =	vor.u32 $0x7, v14;
	[tilespmem:s31+$0x4D00] =	vst v17;
	v9 =	vld.idx.msk [tilespmem:v9+s1+$0x0], $0xffff  }
0x259: {  	[tilespmem:s31+$0x4D10] =	vst v3;
	v16 =	vld.idx.msk [tilespmem:v18+s1+$0x0], $0xffff  }
0x25a: {  	v3 =	vor.u32 $0x2, v2;
	[tilespmem:s31+$0x4D20] =	vst v4;
	v17 =	vld.idx.msk [tilespmem:v19+s1+$0x0], $0xffff  }
0x25b: {  	v15 =	vor.u32 $0x2, v21;
	[tilespmem:s14+$0x10110] =	vst v8;
	v18 =	vld.idx.msk [tilespmem:v20+s1+$0x0], $0xffff  }
0x25c: {  	v4 =	vld.idx.msk [tilespmem:v11+s1+$0x0], $0xffff;
	[tilespmem:s14+$0x12530] =	vst v1  }
0x25d: {  	v8 =	vor.u32 $0x2, v7;
	[tilespmem:s14+$0x10120] =	vst v12;
	v11 =	vld.idx.msk [tilespmem:v14+s1+$0x0], $0xffff  }
0x25e: {  	v1 =	vor.u32 $0x2, v22;
	[tilespmem:s31+$0x7130] =	vst v16;
	v16 =	vld.idx.msk [tilespmem:v5+s1+$0x0], $0xffff  }
0x25f: {  	[tilespmem:s31+$0x7100] =	vst v17;
	v3 =	vld.idx.msk [tilespmem:v3+s1+$0x0], $0xffff  }
0x260: {  	v12 =	vor.u32 $0x3, v2;
	[tilespmem:s14+$0x12500] =	vst v9;
	v14 =	vld.idx.msk [tilespmem:v15+s1+$0x0], $0xffff  }
0x261: {  	[tilespmem:s31+$0x7110] =	vst v18;
	v18 =	vor.u32 $0x3, v21;
	v15 =	vld.idx.msk [tilespmem:v6+s1+$0x0], $0xffff  }
0x262: {  	v23 =	vld.idx.msk [tilespmem:v8+s1+$0x0], $0xffff;
	[tilespmem:s31+$0x7120] =	vst v4  }
0x263: {  	p3 =	por $0x1, $0x1;
	v25 =	vor.u32 $0x3, v7;
	v24 =	vld.idx.msk [tilespmem:v1+s1+$0x0], $0xffff;
	[tilespmem:s14+$0x14930] =	vst v11  }
.Ltmp9:
0x264: {  	v9 =	vor.u32 $0x6, v21;
	v17 =	vld.idx.msk [tilespmem:v10+s1+$0x0], $0xffff;
	v11 =	vor.u32 $0x3, v22;
	[tilespmem:s31+$0x9530] =	vst v3;
	(pc) =	sbr.rel @!p3 .LBB2_20-.Ltmp9, $4  }
0x265: {  	v5 =	vor.u32 $0x5, v21;
	v10 =	vor.u32 $0x7, v21;
	v8 =	vor.u32 $0x5, v7;
	[tilespmem:s31+$0x9500] =	vst v14;
	v19 =	vld.idx.msk [tilespmem:v12+s1+$0x0], $0xffff  }
0x266: {  	v6 =	vor.u32 $0x6, v7;
	v4 =	vor.u32 $0x4, v22;
	[tilespmem:s14+$0x12510] =	vst v15;
	v15 =	vor.u32 $0x7, v22;
	v20 =	vld.idx.msk [tilespmem:v18+s1+$0x0], $0xffff  }
0x267: {  	s2 =	simm.s32 $0x4;
	[tilespmem:s31+$0x9510] =	vst v23;
	v12 =	vor.u32 $0x5, v22;
	v18 =	vld.idx.msk [tilespmem:v13+s1+$0x0], $0xffff;
	v13 =	vor.u32 $0x6, v22;
	v22 =	vor.u32 $0x4, v2  }
0x268: {  	s15 =	sadd.s32 $0x100, s0;
	p2 =	por $0x1, $0x1;
	s0 =	simm.s32 $0x0;
	v1 =	vor.u32 $0x4, v21;
	v3 =	vor.u32 $0x4, v7;
	v7 =	vor.u32 $0x7, v7;
	v21 =	vld.idx.msk [tilespmem:v25+s1+$0x0], $0xffff;
	[tilespmem:s31+$0x9520] =	vst v24  }
.LBB2_21:
0x269: {  	s17 =	sshra.s32 s15, $0x2;
	s2 =	sadd.s32 $0x4, s2;
	v11 =	vld.idx.msk [tilespmem:v11+s1+$0x0], $0xffff;
	[tilespmem:s14+$0x12520] =	vst v16  }
0x26a: {  	v14 =	vld [tilespmem:s17+$0x2930];
	p3 =	slt.u32 s2, $0x20;
	[tilespmem:s14+$0x14900] =	vst v17  }
0x26b: {  	v16 =	vld [tilespmem:s17+$0x2900];
	[tilespmem:s31+$0xB930] =	vst v19  }
0x26c: {  	[tilespmem:s31+$0xB900] =	vst v20;
	v17 =	vld.idx.msk [tilespmem:v22+s1+$0x0], $0xffff  }
0x26d: {  	v19 =	vld [tilespmem:s17+$0x2910];
	[tilespmem:s14+$0x14910] =	vst v18  }
0x26e: {  	v20 =	vor.u32 $0x5, v2;
	v18 =	vld [tilespmem:s17+$0x2920];
	[tilespmem:s31+$0xB910] =	vst v21  }
0x26f: {  	v14 =	vshll.u32 v14, $0x3;
	v21 =	vld.idx.msk [tilespmem:v1+s1+$0x0], $0xffff;
	[tilespmem:s31+$0xB920] =	vst v11  }
0x270: {  	v16 =	vshll.u32 v16, $0x3;
	v22 =	vld.idx.msk [tilespmem:v3+s1+$0x0], $0xffff  }
0x271: {  	v23 =	vor.u32 $0x1, v16;
	v24 =	vor.u32 $0x2, v16;
	v25 =	vor.u32 $0x3, v16;
	v26 =	vld.idx.msk [tilespmem:v4+s1+$0x0], $0xffff  }
0x272: {  	v1 =	vor.u32 $0x4, v16;
	v27 =	vor.u32 $0x5, v16;
	v19 =	vshll.u32 v19, $0x3;
	[tilespmem:s31+$0xDD30] =	vst v17;
	v17 =	vld.idx.msk [tilespmem:v0+s0+$0x0], $0xffff;
	v0 =	vmovc v15;
	s0 =	smov.u32 s1  }
0x273: {  	s1 =	simm.s32 $0x0;
	v28 =	vor.u32 $0x1, v19;
	v29 =	vor.u32 $0x2, v19;
	v15 =	vshll.u32 v18, $0x3;
	v18 =	vld.idx.msk [tilespmem:v20+s0+$0x0], $0xffff  }
0x274: {  	v30 =	vor.u32 $0x3, v19;
	v20 =	vor.u32 $0x1, v15;
	v31 =	vor.u32 $0x2, v15;
	v32 =	vld.idx.msk [tilespmem:v14+s1+$0x0], $0xffff  }
0x275: {  	v3 =	vor.u32 $0x4, v19;
	v11 =	vor.u32 $0x3, v15;
	v33 =	vld.idx.msk [tilespmem:v16+s1+$0x0], $0xffff;
	[tilespmem:s31+$0xDD00] =	vst v21;
	v21 =	vor.u32 $0x6, v2  }
0x276: {  	v35 =	vor.u32 $0x1, v14;
	v34 =	vor.u32 $0x5, v19;
	v4 =	vor.u32 $0x4, v15;
	v36 =	vld.idx.msk [tilespmem:v5+s0+$0x0], $0xffff;
	[tilespmem:s31+$0xDD10] =	vst v22;
	v5 =	vmovc v27  }
0x277: {  	v37 =	vor.u32 $0x6, v19;
	v38 =	vor.u32 $0x5, v15;
	v22 =	vor.u32 $0x6, v16;
	v27 =	vld.idx.msk [tilespmem:v19+s1+$0x0], $0xffff;
	[tilespmem:s31+$0xDD20] =	vst v26  }
0x278: {  	v39 =	vor.u32 $0x7, v19;
	v26 =	vor.u32 $0x7, v16;
	v19 =	vor.u32 $0x6, v15;
	v16 =	vld.idx.msk [tilespmem:v15+s1+$0x0], $0xffff;
	[tilespmem:s14+$0x14920] =	vst v17;
	s14 =	smov.u32 s31;
	s31 =	smov.u32 s17  }
0x279: {  	v15 =	vor.u32 $0x7, v15;
	v17 =	vld.idx.msk [tilespmem:v8+s0+$0x0], $0xffff;
	[tilespmem:s14+$0x10130] =	vst v18;
	v8 =	vmov v34  }
0x27a: {  	[tilespmem:s31+$0x4D30] =	vst v32;
	v18 =	vld.idx.msk [tilespmem:v21+s0+$0x0], $0xffff  }
0x27b: {  	[tilespmem:s31+$0x4D00] =	vst v33;
	v21 =	vld.idx.msk [tilespmem:v35+s1+$0x0], $0xffff  }
0x27c: {  	v32 =	vor.u32 $0x7, v2;
	v2 =	vmov v14;
	v23 =	vld.idx.msk [tilespmem:v23+s1+$0x0], $0xffff;
	[tilespmem:s14+$0x10100] =	vst v36  }
0x27d: {  	v14 =	vor.u32 $0x2, v2;
	[tilespmem:s31+$0x4D10] =	vst v27;
	v27 =	vld.idx.msk [tilespmem:v12+s0+$0x0], $0xffff;
	v12 =	vmov v38  }
0x27e: {  	v28 =	vld.idx.msk [tilespmem:v28+s1+$0x0], $0xffff;
	[tilespmem:s31+$0x4D20] =	vst v16  }
0x27f: {  	v16 =	vld.idx.msk [tilespmem:v20+s1+$0x0], $0xffff;
	[tilespmem:s14+$0x10110] =	vst v17  }
0x280: {  	v17 =	vld.idx.msk [tilespmem:v9+s0+$0x0], $0xffff;
	[tilespmem:s14+$0x12530] =	vst v18;
	v9 =	vmov v22  }
0x281: {  	[tilespmem:s31+$0x7130] =	vst v21;
	v18 =	vld.idx.msk [tilespmem:v32+s0+$0x0], $0xffff  }
0x282: {  	[tilespmem:s31+$0x7100] =	vst v23;
	v14 =	vld.idx.msk [tilespmem:v14+s1+$0x0], $0xffff  }
0x283: {  	v20 =	vld.idx.msk [tilespmem:v24+s1+$0x0], $0xffff;
	[tilespmem:s14+$0x10120] =	vst v27  }
0x284: {  	v21 =	vor.u32 $0x3, v2;
	[tilespmem:s31+$0x7110] =	vst v28;
	v22 =	vld.idx.msk [tilespmem:v6+s0+$0x0], $0xffff;
	v6 =	vmov v37  }
0x285: {  	v23 =	vld.idx.msk [tilespmem:v29+s1+$0x0], $0xffff;
	[tilespmem:s31+$0x7120] =	vst v16  }
0x286: {  	v24 =	vld.idx.msk [tilespmem:v31+s1+$0x0], $0xffff;
	[tilespmem:s14+$0x12500] =	vst v17  }
0x287: {  	v16 =	vld.idx.msk [tilespmem:v13+s0+$0x0], $0xffff;
	[tilespmem:s14+$0x14930] =	vst v18;
	v13 =	vmov v19  }
.Ltmp10:
0x288: {  	[tilespmem:s31+$0x9530] =	vst v14;
	v17 =	vld.idx.msk [tilespmem:v10+s0+$0x0], $0xffff;
	v10 =	vmov v26;
	(pc) =	sbr.rel @p3 .LBB2_21-.Ltmp10, $4  }
0x289: {  	[tilespmem:s31+$0x9500] =	vst v20;
	v19 =	vld.idx.msk [tilespmem:v21+s1+$0x0], $0xffff  }
0x28a: {  	v20 =	vld.idx.msk [tilespmem:v25+s1+$0x0], $0xffff;
	[tilespmem:s14+$0x12510] =	vst v22  }
0x28b: {  	v22 =	vor.u32 $0x4, v2;
	[tilespmem:s31+$0x9510] =	vst v23;
	v18 =	vld.idx.msk [tilespmem:v7+s0+$0x0], $0xffff;
	v7 =	vmov v39  }
0x28c: {  	s15 =	sadd.s32 $0x100, s15;
	v21 =	vld.idx.msk [tilespmem:v30+s1+$0x0], $0xffff;
	[tilespmem:s31+$0x9520] =	vst v24  }
0x28d: {  	v23 =	vmov v0  }
0x28e: {  	s2 =	smov.u32 s14;
	s14 =	smov.u32 s31;
	v14 =	vmovc v2;
	v0 =	vmovc v15;
	v15 =	vmov v5;
	v5 =	vmov v13;
	v13 =	vmov v7  }
.LBB2_23:
0x28f: {  	_ =	sdelay $0x3  }
0x290: {  	v2 =	vld.idx.msk [tilespmem:v11+s1+$0x0], $0xffff;
	_ =	sdelay $0x1  }
0x291: {  	[tilespmem:s14+$0xB930] =	vst v19  }
0x292: {  	[tilespmem:s14+$0xB900] =	vst v20;
	v7 =	vld.idx.msk [tilespmem:v22+s1+$0x0], $0xffff  }
0x293: {  	v11 =	vor.u32 $0x5, v14;
	v1 =	vld.idx.msk [tilespmem:v1+s1+$0x0], $0xffff;
	[tilespmem:s14+$0xB910] =	vst v21  }
0x294: {  	[tilespmem:s14+$0xB920] =	vst v2;
	v2 =	vld.idx.msk [tilespmem:v3+s1+$0x0], $0xffff  }
0x295: {  	v3 =	vld.idx.msk [tilespmem:v4+s1+$0x0], $0xffff;
	_ =	sdelay $0x1  }
0x296: {  	[tilespmem:s14+$0xDD30] =	vst v7  }
0x297: {  	[tilespmem:s14+$0xDD00] =	vst v1;
	v4 =	vld.idx.msk [tilespmem:v11+s1+$0x0], $0xffff  }
0x298: {  	v1 =	vor.u32 $0x6, v14;
	v7 =	vld.idx.msk [tilespmem:v15+s1+$0x0], $0xffff;
	[tilespmem:s14+$0xDD10] =	vst v2  }
0x299: {  	[tilespmem:s14+$0xDD20] =	vst v3;
	v2 =	vld.idx.msk [tilespmem:v8+s1+$0x0], $0xffff  }
0x29a: {  	v3 =	vld.idx.msk [tilespmem:v12+s1+$0x0], $0xffff;
	_ =	sdelay $0x1  }
0x29b: {  	[tilespmem:s14+$0x10130] =	vst v4  }
0x29c: {  	[tilespmem:s14+$0x10100] =	vst v7;
	v1 =	vld.idx.msk [tilespmem:v1+s1+$0x0], $0xffff  }
0x29d: {  	v4 =	vor.u32 $0x7, v14;
	[tilespmem:s14+$0x10110] =	vst v2;
	v2 =	vld.idx.msk [tilespmem:v9+s1+$0x0], $0xffff  }
0x29e: {  	[tilespmem:s14+$0x10120] =	vst v3;
	v3 =	vld.idx.msk [tilespmem:v6+s1+$0x0], $0xffff  }
0x29f: {  	[tilespmem:s2+$0x12520] =	vst @p2 v16;
	v5 =	vld.idx.msk [tilespmem:v5+s1+$0x0], $0xffff  }
0x2a0: {  	[tilespmem:s2+$0x14900] =	vst @p2 v17  }
0x2a1: {  	v6 =	vld.idx.msk @p2 [tilespmem:v23+s0+$0x0], $0xffff;
	[tilespmem:s14+$0x12530] =	vst v1  }
0x2a2: {  	v1 =	vld.idx.msk [tilespmem:v4+s1+$0x0], $0xffff;
	[tilespmem:s14+$0x12500] =	vst v2  }
0x2a3: {  	v2 =	vld.idx.msk [tilespmem:v10+s1+$0x0], $0xffff;
	[tilespmem:s14+$0x12510] =	vst v3  }
0x2a4: {  	v3 =	vld.idx.msk [tilespmem:v13+s1+$0x0], $0xffff;
	[tilespmem:s14+$0x12520] =	vst v5  }
0x2a5: {  	[tilespmem:s2+$0x14910] =	vst @p2 v18;
	v0 =	vld.idx.msk [tilespmem:v0+s1+$0x0], $0xffff  }
0x2a6: {  	[tilespmem:s2+$0x14920] =	vst @p2 v6  }
0x2a7: {  	[tilespmem:s14+$0x14930] =	vst v1  }
0x2a8: {  	[tilespmem:s14+$0x14900] =	vst v2  }
0x2a9: {  	[tilespmem:s14+$0x14910] =	vst v3  }
0x2aa: {  	s31 =	sshra.s32 s1, $0x2;
	[tilespmem:s14+$0x14920] =	vst v0  }
0x2ab: {  	v0 =	vld [tilespmem:s31+$0x2B70]  }
0x2ac: {  	v1 =	vld [tilespmem:s31+$0x2B40]  }
0x2ad: {  	v2 =	vld [tilespmem:s31+$0x2B50]  }
0x2ae: {  	v3 =	vld [tilespmem:s31+$0x2B60];
	_ =	sdelay $0x1  }
0x2af: {  	v14 =	vshll.u32 v0, $0x3  }
0x2b0: {  	v0 =	vshll.u32 v1, $0x3  }
0x2b1: {  	v1 =	vshll.u32 v2, $0x3  }
0x2b2: {  	v7 =	vshll.u32 v3, $0x3;
	_ =	sdelay $0x1  }
0x2b3: {  	v2 =	vld.idx.msk [tilespmem:v14+s1+$0x0], $0xffff  }
0x2b4: {  	v4 =	vor.u32 $0x1, v14;
	v3 =	vld.idx.msk [tilespmem:v0+s1+$0x0], $0xffff  }
0x2b5: {  	v5 =	vor.u32 $0x1, v0;
	v6 =	vld.idx.msk [tilespmem:v1+s1+$0x0], $0xffff  }
0x2b6: {  	v8 =	vor.u32 $0x1, v1;
	v9 =	vld.idx.msk [tilespmem:v7+s1+$0x0], $0xffff  }
0x2b7: {  	v10 =	vor.u32 $0x1, v7  }
0x2b8: {  	[tilespmem:s31+$0x4F70] =	vst v2  }
0x2b9: {  	[tilespmem:s31+$0x4F40] =	vst v3;
	v2 =	vld.idx.msk [tilespmem:v4+s1+$0x0], $0xffff  }
0x2ba: {  	[tilespmem:s31+$0x4F50] =	vst v6;
	v3 =	vld.idx.msk [tilespmem:v5+s1+$0x0], $0xffff;
	v4 =	vor.u32 $0x2, v14  }
0x2bb: {  	[tilespmem:s31+$0x4F60] =	vst v9;
	v5 =	vor.u32 $0x2, v0;
	v6 =	vld.idx.msk [tilespmem:v8+s1+$0x0], $0xffff  }
0x2bc: {  	v8 =	vor.u32 $0x2, v1;
	v9 =	vld.idx.msk [tilespmem:v10+s1+$0x0], $0xffff  }
0x2bd: {  	v10 =	vor.u32 $0x2, v7  }
0x2be: {  	[tilespmem:s31+$0x7370] =	vst v2  }
0x2bf: {  	[tilespmem:s31+$0x7340] =	vst v3;
	v4 =	vld.idx.msk [tilespmem:v4+s1+$0x0], $0xffff  }
0x2c0: {  	v12 =	vor.u32 $0x3, v14;
	[tilespmem:s31+$0x7350] =	vst v6;
	v5 =	vld.idx.msk [tilespmem:v5+s1+$0x0], $0xffff  }
0x2c1: {  	v16 =	vor.u32 $0x3, v0;
	[tilespmem:s31+$0x7360] =	vst v9;
	v17 =	vld.idx.msk [tilespmem:v8+s1+$0x0], $0xffff  }
0x2c2: {  	v18 =	vor.u32 $0x3, v1;
	v23 =	vld.idx.msk [tilespmem:v10+s1+$0x0], $0xffff  }
.Ltmp11:
0x2c3: {  	v15 =	vor.u32 $0x5, v0;
	v11 =	vor.u32 $0x3, v7;
	(pc) =	sbr.rel @!p1 .LBB2_24-.Ltmp11, $4  }
0x2c4: {  	v13 =	vor.u32 $0x7, v1;
	v22 =	vor.u32 $0x4, v14;
	v2 =	vor.u32 $0x4, v0;
	[tilespmem:s31+$0x9770] =	vst v4  }
0x2c5: {  	v3 =	vor.u32 $0x4, v1;
	v9 =	vor.u32 $0x5, v1;
	v6 =	vor.u32 $0x6, v1;
	[tilespmem:s31+$0x9740] =	vst v5;
	v19 =	vld.idx.msk [tilespmem:v12+s1+$0x0], $0xffff  }
0x2c6: {  	v10 =	vor.u32 $0x6, v0;
	v8 =	vor.u32 $0x7, v0;
	v0 =	vor.u32 $0x7, v7;
	[tilespmem:s31+$0x9750] =	vst v17;
	v20 =	vld.idx.msk [tilespmem:v16+s1+$0x0], $0xffff  }
0x2c7: {  	s0 =	sadd.s32 $0x100, s1;
	v4 =	vor.u32 $0x4, v7;
	v5 =	vor.u32 $0x6, v7;
	[tilespmem:s31+$0x9760] =	vst v23;
	v12 =	vor.u32 $0x5, v7;
	v21 =	vld.idx.msk [tilespmem:v18+s1+$0x0], $0xffff  }
0x2c8: {  	_ =	sdelay $0x3  }
0x2c9: {  	s2 =	sshra.s32 s0, $0x2;
	v7 =	vld.idx.msk [tilespmem:v11+s1+$0x0], $0xffff  }
0x2ca: {  	v1 =	vld [tilespmem:s2+$0x2B70]  }
0x2cb: {  	v11 =	vld [tilespmem:s2+$0x2B40]  }
0x2cc: {  	v17 =	vld [tilespmem:s2+$0x2B50]  }
0x2cd: {  	v18 =	vld [tilespmem:s2+$0x2B60];
	[tilespmem:s31+$0xBB70] =	vst v19  }
0x2ce: {  	v16 =	vld.idx.msk [tilespmem:v22+s1+$0x0], $0xffff;
	[tilespmem:s31+$0xBB40] =	vst v20  }
0x2cf: {  	v19 =	vor.u32 $0x5, v14;
	v2 =	vld.idx.msk [tilespmem:v2+s1+$0x0], $0xffff;
	_ =	sdelay $0x1  }
0x2d0: {  	[tilespmem:s31+$0xBB50] =	vst v21;
	v1 =	vshll.u32 v1, $0x3  }
0x2d1: {  	[tilespmem:s31+$0xBB60] =	vst v7;
	v3 =	vld.idx.msk [tilespmem:v3+s1+$0x0], $0xffff;
	v21 =	vshll.u32 v11, $0x3  }
0x2d2: {  	v4 =	vld.idx.msk [tilespmem:v4+s1+$0x0], $0xffff;
	v7 =	vshll.u32 v17, $0x3;
	[tilespmem:s31+$0xDF70] =	vst v16  }
0x2d3: {  	v22 =	vshll.u32 v18, $0x3;
	v11 =	vld.idx.msk [tilespmem:v19+s1+$0x0], $0xffff;
	[tilespmem:s31+$0xDF40] =	vst v2  }
0x2d4: {  	v15 =	vld.idx.msk [tilespmem:v15+s1+$0x0], $0xffff  }
0x2d5: {  	v16 =	vld.idx.msk [tilespmem:v1+s1+$0x0], $0xffff  }
0x2d6: {  	v2 =	vor.u32 $0x6, v14;
	v17 =	vld.idx.msk [tilespmem:v21+s1+$0x0], $0xffff  }
0x2d7: {  	[tilespmem:s31+$0xDF50] =	vst v3;
	v3 =	vld.idx.msk [tilespmem:v7+s1+$0x0], $0xffff  }
0x2d8: {  	v18 =	vor.u32 $0x1, v1;
	[tilespmem:s31+$0xDF60] =	vst v4;
	v4 =	vld.idx.msk [tilespmem:v22+s1+$0x0], $0xffff  }
0x2d9: {  	v19 =	vor.u32 $0x1, v21;
	v9 =	vld.idx.msk [tilespmem:v9+s1+$0x0], $0xffff;
	[tilespmem:s31+$0x10370] =	vst v11  }
0x2da: {  	v20 =	vor.u32 $0x1, v7;
	v12 =	vld.idx.msk [tilespmem:v12+s1+$0x0], $0xffff;
	[tilespmem:s31+$0x10340] =	vst v15  }
0x2db: {  	v11 =	vor.u32 $0x1, v22;
	v2 =	vld.idx.msk [tilespmem:v2+s1+$0x0], $0xffff;
	[tilespmem:s2+$0x4F70] =	vst v16  }
0x2dc: {  	v14 =	vor.u32 $0x7, v14;
	[tilespmem:s2+$0x4F40] =	vst v17;
	v10 =	vld.idx.msk [tilespmem:v10+s1+$0x0], $0xffff  }
0x2dd: {  	[tilespmem:s2+$0x4F50] =	vst v3;
	v16 =	vld.idx.msk [tilespmem:v18+s1+$0x0], $0xffff  }
0x2de: {  	v3 =	vor.u32 $0x2, v1;
	[tilespmem:s2+$0x4F60] =	vst v4;
	v17 =	vld.idx.msk [tilespmem:v19+s1+$0x0], $0xffff  }
0x2df: {  	v15 =	vor.u32 $0x2, v21;
	[tilespmem:s31+$0x10350] =	vst v9;
	v18 =	vld.idx.msk [tilespmem:v20+s1+$0x0], $0xffff  }
0x2e0: {  	v4 =	vld.idx.msk [tilespmem:v11+s1+$0x0], $0xffff;
	[tilespmem:s31+$0x12770] =	vst v2  }
0x2e1: {  	v9 =	vor.u32 $0x2, v7;
	[tilespmem:s31+$0x10360] =	vst v12;
	v11 =	vld.idx.msk [tilespmem:v14+s1+$0x0], $0xffff  }
0x2e2: {  	v2 =	vor.u32 $0x2, v22;
	[tilespmem:s2+$0x7370] =	vst v16;
	v16 =	vld.idx.msk [tilespmem:v5+s1+$0x0], $0xffff  }
0x2e3: {  	[tilespmem:s2+$0x7340] =	vst v17;
	v3 =	vld.idx.msk [tilespmem:v3+s1+$0x0], $0xffff  }
0x2e4: {  	v12 =	vor.u32 $0x3, v1;
	[tilespmem:s31+$0x12740] =	vst v10;
	v14 =	vld.idx.msk [tilespmem:v15+s1+$0x0], $0xffff  }
0x2e5: {  	[tilespmem:s2+$0x7350] =	vst v18;
	v18 =	vor.u32 $0x3, v21;
	v15 =	vld.idx.msk [tilespmem:v6+s1+$0x0], $0xffff  }
0x2e6: {  	v23 =	vld.idx.msk [tilespmem:v9+s1+$0x0], $0xffff;
	[tilespmem:s2+$0x7360] =	vst v4  }
0x2e7: {  	p1 =	por $0x1, $0x1;
	v25 =	vor.u32 $0x3, v7;
	v24 =	vld.idx.msk [tilespmem:v2+s1+$0x0], $0xffff;
	[tilespmem:s31+$0x14B70] =	vst v11  }
.Ltmp12:
0x2e8: {  	v10 =	vor.u32 $0x6, v21;
	v17 =	vld.idx.msk [tilespmem:v8+s1+$0x0], $0xffff;
	v11 =	vor.u32 $0x3, v22;
	[tilespmem:s2+$0x9770] =	vst v3;
	(pc) =	sbr.rel @!p1 .LBB2_26-.Ltmp12, $4  }
0x2e9: {  	v5 =	vor.u32 $0x5, v21;
	v8 =	vor.u32 $0x7, v21;
	v9 =	vor.u32 $0x5, v7;
	[tilespmem:s2+$0x9740] =	vst v14;
	v19 =	vld.idx.msk [tilespmem:v12+s1+$0x0], $0xffff  }
0x2ea: {  	v6 =	vor.u32 $0x6, v7;
	v4 =	vor.u32 $0x4, v22;
	[tilespmem:s31+$0x12750] =	vst v15;
	v15 =	vor.u32 $0x7, v22;
	v20 =	vld.idx.msk [tilespmem:v18+s1+$0x0], $0xffff  }
0x2eb: {  	s15 =	simm.s32 $0x4;
	[tilespmem:s2+$0x9750] =	vst v23;
	v12 =	vor.u32 $0x5, v22;
	v18 =	vld.idx.msk [tilespmem:v13+s1+$0x0], $0xffff;
	v13 =	vor.u32 $0x6, v22;
	v22 =	vor.u32 $0x4, v1  }
0x2ec: {  	s17 =	sadd.s32 $0x100, s0;
	p0 =	por $0x1, $0x1;
	s14 =	smov.u32 s31;
	v2 =	vor.u32 $0x4, v21;
	v3 =	vor.u32 $0x4, v7;
	v7 =	vor.u32 $0x7, v7;
	v21 =	vld.idx.msk [tilespmem:v25+s1+$0x0], $0xffff;
	[tilespmem:s2+$0x9760] =	vst v24  }
.LBB2_27:
0x2ed: {  	s20 =	sshra.s32 s17, $0x2;
	s15 =	sadd.s32 $0x4, s15;
	v11 =	vld.idx.msk [tilespmem:v11+s1+$0x0], $0xffff;
	[tilespmem:s14+$0x12760] =	vst v16  }
0x2ee: {  	v14 =	vld [tilespmem:s20+$0x2B70];
	p1 =	slt.u32 s15, $0x20;
	[tilespmem:s14+$0x14B40] =	vst v17  }
0x2ef: {  	v16 =	vld [tilespmem:s20+$0x2B40];
	[tilespmem:s2+$0xBB70] =	vst v19  }
0x2f0: {  	[tilespmem:s2+$0xBB40] =	vst v20;
	v17 =	vld.idx.msk [tilespmem:v22+s1+$0x0], $0xffff  }
0x2f1: {  	v19 =	vld [tilespmem:s20+$0x2B50];
	[tilespmem:s14+$0x14B50] =	vst v18  }
0x2f2: {  	v20 =	vor.u32 $0x5, v1;
	v18 =	vld [tilespmem:s20+$0x2B60];
	[tilespmem:s2+$0xBB50] =	vst v21  }
0x2f3: {  	v14 =	vshll.u32 v14, $0x3;
	v21 =	vld.idx.msk [tilespmem:v2+s1+$0x0], $0xffff;
	[tilespmem:s2+$0xBB60] =	vst v11  }
0x2f4: {  	v16 =	vshll.u32 v16, $0x3;
	v22 =	vld.idx.msk [tilespmem:v3+s1+$0x0], $0xffff  }
0x2f5: {  	v23 =	vor.u32 $0x1, v16;
	v24 =	vor.u32 $0x2, v16;
	v25 =	vor.u32 $0x3, v16;
	v26 =	vld.idx.msk [tilespmem:v4+s1+$0x0], $0xffff  }
0x2f6: {  	v2 =	vor.u32 $0x4, v16;
	v27 =	vor.u32 $0x5, v16;
	v19 =	vshll.u32 v19, $0x3;
	[tilespmem:s2+$0xDF70] =	vst v17;
	v17 =	vld.idx.msk [tilespmem:v0+s1+$0x0], $0xffff;
	v0 =	vmovc v15  }
0x2f7: {  	v28 =	vor.u32 $0x1, v19;
	v29 =	vor.u32 $0x2, v19;
	v15 =	vshll.u32 v18, $0x3;
	v18 =	vld.idx.msk [tilespmem:v20+s1+$0x0], $0xffff  }
0x2f8: {  	v30 =	vor.u32 $0x3, v19;
	v20 =	vor.u32 $0x1, v15;
	v31 =	vor.u32 $0x2, v15;
	v32 =	vld.idx.msk [tilespmem:v14+s1+$0x0], $0xffff  }
0x2f9: {  	v3 =	vor.u32 $0x4, v19;
	v11 =	vor.u32 $0x3, v15;
	v33 =	vld.idx.msk [tilespmem:v16+s1+$0x0], $0xffff;
	[tilespmem:s2+$0xDF40] =	vst v21;
	v21 =	vor.u32 $0x6, v1  }
0x2fa: {  	v35 =	vor.u32 $0x1, v14;
	v34 =	vor.u32 $0x5, v19;
	v4 =	vor.u32 $0x4, v15;
	v36 =	vld.idx.msk [tilespmem:v5+s1+$0x0], $0xffff;
	[tilespmem:s2+$0xDF50] =	vst v22;
	v5 =	vmovc v27  }
0x2fb: {  	v37 =	vor.u32 $0x6, v19;
	v38 =	vor.u32 $0x5, v15;
	v22 =	vor.u32 $0x6, v16;
	v27 =	vld.idx.msk [tilespmem:v19+s1+$0x0], $0xffff;
	[tilespmem:s2+$0xDF60] =	vst v26  }
0x2fc: {  	v39 =	vor.u32 $0x7, v19;
	v26 =	vor.u32 $0x7, v16;
	v19 =	vor.u32 $0x6, v15;
	v16 =	vld.idx.msk [tilespmem:v15+s1+$0x0], $0xffff;
	[tilespmem:s14+$0x14B60] =	vst v17;
	s14 =	smov.u32 s2;
	s2 =	smov.u32 s20  }
0x2fd: {  	v15 =	vor.u32 $0x7, v15;
	v17 =	vld.idx.msk [tilespmem:v9+s1+$0x0], $0xffff;
	[tilespmem:s14+$0x10370] =	vst v18;
	v9 =	vmov v34  }
0x2fe: {  	[tilespmem:s2+$0x4F70] =	vst v32;
	v18 =	vld.idx.msk [tilespmem:v21+s1+$0x0], $0xffff  }
0x2ff: {  	[tilespmem:s2+$0x4F40] =	vst v33;
	v21 =	vld.idx.msk [tilespmem:v35+s1+$0x0], $0xffff  }
0x300: {  	v32 =	vor.u32 $0x7, v1;
	v1 =	vmov v14;
	v23 =	vld.idx.msk [tilespmem:v23+s1+$0x0], $0xffff;
	[tilespmem:s14+$0x10340] =	vst v36  }
0x301: {  	v14 =	vor.u32 $0x2, v1;
	[tilespmem:s2+$0x4F50] =	vst v27;
	v27 =	vld.idx.msk [tilespmem:v12+s1+$0x0], $0xffff;
	v12 =	vmov v38  }
0x302: {  	v28 =	vld.idx.msk [tilespmem:v28+s1+$0x0], $0xffff;
	[tilespmem:s2+$0x4F60] =	vst v16  }
0x303: {  	v16 =	vld.idx.msk [tilespmem:v20+s1+$0x0], $0xffff;
	[tilespmem:s14+$0x10350] =	vst v17  }
0x304: {  	v17 =	vld.idx.msk [tilespmem:v10+s1+$0x0], $0xffff;
	[tilespmem:s14+$0x12770] =	vst v18;
	v10 =	vmov v22  }
0x305: {  	[tilespmem:s2+$0x7370] =	vst v21;
	v18 =	vld.idx.msk [tilespmem:v32+s1+$0x0], $0xffff  }
0x306: {  	[tilespmem:s2+$0x7340] =	vst v23;
	v14 =	vld.idx.msk [tilespmem:v14+s1+$0x0], $0xffff  }
0x307: {  	v20 =	vld.idx.msk [tilespmem:v24+s1+$0x0], $0xffff;
	[tilespmem:s14+$0x10360] =	vst v27  }
0x308: {  	v21 =	vor.u32 $0x3, v1;
	[tilespmem:s2+$0x7350] =	vst v28;
	v22 =	vld.idx.msk [tilespmem:v6+s1+$0x0], $0xffff;
	v6 =	vmov v37  }
0x309: {  	v23 =	vld.idx.msk [tilespmem:v29+s1+$0x0], $0xffff;
	[tilespmem:s2+$0x7360] =	vst v16  }
0x30a: {  	v24 =	vld.idx.msk [tilespmem:v31+s1+$0x0], $0xffff;
	[tilespmem:s14+$0x12740] =	vst v17  }
0x30b: {  	v16 =	vld.idx.msk [tilespmem:v13+s1+$0x0], $0xffff;
	[tilespmem:s14+$0x14B70] =	vst v18;
	v13 =	vmov v19  }
.Ltmp13:
0x30c: {  	[tilespmem:s2+$0x9770] =	vst v14;
	v17 =	vld.idx.msk [tilespmem:v8+s1+$0x0], $0xffff;
	v8 =	vmov v26;
	(pc) =	sbr.rel @p1 .LBB2_27-.Ltmp13, $4  }
0x30d: {  	[tilespmem:s2+$0x9740] =	vst v20;
	v19 =	vld.idx.msk [tilespmem:v21+s1+$0x0], $0xffff  }
0x30e: {  	v20 =	vld.idx.msk [tilespmem:v25+s1+$0x0], $0xffff;
	[tilespmem:s14+$0x12750] =	vst v22  }
0x30f: {  	v22 =	vor.u32 $0x4, v1;
	[tilespmem:s2+$0x9750] =	vst v23;
	v18 =	vld.idx.msk [tilespmem:v7+s1+$0x0], $0xffff;
	v7 =	vmov v39  }
0x310: {  	s17 =	sadd.s32 $0x100, s17;
	v21 =	vld.idx.msk [tilespmem:v30+s1+$0x0], $0xffff;
	[tilespmem:s2+$0x9760] =	vst v24  }
0x311: {  	v23 =	vmov v0  }
0x312: {  	v14 =	vmovc v1;
	v0 =	vmovc v15;
	v15 =	vmov v5;
	v5 =	vmov v13;
	v13 =	vmov v7  }
.LBB2_29:
0x313: {  	_ =	sdelay $0x3  }
0x314: {  	v1 =	vld.idx.msk [tilespmem:v11+s1+$0x0], $0xffff;
	_ =	sdelay $0x1  }
0x315: {  	[tilespmem:s2+$0xBB70] =	vst v19  }
0x316: {  	[tilespmem:s2+$0xBB40] =	vst v20;
	v7 =	vld.idx.msk [tilespmem:v22+s1+$0x0], $0xffff  }
0x317: {  	v11 =	vor.u32 $0x5, v14;
	v2 =	vld.idx.msk [tilespmem:v2+s1+$0x0], $0xffff;
	[tilespmem:s2+$0xBB50] =	vst v21  }
0x318: {  	[tilespmem:s2+$0xBB60] =	vst v1;
	v1 =	vld.idx.msk [tilespmem:v3+s1+$0x0], $0xffff  }
0x319: {  	v3 =	vld.idx.msk [tilespmem:v4+s1+$0x0], $0xffff;
	_ =	sdelay $0x1  }
0x31a: {  	[tilespmem:s2+$0xDF70] =	vst v7  }
0x31b: {  	[tilespmem:s2+$0xDF40] =	vst v2;
	v4 =	vld.idx.msk [tilespmem:v11+s1+$0x0], $0xffff  }
0x31c: {  	v2 =	vor.u32 $0x6, v14;
	v7 =	vld.idx.msk [tilespmem:v15+s1+$0x0], $0xffff;
	[tilespmem:s2+$0xDF50] =	vst v1  }
0x31d: {  	[tilespmem:s2+$0xDF60] =	vst v3;
	v1 =	vld.idx.msk [tilespmem:v9+s1+$0x0], $0xffff  }
0x31e: {  	v3 =	vld.idx.msk [tilespmem:v12+s1+$0x0], $0xffff;
	_ =	sdelay $0x1  }
0x31f: {  	[tilespmem:s2+$0x10370] =	vst v4  }
0x320: {  	[tilespmem:s2+$0x10340] =	vst v7;
	v2 =	vld.idx.msk [tilespmem:v2+s1+$0x0], $0xffff  }
0x321: {  	v4 =	vor.u32 $0x7, v14;
	[tilespmem:s2+$0x10350] =	vst v1;
	v1 =	vld.idx.msk [tilespmem:v10+s1+$0x0], $0xffff  }
0x322: {  	[tilespmem:s2+$0x10360] =	vst v3;
	v3 =	vld.idx.msk [tilespmem:v6+s1+$0x0], $0xffff  }
0x323: {  	[tilespmem:s14+$0x12760] =	vst @p0 v16;
	v5 =	vld.idx.msk [tilespmem:v5+s1+$0x0], $0xffff  }
0x324: {  	[tilespmem:s14+$0x14B40] =	vst @p0 v17  }
0x325: {  	v6 =	vld.idx.msk @p0 [tilespmem:v23+s1+$0x0], $0xffff;
	[tilespmem:s2+$0x12770] =	vst v2  }
0x326: {  	v2 =	vld.idx.msk [tilespmem:v4+s1+$0x0], $0xffff;
	[tilespmem:s2+$0x12740] =	vst v1  }
0x327: {  	v1 =	vld.idx.msk [tilespmem:v8+s1+$0x0], $0xffff;
	[tilespmem:s2+$0x12750] =	vst v3  }
0x328: {  	v3 =	vld.idx.msk [tilespmem:v13+s1+$0x0], $0xffff;
	[tilespmem:s2+$0x12760] =	vst v5  }
0x329: {  	[tilespmem:s14+$0x14B50] =	vst @p0 v18;
	v0 =	vld.idx.msk [tilespmem:v0+s1+$0x0], $0xffff  }
0x32a: {  	[tilespmem:s14+$0x14B60] =	vst @p0 v6  }
0x32b: {  	[tilespmem:s2+$0x14B70] =	vst v2  }
0x32c: {  	[tilespmem:s2+$0x14B40] =	vst v1  }
0x32d: {  	[tilespmem:s2+$0x14B50] =	vst v3  }
0x32e: {  	[tilespmem:s2+$0x14B60] =	vst v0  }
0x32f: {  	v0 =	vld [tilespmem:s31+$0x2DB0]  }
0x330: {  	v1 =	vld [tilespmem:s31+$0x2D80]  }
0x331: {  	v2 =	vld [tilespmem:s31+$0x2D90]  }
0x332: {  	v3 =	vld [tilespmem:s31+$0x2DA0];
	_ =	sdelay $0x1  }
0x333: {  	v14 =	vshll.u32 v0, $0x3  }
0x334: {  	v0 =	vshll.u32 v1, $0x3  }
0x335: {  	v2 =	vshll.u32 v2, $0x3  }
0x336: {  	v7 =	vshll.u32 v3, $0x3  }
0x337: {  	s1 =	simm.s32 $0x0  }
0x338: {  	v1 =	vld.idx.msk [tilespmem:v14+s1+$0x0], $0xffff  }
0x339: {  	v4 =	vor.u32 $0x1, v14;
	v3 =	vld.idx.msk [tilespmem:v0+s1+$0x0], $0xffff  }
0x33a: {  	v5 =	vor.u32 $0x1, v0;
	v6 =	vld.idx.msk [tilespmem:v2+s1+$0x0], $0xffff  }
0x33b: {  	v8 =	vor.u32 $0x1, v2;
	v9 =	vld.idx.msk [tilespmem:v7+s1+$0x0], $0xffff  }
0x33c: {  	v10 =	vor.u32 $0x1, v7  }
0x33d: {  	[tilespmem:s31+$0x51B0] =	vst v1  }
0x33e: {  	[tilespmem:s31+$0x5180] =	vst v3;
	v1 =	vld.idx.msk [tilespmem:v4+s1+$0x0], $0xffff  }
0x33f: {  	[tilespmem:s31+$0x5190] =	vst v6;
	v3 =	vld.idx.msk [tilespmem:v5+s1+$0x0], $0xffff;
	v4 =	vor.u32 $0x2, v14  }
0x340: {  	[tilespmem:s31+$0x51A0] =	vst v9;
	v5 =	vor.u32 $0x2, v0;
	v6 =	vld.idx.msk [tilespmem:v8+s1+$0x0], $0xffff  }
0x341: {  	v8 =	vor.u32 $0x2, v2;
	v9 =	vld.idx.msk [tilespmem:v10+s1+$0x0], $0xffff  }
0x342: {  	v10 =	vor.u32 $0x2, v7  }
0x343: {  	[tilespmem:s31+$0x75B0] =	vst v1  }
0x344: {  	[tilespmem:s31+$0x7580] =	vst v3;
	v4 =	vld.idx.msk [tilespmem:v4+s1+$0x0], $0xffff  }
0x345: {  	v12 =	vor.u32 $0x3, v14;
	[tilespmem:s31+$0x7590] =	vst v6;
	v5 =	vld.idx.msk [tilespmem:v5+s1+$0x0], $0xffff  }
0x346: {  	v16 =	vor.u32 $0x3, v0;
	[tilespmem:s31+$0x75A0] =	vst v9;
	v17 =	vld.idx.msk [tilespmem:v8+s1+$0x0], $0xffff  }
0x347: {  	p1 =	por $0x1, $0x1;
	v18 =	vor.u32 $0x3, v2;
	v23 =	vld.idx.msk [tilespmem:v10+s1+$0x0], $0xffff  }
.Ltmp14:
0x348: {  	v15 =	vor.u32 $0x5, v0;
	v11 =	vor.u32 $0x3, v7;
	(pc) =	sbr.rel @!p1 .LBB2_30-.Ltmp14, $4  }
0x349: {  	v13 =	vor.u32 $0x7, v2;
	v22 =	vor.u32 $0x4, v14;
	v1 =	vor.u32 $0x4, v0;
	[tilespmem:s31+$0x99B0] =	vst v4  }
0x34a: {  	v3 =	vor.u32 $0x4, v2;
	v9 =	vor.u32 $0x6, v0;
	v6 =	vor.u32 $0x6, v2;
	[tilespmem:s31+$0x9980] =	vst v5;
	v19 =	vld.idx.msk [tilespmem:v12+s1+$0x0], $0xffff  }
0x34b: {  	v8 =	vor.u32 $0x5, v2;
	v10 =	vor.u32 $0x7, v0;
	v0 =	vor.u32 $0x7, v7;
	[tilespmem:s31+$0x9990] =	vst v17;
	v20 =	vld.idx.msk [tilespmem:v16+s1+$0x0], $0xffff  }
0x34c: {  	p0 =	por $0x0, $0x0;
	v4 =	vor.u32 $0x4, v7;
	v5 =	vor.u32 $0x6, v7;
	[tilespmem:s31+$0x99A0] =	vst v23;
	v12 =	vor.u32 $0x5, v7;
	v21 =	vld.idx.msk [tilespmem:v18+s1+$0x0], $0xffff  }
0x34d: {  	_ =	sdelay $0x3  }
0x34e: {  	s2 =	sshra.s32 s0, $0x2;
	v7 =	vld.idx.msk [tilespmem:v11+s1+$0x0], $0xffff  }
0x34f: {  	v2 =	vld [tilespmem:s2+$0x2DB0]  }
0x350: {  	v11 =	vld [tilespmem:s2+$0x2D80]  }
0x351: {  	v17 =	vld [tilespmem:s2+$0x2D90]  }
0x352: {  	v18 =	vld [tilespmem:s2+$0x2DA0];
	[tilespmem:s31+$0xBDB0] =	vst v19  }
0x353: {  	v16 =	vld.idx.msk [tilespmem:v22+s1+$0x0], $0xffff;
	[tilespmem:s31+$0xBD80] =	vst v20  }
0x354: {  	v19 =	vor.u32 $0x5, v14;
	v1 =	vld.idx.msk [tilespmem:v1+s1+$0x0], $0xffff;
	_ =	sdelay $0x1  }
0x355: {  	[tilespmem:s31+$0xBD90] =	vst v21;
	v2 =	vshll.u32 v2, $0x3  }
0x356: {  	[tilespmem:s31+$0xBDA0] =	vst v7;
	v3 =	vld.idx.msk [tilespmem:v3+s1+$0x0], $0xffff;
	v21 =	vshll.u32 v11, $0x3  }
0x357: {  	v4 =	vld.idx.msk [tilespmem:v4+s1+$0x0], $0xffff;
	v7 =	vshll.u32 v17, $0x3;
	[tilespmem:s31+$0xE1B0] =	vst v16  }
0x358: {  	v22 =	vshll.u32 v18, $0x3;
	v11 =	vld.idx.msk [tilespmem:v19+s1+$0x0], $0xffff;
	[tilespmem:s31+$0xE180] =	vst v1  }
0x359: {  	v15 =	vld.idx.msk [tilespmem:v15+s1+$0x0], $0xffff  }
0x35a: {  	v16 =	vld.idx.msk [tilespmem:v2+s1+$0x0], $0xffff  }
0x35b: {  	v1 =	vor.u32 $0x6, v14;
	v17 =	vld.idx.msk [tilespmem:v21+s1+$0x0], $0xffff  }
0x35c: {  	[tilespmem:s31+$0xE190] =	vst v3;
	v3 =	vld.idx.msk [tilespmem:v7+s1+$0x0], $0xffff  }
0x35d: {  	v18 =	vor.u32 $0x1, v2;
	[tilespmem:s31+$0xE1A0] =	vst v4;
	v4 =	vld.idx.msk [tilespmem:v22+s1+$0x0], $0xffff  }
0x35e: {  	v19 =	vor.u32 $0x1, v21;
	v8 =	vld.idx.msk [tilespmem:v8+s1+$0x0], $0xffff;
	[tilespmem:s31+$0x105B0] =	vst v11  }
0x35f: {  	v20 =	vor.u32 $0x1, v7;
	v12 =	vld.idx.msk [tilespmem:v12+s1+$0x0], $0xffff;
	[tilespmem:s31+$0x10580] =	vst v15  }
0x360: {  	v11 =	vor.u32 $0x1, v22;
	v1 =	vld.idx.msk [tilespmem:v1+s1+$0x0], $0xffff;
	[tilespmem:s2+$0x51B0] =	vst v16  }
0x361: {  	v14 =	vor.u32 $0x7, v14;
	[tilespmem:s2+$0x5180] =	vst v17;
	v9 =	vld.idx.msk [tilespmem:v9+s1+$0x0], $0xffff  }
0x362: {  	[tilespmem:s2+$0x5190] =	vst v3;
	v16 =	vld.idx.msk [tilespmem:v18+s1+$0x0], $0xffff  }
0x363: {  	v3 =	vor.u32 $0x2, v2;
	[tilespmem:s2+$0x51A0] =	vst v4;
	v17 =	vld.idx.msk [tilespmem:v19+s1+$0x0], $0xffff  }
0x364: {  	v15 =	vor.u32 $0x2, v21;
	[tilespmem:s31+$0x10590] =	vst v8;
	v18 =	vld.idx.msk [tilespmem:v20+s1+$0x0], $0xffff  }
0x365: {  	v4 =	vld.idx.msk [tilespmem:v11+s1+$0x0], $0xffff;
	[tilespmem:s31+$0x129B0] =	vst v1  }
0x366: {  	v8 =	vor.u32 $0x2, v7;
	[tilespmem:s31+$0x105A0] =	vst v12;
	v11 =	vld.idx.msk [tilespmem:v14+s1+$0x0], $0xffff  }
0x367: {  	v1 =	vor.u32 $0x2, v22;
	[tilespmem:s2+$0x75B0] =	vst v16;
	v16 =	vld.idx.msk [tilespmem:v5+s1+$0x0], $0xffff  }
0x368: {  	[tilespmem:s2+$0x7580] =	vst v17;
	v3 =	vld.idx.msk [tilespmem:v3+s1+$0x0], $0xffff  }
0x369: {  	v12 =	vor.u32 $0x3, v2;
	[tilespmem:s31+$0x12980] =	vst v9;
	v14 =	vld.idx.msk [tilespmem:v15+s1+$0x0], $0xffff  }
0x36a: {  	[tilespmem:s2+$0x7590] =	vst v18;
	v18 =	vor.u32 $0x3, v21;
	v15 =	vld.idx.msk [tilespmem:v6+s1+$0x0], $0xffff  }
0x36b: {  	v23 =	vld.idx.msk [tilespmem:v8+s1+$0x0], $0xffff;
	[tilespmem:s2+$0x75A0] =	vst v4  }
0x36c: {  	p3 =	por $0x1, $0x1;
	v25 =	vor.u32 $0x3, v7;
	v24 =	vld.idx.msk [tilespmem:v1+s1+$0x0], $0xffff;
	[tilespmem:s31+$0x14DB0] =	vst v11  }
.Ltmp15:
0x36d: {  	v9 =	vor.u32 $0x6, v21;
	v17 =	vld.idx.msk [tilespmem:v10+s1+$0x0], $0xffff;
	v11 =	vor.u32 $0x3, v22;
	[tilespmem:s2+$0x99B0] =	vst v3;
	(pc) =	sbr.rel @!p3 .LBB2_32-.Ltmp15, $4  }
0x36e: {  	v5 =	vor.u32 $0x5, v21;
	v10 =	vor.u32 $0x7, v21;
	v8 =	vor.u32 $0x5, v7;
	[tilespmem:s2+$0x9980] =	vst v14;
	v19 =	vld.idx.msk [tilespmem:v12+s1+$0x0], $0xffff  }
0x36f: {  	v6 =	vor.u32 $0x6, v7;
	v4 =	vor.u32 $0x4, v22;
	[tilespmem:s31+$0x12990] =	vst v15;
	v15 =	vor.u32 $0x7, v22;
	v20 =	vld.idx.msk [tilespmem:v18+s1+$0x0], $0xffff  }
0x370: {  	s14 =	simm.s32 $0x4;
	[tilespmem:s2+$0x9990] =	vst v23;
	v12 =	vor.u32 $0x5, v22;
	v18 =	vld.idx.msk [tilespmem:v13+s1+$0x0], $0xffff;
	v13 =	vor.u32 $0x6, v22;
	v22 =	vor.u32 $0x4, v2  }
0x371: {  	s15 =	sadd.s32 $0x100, s0;
	p2 =	por $0x1, $0x1;
	s0 =	simm.s32 $0x0;
	v1 =	vor.u32 $0x4, v21;
	v3 =	vor.u32 $0x4, v7;
	v7 =	vor.u32 $0x7, v7;
	v21 =	vld.idx.msk [tilespmem:v25+s1+$0x0], $0xffff;
	[tilespmem:s2+$0x99A0] =	vst v24  }
.LBB2_33:
0x372: {  	s17 =	sshra.s32 s15, $0x2;
	s14 =	sadd.s32 $0x4, s14;
	v11 =	vld.idx.msk [tilespmem:v11+s1+$0x0], $0xffff;
	[tilespmem:s31+$0x129A0] =	vst v16  }
0x373: {  	v14 =	vld [tilespmem:s17+$0x2DB0];
	p3 =	slt.u32 s14, $0x20;
	[tilespmem:s31+$0x14D80] =	vst v17  }
0x374: {  	v16 =	vld [tilespmem:s17+$0x2D80];
	[tilespmem:s2+$0xBDB0] =	vst v19  }
0x375: {  	[tilespmem:s2+$0xBD80] =	vst v20;
	v17 =	vld.idx.msk [tilespmem:v22+s1+$0x0], $0xffff  }
0x376: {  	v19 =	vld [tilespmem:s17+$0x2D90];
	[tilespmem:s31+$0x14D90] =	vst v18  }
0x377: {  	v20 =	vor.u32 $0x5, v2;
	v18 =	vld [tilespmem:s17+$0x2DA0];
	[tilespmem:s2+$0xBD90] =	vst v21  }
0x378: {  	v14 =	vshll.u32 v14, $0x3;
	v21 =	vld.idx.msk [tilespmem:v1+s1+$0x0], $0xffff;
	[tilespmem:s2+$0xBDA0] =	vst v11  }
0x379: {  	v16 =	vshll.u32 v16, $0x3;
	v22 =	vld.idx.msk [tilespmem:v3+s1+$0x0], $0xffff  }
0x37a: {  	v23 =	vor.u32 $0x1, v16;
	v24 =	vor.u32 $0x2, v16;
	v25 =	vor.u32 $0x3, v16;
	v26 =	vld.idx.msk [tilespmem:v4+s1+$0x0], $0xffff  }
0x37b: {  	v1 =	vor.u32 $0x4, v16;
	v27 =	vor.u32 $0x5, v16;
	v19 =	vshll.u32 v19, $0x3;
	[tilespmem:s2+$0xE1B0] =	vst v17;
	v17 =	vld.idx.msk [tilespmem:v0+s0+$0x0], $0xffff;
	v0 =	vmovc v15;
	s0 =	smov.u32 s1  }
0x37c: {  	s1 =	simm.s32 $0x0;
	v28 =	vor.u32 $0x1, v19;
	v29 =	vor.u32 $0x2, v19;
	v15 =	vshll.u32 v18, $0x3;
	v18 =	vld.idx.msk [tilespmem:v20+s0+$0x0], $0xffff  }
0x37d: {  	v30 =	vor.u32 $0x3, v19;
	v20 =	vor.u32 $0x1, v15;
	v31 =	vor.u32 $0x2, v15;
	v32 =	vld.idx.msk [tilespmem:v14+s1+$0x0], $0xffff  }
0x37e: {  	v3 =	vor.u32 $0x4, v19;
	v11 =	vor.u32 $0x3, v15;
	v33 =	vld.idx.msk [tilespmem:v16+s1+$0x0], $0xffff;
	[tilespmem:s2+$0xE180] =	vst v21;
	v21 =	vor.u32 $0x6, v2  }
0x37f: {  	v35 =	vor.u32 $0x1, v14;
	v34 =	vor.u32 $0x5, v19;
	v4 =	vor.u32 $0x4, v15;
	v36 =	vld.idx.msk [tilespmem:v5+s0+$0x0], $0xffff;
	[tilespmem:s2+$0xE190] =	vst v22;
	v5 =	vmovc v27  }
0x380: {  	v37 =	vor.u32 $0x6, v19;
	v38 =	vor.u32 $0x5, v15;
	v22 =	vor.u32 $0x6, v16;
	v27 =	vld.idx.msk [tilespmem:v19+s1+$0x0], $0xffff;
	[tilespmem:s2+$0xE1A0] =	vst v26  }
0x381: {  	v39 =	vor.u32 $0x7, v19;
	v26 =	vor.u32 $0x7, v16;
	v19 =	vor.u32 $0x6, v15;
	v16 =	vld.idx.msk [tilespmem:v15+s1+$0x0], $0xffff;
	[tilespmem:s31+$0x14DA0] =	vst v17;
	s31 =	smov.u32 s2;
	s2 =	smov.u32 s17  }
0x382: {  	v15 =	vor.u32 $0x7, v15;
	v17 =	vld.idx.msk [tilespmem:v8+s0+$0x0], $0xffff;
	[tilespmem:s31+$0x105B0] =	vst v18;
	v8 =	vmov v34  }
0x383: {  	[tilespmem:s2+$0x51B0] =	vst v32;
	v18 =	vld.idx.msk [tilespmem:v21+s0+$0x0], $0xffff  }
0x384: {  	[tilespmem:s2+$0x5180] =	vst v33;
	v21 =	vld.idx.msk [tilespmem:v35+s1+$0x0], $0xffff  }
0x385: {  	v32 =	vor.u32 $0x7, v2;
	v2 =	vmov v14;
	v23 =	vld.idx.msk [tilespmem:v23+s1+$0x0], $0xffff;
	[tilespmem:s31+$0x10580] =	vst v36  }
0x386: {  	v14 =	vor.u32 $0x2, v2;
	[tilespmem:s2+$0x5190] =	vst v27;
	v27 =	vld.idx.msk [tilespmem:v12+s0+$0x0], $0xffff;
	v12 =	vmov v38  }
0x387: {  	v28 =	vld.idx.msk [tilespmem:v28+s1+$0x0], $0xffff;
	[tilespmem:s2+$0x51A0] =	vst v16  }
0x388: {  	v16 =	vld.idx.msk [tilespmem:v20+s1+$0x0], $0xffff;
	[tilespmem:s31+$0x10590] =	vst v17  }
0x389: {  	v17 =	vld.idx.msk [tilespmem:v9+s0+$0x0], $0xffff;
	[tilespmem:s31+$0x129B0] =	vst v18;
	v9 =	vmov v22  }
0x38a: {  	[tilespmem:s2+$0x75B0] =	vst v21;
	v18 =	vld.idx.msk [tilespmem:v32+s0+$0x0], $0xffff  }
0x38b: {  	[tilespmem:s2+$0x7580] =	vst v23;
	v14 =	vld.idx.msk [tilespmem:v14+s1+$0x0], $0xffff  }
0x38c: {  	v20 =	vld.idx.msk [tilespmem:v24+s1+$0x0], $0xffff;
	[tilespmem:s31+$0x105A0] =	vst v27  }
0x38d: {  	v21 =	vor.u32 $0x3, v2;
	[tilespmem:s2+$0x7590] =	vst v28;
	v22 =	vld.idx.msk [tilespmem:v6+s0+$0x0], $0xffff;
	v6 =	vmov v37  }
0x38e: {  	v23 =	vld.idx.msk [tilespmem:v29+s1+$0x0], $0xffff;
	[tilespmem:s2+$0x75A0] =	vst v16  }
0x38f: {  	v24 =	vld.idx.msk [tilespmem:v31+s1+$0x0], $0xffff;
	[tilespmem:s31+$0x12980] =	vst v17  }
0x390: {  	v16 =	vld.idx.msk [tilespmem:v13+s0+$0x0], $0xffff;
	[tilespmem:s31+$0x14DB0] =	vst v18;
	v13 =	vmov v19  }
.Ltmp16:
0x391: {  	[tilespmem:s2+$0x99B0] =	vst v14;
	v17 =	vld.idx.msk [tilespmem:v10+s0+$0x0], $0xffff;
	v10 =	vmov v26;
	(pc) =	sbr.rel @p3 .LBB2_33-.Ltmp16, $4  }
0x392: {  	[tilespmem:s2+$0x9980] =	vst v20;
	v19 =	vld.idx.msk [tilespmem:v21+s1+$0x0], $0xffff  }
0x393: {  	v20 =	vld.idx.msk [tilespmem:v25+s1+$0x0], $0xffff;
	[tilespmem:s31+$0x12990] =	vst v22  }
0x394: {  	v22 =	vor.u32 $0x4, v2;
	[tilespmem:s2+$0x9990] =	vst v23;
	v18 =	vld.idx.msk [tilespmem:v7+s0+$0x0], $0xffff;
	v7 =	vmov v39  }
0x395: {  	s15 =	sadd.s32 $0x100, s15;
	v21 =	vld.idx.msk [tilespmem:v30+s1+$0x0], $0xffff;
	[tilespmem:s2+$0x99A0] =	vst v24  }
0x396: {  	v23 =	vmov v0  }
0x397: {  	s14 =	smov.u32 s31;
	s31 =	smov.u32 s2;
	v14 =	vmovc v2;
	v0 =	vmovc v15;
	v15 =	vmov v5;
	v5 =	vmov v13;
	v13 =	vmov v7  }
.LBB2_35:
0x398: {  	_ =	sdelay $0x3  }
0x399: {  	v2 =	vld.idx.msk [tilespmem:v11+s1+$0x0], $0xffff;
	_ =	sdelay $0x1  }
0x39a: {  	[tilespmem:s31+$0xBDB0] =	vst v19  }
0x39b: {  	[tilespmem:s31+$0xBD80] =	vst v20;
	v7 =	vld.idx.msk [tilespmem:v22+s1+$0x0], $0xffff  }
0x39c: {  	v11 =	vor.u32 $0x5, v14;
	v1 =	vld.idx.msk [tilespmem:v1+s1+$0x0], $0xffff;
	[tilespmem:s31+$0xBD90] =	vst v21  }
0x39d: {  	[tilespmem:s31+$0xBDA0] =	vst v2;
	v2 =	vld.idx.msk [tilespmem:v3+s1+$0x0], $0xffff  }
0x39e: {  	v3 =	vld.idx.msk [tilespmem:v4+s1+$0x0], $0xffff;
	_ =	sdelay $0x1  }
0x39f: {  	[tilespmem:s31+$0xE1B0] =	vst v7  }
0x3a0: {  	[tilespmem:s31+$0xE180] =	vst v1;
	v4 =	vld.idx.msk [tilespmem:v11+s1+$0x0], $0xffff  }
0x3a1: {  	v1 =	vor.u32 $0x6, v14;
	v7 =	vld.idx.msk [tilespmem:v15+s1+$0x0], $0xffff;
	[tilespmem:s31+$0xE190] =	vst v2  }
0x3a2: {  	[tilespmem:s31+$0xE1A0] =	vst v3;
	v2 =	vld.idx.msk [tilespmem:v8+s1+$0x0], $0xffff  }
0x3a3: {  	v3 =	vld.idx.msk [tilespmem:v12+s1+$0x0], $0xffff;
	_ =	sdelay $0x1  }
0x3a4: {  	[tilespmem:s31+$0x105B0] =	vst v4  }
0x3a5: {  	[tilespmem:s31+$0x10580] =	vst v7;
	v1 =	vld.idx.msk [tilespmem:v1+s1+$0x0], $0xffff  }
0x3a6: {  	v4 =	vor.u32 $0x7, v14;
	[tilespmem:s31+$0x10590] =	vst v2;
	v2 =	vld.idx.msk [tilespmem:v9+s1+$0x0], $0xffff  }
0x3a7: {  	[tilespmem:s31+$0x105A0] =	vst v3;
	v3 =	vld.idx.msk [tilespmem:v6+s1+$0x0], $0xffff  }
0x3a8: {  	[tilespmem:s14+$0x129A0] =	vst @p2 v16;
	v5 =	vld.idx.msk [tilespmem:v5+s1+$0x0], $0xffff  }
0x3a9: {  	[tilespmem:s14+$0x14D80] =	vst @p2 v17  }
0x3aa: {  	v6 =	vld.idx.msk @p2 [tilespmem:v23+s0+$0x0], $0xffff;
	[tilespmem:s31+$0x129B0] =	vst v1  }
0x3ab: {  	v1 =	vld.idx.msk [tilespmem:v4+s1+$0x0], $0xffff;
	[tilespmem:s31+$0x12980] =	vst v2  }
0x3ac: {  	v2 =	vld.idx.msk [tilespmem:v10+s1+$0x0], $0xffff;
	[tilespmem:s31+$0x12990] =	vst v3  }
0x3ad: {  	v3 =	vld.idx.msk [tilespmem:v13+s1+$0x0], $0xffff;
	[tilespmem:s31+$0x129A0] =	vst v5  }
0x3ae: {  	[tilespmem:s14+$0x14D90] =	vst @p2 v18;
	v0 =	vld.idx.msk [tilespmem:v0+s1+$0x0], $0xffff  }
0x3af: {  	[tilespmem:s14+$0x14DA0] =	vst @p2 v6  }
0x3b0: {  	[tilespmem:s31+$0x14DB0] =	vst v1  }
0x3b1: {  	[tilespmem:s31+$0x14D80] =	vst v2  }
0x3b2: {  	[tilespmem:s31+$0x14D90] =	vst v3  }
0x3b3: {  	[tilespmem:s31+$0x14DA0] =	vst v0;
	s31 =	sshra.s32 s1, $0x2  }
0x3b4: {  	v0 =	vld [tilespmem:s31+$0x2FF0]  }
0x3b5: {  	v1 =	vld [tilespmem:s31+$0x2FC0]  }
0x3b6: {  	v2 =	vld [tilespmem:s31+$0x2FD0]  }
0x3b7: {  	v3 =	vld [tilespmem:s31+$0x2FE0];
	_ =	sdelay $0x1  }
0x3b8: {  	v14 =	vshll.u32 v0, $0x3  }
0x3b9: {  	v0 =	vshll.u32 v1, $0x3  }
0x3ba: {  	v1 =	vshll.u32 v2, $0x3  }
0x3bb: {  	v7 =	vshll.u32 v3, $0x3;
	_ =	sdelay $0x1  }
0x3bc: {  	v2 =	vld.idx.msk [tilespmem:v14+s1+$0x0], $0xffff  }
0x3bd: {  	v4 =	vor.u32 $0x1, v14;
	v3 =	vld.idx.msk [tilespmem:v0+s1+$0x0], $0xffff  }
0x3be: {  	v5 =	vor.u32 $0x1, v0;
	v6 =	vld.idx.msk [tilespmem:v1+s1+$0x0], $0xffff  }
0x3bf: {  	v8 =	vor.u32 $0x1, v1;
	v9 =	vld.idx.msk [tilespmem:v7+s1+$0x0], $0xffff  }
0x3c0: {  	v10 =	vor.u32 $0x1, v7  }
0x3c1: {  	[tilespmem:s31+$0x53F0] =	vst v2  }
0x3c2: {  	[tilespmem:s31+$0x53C0] =	vst v3;
	v2 =	vld.idx.msk [tilespmem:v4+s1+$0x0], $0xffff  }
0x3c3: {  	[tilespmem:s31+$0x53D0] =	vst v6;
	v3 =	vld.idx.msk [tilespmem:v5+s1+$0x0], $0xffff;
	v4 =	vor.u32 $0x2, v14  }
0x3c4: {  	[tilespmem:s31+$0x53E0] =	vst v9;
	v5 =	vor.u32 $0x2, v0;
	v6 =	vld.idx.msk [tilespmem:v8+s1+$0x0], $0xffff  }
0x3c5: {  	v8 =	vor.u32 $0x2, v1;
	v9 =	vld.idx.msk [tilespmem:v10+s1+$0x0], $0xffff  }
0x3c6: {  	v10 =	vor.u32 $0x2, v7  }
0x3c7: {  	[tilespmem:s31+$0x77F0] =	vst v2  }
0x3c8: {  	[tilespmem:s31+$0x77C0] =	vst v3;
	v4 =	vld.idx.msk [tilespmem:v4+s1+$0x0], $0xffff  }
0x3c9: {  	v12 =	vor.u32 $0x3, v14;
	[tilespmem:s31+$0x77D0] =	vst v6;
	v5 =	vld.idx.msk [tilespmem:v5+s1+$0x0], $0xffff  }
0x3ca: {  	v16 =	vor.u32 $0x3, v0;
	[tilespmem:s31+$0x77E0] =	vst v9;
	v17 =	vld.idx.msk [tilespmem:v8+s1+$0x0], $0xffff  }
0x3cb: {  	v18 =	vor.u32 $0x3, v1;
	v23 =	vld.idx.msk [tilespmem:v10+s1+$0x0], $0xffff  }
.Ltmp17:
0x3cc: {  	v15 =	vor.u32 $0x5, v0;
	v11 =	vor.u32 $0x3, v7;
	(pc) =	sbr.rel @!p1 .LBB2_36-.Ltmp17, $4  }
0x3cd: {  	v13 =	vor.u32 $0x7, v1;
	v22 =	vor.u32 $0x4, v14;
	v2 =	vor.u32 $0x4, v0;
	[tilespmem:s31+$0x9BF0] =	vst v4  }
0x3ce: {  	v3 =	vor.u32 $0x4, v1;
	v9 =	vor.u32 $0x5, v1;
	v6 =	vor.u32 $0x6, v1;
	[tilespmem:s31+$0x9BC0] =	vst v5;
	v19 =	vld.idx.msk [tilespmem:v12+s1+$0x0], $0xffff  }
0x3cf: {  	v10 =	vor.u32 $0x6, v0;
	v8 =	vor.u32 $0x7, v0;
	v0 =	vor.u32 $0x7, v7;
	[tilespmem:s31+$0x9BD0] =	vst v17;
	v20 =	vld.idx.msk [tilespmem:v16+s1+$0x0], $0xffff  }
0x3d0: {  	s0 =	sadd.s32 $0x100, s1;
	v4 =	vor.u32 $0x4, v7;
	v5 =	vor.u32 $0x6, v7;
	[tilespmem:s31+$0x9BE0] =	vst v23;
	v12 =	vor.u32 $0x5, v7;
	v21 =	vld.idx.msk [tilespmem:v18+s1+$0x0], $0xffff  }
0x3d1: {  	_ =	sdelay $0x3  }
0x3d2: {  	s2 =	sshra.s32 s0, $0x2;
	v7 =	vld.idx.msk [tilespmem:v11+s1+$0x0], $0xffff  }
0x3d3: {  	v1 =	vld [tilespmem:s2+$0x2FF0]  }
0x3d4: {  	v11 =	vld [tilespmem:s2+$0x2FC0]  }
0x3d5: {  	v17 =	vld [tilespmem:s2+$0x2FD0]  }
0x3d6: {  	v18 =	vld [tilespmem:s2+$0x2FE0];
	[tilespmem:s31+$0xBFF0] =	vst v19  }
0x3d7: {  	v16 =	vld.idx.msk [tilespmem:v22+s1+$0x0], $0xffff;
	[tilespmem:s31+$0xBFC0] =	vst v20  }
0x3d8: {  	v19 =	vor.u32 $0x5, v14;
	v2 =	vld.idx.msk [tilespmem:v2+s1+$0x0], $0xffff;
	_ =	sdelay $0x1  }
0x3d9: {  	[tilespmem:s31+$0xBFD0] =	vst v21;
	v1 =	vshll.u32 v1, $0x3  }
0x3da: {  	[tilespmem:s31+$0xBFE0] =	vst v7;
	v3 =	vld.idx.msk [tilespmem:v3+s1+$0x0], $0xffff;
	v21 =	vshll.u32 v11, $0x3  }
0x3db: {  	v4 =	vld.idx.msk [tilespmem:v4+s1+$0x0], $0xffff;
	v7 =	vshll.u32 v17, $0x3;
	[tilespmem:s31+$0xE3F0] =	vst v16  }
0x3dc: {  	v22 =	vshll.u32 v18, $0x3;
	v11 =	vld.idx.msk [tilespmem:v19+s1+$0x0], $0xffff;
	[tilespmem:s31+$0xE3C0] =	vst v2  }
0x3dd: {  	v15 =	vld.idx.msk [tilespmem:v15+s1+$0x0], $0xffff  }
0x3de: {  	v16 =	vld.idx.msk [tilespmem:v1+s1+$0x0], $0xffff  }
0x3df: {  	v2 =	vor.u32 $0x6, v14;
	v17 =	vld.idx.msk [tilespmem:v21+s1+$0x0], $0xffff  }
0x3e0: {  	[tilespmem:s31+$0xE3D0] =	vst v3;
	v3 =	vld.idx.msk [tilespmem:v7+s1+$0x0], $0xffff  }
0x3e1: {  	v18 =	vor.u32 $0x1, v1;
	[tilespmem:s31+$0xE3E0] =	vst v4;
	v4 =	vld.idx.msk [tilespmem:v22+s1+$0x0], $0xffff  }
0x3e2: {  	v19 =	vor.u32 $0x1, v21;
	v9 =	vld.idx.msk [tilespmem:v9+s1+$0x0], $0xffff;
	[tilespmem:s31+$0x107F0] =	vst v11  }
0x3e3: {  	v20 =	vor.u32 $0x1, v7;
	v12 =	vld.idx.msk [tilespmem:v12+s1+$0x0], $0xffff;
	[tilespmem:s31+$0x107C0] =	vst v15  }
0x3e4: {  	v11 =	vor.u32 $0x1, v22;
	v2 =	vld.idx.msk [tilespmem:v2+s1+$0x0], $0xffff;
	[tilespmem:s2+$0x53F0] =	vst v16  }
0x3e5: {  	v14 =	vor.u32 $0x7, v14;
	[tilespmem:s2+$0x53C0] =	vst v17;
	v10 =	vld.idx.msk [tilespmem:v10+s1+$0x0], $0xffff  }
0x3e6: {  	[tilespmem:s2+$0x53D0] =	vst v3;
	v16 =	vld.idx.msk [tilespmem:v18+s1+$0x0], $0xffff  }
0x3e7: {  	v3 =	vor.u32 $0x2, v1;
	[tilespmem:s2+$0x53E0] =	vst v4;
	v17 =	vld.idx.msk [tilespmem:v19+s1+$0x0], $0xffff  }
0x3e8: {  	v15 =	vor.u32 $0x2, v21;
	[tilespmem:s31+$0x107D0] =	vst v9;
	v18 =	vld.idx.msk [tilespmem:v20+s1+$0x0], $0xffff  }
0x3e9: {  	v4 =	vld.idx.msk [tilespmem:v11+s1+$0x0], $0xffff;
	[tilespmem:s31+$0x12BF0] =	vst v2  }
0x3ea: {  	v9 =	vor.u32 $0x2, v7;
	[tilespmem:s31+$0x107E0] =	vst v12;
	v11 =	vld.idx.msk [tilespmem:v14+s1+$0x0], $0xffff  }
0x3eb: {  	v2 =	vor.u32 $0x2, v22;
	[tilespmem:s2+$0x77F0] =	vst v16;
	v16 =	vld.idx.msk [tilespmem:v5+s1+$0x0], $0xffff  }
0x3ec: {  	[tilespmem:s2+$0x77C0] =	vst v17;
	v3 =	vld.idx.msk [tilespmem:v3+s1+$0x0], $0xffff  }
0x3ed: {  	v12 =	vor.u32 $0x3, v1;
	[tilespmem:s31+$0x12BC0] =	vst v10;
	v14 =	vld.idx.msk [tilespmem:v15+s1+$0x0], $0xffff  }
0x3ee: {  	[tilespmem:s2+$0x77D0] =	vst v18;
	v18 =	vor.u32 $0x3, v21;
	v15 =	vld.idx.msk [tilespmem:v6+s1+$0x0], $0xffff  }
0x3ef: {  	v23 =	vld.idx.msk [tilespmem:v9+s1+$0x0], $0xffff;
	[tilespmem:s2+$0x77E0] =	vst v4  }
0x3f0: {  	p1 =	por $0x1, $0x1;
	v25 =	vor.u32 $0x3, v7;
	v24 =	vld.idx.msk [tilespmem:v2+s1+$0x0], $0xffff;
	[tilespmem:s31+$0x14FF0] =	vst v11  }
.Ltmp18:
0x3f1: {  	v10 =	vor.u32 $0x6, v21;
	v17 =	vld.idx.msk [tilespmem:v8+s1+$0x0], $0xffff;
	v11 =	vor.u32 $0x3, v22;
	[tilespmem:s2+$0x9BF0] =	vst v3;
	(pc) =	sbr.rel @!p1 .LBB2_38-.Ltmp18, $4  }
0x3f2: {  	v5 =	vor.u32 $0x5, v21;
	v8 =	vor.u32 $0x7, v21;
	v9 =	vor.u32 $0x5, v7;
	[tilespmem:s2+$0x9BC0] =	vst v14;
	v19 =	vld.idx.msk [tilespmem:v12+s1+$0x0], $0xffff  }
0x3f3: {  	v6 =	vor.u32 $0x6, v7;
	v4 =	vor.u32 $0x4, v22;
	[tilespmem:s31+$0x12BD0] =	vst v15;
	v15 =	vor.u32 $0x7, v22;
	v20 =	vld.idx.msk [tilespmem:v18+s1+$0x0], $0xffff  }
0x3f4: {  	s15 =	simm.s32 $0x4;
	[tilespmem:s2+$0x9BD0] =	vst v23;
	v12 =	vor.u32 $0x5, v22;
	v18 =	vld.idx.msk [tilespmem:v13+s1+$0x0], $0xffff;
	v13 =	vor.u32 $0x6, v22;
	v22 =	vor.u32 $0x4, v1  }
0x3f5: {  	s17 =	sadd.s32 $0x100, s0;
	p0 =	por $0x1, $0x1;
	s14 =	smov.u32 s31;
	v2 =	vor.u32 $0x4, v21;
	v3 =	vor.u32 $0x4, v7;
	v7 =	vor.u32 $0x7, v7;
	v21 =	vld.idx.msk [tilespmem:v25+s1+$0x0], $0xffff;
	[tilespmem:s2+$0x9BE0] =	vst v24  }
.LBB2_39:
0x3f6: {  	s20 =	sshra.s32 s17, $0x2;
	s15 =	sadd.s32 $0x4, s15;
	v11 =	vld.idx.msk [tilespmem:v11+s1+$0x0], $0xffff;
	[tilespmem:s14+$0x12BE0] =	vst v16  }
0x3f7: {  	v14 =	vld [tilespmem:s20+$0x2FF0];
	p1 =	slt.u32 s15, $0x20;
	[tilespmem:s14+$0x14FC0] =	vst v17  }
0x3f8: {  	v16 =	vld [tilespmem:s20+$0x2FC0];
	[tilespmem:s2+$0xBFF0] =	vst v19  }
0x3f9: {  	[tilespmem:s2+$0xBFC0] =	vst v20;
	v17 =	vld.idx.msk [tilespmem:v22+s1+$0x0], $0xffff  }
0x3fa: {  	v19 =	vld [tilespmem:s20+$0x2FD0];
	[tilespmem:s14+$0x14FD0] =	vst v18  }
0x3fb: {  	v20 =	vor.u32 $0x5, v1;
	v18 =	vld [tilespmem:s20+$0x2FE0];
	[tilespmem:s2+$0xBFD0] =	vst v21  }
0x3fc: {  	v14 =	vshll.u32 v14, $0x3;
	v21 =	vld.idx.msk [tilespmem:v2+s1+$0x0], $0xffff;
	[tilespmem:s2+$0xBFE0] =	vst v11  }
0x3fd: {  	v16 =	vshll.u32 v16, $0x3;
	v22 =	vld.idx.msk [tilespmem:v3+s1+$0x0], $0xffff  }
0x3fe: {  	v23 =	vor.u32 $0x1, v16;
	v24 =	vor.u32 $0x2, v16;
	v25 =	vor.u32 $0x3, v16;
	v26 =	vld.idx.msk [tilespmem:v4+s1+$0x0], $0xffff  }
0x3ff: {  	v2 =	vor.u32 $0x4, v16;
	v27 =	vor.u32 $0x5, v16;
	v19 =	vshll.u32 v19, $0x3;
	[tilespmem:s2+$0xE3F0] =	vst v17;
	v17 =	vld.idx.msk [tilespmem:v0+s1+$0x0], $0xffff;
	v0 =	vmovc v15  }
0x400: {  	v28 =	vor.u32 $0x1, v19;
	v29 =	vor.u32 $0x2, v19;
	v15 =	vshll.u32 v18, $0x3;
	v18 =	vld.idx.msk [tilespmem:v20+s1+$0x0], $0xffff  }
0x401: {  	v30 =	vor.u32 $0x3, v19;
	v20 =	vor.u32 $0x1, v15;
	v31 =	vor.u32 $0x2, v15;
	v32 =	vld.idx.msk [tilespmem:v14+s1+$0x0], $0xffff  }
0x402: {  	v3 =	vor.u32 $0x4, v19;
	v11 =	vor.u32 $0x3, v15;
	v33 =	vld.idx.msk [tilespmem:v16+s1+$0x0], $0xffff;
	[tilespmem:s2+$0xE3C0] =	vst v21;
	v21 =	vor.u32 $0x6, v1  }
0x403: {  	v35 =	vor.u32 $0x1, v14;
	v34 =	vor.u32 $0x5, v19;
	v4 =	vor.u32 $0x4, v15;
	v36 =	vld.idx.msk [tilespmem:v5+s1+$0x0], $0xffff;
	[tilespmem:s2+$0xE3D0] =	vst v22;
	v5 =	vmovc v27  }
0x404: {  	v37 =	vor.u32 $0x6, v19;
	v38 =	vor.u32 $0x5, v15;
	v22 =	vor.u32 $0x6, v16;
	v27 =	vld.idx.msk [tilespmem:v19+s1+$0x0], $0xffff;
	[tilespmem:s2+$0xE3E0] =	vst v26  }
0x405: {  	v39 =	vor.u32 $0x7, v19;
	v26 =	vor.u32 $0x7, v16;
	v19 =	vor.u32 $0x6, v15;
	v16 =	vld.idx.msk [tilespmem:v15+s1+$0x0], $0xffff;
	[tilespmem:s14+$0x14FE0] =	vst v17;
	s14 =	smov.u32 s2;
	s2 =	smov.u32 s20  }
0x406: {  	v15 =	vor.u32 $0x7, v15;
	v17 =	vld.idx.msk [tilespmem:v9+s1+$0x0], $0xffff;
	[tilespmem:s14+$0x107F0] =	vst v18;
	v9 =	vmov v34  }
0x407: {  	[tilespmem:s2+$0x53F0] =	vst v32;
	v18 =	vld.idx.msk [tilespmem:v21+s1+$0x0], $0xffff  }
0x408: {  	[tilespmem:s2+$0x53C0] =	vst v33;
	v21 =	vld.idx.msk [tilespmem:v35+s1+$0x0], $0xffff  }
0x409: {  	v32 =	vor.u32 $0x7, v1;
	v1 =	vmov v14;
	v23 =	vld.idx.msk [tilespmem:v23+s1+$0x0], $0xffff;
	[tilespmem:s14+$0x107C0] =	vst v36  }
0x40a: {  	v14 =	vor.u32 $0x2, v1;
	[tilespmem:s2+$0x53D0] =	vst v27;
	v27 =	vld.idx.msk [tilespmem:v12+s1+$0x0], $0xffff;
	v12 =	vmov v38  }
0x40b: {  	v28 =	vld.idx.msk [tilespmem:v28+s1+$0x0], $0xffff;
	[tilespmem:s2+$0x53E0] =	vst v16  }
0x40c: {  	v16 =	vld.idx.msk [tilespmem:v20+s1+$0x0], $0xffff;
	[tilespmem:s14+$0x107D0] =	vst v17  }
0x40d: {  	v17 =	vld.idx.msk [tilespmem:v10+s1+$0x0], $0xffff;
	[tilespmem:s14+$0x12BF0] =	vst v18;
	v10 =	vmov v22  }
0x40e: {  	[tilespmem:s2+$0x77F0] =	vst v21;
	v18 =	vld.idx.msk [tilespmem:v32+s1+$0x0], $0xffff  }
0x40f: {  	[tilespmem:s2+$0x77C0] =	vst v23;
	v14 =	vld.idx.msk [tilespmem:v14+s1+$0x0], $0xffff  }
0x410: {  	v20 =	vld.idx.msk [tilespmem:v24+s1+$0x0], $0xffff;
	[tilespmem:s14+$0x107E0] =	vst v27  }
0x411: {  	v21 =	vor.u32 $0x3, v1;
	[tilespmem:s2+$0x77D0] =	vst v28;
	v22 =	vld.idx.msk [tilespmem:v6+s1+$0x0], $0xffff;
	v6 =	vmov v37  }
0x412: {  	v23 =	vld.idx.msk [tilespmem:v29+s1+$0x0], $0xffff;
	[tilespmem:s2+$0x77E0] =	vst v16  }
0x413: {  	v24 =	vld.idx.msk [tilespmem:v31+s1+$0x0], $0xffff;
	[tilespmem:s14+$0x12BC0] =	vst v17  }
0x414: {  	v16 =	vld.idx.msk [tilespmem:v13+s1+$0x0], $0xffff;
	[tilespmem:s14+$0x14FF0] =	vst v18;
	v13 =	vmov v19  }
.Ltmp19:
0x415: {  	[tilespmem:s2+$0x9BF0] =	vst v14;
	v17 =	vld.idx.msk [tilespmem:v8+s1+$0x0], $0xffff;
	v8 =	vmov v26;
	(pc) =	sbr.rel @p1 .LBB2_39-.Ltmp19, $4  }
0x416: {  	[tilespmem:s2+$0x9BC0] =	vst v20;
	v19 =	vld.idx.msk [tilespmem:v21+s1+$0x0], $0xffff  }
0x417: {  	v20 =	vld.idx.msk [tilespmem:v25+s1+$0x0], $0xffff;
	[tilespmem:s14+$0x12BD0] =	vst v22  }
0x418: {  	v22 =	vor.u32 $0x4, v1;
	[tilespmem:s2+$0x9BD0] =	vst v23;
	v18 =	vld.idx.msk [tilespmem:v7+s1+$0x0], $0xffff;
	v7 =	vmov v39  }
0x419: {  	s17 =	sadd.s32 $0x100, s17;
	v21 =	vld.idx.msk [tilespmem:v30+s1+$0x0], $0xffff;
	[tilespmem:s2+$0x9BE0] =	vst v24  }
0x41a: {  	v23 =	vmov v0  }
0x41b: {  	v14 =	vmovc v1;
	v0 =	vmovc v15;
	v15 =	vmov v5;
	v5 =	vmov v13;
	v13 =	vmov v7  }
.LBB2_41:
0x41c: {  	_ =	sdelay $0x3  }
0x41d: {  	v1 =	vld.idx.msk [tilespmem:v11+s1+$0x0], $0xffff;
	_ =	sdelay $0x1  }
0x41e: {  	[tilespmem:s2+$0xBFF0] =	vst v19  }
0x41f: {  	[tilespmem:s2+$0xBFC0] =	vst v20;
	v7 =	vld.idx.msk [tilespmem:v22+s1+$0x0], $0xffff  }
0x420: {  	v11 =	vor.u32 $0x5, v14;
	v2 =	vld.idx.msk [tilespmem:v2+s1+$0x0], $0xffff;
	[tilespmem:s2+$0xBFD0] =	vst v21  }
0x421: {  	[tilespmem:s2+$0xBFE0] =	vst v1;
	v1 =	vld.idx.msk [tilespmem:v3+s1+$0x0], $0xffff  }
0x422: {  	v3 =	vld.idx.msk [tilespmem:v4+s1+$0x0], $0xffff;
	_ =	sdelay $0x1  }
0x423: {  	[tilespmem:s2+$0xE3F0] =	vst v7  }
0x424: {  	[tilespmem:s2+$0xE3C0] =	vst v2;
	v4 =	vld.idx.msk [tilespmem:v11+s1+$0x0], $0xffff  }
0x425: {  	v2 =	vor.u32 $0x6, v14;
	v7 =	vld.idx.msk [tilespmem:v15+s1+$0x0], $0xffff;
	[tilespmem:s2+$0xE3D0] =	vst v1  }
0x426: {  	[tilespmem:s2+$0xE3E0] =	vst v3;
	v1 =	vld.idx.msk [tilespmem:v9+s1+$0x0], $0xffff  }
0x427: {  	v3 =	vld.idx.msk [tilespmem:v12+s1+$0x0], $0xffff;
	_ =	sdelay $0x1  }
0x428: {  	[tilespmem:s2+$0x107F0] =	vst v4  }
0x429: {  	[tilespmem:s2+$0x107C0] =	vst v7;
	v2 =	vld.idx.msk [tilespmem:v2+s1+$0x0], $0xffff  }
0x42a: {  	v4 =	vor.u32 $0x7, v14;
	[tilespmem:s2+$0x107D0] =	vst v1;
	v1 =	vld.idx.msk [tilespmem:v10+s1+$0x0], $0xffff  }
0x42b: {  	[tilespmem:s2+$0x107E0] =	vst v3;
	v3 =	vld.idx.msk [tilespmem:v6+s1+$0x0], $0xffff  }
0x42c: {  	[tilespmem:s14+$0x12BE0] =	vst @p0 v16;
	v5 =	vld.idx.msk [tilespmem:v5+s1+$0x0], $0xffff  }
0x42d: {  	[tilespmem:s14+$0x14FC0] =	vst @p0 v17  }
0x42e: {  	v6 =	vld.idx.msk @p0 [tilespmem:v23+s1+$0x0], $0xffff;
	[tilespmem:s2+$0x12BF0] =	vst v2  }
0x42f: {  	v2 =	vld.idx.msk [tilespmem:v4+s1+$0x0], $0xffff;
	[tilespmem:s2+$0x12BC0] =	vst v1  }
0x430: {  	v1 =	vld.idx.msk [tilespmem:v8+s1+$0x0], $0xffff;
	[tilespmem:s2+$0x12BD0] =	vst v3  }
0x431: {  	v3 =	vld.idx.msk [tilespmem:v13+s1+$0x0], $0xffff;
	[tilespmem:s2+$0x12BE0] =	vst v5  }
0x432: {  	[tilespmem:s14+$0x14FD0] =	vst @p0 v18;
	v0 =	vld.idx.msk [tilespmem:v0+s1+$0x0], $0xffff  }
0x433: {  	[tilespmem:s14+$0x14FE0] =	vst @p0 v6  }
0x434: {  	[tilespmem:s2+$0x14FF0] =	vst v2  }
0x435: {  	[tilespmem:s2+$0x14FC0] =	vst v1  }
0x436: {  	[tilespmem:s2+$0x14FD0] =	vst v3  }
0x437: {  	[tilespmem:s2+$0x14FE0] =	vst v0  }
0x438: {  	v0 =	vld [tilespmem:s31+$0x3230]  }
0x439: {  	v1 =	vld [tilespmem:s31+$0x3200]  }
0x43a: {  	v2 =	vld [tilespmem:s31+$0x3210]  }
0x43b: {  	v3 =	vld [tilespmem:s31+$0x3220];
	_ =	sdelay $0x1  }
0x43c: {  	v14 =	vshll.u32 v0, $0x3  }
0x43d: {  	v0 =	vshll.u32 v1, $0x3  }
0x43e: {  	v2 =	vshll.u32 v2, $0x3  }
0x43f: {  	v7 =	vshll.u32 v3, $0x3  }
0x440: {  	s1 =	simm.s32 $0x0  }
0x441: {  	v1 =	vld.idx.msk [tilespmem:v14+s1+$0x0], $0xffff  }
0x442: {  	v4 =	vor.u32 $0x1, v14;
	v3 =	vld.idx.msk [tilespmem:v0+s1+$0x0], $0xffff  }
0x443: {  	v5 =	vor.u32 $0x1, v0;
	v6 =	vld.idx.msk [tilespmem:v2+s1+$0x0], $0xffff  }
0x444: {  	v8 =	vor.u32 $0x1, v2;
	v9 =	vld.idx.msk [tilespmem:v7+s1+$0x0], $0xffff  }
0x445: {  	v10 =	vor.u32 $0x1, v7  }
0x446: {  	[tilespmem:s31+$0x5630] =	vst v1  }
0x447: {  	[tilespmem:s31+$0x5600] =	vst v3;
	v1 =	vld.idx.msk [tilespmem:v4+s1+$0x0], $0xffff  }
0x448: {  	[tilespmem:s31+$0x5610] =	vst v6;
	v3 =	vld.idx.msk [tilespmem:v5+s1+$0x0], $0xffff;
	v4 =	vor.u32 $0x2, v14  }
0x449: {  	[tilespmem:s31+$0x5620] =	vst v9;
	v5 =	vor.u32 $0x2, v0;
	v6 =	vld.idx.msk [tilespmem:v8+s1+$0x0], $0xffff  }
0x44a: {  	v8 =	vor.u32 $0x2, v2;
	v9 =	vld.idx.msk [tilespmem:v10+s1+$0x0], $0xffff  }
0x44b: {  	v10 =	vor.u32 $0x2, v7  }
0x44c: {  	[tilespmem:s31+$0x7A30] =	vst v1  }
0x44d: {  	[tilespmem:s31+$0x7A00] =	vst v3;
	v4 =	vld.idx.msk [tilespmem:v4+s1+$0x0], $0xffff  }
0x44e: {  	v12 =	vor.u32 $0x3, v14;
	[tilespmem:s31+$0x7A10] =	vst v6;
	v5 =	vld.idx.msk [tilespmem:v5+s1+$0x0], $0xffff  }
0x44f: {  	v16 =	vor.u32 $0x3, v0;
	[tilespmem:s31+$0x7A20] =	vst v9;
	v17 =	vld.idx.msk [tilespmem:v8+s1+$0x0], $0xffff  }
0x450: {  	p1 =	por $0x1, $0x1;
	v18 =	vor.u32 $0x3, v2;
	v23 =	vld.idx.msk [tilespmem:v10+s1+$0x0], $0xffff  }
.Ltmp20:
0x451: {  	v15 =	vor.u32 $0x5, v0;
	v11 =	vor.u32 $0x3, v7;
	(pc) =	sbr.rel @!p1 .LBB2_42-.Ltmp20, $4  }
0x452: {  	v13 =	vor.u32 $0x7, v2;
	v22 =	vor.u32 $0x4, v14;
	v1 =	vor.u32 $0x4, v0;
	[tilespmem:s31+$0x9E30] =	vst v4  }
0x453: {  	v3 =	vor.u32 $0x4, v2;
	v9 =	vor.u32 $0x6, v0;
	v6 =	vor.u32 $0x6, v2;
	[tilespmem:s31+$0x9E00] =	vst v5;
	v19 =	vld.idx.msk [tilespmem:v12+s1+$0x0], $0xffff  }
0x454: {  	v8 =	vor.u32 $0x5, v2;
	v10 =	vor.u32 $0x7, v0;
	v0 =	vor.u32 $0x7, v7;
	[tilespmem:s31+$0x9E10] =	vst v17;
	v20 =	vld.idx.msk [tilespmem:v16+s1+$0x0], $0xffff  }
0x455: {  	p0 =	por $0x0, $0x0;
	v4 =	vor.u32 $0x4, v7;
	v5 =	vor.u32 $0x6, v7;
	[tilespmem:s31+$0x9E20] =	vst v23;
	v12 =	vor.u32 $0x5, v7;
	v21 =	vld.idx.msk [tilespmem:v18+s1+$0x0], $0xffff  }
0x456: {  	_ =	sdelay $0x3  }
0x457: {  	s2 =	sshra.s32 s0, $0x2;
	v7 =	vld.idx.msk [tilespmem:v11+s1+$0x0], $0xffff  }
0x458: {  	v2 =	vld [tilespmem:s2+$0x3230]  }
0x459: {  	v11 =	vld [tilespmem:s2+$0x3200]  }
0x45a: {  	v17 =	vld [tilespmem:s2+$0x3210]  }
0x45b: {  	v18 =	vld [tilespmem:s2+$0x3220];
	[tilespmem:s31+$0xC230] =	vst v19  }
0x45c: {  	v16 =	vld.idx.msk [tilespmem:v22+s1+$0x0], $0xffff;
	[tilespmem:s31+$0xC200] =	vst v20  }
0x45d: {  	v19 =	vor.u32 $0x5, v14;
	v1 =	vld.idx.msk [tilespmem:v1+s1+$0x0], $0xffff;
	_ =	sdelay $0x1  }
0x45e: {  	[tilespmem:s31+$0xC210] =	vst v21;
	v2 =	vshll.u32 v2, $0x3  }
0x45f: {  	[tilespmem:s31+$0xC220] =	vst v7;
	v3 =	vld.idx.msk [tilespmem:v3+s1+$0x0], $0xffff;
	v21 =	vshll.u32 v11, $0x3  }
0x460: {  	v4 =	vld.idx.msk [tilespmem:v4+s1+$0x0], $0xffff;
	v7 =	vshll.u32 v17, $0x3;
	[tilespmem:s31+$0xE630] =	vst v16  }
0x461: {  	v22 =	vshll.u32 v18, $0x3;
	v11 =	vld.idx.msk [tilespmem:v19+s1+$0x0], $0xffff;
	[tilespmem:s31+$0xE600] =	vst v1  }
0x462: {  	v15 =	vld.idx.msk [tilespmem:v15+s1+$0x0], $0xffff  }
0x463: {  	v16 =	vld.idx.msk [tilespmem:v2+s1+$0x0], $0xffff  }
0x464: {  	v1 =	vor.u32 $0x6, v14;
	v17 =	vld.idx.msk [tilespmem:v21+s1+$0x0], $0xffff  }
0x465: {  	[tilespmem:s31+$0xE610] =	vst v3;
	v3 =	vld.idx.msk [tilespmem:v7+s1+$0x0], $0xffff  }
0x466: {  	v18 =	vor.u32 $0x1, v2;
	[tilespmem:s31+$0xE620] =	vst v4;
	v4 =	vld.idx.msk [tilespmem:v22+s1+$0x0], $0xffff  }
0x467: {  	v19 =	vor.u32 $0x1, v21;
	v8 =	vld.idx.msk [tilespmem:v8+s1+$0x0], $0xffff;
	[tilespmem:s31+$0x10A30] =	vst v11  }
0x468: {  	v20 =	vor.u32 $0x1, v7;
	v12 =	vld.idx.msk [tilespmem:v12+s1+$0x0], $0xffff;
	[tilespmem:s31+$0x10A00] =	vst v15  }
0x469: {  	v11 =	vor.u32 $0x1, v22;
	v1 =	vld.idx.msk [tilespmem:v1+s1+$0x0], $0xffff;
	[tilespmem:s2+$0x5630] =	vst v16  }
0x46a: {  	v14 =	vor.u32 $0x7, v14;
	[tilespmem:s2+$0x5600] =	vst v17;
	v9 =	vld.idx.msk [tilespmem:v9+s1+$0x0], $0xffff  }
0x46b: {  	[tilespmem:s2+$0x5610] =	vst v3;
	v16 =	vld.idx.msk [tilespmem:v18+s1+$0x0], $0xffff  }
0x46c: {  	v3 =	vor.u32 $0x2, v2;
	[tilespmem:s2+$0x5620] =	vst v4;
	v17 =	vld.idx.msk [tilespmem:v19+s1+$0x0], $0xffff  }
0x46d: {  	v15 =	vor.u32 $0x2, v21;
	[tilespmem:s31+$0x10A10] =	vst v8;
	v18 =	vld.idx.msk [tilespmem:v20+s1+$0x0], $0xffff  }
0x46e: {  	v4 =	vld.idx.msk [tilespmem:v11+s1+$0x0], $0xffff;
	[tilespmem:s31+$0x12E30] =	vst v1  }
0x46f: {  	v8 =	vor.u32 $0x2, v7;
	[tilespmem:s31+$0x10A20] =	vst v12;
	v11 =	vld.idx.msk [tilespmem:v14+s1+$0x0], $0xffff  }
0x470: {  	v1 =	vor.u32 $0x2, v22;
	[tilespmem:s2+$0x7A30] =	vst v16;
	v16 =	vld.idx.msk [tilespmem:v5+s1+$0x0], $0xffff  }
0x471: {  	[tilespmem:s2+$0x7A00] =	vst v17;
	v3 =	vld.idx.msk [tilespmem:v3+s1+$0x0], $0xffff  }
0x472: {  	v12 =	vor.u32 $0x3, v2;
	[tilespmem:s31+$0x12E00] =	vst v9;
	v14 =	vld.idx.msk [tilespmem:v15+s1+$0x0], $0xffff  }
0x473: {  	[tilespmem:s2+$0x7A10] =	vst v18;
	v18 =	vor.u32 $0x3, v21;
	v15 =	vld.idx.msk [tilespmem:v6+s1+$0x0], $0xffff  }
0x474: {  	v23 =	vld.idx.msk [tilespmem:v8+s1+$0x0], $0xffff;
	[tilespmem:s2+$0x7A20] =	vst v4  }
0x475: {  	p3 =	por $0x1, $0x1;
	v25 =	vor.u32 $0x3, v7;
	v24 =	vld.idx.msk [tilespmem:v1+s1+$0x0], $0xffff;
	[tilespmem:s31+$0x15230] =	vst v11  }
.Ltmp21:
0x476: {  	v9 =	vor.u32 $0x6, v21;
	v17 =	vld.idx.msk [tilespmem:v10+s1+$0x0], $0xffff;
	v11 =	vor.u32 $0x3, v22;
	[tilespmem:s2+$0x9E30] =	vst v3;
	(pc) =	sbr.rel @!p3 .LBB2_44-.Ltmp21, $4  }
0x477: {  	v5 =	vor.u32 $0x5, v21;
	v10 =	vor.u32 $0x7, v21;
	v8 =	vor.u32 $0x5, v7;
	[tilespmem:s2+$0x9E00] =	vst v14;
	v19 =	vld.idx.msk [tilespmem:v12+s1+$0x0], $0xffff  }
0x478: {  	v6 =	vor.u32 $0x6, v7;
	v4 =	vor.u32 $0x4, v22;
	[tilespmem:s31+$0x12E10] =	vst v15;
	v15 =	vor.u32 $0x7, v22;
	v20 =	vld.idx.msk [tilespmem:v18+s1+$0x0], $0xffff  }
0x479: {  	s14 =	simm.s32 $0x4;
	[tilespmem:s2+$0x9E10] =	vst v23;
	v12 =	vor.u32 $0x5, v22;
	v18 =	vld.idx.msk [tilespmem:v13+s1+$0x0], $0xffff;
	v13 =	vor.u32 $0x6, v22;
	v22 =	vor.u32 $0x4, v2  }
0x47a: {  	s15 =	sadd.s32 $0x100, s0;
	p2 =	por $0x1, $0x1;
	s0 =	simm.s32 $0x0;
	v1 =	vor.u32 $0x4, v21;
	v3 =	vor.u32 $0x4, v7;
	v7 =	vor.u32 $0x7, v7;
	v21 =	vld.idx.msk [tilespmem:v25+s1+$0x0], $0xffff;
	[tilespmem:s2+$0x9E20] =	vst v24  }
.LBB2_45:
0x47b: {  	s17 =	sshra.s32 s15, $0x2;
	s14 =	sadd.s32 $0x4, s14;
	v11 =	vld.idx.msk [tilespmem:v11+s1+$0x0], $0xffff;
	[tilespmem:s31+$0x12E20] =	vst v16  }
0x47c: {  	v14 =	vld [tilespmem:s17+$0x3230];
	p3 =	slt.u32 s14, $0x20;
	[tilespmem:s31+$0x15200] =	vst v17  }
0x47d: {  	v16 =	vld [tilespmem:s17+$0x3200];
	[tilespmem:s2+$0xC230] =	vst v19  }
0x47e: {  	[tilespmem:s2+$0xC200] =	vst v20;
	v17 =	vld.idx.msk [tilespmem:v22+s1+$0x0], $0xffff  }
0x47f: {  	v19 =	vld [tilespmem:s17+$0x3210];
	[tilespmem:s31+$0x15210] =	vst v18  }
0x480: {  	v20 =	vor.u32 $0x5, v2;
	v18 =	vld [tilespmem:s17+$0x3220];
	[tilespmem:s2+$0xC210] =	vst v21  }
0x481: {  	v14 =	vshll.u32 v14, $0x3;
	v21 =	vld.idx.msk [tilespmem:v1+s1+$0x0], $0xffff;
	[tilespmem:s2+$0xC220] =	vst v11  }
0x482: {  	v16 =	vshll.u32 v16, $0x3;
	v22 =	vld.idx.msk [tilespmem:v3+s1+$0x0], $0xffff  }
0x483: {  	v23 =	vor.u32 $0x1, v16;
	v24 =	vor.u32 $0x2, v16;
	v25 =	vor.u32 $0x3, v16;
	v26 =	vld.idx.msk [tilespmem:v4+s1+$0x0], $0xffff  }
0x484: {  	v1 =	vor.u32 $0x4, v16;
	v27 =	vor.u32 $0x5, v16;
	v19 =	vshll.u32 v19, $0x3;
	[tilespmem:s2+$0xE630] =	vst v17;
	v17 =	vld.idx.msk [tilespmem:v0+s0+$0x0], $0xffff;
	v0 =	vmovc v15;
	s0 =	smov.u32 s1  }
0x485: {  	s1 =	simm.s32 $0x0;
	v28 =	vor.u32 $0x1, v19;
	v29 =	vor.u32 $0x2, v19;
	v15 =	vshll.u32 v18, $0x3;
	v18 =	vld.idx.msk [tilespmem:v20+s0+$0x0], $0xffff  }
0x486: {  	v30 =	vor.u32 $0x3, v19;
	v20 =	vor.u32 $0x1, v15;
	v31 =	vor.u32 $0x2, v15;
	v32 =	vld.idx.msk [tilespmem:v14+s1+$0x0], $0xffff  }
0x487: {  	v3 =	vor.u32 $0x4, v19;
	v11 =	vor.u32 $0x3, v15;
	v33 =	vld.idx.msk [tilespmem:v16+s1+$0x0], $0xffff;
	[tilespmem:s2+$0xE600] =	vst v21;
	v21 =	vor.u32 $0x6, v2  }
0x488: {  	v35 =	vor.u32 $0x1, v14;
	v34 =	vor.u32 $0x5, v19;
	v4 =	vor.u32 $0x4, v15;
	v36 =	vld.idx.msk [tilespmem:v5+s0+$0x0], $0xffff;
	[tilespmem:s2+$0xE610] =	vst v22;
	v5 =	vmovc v27  }
0x489: {  	v37 =	vor.u32 $0x6, v19;
	v38 =	vor.u32 $0x5, v15;
	v22 =	vor.u32 $0x6, v16;
	v27 =	vld.idx.msk [tilespmem:v19+s1+$0x0], $0xffff;
	[tilespmem:s2+$0xE620] =	vst v26  }
0x48a: {  	v39 =	vor.u32 $0x7, v19;
	v26 =	vor.u32 $0x7, v16;
	v19 =	vor.u32 $0x6, v15;
	v16 =	vld.idx.msk [tilespmem:v15+s1+$0x0], $0xffff;
	[tilespmem:s31+$0x15220] =	vst v17;
	s31 =	smov.u32 s2;
	s2 =	smov.u32 s17  }
0x48b: {  	v15 =	vor.u32 $0x7, v15;
	v17 =	vld.idx.msk [tilespmem:v8+s0+$0x0], $0xffff;
	[tilespmem:s31+$0x10A30] =	vst v18;
	v8 =	vmov v34  }
0x48c: {  	[tilespmem:s2+$0x5630] =	vst v32;
	v18 =	vld.idx.msk [tilespmem:v21+s0+$0x0], $0xffff  }
0x48d: {  	[tilespmem:s2+$0x5600] =	vst v33;
	v21 =	vld.idx.msk [tilespmem:v35+s1+$0x0], $0xffff  }
0x48e: {  	v32 =	vor.u32 $0x7, v2;
	v2 =	vmov v14;
	v23 =	vld.idx.msk [tilespmem:v23+s1+$0x0], $0xffff;
	[tilespmem:s31+$0x10A00] =	vst v36  }
0x48f: {  	v14 =	vor.u32 $0x2, v2;
	[tilespmem:s2+$0x5610] =	vst v27;
	v27 =	vld.idx.msk [tilespmem:v12+s0+$0x0], $0xffff;
	v12 =	vmov v38  }
0x490: {  	v28 =	vld.idx.msk [tilespmem:v28+s1+$0x0], $0xffff;
	[tilespmem:s2+$0x5620] =	vst v16  }
0x491: {  	v16 =	vld.idx.msk [tilespmem:v20+s1+$0x0], $0xffff;
	[tilespmem:s31+$0x10A10] =	vst v17  }
0x492: {  	v17 =	vld.idx.msk [tilespmem:v9+s0+$0x0], $0xffff;
	[tilespmem:s31+$0x12E30] =	vst v18;
	v9 =	vmov v22  }
0x493: {  	[tilespmem:s2+$0x7A30] =	vst v21;
	v18 =	vld.idx.msk [tilespmem:v32+s0+$0x0], $0xffff  }
0x494: {  	[tilespmem:s2+$0x7A00] =	vst v23;
	v14 =	vld.idx.msk [tilespmem:v14+s1+$0x0], $0xffff  }
0x495: {  	v20 =	vld.idx.msk [tilespmem:v24+s1+$0x0], $0xffff;
	[tilespmem:s31+$0x10A20] =	vst v27  }
0x496: {  	v21 =	vor.u32 $0x3, v2;
	[tilespmem:s2+$0x7A10] =	vst v28;
	v22 =	vld.idx.msk [tilespmem:v6+s0+$0x0], $0xffff;
	v6 =	vmov v37  }
0x497: {  	v23 =	vld.idx.msk [tilespmem:v29+s1+$0x0], $0xffff;
	[tilespmem:s2+$0x7A20] =	vst v16  }
0x498: {  	v24 =	vld.idx.msk [tilespmem:v31+s1+$0x0], $0xffff;
	[tilespmem:s31+$0x12E00] =	vst v17  }
0x499: {  	v16 =	vld.idx.msk [tilespmem:v13+s0+$0x0], $0xffff;
	[tilespmem:s31+$0x15230] =	vst v18;
	v13 =	vmov v19  }
.Ltmp22:
0x49a: {  	[tilespmem:s2+$0x9E30] =	vst v14;
	v17 =	vld.idx.msk [tilespmem:v10+s0+$0x0], $0xffff;
	v10 =	vmov v26;
	(pc) =	sbr.rel @p3 .LBB2_45-.Ltmp22, $4  }
0x49b: {  	[tilespmem:s2+$0x9E00] =	vst v20;
	v19 =	vld.idx.msk [tilespmem:v21+s1+$0x0], $0xffff  }
0x49c: {  	v20 =	vld.idx.msk [tilespmem:v25+s1+$0x0], $0xffff;
	[tilespmem:s31+$0x12E10] =	vst v22  }
0x49d: {  	v22 =	vor.u32 $0x4, v2;
	[tilespmem:s2+$0x9E10] =	vst v23;
	v18 =	vld.idx.msk [tilespmem:v7+s0+$0x0], $0xffff;
	v7 =	vmov v39  }
0x49e: {  	s15 =	sadd.s32 $0x100, s15;
	v21 =	vld.idx.msk [tilespmem:v30+s1+$0x0], $0xffff;
	[tilespmem:s2+$0x9E20] =	vst v24  }
0x49f: {  	v23 =	vmov v0  }
0x4a0: {  	s14 =	smov.u32 s31;
	s31 =	smov.u32 s2;
	v14 =	vmovc v2;
	v0 =	vmovc v15;
	v15 =	vmov v5;
	v5 =	vmov v13;
	v13 =	vmov v7  }
.LBB2_47:
0x4a1: {  	_ =	sdelay $0x3  }
0x4a2: {  	v2 =	vld.idx.msk [tilespmem:v11+s1+$0x0], $0xffff;
	_ =	sdelay $0x1  }
0x4a3: {  	[tilespmem:s31+$0xC230] =	vst v19  }
0x4a4: {  	[tilespmem:s31+$0xC200] =	vst v20;
	v7 =	vld.idx.msk [tilespmem:v22+s1+$0x0], $0xffff  }
0x4a5: {  	v11 =	vor.u32 $0x5, v14;
	v1 =	vld.idx.msk [tilespmem:v1+s1+$0x0], $0xffff;
	[tilespmem:s31+$0xC210] =	vst v21  }
0x4a6: {  	[tilespmem:s31+$0xC220] =	vst v2;
	v2 =	vld.idx.msk [tilespmem:v3+s1+$0x0], $0xffff  }
0x4a7: {  	v3 =	vld.idx.msk [tilespmem:v4+s1+$0x0], $0xffff;
	_ =	sdelay $0x1  }
0x4a8: {  	[tilespmem:s31+$0xE630] =	vst v7  }
0x4a9: {  	[tilespmem:s31+$0xE600] =	vst v1;
	v4 =	vld.idx.msk [tilespmem:v11+s1+$0x0], $0xffff  }
0x4aa: {  	v1 =	vor.u32 $0x6, v14;
	v7 =	vld.idx.msk [tilespmem:v15+s1+$0x0], $0xffff;
	[tilespmem:s31+$0xE610] =	vst v2  }
0x4ab: {  	[tilespmem:s31+$0xE620] =	vst v3;
	v2 =	vld.idx.msk [tilespmem:v8+s1+$0x0], $0xffff  }
0x4ac: {  	v3 =	vld.idx.msk [tilespmem:v12+s1+$0x0], $0xffff;
	_ =	sdelay $0x1  }
0x4ad: {  	[tilespmem:s31+$0x10A30] =	vst v4  }
0x4ae: {  	[tilespmem:s31+$0x10A00] =	vst v7;
	v1 =	vld.idx.msk [tilespmem:v1+s1+$0x0], $0xffff  }
0x4af: {  	v4 =	vor.u32 $0x7, v14;
	[tilespmem:s31+$0x10A10] =	vst v2;
	v2 =	vld.idx.msk [tilespmem:v9+s1+$0x0], $0xffff  }
0x4b0: {  	[tilespmem:s31+$0x10A20] =	vst v3;
	v3 =	vld.idx.msk [tilespmem:v6+s1+$0x0], $0xffff  }
0x4b1: {  	[tilespmem:s14+$0x12E20] =	vst @p2 v16;
	v5 =	vld.idx.msk [tilespmem:v5+s1+$0x0], $0xffff  }
0x4b2: {  	[tilespmem:s14+$0x15200] =	vst @p2 v17  }
0x4b3: {  	v6 =	vld.idx.msk @p2 [tilespmem:v23+s0+$0x0], $0xffff;
	[tilespmem:s31+$0x12E30] =	vst v1  }
0x4b4: {  	v1 =	vld.idx.msk [tilespmem:v4+s1+$0x0], $0xffff;
	[tilespmem:s31+$0x12E00] =	vst v2  }
0x4b5: {  	v2 =	vld.idx.msk [tilespmem:v10+s1+$0x0], $0xffff;
	[tilespmem:s31+$0x12E10] =	vst v3  }
0x4b6: {  	v3 =	vld.idx.msk [tilespmem:v13+s1+$0x0], $0xffff;
	[tilespmem:s31+$0x12E20] =	vst v5  }
0x4b7: {  	[tilespmem:s14+$0x15210] =	vst @p2 v18;
	v0 =	vld.idx.msk [tilespmem:v0+s1+$0x0], $0xffff  }
0x4b8: {  	[tilespmem:s14+$0x15220] =	vst @p2 v6  }
0x4b9: {  	[tilespmem:s31+$0x15230] =	vst v1  }
0x4ba: {  	[tilespmem:s31+$0x15200] =	vst v2  }
0x4bb: {  	[tilespmem:s31+$0x15210] =	vst v3  }
0x4bc: {  	[tilespmem:s31+$0x15220] =	vst v0;
	s31 =	sshra.s32 s1, $0x2  }
0x4bd: {  	v0 =	vld [tilespmem:s31+$0x3470]  }
0x4be: {  	v1 =	vld [tilespmem:s31+$0x3440]  }
0x4bf: {  	v2 =	vld [tilespmem:s31+$0x3450]  }
0x4c0: {  	v3 =	vld [tilespmem:s31+$0x3460];
	_ =	sdelay $0x1  }
0x4c1: {  	v14 =	vshll.u32 v0, $0x3  }
0x4c2: {  	v0 =	vshll.u32 v1, $0x3  }
0x4c3: {  	v1 =	vshll.u32 v2, $0x3  }
0x4c4: {  	v7 =	vshll.u32 v3, $0x3;
	_ =	sdelay $0x1  }
0x4c5: {  	v2 =	vld.idx.msk [tilespmem:v14+s1+$0x0], $0xffff  }
0x4c6: {  	v4 =	vor.u32 $0x1, v14;
	v3 =	vld.idx.msk [tilespmem:v0+s1+$0x0], $0xffff  }
0x4c7: {  	v5 =	vor.u32 $0x1, v0;
	v6 =	vld.idx.msk [tilespmem:v1+s1+$0x0], $0xffff  }
0x4c8: {  	v8 =	vor.u32 $0x1, v1;
	v9 =	vld.idx.msk [tilespmem:v7+s1+$0x0], $0xffff  }
0x4c9: {  	v10 =	vor.u32 $0x1, v7  }
0x4ca: {  	[tilespmem:s31+$0x5870] =	vst v2  }
0x4cb: {  	[tilespmem:s31+$0x5840] =	vst v3;
	v2 =	vld.idx.msk [tilespmem:v4+s1+$0x0], $0xffff  }
0x4cc: {  	[tilespmem:s31+$0x5850] =	vst v6;
	v3 =	vld.idx.msk [tilespmem:v5+s1+$0x0], $0xffff;
	v4 =	vor.u32 $0x2, v14  }
0x4cd: {  	[tilespmem:s31+$0x5860] =	vst v9;
	v5 =	vor.u32 $0x2, v0;
	v6 =	vld.idx.msk [tilespmem:v8+s1+$0x0], $0xffff  }
0x4ce: {  	v8 =	vor.u32 $0x2, v1;
	v9 =	vld.idx.msk [tilespmem:v10+s1+$0x0], $0xffff  }
0x4cf: {  	v10 =	vor.u32 $0x2, v7  }
0x4d0: {  	[tilespmem:s31+$0x7C70] =	vst v2  }
0x4d1: {  	[tilespmem:s31+$0x7C40] =	vst v3;
	v4 =	vld.idx.msk [tilespmem:v4+s1+$0x0], $0xffff  }
0x4d2: {  	v12 =	vor.u32 $0x3, v14;
	[tilespmem:s31+$0x7C50] =	vst v6;
	v5 =	vld.idx.msk [tilespmem:v5+s1+$0x0], $0xffff  }
0x4d3: {  	v16 =	vor.u32 $0x3, v0;
	[tilespmem:s31+$0x7C60] =	vst v9;
	v17 =	vld.idx.msk [tilespmem:v8+s1+$0x0], $0xffff  }
0x4d4: {  	v18 =	vor.u32 $0x3, v1;
	v23 =	vld.idx.msk [tilespmem:v10+s1+$0x0], $0xffff  }
.Ltmp23:
0x4d5: {  	v15 =	vor.u32 $0x5, v0;
	v11 =	vor.u32 $0x3, v7;
	(pc) =	sbr.rel @!p1 .LBB2_48-.Ltmp23, $4  }
0x4d6: {  	v13 =	vor.u32 $0x7, v1;
	v22 =	vor.u32 $0x4, v14;
	v2 =	vor.u32 $0x4, v0;
	[tilespmem:s31+$0xA070] =	vst v4  }
0x4d7: {  	v3 =	vor.u32 $0x4, v1;
	v9 =	vor.u32 $0x5, v1;
	v6 =	vor.u32 $0x6, v1;
	[tilespmem:s31+$0xA040] =	vst v5;
	v19 =	vld.idx.msk [tilespmem:v12+s1+$0x0], $0xffff  }
0x4d8: {  	v10 =	vor.u32 $0x6, v0;
	v8 =	vor.u32 $0x7, v0;
	v0 =	vor.u32 $0x7, v7;
	[tilespmem:s31+$0xA050] =	vst v17;
	v20 =	vld.idx.msk [tilespmem:v16+s1+$0x0], $0xffff  }
0x4d9: {  	s0 =	sadd.s32 $0x100, s1;
	v4 =	vor.u32 $0x4, v7;
	v5 =	vor.u32 $0x6, v7;
	[tilespmem:s31+$0xA060] =	vst v23;
	v12 =	vor.u32 $0x5, v7;
	v21 =	vld.idx.msk [tilespmem:v18+s1+$0x0], $0xffff  }
0x4da: {  	_ =	sdelay $0x3  }
0x4db: {  	s2 =	sshra.s32 s0, $0x2;
	v7 =	vld.idx.msk [tilespmem:v11+s1+$0x0], $0xffff  }
0x4dc: {  	v1 =	vld [tilespmem:s2+$0x3470]  }
0x4dd: {  	v11 =	vld [tilespmem:s2+$0x3440]  }
0x4de: {  	v17 =	vld [tilespmem:s2+$0x3450]  }
0x4df: {  	v18 =	vld [tilespmem:s2+$0x3460];
	[tilespmem:s31+$0xC470] =	vst v19  }
0x4e0: {  	v16 =	vld.idx.msk [tilespmem:v22+s1+$0x0], $0xffff;
	[tilespmem:s31+$0xC440] =	vst v20  }
0x4e1: {  	v19 =	vor.u32 $0x5, v14;
	v2 =	vld.idx.msk [tilespmem:v2+s1+$0x0], $0xffff;
	_ =	sdelay $0x1  }
0x4e2: {  	[tilespmem:s31+$0xC450] =	vst v21;
	v1 =	vshll.u32 v1, $0x3  }
0x4e3: {  	[tilespmem:s31+$0xC460] =	vst v7;
	v3 =	vld.idx.msk [tilespmem:v3+s1+$0x0], $0xffff;
	v21 =	vshll.u32 v11, $0x3  }
0x4e4: {  	v4 =	vld.idx.msk [tilespmem:v4+s1+$0x0], $0xffff;
	v7 =	vshll.u32 v17, $0x3;
	[tilespmem:s31+$0xE870] =	vst v16  }
0x4e5: {  	v22 =	vshll.u32 v18, $0x3;
	v11 =	vld.idx.msk [tilespmem:v19+s1+$0x0], $0xffff;
	[tilespmem:s31+$0xE840] =	vst v2  }
0x4e6: {  	v15 =	vld.idx.msk [tilespmem:v15+s1+$0x0], $0xffff  }
0x4e7: {  	v16 =	vld.idx.msk [tilespmem:v1+s1+$0x0], $0xffff  }
0x4e8: {  	v2 =	vor.u32 $0x6, v14;
	v17 =	vld.idx.msk [tilespmem:v21+s1+$0x0], $0xffff  }
0x4e9: {  	[tilespmem:s31+$0xE850] =	vst v3;
	v3 =	vld.idx.msk [tilespmem:v7+s1+$0x0], $0xffff  }
0x4ea: {  	v18 =	vor.u32 $0x1, v1;
	[tilespmem:s31+$0xE860] =	vst v4;
	v4 =	vld.idx.msk [tilespmem:v22+s1+$0x0], $0xffff  }
0x4eb: {  	v19 =	vor.u32 $0x1, v21;
	v9 =	vld.idx.msk [tilespmem:v9+s1+$0x0], $0xffff;
	[tilespmem:s31+$0x10C70] =	vst v11  }
0x4ec: {  	v20 =	vor.u32 $0x1, v7;
	v12 =	vld.idx.msk [tilespmem:v12+s1+$0x0], $0xffff;
	[tilespmem:s31+$0x10C40] =	vst v15  }
0x4ed: {  	v11 =	vor.u32 $0x1, v22;
	v2 =	vld.idx.msk [tilespmem:v2+s1+$0x0], $0xffff;
	[tilespmem:s2+$0x5870] =	vst v16  }
0x4ee: {  	v14 =	vor.u32 $0x7, v14;
	[tilespmem:s2+$0x5840] =	vst v17;
	v10 =	vld.idx.msk [tilespmem:v10+s1+$0x0], $0xffff  }
0x4ef: {  	[tilespmem:s2+$0x5850] =	vst v3;
	v16 =	vld.idx.msk [tilespmem:v18+s1+$0x0], $0xffff  }
0x4f0: {  	v3 =	vor.u32 $0x2, v1;
	[tilespmem:s2+$0x5860] =	vst v4;
	v17 =	vld.idx.msk [tilespmem:v19+s1+$0x0], $0xffff  }
0x4f1: {  	v15 =	vor.u32 $0x2, v21;
	[tilespmem:s31+$0x10C50] =	vst v9;
	v18 =	vld.idx.msk [tilespmem:v20+s1+$0x0], $0xffff  }
0x4f2: {  	v4 =	vld.idx.msk [tilespmem:v11+s1+$0x0], $0xffff;
	[tilespmem:s31+$0x13070] =	vst v2  }
0x4f3: {  	v9 =	vor.u32 $0x2, v7;
	[tilespmem:s31+$0x10C60] =	vst v12;
	v11 =	vld.idx.msk [tilespmem:v14+s1+$0x0], $0xffff  }
0x4f4: {  	v2 =	vor.u32 $0x2, v22;
	[tilespmem:s2+$0x7C70] =	vst v16;
	v16 =	vld.idx.msk [tilespmem:v5+s1+$0x0], $0xffff  }
0x4f5: {  	[tilespmem:s2+$0x7C40] =	vst v17;
	v3 =	vld.idx.msk [tilespmem:v3+s1+$0x0], $0xffff  }
0x4f6: {  	v12 =	vor.u32 $0x3, v1;
	[tilespmem:s31+$0x13040] =	vst v10;
	v14 =	vld.idx.msk [tilespmem:v15+s1+$0x0], $0xffff  }
0x4f7: {  	[tilespmem:s2+$0x7C50] =	vst v18;
	v18 =	vor.u32 $0x3, v21;
	v15 =	vld.idx.msk [tilespmem:v6+s1+$0x0], $0xffff  }
0x4f8: {  	v23 =	vld.idx.msk [tilespmem:v9+s1+$0x0], $0xffff;
	[tilespmem:s2+$0x7C60] =	vst v4  }
0x4f9: {  	p1 =	por $0x1, $0x1;
	v25 =	vor.u32 $0x3, v7;
	v24 =	vld.idx.msk [tilespmem:v2+s1+$0x0], $0xffff;
	[tilespmem:s31+$0x15470] =	vst v11  }
.Ltmp24:
0x4fa: {  	v10 =	vor.u32 $0x6, v21;
	v17 =	vld.idx.msk [tilespmem:v8+s1+$0x0], $0xffff;
	v11 =	vor.u32 $0x3, v22;
	[tilespmem:s2+$0xA070] =	vst v3;
	(pc) =	sbr.rel @!p1 .LBB2_50-.Ltmp24, $4  }
0x4fb: {  	v5 =	vor.u32 $0x5, v21;
	v8 =	vor.u32 $0x7, v21;
	v9 =	vor.u32 $0x5, v7;
	[tilespmem:s2+$0xA040] =	vst v14;
	v19 =	vld.idx.msk [tilespmem:v12+s1+$0x0], $0xffff  }
0x4fc: {  	v6 =	vor.u32 $0x6, v7;
	v4 =	vor.u32 $0x4, v22;
	[tilespmem:s31+$0x13050] =	vst v15;
	v15 =	vor.u32 $0x7, v22;
	v20 =	vld.idx.msk [tilespmem:v18+s1+$0x0], $0xffff  }
0x4fd: {  	s15 =	simm.s32 $0x4;
	[tilespmem:s2+$0xA050] =	vst v23;
	v12 =	vor.u32 $0x5, v22;
	v18 =	vld.idx.msk [tilespmem:v13+s1+$0x0], $0xffff;
	v13 =	vor.u32 $0x6, v22;
	v22 =	vor.u32 $0x4, v1  }
0x4fe: {  	s17 =	sadd.s32 $0x100, s0;
	p0 =	por $0x1, $0x1;
	s14 =	smov.u32 s31;
	v2 =	vor.u32 $0x4, v21;
	v3 =	vor.u32 $0x4, v7;
	v7 =	vor.u32 $0x7, v7;
	v21 =	vld.idx.msk [tilespmem:v25+s1+$0x0], $0xffff;
	[tilespmem:s2+$0xA060] =	vst v24  }
.LBB2_51:
0x4ff: {  	s20 =	sshra.s32 s17, $0x2;
	s15 =	sadd.s32 $0x4, s15;
	v11 =	vld.idx.msk [tilespmem:v11+s1+$0x0], $0xffff;
	[tilespmem:s14+$0x13060] =	vst v16  }
0x500: {  	v14 =	vld [tilespmem:s20+$0x3470];
	p1 =	slt.u32 s15, $0x20;
	[tilespmem:s14+$0x15440] =	vst v17  }
0x501: {  	v16 =	vld [tilespmem:s20+$0x3440];
	[tilespmem:s2+$0xC470] =	vst v19  }
0x502: {  	[tilespmem:s2+$0xC440] =	vst v20;
	v17 =	vld.idx.msk [tilespmem:v22+s1+$0x0], $0xffff  }
0x503: {  	v19 =	vld [tilespmem:s20+$0x3450];
	[tilespmem:s14+$0x15450] =	vst v18  }
0x504: {  	v20 =	vor.u32 $0x5, v1;
	v18 =	vld [tilespmem:s20+$0x3460];
	[tilespmem:s2+$0xC450] =	vst v21  }
0x505: {  	v14 =	vshll.u32 v14, $0x3;
	v21 =	vld.idx.msk [tilespmem:v2+s1+$0x0], $0xffff;
	[tilespmem:s2+$0xC460] =	vst v11  }
0x506: {  	v16 =	vshll.u32 v16, $0x3;
	v22 =	vld.idx.msk [tilespmem:v3+s1+$0x0], $0xffff  }
0x507: {  	v23 =	vor.u32 $0x1, v16;
	v24 =	vor.u32 $0x2, v16;
	v25 =	vor.u32 $0x3, v16;
	v26 =	vld.idx.msk [tilespmem:v4+s1+$0x0], $0xffff  }
0x508: {  	v2 =	vor.u32 $0x4, v16;
	v27 =	vor.u32 $0x5, v16;
	v19 =	vshll.u32 v19, $0x3;
	[tilespmem:s2+$0xE870] =	vst v17;
	v17 =	vld.idx.msk [tilespmem:v0+s1+$0x0], $0xffff;
	v0 =	vmovc v15  }
0x509: {  	v28 =	vor.u32 $0x1, v19;
	v29 =	vor.u32 $0x2, v19;
	v15 =	vshll.u32 v18, $0x3;
	v18 =	vld.idx.msk [tilespmem:v20+s1+$0x0], $0xffff  }
0x50a: {  	v30 =	vor.u32 $0x3, v19;
	v20 =	vor.u32 $0x1, v15;
	v31 =	vor.u32 $0x2, v15;
	v32 =	vld.idx.msk [tilespmem:v14+s1+$0x0], $0xffff  }
0x50b: {  	v3 =	vor.u32 $0x4, v19;
	v11 =	vor.u32 $0x3, v15;
	v33 =	vld.idx.msk [tilespmem:v16+s1+$0x0], $0xffff;
	[tilespmem:s2+$0xE840] =	vst v21;
	v21 =	vor.u32 $0x6, v1  }
0x50c: {  	v35 =	vor.u32 $0x1, v14;
	v34 =	vor.u32 $0x5, v19;
	v4 =	vor.u32 $0x4, v15;
	v36 =	vld.idx.msk [tilespmem:v5+s1+$0x0], $0xffff;
	[tilespmem:s2+$0xE850] =	vst v22;
	v5 =	vmovc v27  }
0x50d: {  	v37 =	vor.u32 $0x6, v19;
	v38 =	vor.u32 $0x5, v15;
	v22 =	vor.u32 $0x6, v16;
	v27 =	vld.idx.msk [tilespmem:v19+s1+$0x0], $0xffff;
	[tilespmem:s2+$0xE860] =	vst v26  }
0x50e: {  	v39 =	vor.u32 $0x7, v19;
	v26 =	vor.u32 $0x7, v16;
	v19 =	vor.u32 $0x6, v15;
	v16 =	vld.idx.msk [tilespmem:v15+s1+$0x0], $0xffff;
	[tilespmem:s14+$0x15460] =	vst v17;
	s14 =	smov.u32 s2;
	s2 =	smov.u32 s20  }
0x50f: {  	v15 =	vor.u32 $0x7, v15;
	v17 =	vld.idx.msk [tilespmem:v9+s1+$0x0], $0xffff;
	[tilespmem:s14+$0x10C70] =	vst v18;
	v9 =	vmov v34  }
0x510: {  	[tilespmem:s2+$0x5870] =	vst v32;
	v18 =	vld.idx.msk [tilespmem:v21+s1+$0x0], $0xffff  }
0x511: {  	[tilespmem:s2+$0x5840] =	vst v33;
	v21 =	vld.idx.msk [tilespmem:v35+s1+$0x0], $0xffff  }
0x512: {  	v32 =	vor.u32 $0x7, v1;
	v1 =	vmov v14;
	v23 =	vld.idx.msk [tilespmem:v23+s1+$0x0], $0xffff;
	[tilespmem:s14+$0x10C40] =	vst v36  }
0x513: {  	v14 =	vor.u32 $0x2, v1;
	[tilespmem:s2+$0x5850] =	vst v27;
	v27 =	vld.idx.msk [tilespmem:v12+s1+$0x0], $0xffff;
	v12 =	vmov v38  }
0x514: {  	v28 =	vld.idx.msk [tilespmem:v28+s1+$0x0], $0xffff;
	[tilespmem:s2+$0x5860] =	vst v16  }
0x515: {  	v16 =	vld.idx.msk [tilespmem:v20+s1+$0x0], $0xffff;
	[tilespmem:s14+$0x10C50] =	vst v17  }
0x516: {  	v17 =	vld.idx.msk [tilespmem:v10+s1+$0x0], $0xffff;
	[tilespmem:s14+$0x13070] =	vst v18;
	v10 =	vmov v22  }
0x517: {  	[tilespmem:s2+$0x7C70] =	vst v21;
	v18 =	vld.idx.msk [tilespmem:v32+s1+$0x0], $0xffff  }
0x518: {  	[tilespmem:s2+$0x7C40] =	vst v23;
	v14 =	vld.idx.msk [tilespmem:v14+s1+$0x0], $0xffff  }
0x519: {  	v20 =	vld.idx.msk [tilespmem:v24+s1+$0x0], $0xffff;
	[tilespmem:s14+$0x10C60] =	vst v27  }
0x51a: {  	v21 =	vor.u32 $0x3, v1;
	[tilespmem:s2+$0x7C50] =	vst v28;
	v22 =	vld.idx.msk [tilespmem:v6+s1+$0x0], $0xffff;
	v6 =	vmov v37  }
0x51b: {  	v23 =	vld.idx.msk [tilespmem:v29+s1+$0x0], $0xffff;
	[tilespmem:s2+$0x7C60] =	vst v16  }
0x51c: {  	v24 =	vld.idx.msk [tilespmem:v31+s1+$0x0], $0xffff;
	[tilespmem:s14+$0x13040] =	vst v17  }
0x51d: {  	v16 =	vld.idx.msk [tilespmem:v13+s1+$0x0], $0xffff;
	[tilespmem:s14+$0x15470] =	vst v18;
	v13 =	vmov v19  }
.Ltmp25:
0x51e: {  	[tilespmem:s2+$0xA070] =	vst v14;
	v17 =	vld.idx.msk [tilespmem:v8+s1+$0x0], $0xffff;
	v8 =	vmov v26;
	(pc) =	sbr.rel @p1 .LBB2_51-.Ltmp25, $4  }
0x51f: {  	[tilespmem:s2+$0xA040] =	vst v20;
	v19 =	vld.idx.msk [tilespmem:v21+s1+$0x0], $0xffff  }
0x520: {  	v20 =	vld.idx.msk [tilespmem:v25+s1+$0x0], $0xffff;
	[tilespmem:s14+$0x13050] =	vst v22  }
0x521: {  	v22 =	vor.u32 $0x4, v1;
	[tilespmem:s2+$0xA050] =	vst v23;
	v18 =	vld.idx.msk [tilespmem:v7+s1+$0x0], $0xffff;
	v7 =	vmov v39  }
0x522: {  	s17 =	sadd.s32 $0x100, s17;
	v21 =	vld.idx.msk [tilespmem:v30+s1+$0x0], $0xffff;
	[tilespmem:s2+$0xA060] =	vst v24  }
0x523: {  	v23 =	vmov v0  }
0x524: {  	v14 =	vmovc v1;
	v0 =	vmovc v15;
	v15 =	vmov v5;
	v5 =	vmov v13;
	v13 =	vmov v7  }
.LBB2_53:
0x525: {  	_ =	sdelay $0x3  }
0x526: {  	v1 =	vld.idx.msk [tilespmem:v11+s1+$0x0], $0xffff;
	_ =	sdelay $0x1  }
0x527: {  	[tilespmem:s2+$0xC470] =	vst v19  }
0x528: {  	[tilespmem:s2+$0xC440] =	vst v20;
	v7 =	vld.idx.msk [tilespmem:v22+s1+$0x0], $0xffff  }
0x529: {  	v11 =	vor.u32 $0x5, v14;
	v2 =	vld.idx.msk [tilespmem:v2+s1+$0x0], $0xffff;
	[tilespmem:s2+$0xC450] =	vst v21  }
0x52a: {  	[tilespmem:s2+$0xC460] =	vst v1;
	v1 =	vld.idx.msk [tilespmem:v3+s1+$0x0], $0xffff  }
0x52b: {  	v3 =	vld.idx.msk [tilespmem:v4+s1+$0x0], $0xffff;
	_ =	sdelay $0x1  }
0x52c: {  	[tilespmem:s2+$0xE870] =	vst v7  }
0x52d: {  	[tilespmem:s2+$0xE840] =	vst v2;
	v4 =	vld.idx.msk [tilespmem:v11+s1+$0x0], $0xffff  }
0x52e: {  	v2 =	vor.u32 $0x6, v14;
	v7 =	vld.idx.msk [tilespmem:v15+s1+$0x0], $0xffff;
	[tilespmem:s2+$0xE850] =	vst v1  }
0x52f: {  	[tilespmem:s2+$0xE860] =	vst v3;
	v1 =	vld.idx.msk [tilespmem:v9+s1+$0x0], $0xffff  }
0x530: {  	v3 =	vld.idx.msk [tilespmem:v12+s1+$0x0], $0xffff;
	_ =	sdelay $0x1  }
0x531: {  	[tilespmem:s2+$0x10C70] =	vst v4  }
0x532: {  	[tilespmem:s2+$0x10C40] =	vst v7;
	v2 =	vld.idx.msk [tilespmem:v2+s1+$0x0], $0xffff  }
0x533: {  	v4 =	vor.u32 $0x7, v14;
	[tilespmem:s2+$0x10C50] =	vst v1;
	v1 =	vld.idx.msk [tilespmem:v10+s1+$0x0], $0xffff  }
0x534: {  	[tilespmem:s2+$0x10C60] =	vst v3;
	v3 =	vld.idx.msk [tilespmem:v6+s1+$0x0], $0xffff  }
0x535: {  	[tilespmem:s14+$0x13060] =	vst @p0 v16;
	v5 =	vld.idx.msk [tilespmem:v5+s1+$0x0], $0xffff  }
0x536: {  	[tilespmem:s14+$0x15440] =	vst @p0 v17  }
0x537: {  	v6 =	vld.idx.msk @p0 [tilespmem:v23+s1+$0x0], $0xffff;
	[tilespmem:s2+$0x13070] =	vst v2  }
0x538: {  	v2 =	vld.idx.msk [tilespmem:v4+s1+$0x0], $0xffff;
	[tilespmem:s2+$0x13040] =	vst v1  }
0x539: {  	v1 =	vld.idx.msk [tilespmem:v8+s1+$0x0], $0xffff;
	[tilespmem:s2+$0x13050] =	vst v3  }
0x53a: {  	v3 =	vld.idx.msk [tilespmem:v13+s1+$0x0], $0xffff;
	[tilespmem:s2+$0x13060] =	vst v5  }
0x53b: {  	[tilespmem:s14+$0x15450] =	vst @p0 v18;
	v0 =	vld.idx.msk [tilespmem:v0+s1+$0x0], $0xffff  }
0x53c: {  	[tilespmem:s14+$0x15460] =	vst @p0 v6  }
0x53d: {  	[tilespmem:s2+$0x15470] =	vst v2  }
0x53e: {  	[tilespmem:s2+$0x15440] =	vst v1  }
0x53f: {  	[tilespmem:s2+$0x15450] =	vst v3  }
0x540: {  	[tilespmem:s2+$0x15460] =	vst v0  }
0x541: {  	v0 =	vld [tilespmem:s31+$0x36B0]  }
0x542: {  	v1 =	vld [tilespmem:s31+$0x3680]  }
0x543: {  	v2 =	vld [tilespmem:s31+$0x3690]  }
0x544: {  	v3 =	vld [tilespmem:s31+$0x36A0];
	_ =	sdelay $0x1  }
0x545: {  	v14 =	vshll.u32 v0, $0x3  }
0x546: {  	v0 =	vshll.u32 v1, $0x3  }
0x547: {  	v2 =	vshll.u32 v2, $0x3  }
0x548: {  	v7 =	vshll.u32 v3, $0x3  }
0x549: {  	s1 =	simm.s32 $0x0  }
0x54a: {  	v1 =	vld.idx.msk [tilespmem:v14+s1+$0x0], $0xffff  }
0x54b: {  	v4 =	vor.u32 $0x1, v14;
	v3 =	vld.idx.msk [tilespmem:v0+s1+$0x0], $0xffff  }
0x54c: {  	v5 =	vor.u32 $0x1, v0;
	v6 =	vld.idx.msk [tilespmem:v2+s1+$0x0], $0xffff  }
0x54d: {  	v8 =	vor.u32 $0x1, v2;
	v9 =	vld.idx.msk [tilespmem:v7+s1+$0x0], $0xffff  }
0x54e: {  	v10 =	vor.u32 $0x1, v7  }
0x54f: {  	[tilespmem:s31+$0x5AB0] =	vst v1  }
0x550: {  	[tilespmem:s31+$0x5A80] =	vst v3;
	v1 =	vld.idx.msk [tilespmem:v4+s1+$0x0], $0xffff  }
0x551: {  	[tilespmem:s31+$0x5A90] =	vst v6;
	v3 =	vld.idx.msk [tilespmem:v5+s1+$0x0], $0xffff;
	v4 =	vor.u32 $0x2, v14  }
0x552: {  	[tilespmem:s31+$0x5AA0] =	vst v9;
	v5 =	vor.u32 $0x2, v0;
	v6 =	vld.idx.msk [tilespmem:v8+s1+$0x0], $0xffff  }
0x553: {  	v8 =	vor.u32 $0x2, v2;
	v9 =	vld.idx.msk [tilespmem:v10+s1+$0x0], $0xffff  }
0x554: {  	v10 =	vor.u32 $0x2, v7  }
0x555: {  	[tilespmem:s31+$0x7EB0] =	vst v1  }
0x556: {  	[tilespmem:s31+$0x7E80] =	vst v3;
	v4 =	vld.idx.msk [tilespmem:v4+s1+$0x0], $0xffff  }
0x557: {  	v12 =	vor.u32 $0x3, v14;
	[tilespmem:s31+$0x7E90] =	vst v6;
	v5 =	vld.idx.msk [tilespmem:v5+s1+$0x0], $0xffff  }
0x558: {  	v16 =	vor.u32 $0x3, v0;
	[tilespmem:s31+$0x7EA0] =	vst v9;
	v17 =	vld.idx.msk [tilespmem:v8+s1+$0x0], $0xffff  }
0x559: {  	p1 =	por $0x1, $0x1;
	v18 =	vor.u32 $0x3, v2;
	v23 =	vld.idx.msk [tilespmem:v10+s1+$0x0], $0xffff  }
.Ltmp26:
0x55a: {  	v15 =	vor.u32 $0x5, v0;
	v11 =	vor.u32 $0x3, v7;
	(pc) =	sbr.rel @!p1 .LBB2_54-.Ltmp26, $4  }
0x55b: {  	v13 =	vor.u32 $0x7, v2;
	v22 =	vor.u32 $0x4, v14;
	v1 =	vor.u32 $0x4, v0;
	[tilespmem:s31+$0xA2B0] =	vst v4  }
0x55c: {  	v3 =	vor.u32 $0x4, v2;
	v9 =	vor.u32 $0x6, v0;
	v6 =	vor.u32 $0x6, v2;
	[tilespmem:s31+$0xA280] =	vst v5;
	v19 =	vld.idx.msk [tilespmem:v12+s1+$0x0], $0xffff  }
0x55d: {  	v8 =	vor.u32 $0x5, v2;
	v10 =	vor.u32 $0x7, v0;
	v0 =	vor.u32 $0x7, v7;
	[tilespmem:s31+$0xA290] =	vst v17;
	v20 =	vld.idx.msk [tilespmem:v16+s1+$0x0], $0xffff  }
0x55e: {  	p0 =	por $0x0, $0x0;
	v4 =	vor.u32 $0x4, v7;
	v5 =	vor.u32 $0x6, v7;
	[tilespmem:s31+$0xA2A0] =	vst v23;
	v12 =	vor.u32 $0x5, v7;
	v21 =	vld.idx.msk [tilespmem:v18+s1+$0x0], $0xffff  }
0x55f: {  	_ =	sdelay $0x3  }
0x560: {  	s2 =	sshra.s32 s0, $0x2;
	v7 =	vld.idx.msk [tilespmem:v11+s1+$0x0], $0xffff  }
0x561: {  	v2 =	vld [tilespmem:s2+$0x36B0]  }
0x562: {  	v11 =	vld [tilespmem:s2+$0x3680]  }
0x563: {  	v17 =	vld [tilespmem:s2+$0x3690]  }
0x564: {  	v18 =	vld [tilespmem:s2+$0x36A0];
	[tilespmem:s31+$0xC6B0] =	vst v19  }
0x565: {  	v16 =	vld.idx.msk [tilespmem:v22+s1+$0x0], $0xffff;
	[tilespmem:s31+$0xC680] =	vst v20  }
0x566: {  	v19 =	vor.u32 $0x5, v14;
	v1 =	vld.idx.msk [tilespmem:v1+s1+$0x0], $0xffff;
	_ =	sdelay $0x1  }
0x567: {  	[tilespmem:s31+$0xC690] =	vst v21;
	v2 =	vshll.u32 v2, $0x3  }
0x568: {  	[tilespmem:s31+$0xC6A0] =	vst v7;
	v3 =	vld.idx.msk [tilespmem:v3+s1+$0x0], $0xffff;
	v21 =	vshll.u32 v11, $0x3  }
0x569: {  	v4 =	vld.idx.msk [tilespmem:v4+s1+$0x0], $0xffff;
	v7 =	vshll.u32 v17, $0x3;
	[tilespmem:s31+$0xEAB0] =	vst v16  }
0x56a: {  	v22 =	vshll.u32 v18, $0x3;
	v11 =	vld.idx.msk [tilespmem:v19+s1+$0x0], $0xffff;
	[tilespmem:s31+$0xEA80] =	vst v1  }
0x56b: {  	v15 =	vld.idx.msk [tilespmem:v15+s1+$0x0], $0xffff  }
0x56c: {  	v16 =	vld.idx.msk [tilespmem:v2+s1+$0x0], $0xffff  }
0x56d: {  	v1 =	vor.u32 $0x6, v14;
	v17 =	vld.idx.msk [tilespmem:v21+s1+$0x0], $0xffff  }
0x56e: {  	[tilespmem:s31+$0xEA90] =	vst v3;
	v3 =	vld.idx.msk [tilespmem:v7+s1+$0x0], $0xffff  }
0x56f: {  	v18 =	vor.u32 $0x1, v2;
	[tilespmem:s31+$0xEAA0] =	vst v4;
	v4 =	vld.idx.msk [tilespmem:v22+s1+$0x0], $0xffff  }
0x570: {  	v19 =	vor.u32 $0x1, v21;
	v8 =	vld.idx.msk [tilespmem:v8+s1+$0x0], $0xffff;
	[tilespmem:s31+$0x10EB0] =	vst v11  }
0x571: {  	v20 =	vor.u32 $0x1, v7;
	v12 =	vld.idx.msk [tilespmem:v12+s1+$0x0], $0xffff;
	[tilespmem:s31+$0x10E80] =	vst v15  }
0x572: {  	v11 =	vor.u32 $0x1, v22;
	v1 =	vld.idx.msk [tilespmem:v1+s1+$0x0], $0xffff;
	[tilespmem:s2+$0x5AB0] =	vst v16  }
0x573: {  	v14 =	vor.u32 $0x7, v14;
	[tilespmem:s2+$0x5A80] =	vst v17;
	v9 =	vld.idx.msk [tilespmem:v9+s1+$0x0], $0xffff  }
0x574: {  	[tilespmem:s2+$0x5A90] =	vst v3;
	v16 =	vld.idx.msk [tilespmem:v18+s1+$0x0], $0xffff  }
0x575: {  	v3 =	vor.u32 $0x2, v2;
	[tilespmem:s2+$0x5AA0] =	vst v4;
	v17 =	vld.idx.msk [tilespmem:v19+s1+$0x0], $0xffff  }
0x576: {  	v15 =	vor.u32 $0x2, v21;
	[tilespmem:s31+$0x10E90] =	vst v8;
	v18 =	vld.idx.msk [tilespmem:v20+s1+$0x0], $0xffff  }
0x577: {  	v4 =	vld.idx.msk [tilespmem:v11+s1+$0x0], $0xffff;
	[tilespmem:s31+$0x132B0] =	vst v1  }
0x578: {  	v8 =	vor.u32 $0x2, v7;
	[tilespmem:s31+$0x10EA0] =	vst v12;
	v11 =	vld.idx.msk [tilespmem:v14+s1+$0x0], $0xffff  }
0x579: {  	v1 =	vor.u32 $0x2, v22;
	[tilespmem:s2+$0x7EB0] =	vst v16;
	v16 =	vld.idx.msk [tilespmem:v5+s1+$0x0], $0xffff  }
0x57a: {  	[tilespmem:s2+$0x7E80] =	vst v17;
	v3 =	vld.idx.msk [tilespmem:v3+s1+$0x0], $0xffff  }
0x57b: {  	v12 =	vor.u32 $0x3, v2;
	[tilespmem:s31+$0x13280] =	vst v9;
	v14 =	vld.idx.msk [tilespmem:v15+s1+$0x0], $0xffff  }
0x57c: {  	[tilespmem:s2+$0x7E90] =	vst v18;
	v18 =	vor.u32 $0x3, v21;
	v15 =	vld.idx.msk [tilespmem:v6+s1+$0x0], $0xffff  }
0x57d: {  	v23 =	vld.idx.msk [tilespmem:v8+s1+$0x0], $0xffff;
	[tilespmem:s2+$0x7EA0] =	vst v4  }
0x57e: {  	p3 =	por $0x1, $0x1;
	v25 =	vor.u32 $0x3, v7;
	v24 =	vld.idx.msk [tilespmem:v1+s1+$0x0], $0xffff;
	[tilespmem:s31+$0x156B0] =	vst v11  }
.Ltmp27:
0x57f: {  	v9 =	vor.u32 $0x6, v21;
	v17 =	vld.idx.msk [tilespmem:v10+s1+$0x0], $0xffff;
	v11 =	vor.u32 $0x3, v22;
	[tilespmem:s2+$0xA2B0] =	vst v3;
	(pc) =	sbr.rel @!p3 .LBB2_56-.Ltmp27, $4  }
0x580: {  	v5 =	vor.u32 $0x5, v21;
	v10 =	vor.u32 $0x7, v21;
	v8 =	vor.u32 $0x5, v7;
	[tilespmem:s2+$0xA280] =	vst v14;
	v19 =	vld.idx.msk [tilespmem:v12+s1+$0x0], $0xffff  }
0x581: {  	v6 =	vor.u32 $0x6, v7;
	v4 =	vor.u32 $0x4, v22;
	[tilespmem:s31+$0x13290] =	vst v15;
	v15 =	vor.u32 $0x7, v22;
	v20 =	vld.idx.msk [tilespmem:v18+s1+$0x0], $0xffff  }
0x582: {  	s14 =	simm.s32 $0x4;
	[tilespmem:s2+$0xA290] =	vst v23;
	v12 =	vor.u32 $0x5, v22;
	v18 =	vld.idx.msk [tilespmem:v13+s1+$0x0], $0xffff;
	v13 =	vor.u32 $0x6, v22;
	v22 =	vor.u32 $0x4, v2  }
0x583: {  	s15 =	sadd.s32 $0x100, s0;
	p2 =	por $0x1, $0x1;
	s0 =	simm.s32 $0x0;
	v1 =	vor.u32 $0x4, v21;
	v3 =	vor.u32 $0x4, v7;
	v7 =	vor.u32 $0x7, v7;
	v21 =	vld.idx.msk [tilespmem:v25+s1+$0x0], $0xffff;
	[tilespmem:s2+$0xA2A0] =	vst v24  }
.LBB2_57:
0x584: {  	s17 =	sshra.s32 s15, $0x2;
	s14 =	sadd.s32 $0x4, s14;
	v11 =	vld.idx.msk [tilespmem:v11+s1+$0x0], $0xffff;
	[tilespmem:s31+$0x132A0] =	vst v16  }
0x585: {  	v14 =	vld [tilespmem:s17+$0x36B0];
	p3 =	slt.u32 s14, $0x20;
	[tilespmem:s31+$0x15680] =	vst v17  }
0x586: {  	v16 =	vld [tilespmem:s17+$0x3680];
	[tilespmem:s2+$0xC6B0] =	vst v19  }
0x587: {  	[tilespmem:s2+$0xC680] =	vst v20;
	v17 =	vld.idx.msk [tilespmem:v22+s1+$0x0], $0xffff  }
0x588: {  	v19 =	vld [tilespmem:s17+$0x3690];
	[tilespmem:s31+$0x15690] =	vst v18  }
0x589: {  	v20 =	vor.u32 $0x5, v2;
	v18 =	vld [tilespmem:s17+$0x36A0];
	[tilespmem:s2+$0xC690] =	vst v21  }
0x58a: {  	v14 =	vshll.u32 v14, $0x3;
	v21 =	vld.idx.msk [tilespmem:v1+s1+$0x0], $0xffff;
	[tilespmem:s2+$0xC6A0] =	vst v11  }
0x58b: {  	v16 =	vshll.u32 v16, $0x3;
	v22 =	vld.idx.msk [tilespmem:v3+s1+$0x0], $0xffff  }
0x58c: {  	v23 =	vor.u32 $0x1, v16;
	v24 =	vor.u32 $0x2, v16;
	v25 =	vor.u32 $0x3, v16;
	v26 =	vld.idx.msk [tilespmem:v4+s1+$0x0], $0xffff  }
0x58d: {  	v1 =	vor.u32 $0x4, v16;
	v27 =	vor.u32 $0x5, v16;
	v19 =	vshll.u32 v19, $0x3;
	[tilespmem:s2+$0xEAB0] =	vst v17;
	v17 =	vld.idx.msk [tilespmem:v0+s0+$0x0], $0xffff;
	v0 =	vmovc v15;
	s0 =	smov.u32 s1  }
0x58e: {  	s1 =	simm.s32 $0x0;
	v28 =	vor.u32 $0x1, v19;
	v29 =	vor.u32 $0x2, v19;
	v15 =	vshll.u32 v18, $0x3;
	v18 =	vld.idx.msk [tilespmem:v20+s0+$0x0], $0xffff  }
0x58f: {  	v30 =	vor.u32 $0x3, v19;
	v20 =	vor.u32 $0x1, v15;
	v31 =	vor.u32 $0x2, v15;
	v32 =	vld.idx.msk [tilespmem:v14+s1+$0x0], $0xffff  }
0x590: {  	v3 =	vor.u32 $0x4, v19;
	v11 =	vor.u32 $0x3, v15;
	v33 =	vld.idx.msk [tilespmem:v16+s1+$0x0], $0xffff;
	[tilespmem:s2+$0xEA80] =	vst v21;
	v21 =	vor.u32 $0x6, v2  }
0x591: {  	v35 =	vor.u32 $0x1, v14;
	v34 =	vor.u32 $0x5, v19;
	v4 =	vor.u32 $0x4, v15;
	v36 =	vld.idx.msk [tilespmem:v5+s0+$0x0], $0xffff;
	[tilespmem:s2+$0xEA90] =	vst v22;
	v5 =	vmovc v27  }
0x592: {  	v37 =	vor.u32 $0x6, v19;
	v38 =	vor.u32 $0x5, v15;
	v22 =	vor.u32 $0x6, v16;
	v27 =	vld.idx.msk [tilespmem:v19+s1+$0x0], $0xffff;
	[tilespmem:s2+$0xEAA0] =	vst v26  }
0x593: {  	v39 =	vor.u32 $0x7, v19;
	v26 =	vor.u32 $0x7, v16;
	v19 =	vor.u32 $0x6, v15;
	v16 =	vld.idx.msk [tilespmem:v15+s1+$0x0], $0xffff;
	[tilespmem:s31+$0x156A0] =	vst v17;
	s31 =	smov.u32 s2;
	s2 =	smov.u32 s17  }
0x594: {  	v15 =	vor.u32 $0x7, v15;
	v17 =	vld.idx.msk [tilespmem:v8+s0+$0x0], $0xffff;
	[tilespmem:s31+$0x10EB0] =	vst v18;
	v8 =	vmov v34  }
0x595: {  	[tilespmem:s2+$0x5AB0] =	vst v32;
	v18 =	vld.idx.msk [tilespmem:v21+s0+$0x0], $0xffff  }
0x596: {  	[tilespmem:s2+$0x5A80] =	vst v33;
	v21 =	vld.idx.msk [tilespmem:v35+s1+$0x0], $0xffff  }
0x597: {  	v32 =	vor.u32 $0x7, v2;
	v2 =	vmov v14;
	v23 =	vld.idx.msk [tilespmem:v23+s1+$0x0], $0xffff;
	[tilespmem:s31+$0x10E80] =	vst v36  }
0x598: {  	v14 =	vor.u32 $0x2, v2;
	[tilespmem:s2+$0x5A90] =	vst v27;
	v27 =	vld.idx.msk [tilespmem:v12+s0+$0x0], $0xffff;
	v12 =	vmov v38  }
0x599: {  	v28 =	vld.idx.msk [tilespmem:v28+s1+$0x0], $0xffff;
	[tilespmem:s2+$0x5AA0] =	vst v16  }
0x59a: {  	v16 =	vld.idx.msk [tilespmem:v20+s1+$0x0], $0xffff;
	[tilespmem:s31+$0x10E90] =	vst v17  }
0x59b: {  	v17 =	vld.idx.msk [tilespmem:v9+s0+$0x0], $0xffff;
	[tilespmem:s31+$0x132B0] =	vst v18;
	v9 =	vmov v22  }
0x59c: {  	[tilespmem:s2+$0x7EB0] =	vst v21;
	v18 =	vld.idx.msk [tilespmem:v32+s0+$0x0], $0xffff  }
0x59d: {  	[tilespmem:s2+$0x7E80] =	vst v23;
	v14 =	vld.idx.msk [tilespmem:v14+s1+$0x0], $0xffff  }
0x59e: {  	v20 =	vld.idx.msk [tilespmem:v24+s1+$0x0], $0xffff;
	[tilespmem:s31+$0x10EA0] =	vst v27  }
0x59f: {  	v21 =	vor.u32 $0x3, v2;
	[tilespmem:s2+$0x7E90] =	vst v28;
	v22 =	vld.idx.msk [tilespmem:v6+s0+$0x0], $0xffff;
	v6 =	vmov v37  }
0x5a0: {  	v23 =	vld.idx.msk [tilespmem:v29+s1+$0x0], $0xffff;
	[tilespmem:s2+$0x7EA0] =	vst v16  }
0x5a1: {  	v24 =	vld.idx.msk [tilespmem:v31+s1+$0x0], $0xffff;
	[tilespmem:s31+$0x13280] =	vst v17  }
0x5a2: {  	v16 =	vld.idx.msk [tilespmem:v13+s0+$0x0], $0xffff;
	[tilespmem:s31+$0x156B0] =	vst v18;
	v13 =	vmov v19  }
.Ltmp28:
0x5a3: {  	[tilespmem:s2+$0xA2B0] =	vst v14;
	v17 =	vld.idx.msk [tilespmem:v10+s0+$0x0], $0xffff;
	v10 =	vmov v26;
	(pc) =	sbr.rel @p3 .LBB2_57-.Ltmp28, $4  }
0x5a4: {  	[tilespmem:s2+$0xA280] =	vst v20;
	v19 =	vld.idx.msk [tilespmem:v21+s1+$0x0], $0xffff  }
0x5a5: {  	v20 =	vld.idx.msk [tilespmem:v25+s1+$0x0], $0xffff;
	[tilespmem:s31+$0x13290] =	vst v22  }
0x5a6: {  	v22 =	vor.u32 $0x4, v2;
	[tilespmem:s2+$0xA290] =	vst v23;
	v18 =	vld.idx.msk [tilespmem:v7+s0+$0x0], $0xffff;
	v7 =	vmov v39  }
0x5a7: {  	s15 =	sadd.s32 $0x100, s15;
	v21 =	vld.idx.msk [tilespmem:v30+s1+$0x0], $0xffff;
	[tilespmem:s2+$0xA2A0] =	vst v24  }
0x5a8: {  	v23 =	vmov v0  }
0x5a9: {  	s14 =	smov.u32 s31;
	s31 =	smov.u32 s2;
	v14 =	vmovc v2;
	v0 =	vmovc v15;
	v15 =	vmov v5;
	v5 =	vmov v13;
	v13 =	vmov v7  }
.LBB2_59:
0x5aa: {  	_ =	sdelay $0x3  }
0x5ab: {  	v2 =	vld.idx.msk [tilespmem:v11+s1+$0x0], $0xffff;
	_ =	sdelay $0x1  }
0x5ac: {  	[tilespmem:s31+$0xC6B0] =	vst v19  }
0x5ad: {  	[tilespmem:s31+$0xC680] =	vst v20;
	v7 =	vld.idx.msk [tilespmem:v22+s1+$0x0], $0xffff  }
0x5ae: {  	v11 =	vor.u32 $0x5, v14;
	v1 =	vld.idx.msk [tilespmem:v1+s1+$0x0], $0xffff;
	[tilespmem:s31+$0xC690] =	vst v21  }
0x5af: {  	[tilespmem:s31+$0xC6A0] =	vst v2;
	v2 =	vld.idx.msk [tilespmem:v3+s1+$0x0], $0xffff  }
0x5b0: {  	v3 =	vld.idx.msk [tilespmem:v4+s1+$0x0], $0xffff;
	_ =	sdelay $0x1  }
0x5b1: {  	[tilespmem:s31+$0xEAB0] =	vst v7  }
0x5b2: {  	[tilespmem:s31+$0xEA80] =	vst v1;
	v4 =	vld.idx.msk [tilespmem:v11+s1+$0x0], $0xffff  }
0x5b3: {  	v1 =	vor.u32 $0x6, v14;
	v7 =	vld.idx.msk [tilespmem:v15+s1+$0x0], $0xffff;
	[tilespmem:s31+$0xEA90] =	vst v2  }
0x5b4: {  	[tilespmem:s31+$0xEAA0] =	vst v3;
	v2 =	vld.idx.msk [tilespmem:v8+s1+$0x0], $0xffff  }
0x5b5: {  	v3 =	vld.idx.msk [tilespmem:v12+s1+$0x0], $0xffff;
	_ =	sdelay $0x1  }
0x5b6: {  	[tilespmem:s31+$0x10EB0] =	vst v4  }
0x5b7: {  	[tilespmem:s31+$0x10E80] =	vst v7;
	v1 =	vld.idx.msk [tilespmem:v1+s1+$0x0], $0xffff  }
0x5b8: {  	v4 =	vor.u32 $0x7, v14;
	[tilespmem:s31+$0x10E90] =	vst v2;
	v2 =	vld.idx.msk [tilespmem:v9+s1+$0x0], $0xffff  }
0x5b9: {  	[tilespmem:s31+$0x10EA0] =	vst v3;
	v3 =	vld.idx.msk [tilespmem:v6+s1+$0x0], $0xffff  }
0x5ba: {  	[tilespmem:s14+$0x132A0] =	vst @p2 v16;
	v5 =	vld.idx.msk [tilespmem:v5+s1+$0x0], $0xffff  }
0x5bb: {  	[tilespmem:s14+$0x15680] =	vst @p2 v17  }
0x5bc: {  	v6 =	vld.idx.msk @p2 [tilespmem:v23+s0+$0x0], $0xffff;
	[tilespmem:s31+$0x132B0] =	vst v1  }
0x5bd: {  	v1 =	vld.idx.msk [tilespmem:v4+s1+$0x0], $0xffff;
	[tilespmem:s31+$0x13280] =	vst v2  }
0x5be: {  	v2 =	vld.idx.msk [tilespmem:v10+s1+$0x0], $0xffff;
	[tilespmem:s31+$0x13290] =	vst v3  }
0x5bf: {  	v3 =	vld.idx.msk [tilespmem:v13+s1+$0x0], $0xffff;
	[tilespmem:s31+$0x132A0] =	vst v5  }
0x5c0: {  	[tilespmem:s14+$0x15690] =	vst @p2 v18;
	v0 =	vld.idx.msk [tilespmem:v0+s1+$0x0], $0xffff  }
0x5c1: {  	[tilespmem:s14+$0x156A0] =	vst @p2 v6  }
0x5c2: {  	[tilespmem:s31+$0x156B0] =	vst v1  }
0x5c3: {  	[tilespmem:s31+$0x15680] =	vst v2  }
0x5c4: {  	[tilespmem:s31+$0x15690] =	vst v3  }
0x5c5: {  	[tilespmem:s31+$0x156A0] =	vst v0;
	s31 =	sshra.s32 s1, $0x2  }
0x5c6: {  	v0 =	vld [tilespmem:s31+$0x38F0]  }
0x5c7: {  	v1 =	vld [tilespmem:s31+$0x38C0]  }
0x5c8: {  	v2 =	vld [tilespmem:s31+$0x38D0]  }
0x5c9: {  	v3 =	vld [tilespmem:s31+$0x38E0];
	_ =	sdelay $0x1  }
0x5ca: {  	v14 =	vshll.u32 v0, $0x3  }
0x5cb: {  	v0 =	vshll.u32 v1, $0x3  }
0x5cc: {  	v1 =	vshll.u32 v2, $0x3  }
0x5cd: {  	v7 =	vshll.u32 v3, $0x3;
	_ =	sdelay $0x1  }
0x5ce: {  	v2 =	vld.idx.msk [tilespmem:v14+s1+$0x0], $0xffff  }
0x5cf: {  	v4 =	vor.u32 $0x1, v14;
	v3 =	vld.idx.msk [tilespmem:v0+s1+$0x0], $0xffff  }
0x5d0: {  	v5 =	vor.u32 $0x1, v0;
	v6 =	vld.idx.msk [tilespmem:v1+s1+$0x0], $0xffff  }
0x5d1: {  	v8 =	vor.u32 $0x1, v1;
	v9 =	vld.idx.msk [tilespmem:v7+s1+$0x0], $0xffff  }
0x5d2: {  	v10 =	vor.u32 $0x1, v7  }
0x5d3: {  	[tilespmem:s31+$0x5CF0] =	vst v2  }
0x5d4: {  	[tilespmem:s31+$0x5CC0] =	vst v3;
	v2 =	vld.idx.msk [tilespmem:v4+s1+$0x0], $0xffff  }
0x5d5: {  	[tilespmem:s31+$0x5CD0] =	vst v6;
	v3 =	vld.idx.msk [tilespmem:v5+s1+$0x0], $0xffff;
	v4 =	vor.u32 $0x2, v14  }
0x5d6: {  	[tilespmem:s31+$0x5CE0] =	vst v9;
	v5 =	vor.u32 $0x2, v0;
	v6 =	vld.idx.msk [tilespmem:v8+s1+$0x0], $0xffff  }
0x5d7: {  	v8 =	vor.u32 $0x2, v1;
	v9 =	vld.idx.msk [tilespmem:v10+s1+$0x0], $0xffff  }
0x5d8: {  	v10 =	vor.u32 $0x2, v7  }
0x5d9: {  	[tilespmem:s31+$0x80F0] =	vst v2  }
0x5da: {  	[tilespmem:s31+$0x80C0] =	vst v3;
	v4 =	vld.idx.msk [tilespmem:v4+s1+$0x0], $0xffff  }
0x5db: {  	v12 =	vor.u32 $0x3, v14;
	[tilespmem:s31+$0x80D0] =	vst v6;
	v5 =	vld.idx.msk [tilespmem:v5+s1+$0x0], $0xffff  }
0x5dc: {  	v16 =	vor.u32 $0x3, v0;
	[tilespmem:s31+$0x80E0] =	vst v9;
	v17 =	vld.idx.msk [tilespmem:v8+s1+$0x0], $0xffff  }
0x5dd: {  	v18 =	vor.u32 $0x3, v1;
	v23 =	vld.idx.msk [tilespmem:v10+s1+$0x0], $0xffff  }
.Ltmp29:
0x5de: {  	v15 =	vor.u32 $0x5, v0;
	v11 =	vor.u32 $0x3, v7;
	(pc) =	sbr.rel @!p1 .LBB2_60-.Ltmp29, $4  }
0x5df: {  	v13 =	vor.u32 $0x7, v1;
	v22 =	vor.u32 $0x4, v14;
	v2 =	vor.u32 $0x4, v0;
	[tilespmem:s31+$0xA4F0] =	vst v4  }
0x5e0: {  	v3 =	vor.u32 $0x4, v1;
	v9 =	vor.u32 $0x5, v1;
	v6 =	vor.u32 $0x6, v1;
	[tilespmem:s31+$0xA4C0] =	vst v5;
	v19 =	vld.idx.msk [tilespmem:v12+s1+$0x0], $0xffff  }
0x5e1: {  	v10 =	vor.u32 $0x6, v0;
	v8 =	vor.u32 $0x7, v0;
	v0 =	vor.u32 $0x7, v7;
	[tilespmem:s31+$0xA4D0] =	vst v17;
	v20 =	vld.idx.msk [tilespmem:v16+s1+$0x0], $0xffff  }
0x5e2: {  	s0 =	sadd.s32 $0x100, s1;
	v4 =	vor.u32 $0x4, v7;
	v5 =	vor.u32 $0x6, v7;
	[tilespmem:s31+$0xA4E0] =	vst v23;
	v12 =	vor.u32 $0x5, v7;
	v21 =	vld.idx.msk [tilespmem:v18+s1+$0x0], $0xffff  }
0x5e3: {  	_ =	sdelay $0x3  }
0x5e4: {  	s2 =	sshra.s32 s0, $0x2;
	v7 =	vld.idx.msk [tilespmem:v11+s1+$0x0], $0xffff  }
0x5e5: {  	v1 =	vld [tilespmem:s2+$0x38F0]  }
0x5e6: {  	v11 =	vld [tilespmem:s2+$0x38C0]  }
0x5e7: {  	v17 =	vld [tilespmem:s2+$0x38D0]  }
0x5e8: {  	v18 =	vld [tilespmem:s2+$0x38E0];
	[tilespmem:s31+$0xC8F0] =	vst v19  }
0x5e9: {  	v16 =	vld.idx.msk [tilespmem:v22+s1+$0x0], $0xffff;
	[tilespmem:s31+$0xC8C0] =	vst v20  }
0x5ea: {  	v19 =	vor.u32 $0x5, v14;
	v2 =	vld.idx.msk [tilespmem:v2+s1+$0x0], $0xffff;
	_ =	sdelay $0x1  }
0x5eb: {  	[tilespmem:s31+$0xC8D0] =	vst v21;
	v1 =	vshll.u32 v1, $0x3  }
0x5ec: {  	[tilespmem:s31+$0xC8E0] =	vst v7;
	v3 =	vld.idx.msk [tilespmem:v3+s1+$0x0], $0xffff;
	v21 =	vshll.u32 v11, $0x3  }
0x5ed: {  	v4 =	vld.idx.msk [tilespmem:v4+s1+$0x0], $0xffff;
	v7 =	vshll.u32 v17, $0x3;
	[tilespmem:s31+$0xECF0] =	vst v16  }
0x5ee: {  	v22 =	vshll.u32 v18, $0x3;
	v11 =	vld.idx.msk [tilespmem:v19+s1+$0x0], $0xffff;
	[tilespmem:s31+$0xECC0] =	vst v2  }
0x5ef: {  	v15 =	vld.idx.msk [tilespmem:v15+s1+$0x0], $0xffff  }
0x5f0: {  	v16 =	vld.idx.msk [tilespmem:v1+s1+$0x0], $0xffff  }
0x5f1: {  	v2 =	vor.u32 $0x6, v14;
	v17 =	vld.idx.msk [tilespmem:v21+s1+$0x0], $0xffff  }
0x5f2: {  	[tilespmem:s31+$0xECD0] =	vst v3;
	v3 =	vld.idx.msk [tilespmem:v7+s1+$0x0], $0xffff  }
0x5f3: {  	v18 =	vor.u32 $0x1, v1;
	[tilespmem:s31+$0xECE0] =	vst v4;
	v4 =	vld.idx.msk [tilespmem:v22+s1+$0x0], $0xffff  }
0x5f4: {  	v19 =	vor.u32 $0x1, v21;
	v9 =	vld.idx.msk [tilespmem:v9+s1+$0x0], $0xffff;
	[tilespmem:s31+$0x110F0] =	vst v11  }
0x5f5: {  	v20 =	vor.u32 $0x1, v7;
	v12 =	vld.idx.msk [tilespmem:v12+s1+$0x0], $0xffff;
	[tilespmem:s31+$0x110C0] =	vst v15  }
0x5f6: {  	v11 =	vor.u32 $0x1, v22;
	v2 =	vld.idx.msk [tilespmem:v2+s1+$0x0], $0xffff;
	[tilespmem:s2+$0x5CF0] =	vst v16  }
0x5f7: {  	v14 =	vor.u32 $0x7, v14;
	[tilespmem:s2+$0x5CC0] =	vst v17;
	v10 =	vld.idx.msk [tilespmem:v10+s1+$0x0], $0xffff  }
0x5f8: {  	[tilespmem:s2+$0x5CD0] =	vst v3;
	v16 =	vld.idx.msk [tilespmem:v18+s1+$0x0], $0xffff  }
0x5f9: {  	v3 =	vor.u32 $0x2, v1;
	[tilespmem:s2+$0x5CE0] =	vst v4;
	v17 =	vld.idx.msk [tilespmem:v19+s1+$0x0], $0xffff  }
0x5fa: {  	v15 =	vor.u32 $0x2, v21;
	[tilespmem:s31+$0x110D0] =	vst v9;
	v18 =	vld.idx.msk [tilespmem:v20+s1+$0x0], $0xffff  }
0x5fb: {  	v4 =	vld.idx.msk [tilespmem:v11+s1+$0x0], $0xffff;
	[tilespmem:s31+$0x134F0] =	vst v2  }
0x5fc: {  	v9 =	vor.u32 $0x2, v7;
	[tilespmem:s31+$0x110E0] =	vst v12;
	v11 =	vld.idx.msk [tilespmem:v14+s1+$0x0], $0xffff  }
0x5fd: {  	v2 =	vor.u32 $0x2, v22;
	[tilespmem:s2+$0x80F0] =	vst v16;
	v16 =	vld.idx.msk [tilespmem:v5+s1+$0x0], $0xffff  }
0x5fe: {  	[tilespmem:s2+$0x80C0] =	vst v17;
	v3 =	vld.idx.msk [tilespmem:v3+s1+$0x0], $0xffff  }
0x5ff: {  	v12 =	vor.u32 $0x3, v1;
	[tilespmem:s31+$0x134C0] =	vst v10;
	v14 =	vld.idx.msk [tilespmem:v15+s1+$0x0], $0xffff  }
0x600: {  	[tilespmem:s2+$0x80D0] =	vst v18;
	v18 =	vor.u32 $0x3, v21;
	v15 =	vld.idx.msk [tilespmem:v6+s1+$0x0], $0xffff  }
0x601: {  	v23 =	vld.idx.msk [tilespmem:v9+s1+$0x0], $0xffff;
	[tilespmem:s2+$0x80E0] =	vst v4  }
0x602: {  	p1 =	por $0x1, $0x1;
	v25 =	vor.u32 $0x3, v7;
	v24 =	vld.idx.msk [tilespmem:v2+s1+$0x0], $0xffff;
	[tilespmem:s31+$0x158F0] =	vst v11  }
.Ltmp30:
0x603: {  	v10 =	vor.u32 $0x6, v21;
	v17 =	vld.idx.msk [tilespmem:v8+s1+$0x0], $0xffff;
	v11 =	vor.u32 $0x3, v22;
	[tilespmem:s2+$0xA4F0] =	vst v3;
	(pc) =	sbr.rel @!p1 .LBB2_62-.Ltmp30, $4  }
0x604: {  	v5 =	vor.u32 $0x5, v21;
	v8 =	vor.u32 $0x7, v21;
	v9 =	vor.u32 $0x5, v7;
	[tilespmem:s2+$0xA4C0] =	vst v14;
	v19 =	vld.idx.msk [tilespmem:v12+s1+$0x0], $0xffff  }
0x605: {  	v6 =	vor.u32 $0x6, v7;
	v4 =	vor.u32 $0x4, v22;
	[tilespmem:s31+$0x134D0] =	vst v15;
	v15 =	vor.u32 $0x7, v22;
	v20 =	vld.idx.msk [tilespmem:v18+s1+$0x0], $0xffff  }
0x606: {  	s15 =	simm.s32 $0x4;
	[tilespmem:s2+$0xA4D0] =	vst v23;
	v12 =	vor.u32 $0x5, v22;
	v18 =	vld.idx.msk [tilespmem:v13+s1+$0x0], $0xffff;
	v13 =	vor.u32 $0x6, v22;
	v22 =	vor.u32 $0x4, v1  }
0x607: {  	s17 =	sadd.s32 $0x100, s0;
	p0 =	por $0x1, $0x1;
	s14 =	smov.u32 s31;
	v2 =	vor.u32 $0x4, v21;
	v3 =	vor.u32 $0x4, v7;
	v7 =	vor.u32 $0x7, v7;
	v21 =	vld.idx.msk [tilespmem:v25+s1+$0x0], $0xffff;
	[tilespmem:s2+$0xA4E0] =	vst v24  }
.LBB2_63:
0x608: {  	s20 =	sshra.s32 s17, $0x2;
	s15 =	sadd.s32 $0x4, s15;
	v11 =	vld.idx.msk [tilespmem:v11+s1+$0x0], $0xffff;
	[tilespmem:s14+$0x134E0] =	vst v16  }
0x609: {  	v14 =	vld [tilespmem:s20+$0x38F0];
	p1 =	slt.u32 s15, $0x20;
	[tilespmem:s14+$0x158C0] =	vst v17  }
0x60a: {  	v16 =	vld [tilespmem:s20+$0x38C0];
	[tilespmem:s2+$0xC8F0] =	vst v19  }
0x60b: {  	[tilespmem:s2+$0xC8C0] =	vst v20;
	v17 =	vld.idx.msk [tilespmem:v22+s1+$0x0], $0xffff  }
0x60c: {  	v19 =	vld [tilespmem:s20+$0x38D0];
	[tilespmem:s14+$0x158D0] =	vst v18  }
0x60d: {  	v20 =	vor.u32 $0x5, v1;
	v18 =	vld [tilespmem:s20+$0x38E0];
	[tilespmem:s2+$0xC8D0] =	vst v21  }
0x60e: {  	v14 =	vshll.u32 v14, $0x3;
	v21 =	vld.idx.msk [tilespmem:v2+s1+$0x0], $0xffff;
	[tilespmem:s2+$0xC8E0] =	vst v11  }
0x60f: {  	v16 =	vshll.u32 v16, $0x3;
	v22 =	vld.idx.msk [tilespmem:v3+s1+$0x0], $0xffff  }
0x610: {  	v23 =	vor.u32 $0x1, v16;
	v24 =	vor.u32 $0x2, v16;
	v25 =	vor.u32 $0x3, v16;
	v26 =	vld.idx.msk [tilespmem:v4+s1+$0x0], $0xffff  }
0x611: {  	v2 =	vor.u32 $0x4, v16;
	v27 =	vor.u32 $0x5, v16;
	v19 =	vshll.u32 v19, $0x3;
	[tilespmem:s2+$0xECF0] =	vst v17;
	v17 =	vld.idx.msk [tilespmem:v0+s1+$0x0], $0xffff;
	v0 =	vmovc v15  }
0x612: {  	v28 =	vor.u32 $0x1, v19;
	v29 =	vor.u32 $0x2, v19;
	v15 =	vshll.u32 v18, $0x3;
	v18 =	vld.idx.msk [tilespmem:v20+s1+$0x0], $0xffff  }
0x613: {  	v30 =	vor.u32 $0x3, v19;
	v20 =	vor.u32 $0x1, v15;
	v31 =	vor.u32 $0x2, v15;
	v32 =	vld.idx.msk [tilespmem:v14+s1+$0x0], $0xffff  }
0x614: {  	v3 =	vor.u32 $0x4, v19;
	v11 =	vor.u32 $0x3, v15;
	v33 =	vld.idx.msk [tilespmem:v16+s1+$0x0], $0xffff;
	[tilespmem:s2+$0xECC0] =	vst v21;
	v21 =	vor.u32 $0x6, v1  }
0x615: {  	v35 =	vor.u32 $0x1, v14;
	v34 =	vor.u32 $0x5, v19;
	v4 =	vor.u32 $0x4, v15;
	v36 =	vld.idx.msk [tilespmem:v5+s1+$0x0], $0xffff;
	[tilespmem:s2+$0xECD0] =	vst v22;
	v5 =	vmovc v27  }
0x616: {  	v37 =	vor.u32 $0x6, v19;
	v38 =	vor.u32 $0x5, v15;
	v22 =	vor.u32 $0x6, v16;
	v27 =	vld.idx.msk [tilespmem:v19+s1+$0x0], $0xffff;
	[tilespmem:s2+$0xECE0] =	vst v26  }
0x617: {  	v39 =	vor.u32 $0x7, v19;
	v26 =	vor.u32 $0x7, v16;
	v19 =	vor.u32 $0x6, v15;
	v16 =	vld.idx.msk [tilespmem:v15+s1+$0x0], $0xffff;
	[tilespmem:s14+$0x158E0] =	vst v17;
	s14 =	smov.u32 s2;
	s2 =	smov.u32 s20  }
0x618: {  	v15 =	vor.u32 $0x7, v15;
	v17 =	vld.idx.msk [tilespmem:v9+s1+$0x0], $0xffff;
	[tilespmem:s14+$0x110F0] =	vst v18;
	v9 =	vmov v34  }
0x619: {  	[tilespmem:s2+$0x5CF0] =	vst v32;
	v18 =	vld.idx.msk [tilespmem:v21+s1+$0x0], $0xffff  }
0x61a: {  	[tilespmem:s2+$0x5CC0] =	vst v33;
	v21 =	vld.idx.msk [tilespmem:v35+s1+$0x0], $0xffff  }
0x61b: {  	v32 =	vor.u32 $0x7, v1;
	v1 =	vmov v14;
	v23 =	vld.idx.msk [tilespmem:v23+s1+$0x0], $0xffff;
	[tilespmem:s14+$0x110C0] =	vst v36  }
0x61c: {  	v14 =	vor.u32 $0x2, v1;
	[tilespmem:s2+$0x5CD0] =	vst v27;
	v27 =	vld.idx.msk [tilespmem:v12+s1+$0x0], $0xffff;
	v12 =	vmov v38  }
0x61d: {  	v28 =	vld.idx.msk [tilespmem:v28+s1+$0x0], $0xffff;
	[tilespmem:s2+$0x5CE0] =	vst v16  }
0x61e: {  	v16 =	vld.idx.msk [tilespmem:v20+s1+$0x0], $0xffff;
	[tilespmem:s14+$0x110D0] =	vst v17  }
0x61f: {  	v17 =	vld.idx.msk [tilespmem:v10+s1+$0x0], $0xffff;
	[tilespmem:s14+$0x134F0] =	vst v18;
	v10 =	vmov v22  }
0x620: {  	[tilespmem:s2+$0x80F0] =	vst v21;
	v18 =	vld.idx.msk [tilespmem:v32+s1+$0x0], $0xffff  }
0x621: {  	[tilespmem:s2+$0x80C0] =	vst v23;
	v14 =	vld.idx.msk [tilespmem:v14+s1+$0x0], $0xffff  }
0x622: {  	v20 =	vld.idx.msk [tilespmem:v24+s1+$0x0], $0xffff;
	[tilespmem:s14+$0x110E0] =	vst v27  }
0x623: {  	v21 =	vor.u32 $0x3, v1;
	[tilespmem:s2+$0x80D0] =	vst v28;
	v22 =	vld.idx.msk [tilespmem:v6+s1+$0x0], $0xffff;
	v6 =	vmov v37  }
0x624: {  	v23 =	vld.idx.msk [tilespmem:v29+s1+$0x0], $0xffff;
	[tilespmem:s2+$0x80E0] =	vst v16  }
0x625: {  	v24 =	vld.idx.msk [tilespmem:v31+s1+$0x0], $0xffff;
	[tilespmem:s14+$0x134C0] =	vst v17  }
0x626: {  	v16 =	vld.idx.msk [tilespmem:v13+s1+$0x0], $0xffff;
	[tilespmem:s14+$0x158F0] =	vst v18;
	v13 =	vmov v19  }
.Ltmp31:
0x627: {  	[tilespmem:s2+$0xA4F0] =	vst v14;
	v17 =	vld.idx.msk [tilespmem:v8+s1+$0x0], $0xffff;
	v8 =	vmov v26;
	(pc) =	sbr.rel @p1 .LBB2_63-.Ltmp31, $4  }
0x628: {  	[tilespmem:s2+$0xA4C0] =	vst v20;
	v19 =	vld.idx.msk [tilespmem:v21+s1+$0x0], $0xffff  }
0x629: {  	v20 =	vld.idx.msk [tilespmem:v25+s1+$0x0], $0xffff;
	[tilespmem:s14+$0x134D0] =	vst v22  }
0x62a: {  	v22 =	vor.u32 $0x4, v1;
	[tilespmem:s2+$0xA4D0] =	vst v23;
	v18 =	vld.idx.msk [tilespmem:v7+s1+$0x0], $0xffff;
	v7 =	vmov v39  }
0x62b: {  	s17 =	sadd.s32 $0x100, s17;
	v21 =	vld.idx.msk [tilespmem:v30+s1+$0x0], $0xffff;
	[tilespmem:s2+$0xA4E0] =	vst v24  }
0x62c: {  	v23 =	vmov v0  }
0x62d: {  	v14 =	vmovc v1;
	v0 =	vmovc v15;
	v15 =	vmov v5;
	v5 =	vmov v13;
	v13 =	vmov v7  }
.LBB2_65:
0x62e: {  	_ =	sdelay $0x3  }
0x62f: {  	v1 =	vld.idx.msk [tilespmem:v11+s1+$0x0], $0xffff;
	_ =	sdelay $0x1  }
0x630: {  	[tilespmem:s2+$0xC8F0] =	vst v19  }
0x631: {  	[tilespmem:s2+$0xC8C0] =	vst v20;
	v7 =	vld.idx.msk [tilespmem:v22+s1+$0x0], $0xffff  }
0x632: {  	v11 =	vor.u32 $0x5, v14;
	v2 =	vld.idx.msk [tilespmem:v2+s1+$0x0], $0xffff;
	[tilespmem:s2+$0xC8D0] =	vst v21  }
0x633: {  	[tilespmem:s2+$0xC8E0] =	vst v1;
	v1 =	vld.idx.msk [tilespmem:v3+s1+$0x0], $0xffff  }
0x634: {  	v3 =	vld.idx.msk [tilespmem:v4+s1+$0x0], $0xffff;
	_ =	sdelay $0x1  }
0x635: {  	[tilespmem:s2+$0xECF0] =	vst v7  }
0x636: {  	[tilespmem:s2+$0xECC0] =	vst v2;
	v4 =	vld.idx.msk [tilespmem:v11+s1+$0x0], $0xffff  }
0x637: {  	v2 =	vor.u32 $0x6, v14;
	v7 =	vld.idx.msk [tilespmem:v15+s1+$0x0], $0xffff;
	[tilespmem:s2+$0xECD0] =	vst v1  }
0x638: {  	[tilespmem:s2+$0xECE0] =	vst v3;
	v1 =	vld.idx.msk [tilespmem:v9+s1+$0x0], $0xffff  }
0x639: {  	v3 =	vld.idx.msk [tilespmem:v12+s1+$0x0], $0xffff;
	_ =	sdelay $0x1  }
0x63a: {  	[tilespmem:s2+$0x110F0] =	vst v4  }
0x63b: {  	[tilespmem:s2+$0x110C0] =	vst v7;
	v2 =	vld.idx.msk [tilespmem:v2+s1+$0x0], $0xffff  }
0x63c: {  	v4 =	vor.u32 $0x7, v14;
	[tilespmem:s2+$0x110D0] =	vst v1;
	v1 =	vld.idx.msk [tilespmem:v10+s1+$0x0], $0xffff  }
0x63d: {  	[tilespmem:s2+$0x110E0] =	vst v3;
	v3 =	vld.idx.msk [tilespmem:v6+s1+$0x0], $0xffff  }
0x63e: {  	[tilespmem:s14+$0x134E0] =	vst @p0 v16;
	v5 =	vld.idx.msk [tilespmem:v5+s1+$0x0], $0xffff  }
0x63f: {  	[tilespmem:s14+$0x158C0] =	vst @p0 v17  }
0x640: {  	v6 =	vld.idx.msk @p0 [tilespmem:v23+s1+$0x0], $0xffff;
	[tilespmem:s2+$0x134F0] =	vst v2  }
0x641: {  	v2 =	vld.idx.msk [tilespmem:v4+s1+$0x0], $0xffff;
	[tilespmem:s2+$0x134C0] =	vst v1  }
0x642: {  	v1 =	vld.idx.msk [tilespmem:v8+s1+$0x0], $0xffff;
	[tilespmem:s2+$0x134D0] =	vst v3  }
0x643: {  	v3 =	vld.idx.msk [tilespmem:v13+s1+$0x0], $0xffff;
	[tilespmem:s2+$0x134E0] =	vst v5  }
0x644: {  	[tilespmem:s14+$0x158D0] =	vst @p0 v18;
	v0 =	vld.idx.msk [tilespmem:v0+s1+$0x0], $0xffff  }
0x645: {  	[tilespmem:s14+$0x158E0] =	vst @p0 v6  }
0x646: {  	[tilespmem:s2+$0x158F0] =	vst v2  }
0x647: {  	[tilespmem:s2+$0x158C0] =	vst v1  }
0x648: {  	[tilespmem:s2+$0x158D0] =	vst v3  }
0x649: {  	[tilespmem:s2+$0x158E0] =	vst v0  }
0x64a: {  	v0 =	vld [tilespmem:s31+$0x3B30]  }
0x64b: {  	v1 =	vld [tilespmem:s31+$0x3B00]  }
0x64c: {  	v2 =	vld [tilespmem:s31+$0x3B10]  }
0x64d: {  	v3 =	vld [tilespmem:s31+$0x3B20];
	_ =	sdelay $0x1  }
0x64e: {  	v14 =	vshll.u32 v0, $0x3  }
0x64f: {  	v0 =	vshll.u32 v1, $0x3  }
0x650: {  	v2 =	vshll.u32 v2, $0x3  }
0x651: {  	v7 =	vshll.u32 v3, $0x3  }
0x652: {  	s1 =	simm.s32 $0x0  }
0x653: {  	v1 =	vld.idx.msk [tilespmem:v14+s1+$0x0], $0xffff  }
0x654: {  	v4 =	vor.u32 $0x1, v14;
	v3 =	vld.idx.msk [tilespmem:v0+s1+$0x0], $0xffff  }
0x655: {  	v5 =	vor.u32 $0x1, v0;
	v6 =	vld.idx.msk [tilespmem:v2+s1+$0x0], $0xffff  }
0x656: {  	v8 =	vor.u32 $0x1, v2;
	v9 =	vld.idx.msk [tilespmem:v7+s1+$0x0], $0xffff  }
0x657: {  	v10 =	vor.u32 $0x1, v7  }
0x658: {  	[tilespmem:s31+$0x5F30] =	vst v1  }
0x659: {  	[tilespmem:s31+$0x5F00] =	vst v3;
	v1 =	vld.idx.msk [tilespmem:v4+s1+$0x0], $0xffff  }
0x65a: {  	[tilespmem:s31+$0x5F10] =	vst v6;
	v3 =	vld.idx.msk [tilespmem:v5+s1+$0x0], $0xffff;
	v4 =	vor.u32 $0x2, v14  }
0x65b: {  	[tilespmem:s31+$0x5F20] =	vst v9;
	v5 =	vor.u32 $0x2, v0;
	v6 =	vld.idx.msk [tilespmem:v8+s1+$0x0], $0xffff  }
0x65c: {  	v8 =	vor.u32 $0x2, v2;
	v9 =	vld.idx.msk [tilespmem:v10+s1+$0x0], $0xffff  }
0x65d: {  	v10 =	vor.u32 $0x2, v7  }
0x65e: {  	[tilespmem:s31+$0x8330] =	vst v1  }
0x65f: {  	[tilespmem:s31+$0x8300] =	vst v3;
	v4 =	vld.idx.msk [tilespmem:v4+s1+$0x0], $0xffff  }
0x660: {  	v12 =	vor.u32 $0x3, v14;
	[tilespmem:s31+$0x8310] =	vst v6;
	v5 =	vld.idx.msk [tilespmem:v5+s1+$0x0], $0xffff  }
0x661: {  	v16 =	vor.u32 $0x3, v0;
	[tilespmem:s31+$0x8320] =	vst v9;
	v17 =	vld.idx.msk [tilespmem:v8+s1+$0x0], $0xffff  }
0x662: {  	p1 =	por $0x1, $0x1;
	v18 =	vor.u32 $0x3, v2;
	v23 =	vld.idx.msk [tilespmem:v10+s1+$0x0], $0xffff  }
.Ltmp32:
0x663: {  	v15 =	vor.u32 $0x5, v0;
	v11 =	vor.u32 $0x3, v7;
	(pc) =	sbr.rel @!p1 .LBB2_66-.Ltmp32, $4  }
0x664: {  	v13 =	vor.u32 $0x7, v2;
	v22 =	vor.u32 $0x4, v14;
	v1 =	vor.u32 $0x4, v0;
	[tilespmem:s31+$0xA730] =	vst v4  }
0x665: {  	v3 =	vor.u32 $0x4, v2;
	v9 =	vor.u32 $0x6, v0;
	v6 =	vor.u32 $0x6, v2;
	[tilespmem:s31+$0xA700] =	vst v5;
	v19 =	vld.idx.msk [tilespmem:v12+s1+$0x0], $0xffff  }
0x666: {  	v8 =	vor.u32 $0x5, v2;
	v10 =	vor.u32 $0x7, v0;
	v0 =	vor.u32 $0x7, v7;
	[tilespmem:s31+$0xA710] =	vst v17;
	v20 =	vld.idx.msk [tilespmem:v16+s1+$0x0], $0xffff  }
0x667: {  	p0 =	por $0x0, $0x0;
	v4 =	vor.u32 $0x4, v7;
	v5 =	vor.u32 $0x6, v7;
	[tilespmem:s31+$0xA720] =	vst v23;
	v12 =	vor.u32 $0x5, v7;
	v21 =	vld.idx.msk [tilespmem:v18+s1+$0x0], $0xffff  }
0x668: {  	_ =	sdelay $0x3  }
0x669: {  	s2 =	sshra.s32 s0, $0x2;
	v7 =	vld.idx.msk [tilespmem:v11+s1+$0x0], $0xffff  }
0x66a: {  	v2 =	vld [tilespmem:s2+$0x3B30]  }
0x66b: {  	v11 =	vld [tilespmem:s2+$0x3B00]  }
0x66c: {  	v17 =	vld [tilespmem:s2+$0x3B10]  }
0x66d: {  	v18 =	vld [tilespmem:s2+$0x3B20];
	[tilespmem:s31+$0xCB30] =	vst v19  }
0x66e: {  	v16 =	vld.idx.msk [tilespmem:v22+s1+$0x0], $0xffff;
	[tilespmem:s31+$0xCB00] =	vst v20  }
0x66f: {  	v19 =	vor.u32 $0x5, v14;
	v1 =	vld.idx.msk [tilespmem:v1+s1+$0x0], $0xffff;
	_ =	sdelay $0x1  }
0x670: {  	[tilespmem:s31+$0xCB10] =	vst v21;
	v2 =	vshll.u32 v2, $0x3  }
0x671: {  	[tilespmem:s31+$0xCB20] =	vst v7;
	v3 =	vld.idx.msk [tilespmem:v3+s1+$0x0], $0xffff;
	v21 =	vshll.u32 v11, $0x3  }
0x672: {  	v4 =	vld.idx.msk [tilespmem:v4+s1+$0x0], $0xffff;
	v7 =	vshll.u32 v17, $0x3;
	[tilespmem:s31+$0xEF30] =	vst v16  }
0x673: {  	v22 =	vshll.u32 v18, $0x3;
	v11 =	vld.idx.msk [tilespmem:v19+s1+$0x0], $0xffff;
	[tilespmem:s31+$0xEF00] =	vst v1  }
0x674: {  	v15 =	vld.idx.msk [tilespmem:v15+s1+$0x0], $0xffff  }
0x675: {  	v16 =	vld.idx.msk [tilespmem:v2+s1+$0x0], $0xffff  }
0x676: {  	v1 =	vor.u32 $0x6, v14;
	v17 =	vld.idx.msk [tilespmem:v21+s1+$0x0], $0xffff  }
0x677: {  	[tilespmem:s31+$0xEF10] =	vst v3;
	v3 =	vld.idx.msk [tilespmem:v7+s1+$0x0], $0xffff  }
0x678: {  	v18 =	vor.u32 $0x1, v2;
	[tilespmem:s31+$0xEF20] =	vst v4;
	v4 =	vld.idx.msk [tilespmem:v22+s1+$0x0], $0xffff  }
0x679: {  	v19 =	vor.u32 $0x1, v21;
	v8 =	vld.idx.msk [tilespmem:v8+s1+$0x0], $0xffff;
	[tilespmem:s31+$0x11330] =	vst v11  }
0x67a: {  	v20 =	vor.u32 $0x1, v7;
	v12 =	vld.idx.msk [tilespmem:v12+s1+$0x0], $0xffff;
	[tilespmem:s31+$0x11300] =	vst v15  }
0x67b: {  	v11 =	vor.u32 $0x1, v22;
	v1 =	vld.idx.msk [tilespmem:v1+s1+$0x0], $0xffff;
	[tilespmem:s2+$0x5F30] =	vst v16  }
0x67c: {  	v14 =	vor.u32 $0x7, v14;
	[tilespmem:s2+$0x5F00] =	vst v17;
	v9 =	vld.idx.msk [tilespmem:v9+s1+$0x0], $0xffff  }
0x67d: {  	[tilespmem:s2+$0x5F10] =	vst v3;
	v16 =	vld.idx.msk [tilespmem:v18+s1+$0x0], $0xffff  }
0x67e: {  	v3 =	vor.u32 $0x2, v2;
	[tilespmem:s2+$0x5F20] =	vst v4;
	v17 =	vld.idx.msk [tilespmem:v19+s1+$0x0], $0xffff  }
0x67f: {  	v15 =	vor.u32 $0x2, v21;
	[tilespmem:s31+$0x11310] =	vst v8;
	v18 =	vld.idx.msk [tilespmem:v20+s1+$0x0], $0xffff  }
0x680: {  	v4 =	vld.idx.msk [tilespmem:v11+s1+$0x0], $0xffff;
	[tilespmem:s31+$0x13730] =	vst v1  }
0x681: {  	v8 =	vor.u32 $0x2, v7;
	[tilespmem:s31+$0x11320] =	vst v12;
	v11 =	vld.idx.msk [tilespmem:v14+s1+$0x0], $0xffff  }
0x682: {  	v1 =	vor.u32 $0x2, v22;
	[tilespmem:s2+$0x8330] =	vst v16;
	v16 =	vld.idx.msk [tilespmem:v5+s1+$0x0], $0xffff  }
0x683: {  	[tilespmem:s2+$0x8300] =	vst v17;
	v3 =	vld.idx.msk [tilespmem:v3+s1+$0x0], $0xffff  }
0x684: {  	v12 =	vor.u32 $0x3, v2;
	[tilespmem:s31+$0x13700] =	vst v9;
	v14 =	vld.idx.msk [tilespmem:v15+s1+$0x0], $0xffff  }
0x685: {  	[tilespmem:s2+$0x8310] =	vst v18;
	v18 =	vor.u32 $0x3, v21;
	v15 =	vld.idx.msk [tilespmem:v6+s1+$0x0], $0xffff  }
0x686: {  	v23 =	vld.idx.msk [tilespmem:v8+s1+$0x0], $0xffff;
	[tilespmem:s2+$0x8320] =	vst v4  }
0x687: {  	p3 =	por $0x1, $0x1;
	v25 =	vor.u32 $0x3, v7;
	v24 =	vld.idx.msk [tilespmem:v1+s1+$0x0], $0xffff;
	[tilespmem:s31+$0x15B30] =	vst v11  }
.Ltmp33:
0x688: {  	v9 =	vor.u32 $0x6, v21;
	v17 =	vld.idx.msk [tilespmem:v10+s1+$0x0], $0xffff;
	v11 =	vor.u32 $0x3, v22;
	[tilespmem:s2+$0xA730] =	vst v3;
	(pc) =	sbr.rel @!p3 .LBB2_68-.Ltmp33, $4  }
0x689: {  	v5 =	vor.u32 $0x5, v21;
	v10 =	vor.u32 $0x7, v21;
	v8 =	vor.u32 $0x5, v7;
	[tilespmem:s2+$0xA700] =	vst v14;
	v19 =	vld.idx.msk [tilespmem:v12+s1+$0x0], $0xffff  }
0x68a: {  	v6 =	vor.u32 $0x6, v7;
	v4 =	vor.u32 $0x4, v22;
	[tilespmem:s31+$0x13710] =	vst v15;
	v15 =	vor.u32 $0x7, v22;
	v20 =	vld.idx.msk [tilespmem:v18+s1+$0x0], $0xffff  }
0x68b: {  	s14 =	simm.s32 $0x4;
	[tilespmem:s2+$0xA710] =	vst v23;
	v12 =	vor.u32 $0x5, v22;
	v18 =	vld.idx.msk [tilespmem:v13+s1+$0x0], $0xffff;
	v13 =	vor.u32 $0x6, v22;
	v22 =	vor.u32 $0x4, v2  }
0x68c: {  	s15 =	sadd.s32 $0x100, s0;
	p2 =	por $0x1, $0x1;
	s0 =	simm.s32 $0x0;
	v1 =	vor.u32 $0x4, v21;
	v3 =	vor.u32 $0x4, v7;
	v7 =	vor.u32 $0x7, v7;
	v21 =	vld.idx.msk [tilespmem:v25+s1+$0x0], $0xffff;
	[tilespmem:s2+$0xA720] =	vst v24  }
.LBB2_69:
0x68d: {  	s17 =	sshra.s32 s15, $0x2;
	s14 =	sadd.s32 $0x4, s14;
	v11 =	vld.idx.msk [tilespmem:v11+s1+$0x0], $0xffff;
	[tilespmem:s31+$0x13720] =	vst v16  }
0x68e: {  	v14 =	vld [tilespmem:s17+$0x3B30];
	p3 =	slt.u32 s14, $0x20;
	[tilespmem:s31+$0x15B00] =	vst v17  }
0x68f: {  	v16 =	vld [tilespmem:s17+$0x3B00];
	[tilespmem:s2+$0xCB30] =	vst v19  }
0x690: {  	[tilespmem:s2+$0xCB00] =	vst v20;
	v17 =	vld.idx.msk [tilespmem:v22+s1+$0x0], $0xffff  }
0x691: {  	v19 =	vld [tilespmem:s17+$0x3B10];
	[tilespmem:s31+$0x15B10] =	vst v18  }
0x692: {  	v20 =	vor.u32 $0x5, v2;
	v18 =	vld [tilespmem:s17+$0x3B20];
	[tilespmem:s2+$0xCB10] =	vst v21  }
0x693: {  	v14 =	vshll.u32 v14, $0x3;
	v21 =	vld.idx.msk [tilespmem:v1+s1+$0x0], $0xffff;
	[tilespmem:s2+$0xCB20] =	vst v11  }
0x694: {  	v16 =	vshll.u32 v16, $0x3;
	v22 =	vld.idx.msk [tilespmem:v3+s1+$0x0], $0xffff  }
0x695: {  	v23 =	vor.u32 $0x1, v16;
	v24 =	vor.u32 $0x2, v16;
	v25 =	vor.u32 $0x3, v16;
	v26 =	vld.idx.msk [tilespmem:v4+s1+$0x0], $0xffff  }
0x696: {  	v1 =	vor.u32 $0x4, v16;
	v27 =	vor.u32 $0x5, v16;
	v19 =	vshll.u32 v19, $0x3;
	[tilespmem:s2+$0xEF30] =	vst v17;
	v17 =	vld.idx.msk [tilespmem:v0+s0+$0x0], $0xffff;
	v0 =	vmovc v15;
	s0 =	smov.u32 s1  }
0x697: {  	s1 =	simm.s32 $0x0;
	v28 =	vor.u32 $0x1, v19;
	v29 =	vor.u32 $0x2, v19;
	v15 =	vshll.u32 v18, $0x3;
	v18 =	vld.idx.msk [tilespmem:v20+s0+$0x0], $0xffff  }
0x698: {  	v30 =	vor.u32 $0x3, v19;
	v20 =	vor.u32 $0x1, v15;
	v31 =	vor.u32 $0x2, v15;
	v32 =	vld.idx.msk [tilespmem:v14+s1+$0x0], $0xffff  }
0x699: {  	v3 =	vor.u32 $0x4, v19;
	v11 =	vor.u32 $0x3, v15;
	v33 =	vld.idx.msk [tilespmem:v16+s1+$0x0], $0xffff;
	[tilespmem:s2+$0xEF00] =	vst v21;
	v21 =	vor.u32 $0x6, v2  }
0x69a: {  	v35 =	vor.u32 $0x1, v14;
	v34 =	vor.u32 $0x5, v19;
	v4 =	vor.u32 $0x4, v15;
	v36 =	vld.idx.msk [tilespmem:v5+s0+$0x0], $0xffff;
	[tilespmem:s2+$0xEF10] =	vst v22;
	v5 =	vmovc v27  }
0x69b: {  	v37 =	vor.u32 $0x6, v19;
	v38 =	vor.u32 $0x5, v15;
	v22 =	vor.u32 $0x6, v16;
	v27 =	vld.idx.msk [tilespmem:v19+s1+$0x0], $0xffff;
	[tilespmem:s2+$0xEF20] =	vst v26  }
0x69c: {  	v39 =	vor.u32 $0x7, v19;
	v26 =	vor.u32 $0x7, v16;
	v19 =	vor.u32 $0x6, v15;
	v16 =	vld.idx.msk [tilespmem:v15+s1+$0x0], $0xffff;
	[tilespmem:s31+$0x15B20] =	vst v17;
	s31 =	smov.u32 s2;
	s2 =	smov.u32 s17  }
0x69d: {  	v15 =	vor.u32 $0x7, v15;
	v17 =	vld.idx.msk [tilespmem:v8+s0+$0x0], $0xffff;
	[tilespmem:s31+$0x11330] =	vst v18;
	v8 =	vmov v34  }
0x69e: {  	[tilespmem:s2+$0x5F30] =	vst v32;
	v18 =	vld.idx.msk [tilespmem:v21+s0+$0x0], $0xffff  }
0x69f: {  	[tilespmem:s2+$0x5F00] =	vst v33;
	v21 =	vld.idx.msk [tilespmem:v35+s1+$0x0], $0xffff  }
0x6a0: {  	v32 =	vor.u32 $0x7, v2;
	v2 =	vmov v14;
	v23 =	vld.idx.msk [tilespmem:v23+s1+$0x0], $0xffff;
	[tilespmem:s31+$0x11300] =	vst v36  }
0x6a1: {  	v14 =	vor.u32 $0x2, v2;
	[tilespmem:s2+$0x5F10] =	vst v27;
	v27 =	vld.idx.msk [tilespmem:v12+s0+$0x0], $0xffff;
	v12 =	vmov v38  }
0x6a2: {  	v28 =	vld.idx.msk [tilespmem:v28+s1+$0x0], $0xffff;
	[tilespmem:s2+$0x5F20] =	vst v16  }
0x6a3: {  	v16 =	vld.idx.msk [tilespmem:v20+s1+$0x0], $0xffff;
	[tilespmem:s31+$0x11310] =	vst v17  }
0x6a4: {  	v17 =	vld.idx.msk [tilespmem:v9+s0+$0x0], $0xffff;
	[tilespmem:s31+$0x13730] =	vst v18;
	v9 =	vmov v22  }
0x6a5: {  	[tilespmem:s2+$0x8330] =	vst v21;
	v18 =	vld.idx.msk [tilespmem:v32+s0+$0x0], $0xffff  }
0x6a6: {  	[tilespmem:s2+$0x8300] =	vst v23;
	v14 =	vld.idx.msk [tilespmem:v14+s1+$0x0], $0xffff  }
0x6a7: {  	v20 =	vld.idx.msk [tilespmem:v24+s1+$0x0], $0xffff;
	[tilespmem:s31+$0x11320] =	vst v27  }
0x6a8: {  	v21 =	vor.u32 $0x3, v2;
	[tilespmem:s2+$0x8310] =	vst v28;
	v22 =	vld.idx.msk [tilespmem:v6+s0+$0x0], $0xffff;
	v6 =	vmov v37  }
0x6a9: {  	v23 =	vld.idx.msk [tilespmem:v29+s1+$0x0], $0xffff;
	[tilespmem:s2+$0x8320] =	vst v16  }
0x6aa: {  	v24 =	vld.idx.msk [tilespmem:v31+s1+$0x0], $0xffff;
	[tilespmem:s31+$0x13700] =	vst v17  }
0x6ab: {  	v16 =	vld.idx.msk [tilespmem:v13+s0+$0x0], $0xffff;
	[tilespmem:s31+$0x15B30] =	vst v18;
	v13 =	vmov v19  }
.Ltmp34:
0x6ac: {  	[tilespmem:s2+$0xA730] =	vst v14;
	v17 =	vld.idx.msk [tilespmem:v10+s0+$0x0], $0xffff;
	v10 =	vmov v26;
	(pc) =	sbr.rel @p3 .LBB2_69-.Ltmp34, $4  }
0x6ad: {  	[tilespmem:s2+$0xA700] =	vst v20;
	v19 =	vld.idx.msk [tilespmem:v21+s1+$0x0], $0xffff  }
0x6ae: {  	v20 =	vld.idx.msk [tilespmem:v25+s1+$0x0], $0xffff;
	[tilespmem:s31+$0x13710] =	vst v22  }
0x6af: {  	v22 =	vor.u32 $0x4, v2;
	[tilespmem:s2+$0xA710] =	vst v23;
	v18 =	vld.idx.msk [tilespmem:v7+s0+$0x0], $0xffff;
	v7 =	vmov v39  }
0x6b0: {  	s15 =	sadd.s32 $0x100, s15;
	v21 =	vld.idx.msk [tilespmem:v30+s1+$0x0], $0xffff;
	[tilespmem:s2+$0xA720] =	vst v24  }
0x6b1: {  	v23 =	vmov v0  }
0x6b2: {  	s14 =	smov.u32 s31;
	s31 =	smov.u32 s2;
	v14 =	vmovc v2;
	v0 =	vmovc v15;
	v15 =	vmov v5;
	v5 =	vmov v13;
	v13 =	vmov v7  }
.LBB2_71:
0x6b3: {  	_ =	sdelay $0x3  }
0x6b4: {  	v2 =	vld.idx.msk [tilespmem:v11+s1+$0x0], $0xffff;
	_ =	sdelay $0x1  }
0x6b5: {  	[tilespmem:s31+$0xCB30] =	vst v19  }
0x6b6: {  	[tilespmem:s31+$0xCB00] =	vst v20;
	v7 =	vld.idx.msk [tilespmem:v22+s1+$0x0], $0xffff  }
0x6b7: {  	v11 =	vor.u32 $0x5, v14;
	v1 =	vld.idx.msk [tilespmem:v1+s1+$0x0], $0xffff;
	[tilespmem:s31+$0xCB10] =	vst v21  }
0x6b8: {  	[tilespmem:s31+$0xCB20] =	vst v2;
	v2 =	vld.idx.msk [tilespmem:v3+s1+$0x0], $0xffff  }
0x6b9: {  	v3 =	vld.idx.msk [tilespmem:v4+s1+$0x0], $0xffff;
	_ =	sdelay $0x1  }
0x6ba: {  	[tilespmem:s31+$0xEF30] =	vst v7  }
0x6bb: {  	[tilespmem:s31+$0xEF00] =	vst v1;
	v4 =	vld.idx.msk [tilespmem:v11+s1+$0x0], $0xffff  }
0x6bc: {  	v1 =	vor.u32 $0x6, v14;
	v7 =	vld.idx.msk [tilespmem:v15+s1+$0x0], $0xffff;
	[tilespmem:s31+$0xEF10] =	vst v2  }
0x6bd: {  	[tilespmem:s31+$0xEF20] =	vst v3;
	v2 =	vld.idx.msk [tilespmem:v8+s1+$0x0], $0xffff  }
0x6be: {  	v3 =	vld.idx.msk [tilespmem:v12+s1+$0x0], $0xffff;
	_ =	sdelay $0x1  }
0x6bf: {  	[tilespmem:s31+$0x11330] =	vst v4  }
0x6c0: {  	[tilespmem:s31+$0x11300] =	vst v7;
	v1 =	vld.idx.msk [tilespmem:v1+s1+$0x0], $0xffff  }
0x6c1: {  	v4 =	vor.u32 $0x7, v14;
	[tilespmem:s31+$0x11310] =	vst v2;
	v2 =	vld.idx.msk [tilespmem:v9+s1+$0x0], $0xffff  }
0x6c2: {  	[tilespmem:s31+$0x11320] =	vst v3;
	v3 =	vld.idx.msk [tilespmem:v6+s1+$0x0], $0xffff  }
0x6c3: {  	[tilespmem:s14+$0x13720] =	vst @p2 v16;
	v5 =	vld.idx.msk [tilespmem:v5+s1+$0x0], $0xffff  }
0x6c4: {  	[tilespmem:s14+$0x15B00] =	vst @p2 v17  }
0x6c5: {  	v6 =	vld.idx.msk @p2 [tilespmem:v23+s0+$0x0], $0xffff;
	[tilespmem:s31+$0x13730] =	vst v1  }
0x6c6: {  	v1 =	vld.idx.msk [tilespmem:v4+s1+$0x0], $0xffff;
	[tilespmem:s31+$0x13700] =	vst v2  }
0x6c7: {  	v2 =	vld.idx.msk [tilespmem:v10+s1+$0x0], $0xffff;
	[tilespmem:s31+$0x13710] =	vst v3  }
0x6c8: {  	v3 =	vld.idx.msk [tilespmem:v13+s1+$0x0], $0xffff;
	[tilespmem:s31+$0x13720] =	vst v5  }
0x6c9: {  	[tilespmem:s14+$0x15B10] =	vst @p2 v18;
	v0 =	vld.idx.msk [tilespmem:v0+s1+$0x0], $0xffff  }
0x6ca: {  	[tilespmem:s14+$0x15B20] =	vst @p2 v6  }
0x6cb: {  	[tilespmem:s31+$0x15B30] =	vst v1  }
0x6cc: {  	[tilespmem:s31+$0x15B00] =	vst v2  }
0x6cd: {  	[tilespmem:s31+$0x15B10] =	vst v3  }
0x6ce: {  	[tilespmem:s31+$0x15B20] =	vst v0;
	s31 =	sshra.s32 s1, $0x2  }
0x6cf: {  	v0 =	vld [tilespmem:s31+$0x3D70]  }
0x6d0: {  	v1 =	vld [tilespmem:s31+$0x3D40]  }
0x6d1: {  	v2 =	vld [tilespmem:s31+$0x3D50]  }
0x6d2: {  	v3 =	vld [tilespmem:s31+$0x3D60];
	_ =	sdelay $0x1  }
0x6d3: {  	v14 =	vshll.u32 v0, $0x3  }
0x6d4: {  	v0 =	vshll.u32 v1, $0x3  }
0x6d5: {  	v1 =	vshll.u32 v2, $0x3  }
0x6d6: {  	v7 =	vshll.u32 v3, $0x3;
	_ =	sdelay $0x1  }
0x6d7: {  	v2 =	vld.idx.msk [tilespmem:v14+s1+$0x0], $0xffff  }
0x6d8: {  	v4 =	vor.u32 $0x1, v14;
	v3 =	vld.idx.msk [tilespmem:v0+s1+$0x0], $0xffff  }
0x6d9: {  	v5 =	vor.u32 $0x1, v0;
	v6 =	vld.idx.msk [tilespmem:v1+s1+$0x0], $0xffff  }
0x6da: {  	v8 =	vor.u32 $0x1, v1;
	v9 =	vld.idx.msk [tilespmem:v7+s1+$0x0], $0xffff  }
0x6db: {  	v10 =	vor.u32 $0x1, v7  }
0x6dc: {  	[tilespmem:s31+$0x6170] =	vst v2  }
0x6dd: {  	[tilespmem:s31+$0x6140] =	vst v3;
	v2 =	vld.idx.msk [tilespmem:v4+s1+$0x0], $0xffff  }
0x6de: {  	[tilespmem:s31+$0x6150] =	vst v6;
	v3 =	vld.idx.msk [tilespmem:v5+s1+$0x0], $0xffff;
	v4 =	vor.u32 $0x2, v14  }
0x6df: {  	[tilespmem:s31+$0x6160] =	vst v9;
	v5 =	vor.u32 $0x2, v0;
	v6 =	vld.idx.msk [tilespmem:v8+s1+$0x0], $0xffff  }
0x6e0: {  	v8 =	vor.u32 $0x2, v1;
	v9 =	vld.idx.msk [tilespmem:v10+s1+$0x0], $0xffff  }
0x6e1: {  	v10 =	vor.u32 $0x2, v7  }
0x6e2: {  	[tilespmem:s31+$0x8570] =	vst v2  }
0x6e3: {  	[tilespmem:s31+$0x8540] =	vst v3;
	v4 =	vld.idx.msk [tilespmem:v4+s1+$0x0], $0xffff  }
0x6e4: {  	v12 =	vor.u32 $0x3, v14;
	[tilespmem:s31+$0x8550] =	vst v6;
	v5 =	vld.idx.msk [tilespmem:v5+s1+$0x0], $0xffff  }
0x6e5: {  	v16 =	vor.u32 $0x3, v0;
	[tilespmem:s31+$0x8560] =	vst v9;
	v17 =	vld.idx.msk [tilespmem:v8+s1+$0x0], $0xffff  }
0x6e6: {  	v18 =	vor.u32 $0x3, v1;
	v23 =	vld.idx.msk [tilespmem:v10+s1+$0x0], $0xffff  }
.Ltmp35:
0x6e7: {  	v15 =	vor.u32 $0x5, v0;
	v11 =	vor.u32 $0x3, v7;
	(pc) =	sbr.rel @!p1 .LBB2_72-.Ltmp35, $4  }
0x6e8: {  	v13 =	vor.u32 $0x7, v1;
	v22 =	vor.u32 $0x4, v14;
	v2 =	vor.u32 $0x4, v0;
	[tilespmem:s31+$0xA970] =	vst v4  }
0x6e9: {  	v3 =	vor.u32 $0x4, v1;
	v9 =	vor.u32 $0x5, v1;
	v6 =	vor.u32 $0x6, v1;
	[tilespmem:s31+$0xA940] =	vst v5;
	v19 =	vld.idx.msk [tilespmem:v12+s1+$0x0], $0xffff  }
0x6ea: {  	v10 =	vor.u32 $0x6, v0;
	v8 =	vor.u32 $0x7, v0;
	v0 =	vor.u32 $0x7, v7;
	[tilespmem:s31+$0xA950] =	vst v17;
	v20 =	vld.idx.msk [tilespmem:v16+s1+$0x0], $0xffff  }
0x6eb: {  	s0 =	sadd.s32 $0x100, s1;
	v4 =	vor.u32 $0x4, v7;
	v5 =	vor.u32 $0x6, v7;
	[tilespmem:s31+$0xA960] =	vst v23;
	v12 =	vor.u32 $0x5, v7;
	v21 =	vld.idx.msk [tilespmem:v18+s1+$0x0], $0xffff  }
0x6ec: {  	_ =	sdelay $0x3  }
0x6ed: {  	s2 =	sshra.s32 s0, $0x2;
	v7 =	vld.idx.msk [tilespmem:v11+s1+$0x0], $0xffff  }
0x6ee: {  	v1 =	vld [tilespmem:s2+$0x3D70]  }
0x6ef: {  	v11 =	vld [tilespmem:s2+$0x3D40]  }
0x6f0: {  	v17 =	vld [tilespmem:s2+$0x3D50]  }
0x6f1: {  	v18 =	vld [tilespmem:s2+$0x3D60];
	[tilespmem:s31+$0xCD70] =	vst v19  }
0x6f2: {  	v16 =	vld.idx.msk [tilespmem:v22+s1+$0x0], $0xffff;
	[tilespmem:s31+$0xCD40] =	vst v20  }
0x6f3: {  	v19 =	vor.u32 $0x5, v14;
	v2 =	vld.idx.msk [tilespmem:v2+s1+$0x0], $0xffff;
	_ =	sdelay $0x1  }
0x6f4: {  	[tilespmem:s31+$0xCD50] =	vst v21;
	v1 =	vshll.u32 v1, $0x3  }
0x6f5: {  	[tilespmem:s31+$0xCD60] =	vst v7;
	v3 =	vld.idx.msk [tilespmem:v3+s1+$0x0], $0xffff;
	v21 =	vshll.u32 v11, $0x3  }
0x6f6: {  	v4 =	vld.idx.msk [tilespmem:v4+s1+$0x0], $0xffff;
	v7 =	vshll.u32 v17, $0x3;
	[tilespmem:s31+$0xF170] =	vst v16  }
0x6f7: {  	v22 =	vshll.u32 v18, $0x3;
	v11 =	vld.idx.msk [tilespmem:v19+s1+$0x0], $0xffff;
	[tilespmem:s31+$0xF140] =	vst v2  }
0x6f8: {  	v15 =	vld.idx.msk [tilespmem:v15+s1+$0x0], $0xffff  }
0x6f9: {  	v16 =	vld.idx.msk [tilespmem:v1+s1+$0x0], $0xffff  }
0x6fa: {  	v2 =	vor.u32 $0x6, v14;
	v17 =	vld.idx.msk [tilespmem:v21+s1+$0x0], $0xffff  }
0x6fb: {  	[tilespmem:s31+$0xF150] =	vst v3;
	v3 =	vld.idx.msk [tilespmem:v7+s1+$0x0], $0xffff  }
0x6fc: {  	v18 =	vor.u32 $0x1, v1;
	[tilespmem:s31+$0xF160] =	vst v4;
	v4 =	vld.idx.msk [tilespmem:v22+s1+$0x0], $0xffff  }
0x6fd: {  	v19 =	vor.u32 $0x1, v21;
	v9 =	vld.idx.msk [tilespmem:v9+s1+$0x0], $0xffff;
	[tilespmem:s31+$0x11570] =	vst v11  }
0x6fe: {  	v20 =	vor.u32 $0x1, v7;
	v12 =	vld.idx.msk [tilespmem:v12+s1+$0x0], $0xffff;
	[tilespmem:s31+$0x11540] =	vst v15  }
0x6ff: {  	v11 =	vor.u32 $0x1, v22;
	v2 =	vld.idx.msk [tilespmem:v2+s1+$0x0], $0xffff;
	[tilespmem:s2+$0x6170] =	vst v16  }
0x700: {  	v14 =	vor.u32 $0x7, v14;
	[tilespmem:s2+$0x6140] =	vst v17;
	v10 =	vld.idx.msk [tilespmem:v10+s1+$0x0], $0xffff  }
0x701: {  	[tilespmem:s2+$0x6150] =	vst v3;
	v16 =	vld.idx.msk [tilespmem:v18+s1+$0x0], $0xffff  }
0x702: {  	v3 =	vor.u32 $0x2, v1;
	[tilespmem:s2+$0x6160] =	vst v4;
	v17 =	vld.idx.msk [tilespmem:v19+s1+$0x0], $0xffff  }
0x703: {  	v15 =	vor.u32 $0x2, v21;
	[tilespmem:s31+$0x11550] =	vst v9;
	v18 =	vld.idx.msk [tilespmem:v20+s1+$0x0], $0xffff  }
0x704: {  	v4 =	vld.idx.msk [tilespmem:v11+s1+$0x0], $0xffff;
	[tilespmem:s31+$0x13970] =	vst v2  }
0x705: {  	v9 =	vor.u32 $0x2, v7;
	[tilespmem:s31+$0x11560] =	vst v12;
	v11 =	vld.idx.msk [tilespmem:v14+s1+$0x0], $0xffff  }
0x706: {  	v2 =	vor.u32 $0x2, v22;
	[tilespmem:s2+$0x8570] =	vst v16;
	v16 =	vld.idx.msk [tilespmem:v5+s1+$0x0], $0xffff  }
0x707: {  	[tilespmem:s2+$0x8540] =	vst v17;
	v3 =	vld.idx.msk [tilespmem:v3+s1+$0x0], $0xffff  }
0x708: {  	v12 =	vor.u32 $0x3, v1;
	[tilespmem:s31+$0x13940] =	vst v10;
	v14 =	vld.idx.msk [tilespmem:v15+s1+$0x0], $0xffff  }
0x709: {  	[tilespmem:s2+$0x8550] =	vst v18;
	v18 =	vor.u32 $0x3, v21;
	v15 =	vld.idx.msk [tilespmem:v6+s1+$0x0], $0xffff  }
0x70a: {  	v23 =	vld.idx.msk [tilespmem:v9+s1+$0x0], $0xffff;
	[tilespmem:s2+$0x8560] =	vst v4  }
0x70b: {  	p1 =	por $0x1, $0x1;
	v25 =	vor.u32 $0x3, v7;
	v24 =	vld.idx.msk [tilespmem:v2+s1+$0x0], $0xffff;
	[tilespmem:s31+$0x15D70] =	vst v11  }
.Ltmp36:
0x70c: {  	v10 =	vor.u32 $0x6, v21;
	v17 =	vld.idx.msk [tilespmem:v8+s1+$0x0], $0xffff;
	v11 =	vor.u32 $0x3, v22;
	[tilespmem:s2+$0xA970] =	vst v3;
	(pc) =	sbr.rel @!p1 .LBB2_74-.Ltmp36, $4  }
0x70d: {  	v5 =	vor.u32 $0x5, v21;
	v8 =	vor.u32 $0x7, v21;
	v9 =	vor.u32 $0x5, v7;
	[tilespmem:s2+$0xA940] =	vst v14;
	v19 =	vld.idx.msk [tilespmem:v12+s1+$0x0], $0xffff  }
0x70e: {  	v6 =	vor.u32 $0x6, v7;
	v4 =	vor.u32 $0x4, v22;
	[tilespmem:s31+$0x13950] =	vst v15;
	v15 =	vor.u32 $0x7, v22;
	v20 =	vld.idx.msk [tilespmem:v18+s1+$0x0], $0xffff  }
0x70f: {  	s15 =	simm.s32 $0x4;
	[tilespmem:s2+$0xA950] =	vst v23;
	v12 =	vor.u32 $0x5, v22;
	v18 =	vld.idx.msk [tilespmem:v13+s1+$0x0], $0xffff;
	v13 =	vor.u32 $0x6, v22;
	v22 =	vor.u32 $0x4, v1  }
0x710: {  	s17 =	sadd.s32 $0x100, s0;
	p0 =	por $0x1, $0x1;
	s14 =	smov.u32 s31;
	v2 =	vor.u32 $0x4, v21;
	v3 =	vor.u32 $0x4, v7;
	v7 =	vor.u32 $0x7, v7;
	v21 =	vld.idx.msk [tilespmem:v25+s1+$0x0], $0xffff;
	[tilespmem:s2+$0xA960] =	vst v24  }
.LBB2_75:
0x711: {  	s20 =	sshra.s32 s17, $0x2;
	s15 =	sadd.s32 $0x4, s15;
	v11 =	vld.idx.msk [tilespmem:v11+s1+$0x0], $0xffff;
	[tilespmem:s14+$0x13960] =	vst v16  }
0x712: {  	v14 =	vld [tilespmem:s20+$0x3D70];
	p1 =	slt.u32 s15, $0x20;
	[tilespmem:s14+$0x15D40] =	vst v17  }
0x713: {  	v16 =	vld [tilespmem:s20+$0x3D40];
	[tilespmem:s2+$0xCD70] =	vst v19  }
0x714: {  	[tilespmem:s2+$0xCD40] =	vst v20;
	v17 =	vld.idx.msk [tilespmem:v22+s1+$0x0], $0xffff  }
0x715: {  	v19 =	vld [tilespmem:s20+$0x3D50];
	[tilespmem:s14+$0x15D50] =	vst v18  }
0x716: {  	v20 =	vor.u32 $0x5, v1;
	v18 =	vld [tilespmem:s20+$0x3D60];
	[tilespmem:s2+$0xCD50] =	vst v21  }
0x717: {  	v14 =	vshll.u32 v14, $0x3;
	v21 =	vld.idx.msk [tilespmem:v2+s1+$0x0], $0xffff;
	[tilespmem:s2+$0xCD60] =	vst v11  }
0x718: {  	v16 =	vshll.u32 v16, $0x3;
	v22 =	vld.idx.msk [tilespmem:v3+s1+$0x0], $0xffff  }
0x719: {  	v23 =	vor.u32 $0x1, v16;
	v24 =	vor.u32 $0x2, v16;
	v25 =	vor.u32 $0x3, v16;
	v26 =	vld.idx.msk [tilespmem:v4+s1+$0x0], $0xffff  }
0x71a: {  	v2 =	vor.u32 $0x4, v16;
	v27 =	vor.u32 $0x5, v16;
	v19 =	vshll.u32 v19, $0x3;
	[tilespmem:s2+$0xF170] =	vst v17;
	v17 =	vld.idx.msk [tilespmem:v0+s1+$0x0], $0xffff;
	v0 =	vmovc v15  }
0x71b: {  	v28 =	vor.u32 $0x1, v19;
	v29 =	vor.u32 $0x2, v19;
	v15 =	vshll.u32 v18, $0x3;
	v18 =	vld.idx.msk [tilespmem:v20+s1+$0x0], $0xffff  }
0x71c: {  	v30 =	vor.u32 $0x3, v19;
	v20 =	vor.u32 $0x1, v15;
	v31 =	vor.u32 $0x2, v15;
	v32 =	vld.idx.msk [tilespmem:v14+s1+$0x0], $0xffff  }
0x71d: {  	v3 =	vor.u32 $0x4, v19;
	v11 =	vor.u32 $0x3, v15;
	v33 =	vld.idx.msk [tilespmem:v16+s1+$0x0], $0xffff;
	[tilespmem:s2+$0xF140] =	vst v21;
	v21 =	vor.u32 $0x6, v1  }
0x71e: {  	v35 =	vor.u32 $0x1, v14;
	v34 =	vor.u32 $0x5, v19;
	v4 =	vor.u32 $0x4, v15;
	v36 =	vld.idx.msk [tilespmem:v5+s1+$0x0], $0xffff;
	[tilespmem:s2+$0xF150] =	vst v22;
	v5 =	vmovc v27  }
0x71f: {  	v37 =	vor.u32 $0x6, v19;
	v38 =	vor.u32 $0x5, v15;
	v22 =	vor.u32 $0x6, v16;
	v27 =	vld.idx.msk [tilespmem:v19+s1+$0x0], $0xffff;
	[tilespmem:s2+$0xF160] =	vst v26  }
0x720: {  	v39 =	vor.u32 $0x7, v19;
	v26 =	vor.u32 $0x7, v16;
	v19 =	vor.u32 $0x6, v15;
	v16 =	vld.idx.msk [tilespmem:v15+s1+$0x0], $0xffff;
	[tilespmem:s14+$0x15D60] =	vst v17;
	s14 =	smov.u32 s2;
	s2 =	smov.u32 s20  }
0x721: {  	v15 =	vor.u32 $0x7, v15;
	v17 =	vld.idx.msk [tilespmem:v9+s1+$0x0], $0xffff;
	[tilespmem:s14+$0x11570] =	vst v18;
	v9 =	vmov v34  }
0x722: {  	[tilespmem:s2+$0x6170] =	vst v32;
	v18 =	vld.idx.msk [tilespmem:v21+s1+$0x0], $0xffff  }
0x723: {  	[tilespmem:s2+$0x6140] =	vst v33;
	v21 =	vld.idx.msk [tilespmem:v35+s1+$0x0], $0xffff  }
0x724: {  	v32 =	vor.u32 $0x7, v1;
	v1 =	vmov v14;
	v23 =	vld.idx.msk [tilespmem:v23+s1+$0x0], $0xffff;
	[tilespmem:s14+$0x11540] =	vst v36  }
0x725: {  	v14 =	vor.u32 $0x2, v1;
	[tilespmem:s2+$0x6150] =	vst v27;
	v27 =	vld.idx.msk [tilespmem:v12+s1+$0x0], $0xffff;
	v12 =	vmov v38  }
0x726: {  	v28 =	vld.idx.msk [tilespmem:v28+s1+$0x0], $0xffff;
	[tilespmem:s2+$0x6160] =	vst v16  }
0x727: {  	v16 =	vld.idx.msk [tilespmem:v20+s1+$0x0], $0xffff;
	[tilespmem:s14+$0x11550] =	vst v17  }
0x728: {  	v17 =	vld.idx.msk [tilespmem:v10+s1+$0x0], $0xffff;
	[tilespmem:s14+$0x13970] =	vst v18;
	v10 =	vmov v22  }
0x729: {  	[tilespmem:s2+$0x8570] =	vst v21;
	v18 =	vld.idx.msk [tilespmem:v32+s1+$0x0], $0xffff  }
0x72a: {  	[tilespmem:s2+$0x8540] =	vst v23;
	v14 =	vld.idx.msk [tilespmem:v14+s1+$0x0], $0xffff  }
0x72b: {  	v20 =	vld.idx.msk [tilespmem:v24+s1+$0x0], $0xffff;
	[tilespmem:s14+$0x11560] =	vst v27  }
0x72c: {  	v21 =	vor.u32 $0x3, v1;
	[tilespmem:s2+$0x8550] =	vst v28;
	v22 =	vld.idx.msk [tilespmem:v6+s1+$0x0], $0xffff;
	v6 =	vmov v37  }
0x72d: {  	v23 =	vld.idx.msk [tilespmem:v29+s1+$0x0], $0xffff;
	[tilespmem:s2+$0x8560] =	vst v16  }
0x72e: {  	v24 =	vld.idx.msk [tilespmem:v31+s1+$0x0], $0xffff;
	[tilespmem:s14+$0x13940] =	vst v17  }
0x72f: {  	v16 =	vld.idx.msk [tilespmem:v13+s1+$0x0], $0xffff;
	[tilespmem:s14+$0x15D70] =	vst v18;
	v13 =	vmov v19  }
.Ltmp37:
0x730: {  	[tilespmem:s2+$0xA970] =	vst v14;
	v17 =	vld.idx.msk [tilespmem:v8+s1+$0x0], $0xffff;
	v8 =	vmov v26;
	(pc) =	sbr.rel @p1 .LBB2_75-.Ltmp37, $4  }
0x731: {  	[tilespmem:s2+$0xA940] =	vst v20;
	v19 =	vld.idx.msk [tilespmem:v21+s1+$0x0], $0xffff  }
0x732: {  	v20 =	vld.idx.msk [tilespmem:v25+s1+$0x0], $0xffff;
	[tilespmem:s14+$0x13950] =	vst v22  }
0x733: {  	v22 =	vor.u32 $0x4, v1;
	[tilespmem:s2+$0xA950] =	vst v23;
	v18 =	vld.idx.msk [tilespmem:v7+s1+$0x0], $0xffff;
	v7 =	vmov v39  }
0x734: {  	s17 =	sadd.s32 $0x100, s17;
	v21 =	vld.idx.msk [tilespmem:v30+s1+$0x0], $0xffff;
	[tilespmem:s2+$0xA960] =	vst v24  }
0x735: {  	v23 =	vmov v0  }
0x736: {  	v14 =	vmovc v1;
	v0 =	vmovc v15;
	v15 =	vmov v5;
	v5 =	vmov v13;
	v13 =	vmov v7  }
.LBB2_77:
0x737: {  	_ =	sdelay $0x3  }
0x738: {  	v1 =	vld.idx.msk [tilespmem:v11+s1+$0x0], $0xffff;
	_ =	sdelay $0x1  }
0x739: {  	[tilespmem:s2+$0xCD70] =	vst v19  }
0x73a: {  	[tilespmem:s2+$0xCD40] =	vst v20;
	v7 =	vld.idx.msk [tilespmem:v22+s1+$0x0], $0xffff  }
0x73b: {  	v11 =	vor.u32 $0x5, v14;
	v2 =	vld.idx.msk [tilespmem:v2+s1+$0x0], $0xffff;
	[tilespmem:s2+$0xCD50] =	vst v21  }
0x73c: {  	[tilespmem:s2+$0xCD60] =	vst v1;
	v1 =	vld.idx.msk [tilespmem:v3+s1+$0x0], $0xffff  }
0x73d: {  	v3 =	vld.idx.msk [tilespmem:v4+s1+$0x0], $0xffff;
	_ =	sdelay $0x1  }
0x73e: {  	[tilespmem:s2+$0xF170] =	vst v7  }
0x73f: {  	[tilespmem:s2+$0xF140] =	vst v2;
	v4 =	vld.idx.msk [tilespmem:v11+s1+$0x0], $0xffff  }
0x740: {  	v2 =	vor.u32 $0x6, v14;
	v7 =	vld.idx.msk [tilespmem:v15+s1+$0x0], $0xffff;
	[tilespmem:s2+$0xF150] =	vst v1  }
0x741: {  	[tilespmem:s2+$0xF160] =	vst v3;
	v1 =	vld.idx.msk [tilespmem:v9+s1+$0x0], $0xffff  }
0x742: {  	v3 =	vld.idx.msk [tilespmem:v12+s1+$0x0], $0xffff;
	_ =	sdelay $0x1  }
0x743: {  	[tilespmem:s2+$0x11570] =	vst v4  }
0x744: {  	[tilespmem:s2+$0x11540] =	vst v7;
	v2 =	vld.idx.msk [tilespmem:v2+s1+$0x0], $0xffff  }
0x745: {  	v4 =	vor.u32 $0x7, v14;
	[tilespmem:s2+$0x11550] =	vst v1;
	v1 =	vld.idx.msk [tilespmem:v10+s1+$0x0], $0xffff  }
0x746: {  	[tilespmem:s2+$0x11560] =	vst v3;
	v3 =	vld.idx.msk [tilespmem:v6+s1+$0x0], $0xffff  }
0x747: {  	[tilespmem:s14+$0x13960] =	vst @p0 v16;
	v5 =	vld.idx.msk [tilespmem:v5+s1+$0x0], $0xffff  }
0x748: {  	[tilespmem:s14+$0x15D40] =	vst @p0 v17  }
0x749: {  	v6 =	vld.idx.msk @p0 [tilespmem:v23+s1+$0x0], $0xffff;
	[tilespmem:s2+$0x13970] =	vst v2  }
0x74a: {  	v2 =	vld.idx.msk [tilespmem:v4+s1+$0x0], $0xffff;
	[tilespmem:s2+$0x13940] =	vst v1  }
0x74b: {  	v1 =	vld.idx.msk [tilespmem:v8+s1+$0x0], $0xffff;
	[tilespmem:s2+$0x13950] =	vst v3  }
0x74c: {  	v3 =	vld.idx.msk [tilespmem:v13+s1+$0x0], $0xffff;
	[tilespmem:s2+$0x13960] =	vst v5  }
0x74d: {  	[tilespmem:s14+$0x15D50] =	vst @p0 v18;
	v0 =	vld.idx.msk [tilespmem:v0+s1+$0x0], $0xffff  }
0x74e: {  	[tilespmem:s14+$0x15D60] =	vst @p0 v6  }
0x74f: {  	[tilespmem:s2+$0x15D70] =	vst v2  }
0x750: {  	[tilespmem:s2+$0x15D40] =	vst v1  }
0x751: {  	[tilespmem:s2+$0x15D50] =	vst v3  }
0x752: {  	[tilespmem:s2+$0x15D60] =	vst v0  }
0x753: {  	v0 =	vld [tilespmem:s31+$0x3FB0]  }
0x754: {  	v1 =	vld [tilespmem:s31+$0x3F80]  }
0x755: {  	v2 =	vld [tilespmem:s31+$0x3F90]  }
0x756: {  	v3 =	vld [tilespmem:s31+$0x3FA0];
	_ =	sdelay $0x1  }
0x757: {  	v14 =	vshll.u32 v0, $0x3  }
0x758: {  	v0 =	vshll.u32 v1, $0x3  }
0x759: {  	v2 =	vshll.u32 v2, $0x3  }
0x75a: {  	v7 =	vshll.u32 v3, $0x3  }
0x75b: {  	s1 =	simm.s32 $0x0  }
0x75c: {  	v1 =	vld.idx.msk [tilespmem:v14+s1+$0x0], $0xffff  }
0x75d: {  	v4 =	vor.u32 $0x1, v14;
	v3 =	vld.idx.msk [tilespmem:v0+s1+$0x0], $0xffff  }
0x75e: {  	v5 =	vor.u32 $0x1, v0;
	v6 =	vld.idx.msk [tilespmem:v2+s1+$0x0], $0xffff  }
0x75f: {  	v8 =	vor.u32 $0x1, v2;
	v9 =	vld.idx.msk [tilespmem:v7+s1+$0x0], $0xffff  }
0x760: {  	v10 =	vor.u32 $0x1, v7  }
0x761: {  	[tilespmem:s31+$0x63B0] =	vst v1  }
0x762: {  	[tilespmem:s31+$0x6380] =	vst v3;
	v1 =	vld.idx.msk [tilespmem:v4+s1+$0x0], $0xffff  }
0x763: {  	[tilespmem:s31+$0x6390] =	vst v6;
	v3 =	vld.idx.msk [tilespmem:v5+s1+$0x0], $0xffff;
	v4 =	vor.u32 $0x2, v14  }
0x764: {  	[tilespmem:s31+$0x63A0] =	vst v9;
	v5 =	vor.u32 $0x2, v0;
	v6 =	vld.idx.msk [tilespmem:v8+s1+$0x0], $0xffff  }
0x765: {  	v8 =	vor.u32 $0x2, v2;
	v9 =	vld.idx.msk [tilespmem:v10+s1+$0x0], $0xffff  }
0x766: {  	v10 =	vor.u32 $0x2, v7  }
0x767: {  	[tilespmem:s31+$0x87B0] =	vst v1  }
0x768: {  	[tilespmem:s31+$0x8780] =	vst v3;
	v4 =	vld.idx.msk [tilespmem:v4+s1+$0x0], $0xffff  }
0x769: {  	v12 =	vor.u32 $0x3, v14;
	[tilespmem:s31+$0x8790] =	vst v6;
	v5 =	vld.idx.msk [tilespmem:v5+s1+$0x0], $0xffff  }
0x76a: {  	v16 =	vor.u32 $0x3, v0;
	[tilespmem:s31+$0x87A0] =	vst v9;
	v17 =	vld.idx.msk [tilespmem:v8+s1+$0x0], $0xffff  }
0x76b: {  	p1 =	por $0x1, $0x1;
	v18 =	vor.u32 $0x3, v2;
	v23 =	vld.idx.msk [tilespmem:v10+s1+$0x0], $0xffff  }
.Ltmp38:
0x76c: {  	v15 =	vor.u32 $0x5, v0;
	v11 =	vor.u32 $0x3, v7;
	(pc) =	sbr.rel @!p1 .LBB2_78-.Ltmp38, $4  }
0x76d: {  	v13 =	vor.u32 $0x7, v2;
	v22 =	vor.u32 $0x4, v14;
	v1 =	vor.u32 $0x4, v0;
	[tilespmem:s31+$0xABB0] =	vst v4  }
0x76e: {  	v3 =	vor.u32 $0x4, v2;
	v9 =	vor.u32 $0x6, v0;
	v6 =	vor.u32 $0x6, v2;
	[tilespmem:s31+$0xAB80] =	vst v5;
	v19 =	vld.idx.msk [tilespmem:v12+s1+$0x0], $0xffff  }
0x76f: {  	v8 =	vor.u32 $0x5, v2;
	v10 =	vor.u32 $0x7, v0;
	v0 =	vor.u32 $0x7, v7;
	[tilespmem:s31+$0xAB90] =	vst v17;
	v20 =	vld.idx.msk [tilespmem:v16+s1+$0x0], $0xffff  }
0x770: {  	p0 =	por $0x0, $0x0;
	v4 =	vor.u32 $0x4, v7;
	v5 =	vor.u32 $0x6, v7;
	[tilespmem:s31+$0xABA0] =	vst v23;
	v12 =	vor.u32 $0x5, v7;
	v21 =	vld.idx.msk [tilespmem:v18+s1+$0x0], $0xffff  }
0x771: {  	_ =	sdelay $0x3  }
0x772: {  	s2 =	sshra.s32 s0, $0x2;
	v7 =	vld.idx.msk [tilespmem:v11+s1+$0x0], $0xffff  }
0x773: {  	v2 =	vld [tilespmem:s2+$0x3FB0]  }
0x774: {  	v11 =	vld [tilespmem:s2+$0x3F80]  }
0x775: {  	v17 =	vld [tilespmem:s2+$0x3F90]  }
0x776: {  	v18 =	vld [tilespmem:s2+$0x3FA0];
	[tilespmem:s31+$0xCFB0] =	vst v19  }
0x777: {  	v16 =	vld.idx.msk [tilespmem:v22+s1+$0x0], $0xffff;
	[tilespmem:s31+$0xCF80] =	vst v20  }
0x778: {  	v19 =	vor.u32 $0x5, v14;
	v1 =	vld.idx.msk [tilespmem:v1+s1+$0x0], $0xffff;
	_ =	sdelay $0x1  }
0x779: {  	[tilespmem:s31+$0xCF90] =	vst v21;
	v2 =	vshll.u32 v2, $0x3  }
0x77a: {  	[tilespmem:s31+$0xCFA0] =	vst v7;
	v3 =	vld.idx.msk [tilespmem:v3+s1+$0x0], $0xffff;
	v21 =	vshll.u32 v11, $0x3  }
0x77b: {  	v4 =	vld.idx.msk [tilespmem:v4+s1+$0x0], $0xffff;
	v7 =	vshll.u32 v17, $0x3;
	[tilespmem:s31+$0xF3B0] =	vst v16  }
0x77c: {  	v22 =	vshll.u32 v18, $0x3;
	v11 =	vld.idx.msk [tilespmem:v19+s1+$0x0], $0xffff;
	[tilespmem:s31+$0xF380] =	vst v1  }
0x77d: {  	v15 =	vld.idx.msk [tilespmem:v15+s1+$0x0], $0xffff  }
0x77e: {  	v16 =	vld.idx.msk [tilespmem:v2+s1+$0x0], $0xffff  }
0x77f: {  	v1 =	vor.u32 $0x6, v14;
	v17 =	vld.idx.msk [tilespmem:v21+s1+$0x0], $0xffff  }
0x780: {  	[tilespmem:s31+$0xF390] =	vst v3;
	v3 =	vld.idx.msk [tilespmem:v7+s1+$0x0], $0xffff  }
0x781: {  	v18 =	vor.u32 $0x1, v2;
	[tilespmem:s31+$0xF3A0] =	vst v4;
	v4 =	vld.idx.msk [tilespmem:v22+s1+$0x0], $0xffff  }
0x782: {  	v19 =	vor.u32 $0x1, v21;
	v8 =	vld.idx.msk [tilespmem:v8+s1+$0x0], $0xffff;
	[tilespmem:s31+$0x117B0] =	vst v11  }
0x783: {  	v20 =	vor.u32 $0x1, v7;
	v12 =	vld.idx.msk [tilespmem:v12+s1+$0x0], $0xffff;
	[tilespmem:s31+$0x11780] =	vst v15  }
0x784: {  	v11 =	vor.u32 $0x1, v22;
	v1 =	vld.idx.msk [tilespmem:v1+s1+$0x0], $0xffff;
	[tilespmem:s2+$0x63B0] =	vst v16  }
0x785: {  	v14 =	vor.u32 $0x7, v14;
	[tilespmem:s2+$0x6380] =	vst v17;
	v9 =	vld.idx.msk [tilespmem:v9+s1+$0x0], $0xffff  }
0x786: {  	[tilespmem:s2+$0x6390] =	vst v3;
	v16 =	vld.idx.msk [tilespmem:v18+s1+$0x0], $0xffff  }
0x787: {  	v3 =	vor.u32 $0x2, v2;
	[tilespmem:s2+$0x63A0] =	vst v4;
	v17 =	vld.idx.msk [tilespmem:v19+s1+$0x0], $0xffff  }
0x788: {  	v15 =	vor.u32 $0x2, v21;
	[tilespmem:s31+$0x11790] =	vst v8;
	v18 =	vld.idx.msk [tilespmem:v20+s1+$0x0], $0xffff  }
0x789: {  	v4 =	vld.idx.msk [tilespmem:v11+s1+$0x0], $0xffff;
	[tilespmem:s31+$0x13BB0] =	vst v1  }
0x78a: {  	v8 =	vor.u32 $0x2, v7;
	[tilespmem:s31+$0x117A0] =	vst v12;
	v11 =	vld.idx.msk [tilespmem:v14+s1+$0x0], $0xffff  }
0x78b: {  	v1 =	vor.u32 $0x2, v22;
	[tilespmem:s2+$0x87B0] =	vst v16;
	v16 =	vld.idx.msk [tilespmem:v5+s1+$0x0], $0xffff  }
0x78c: {  	[tilespmem:s2+$0x8780] =	vst v17;
	v3 =	vld.idx.msk [tilespmem:v3+s1+$0x0], $0xffff  }
0x78d: {  	v12 =	vor.u32 $0x3, v2;
	[tilespmem:s31+$0x13B80] =	vst v9;
	v14 =	vld.idx.msk [tilespmem:v15+s1+$0x0], $0xffff  }
0x78e: {  	[tilespmem:s2+$0x8790] =	vst v18;
	v18 =	vor.u32 $0x3, v21;
	v15 =	vld.idx.msk [tilespmem:v6+s1+$0x0], $0xffff  }
0x78f: {  	v23 =	vld.idx.msk [tilespmem:v8+s1+$0x0], $0xffff;
	[tilespmem:s2+$0x87A0] =	vst v4  }
0x790: {  	p3 =	por $0x1, $0x1;
	v25 =	vor.u32 $0x3, v7;
	v24 =	vld.idx.msk [tilespmem:v1+s1+$0x0], $0xffff;
	[tilespmem:s31+$0x15FB0] =	vst v11  }
.Ltmp39:
0x791: {  	v9 =	vor.u32 $0x6, v21;
	v17 =	vld.idx.msk [tilespmem:v10+s1+$0x0], $0xffff;
	v11 =	vor.u32 $0x3, v22;
	[tilespmem:s2+$0xABB0] =	vst v3;
	(pc) =	sbr.rel @!p3 .LBB2_80-.Ltmp39, $4  }
0x792: {  	v5 =	vor.u32 $0x5, v21;
	v10 =	vor.u32 $0x7, v21;
	v8 =	vor.u32 $0x5, v7;
	[tilespmem:s2+$0xAB80] =	vst v14;
	v19 =	vld.idx.msk [tilespmem:v12+s1+$0x0], $0xffff  }
0x793: {  	v6 =	vor.u32 $0x6, v7;
	v4 =	vor.u32 $0x4, v22;
	[tilespmem:s31+$0x13B90] =	vst v15;
	v15 =	vor.u32 $0x7, v22;
	v20 =	vld.idx.msk [tilespmem:v18+s1+$0x0], $0xffff  }
0x794: {  	s14 =	simm.s32 $0x4;
	[tilespmem:s2+$0xAB90] =	vst v23;
	v12 =	vor.u32 $0x5, v22;
	v18 =	vld.idx.msk [tilespmem:v13+s1+$0x0], $0xffff;
	v13 =	vor.u32 $0x6, v22;
	v22 =	vor.u32 $0x4, v2  }
0x795: {  	s15 =	sadd.s32 $0x100, s0;
	p2 =	por $0x1, $0x1;
	s0 =	simm.s32 $0x0;
	v1 =	vor.u32 $0x4, v21;
	v3 =	vor.u32 $0x4, v7;
	v7 =	vor.u32 $0x7, v7;
	v21 =	vld.idx.msk [tilespmem:v25+s1+$0x0], $0xffff;
	[tilespmem:s2+$0xABA0] =	vst v24  }
.LBB2_81:
0x796: {  	s17 =	sshra.s32 s15, $0x2;
	s14 =	sadd.s32 $0x4, s14;
	v11 =	vld.idx.msk [tilespmem:v11+s1+$0x0], $0xffff;
	[tilespmem:s31+$0x13BA0] =	vst v16  }
0x797: {  	v14 =	vld [tilespmem:s17+$0x3FB0];
	p3 =	slt.u32 s14, $0x20;
	[tilespmem:s31+$0x15F80] =	vst v17  }
0x798: {  	v16 =	vld [tilespmem:s17+$0x3F80];
	[tilespmem:s2+$0xCFB0] =	vst v19  }
0x799: {  	[tilespmem:s2+$0xCF80] =	vst v20;
	v17 =	vld.idx.msk [tilespmem:v22+s1+$0x0], $0xffff  }
0x79a: {  	v19 =	vld [tilespmem:s17+$0x3F90];
	[tilespmem:s31+$0x15F90] =	vst v18  }
0x79b: {  	v20 =	vor.u32 $0x5, v2;
	v18 =	vld [tilespmem:s17+$0x3FA0];
	[tilespmem:s2+$0xCF90] =	vst v21  }
0x79c: {  	v14 =	vshll.u32 v14, $0x3;
	v21 =	vld.idx.msk [tilespmem:v1+s1+$0x0], $0xffff;
	[tilespmem:s2+$0xCFA0] =	vst v11  }
0x79d: {  	v16 =	vshll.u32 v16, $0x3;
	v22 =	vld.idx.msk [tilespmem:v3+s1+$0x0], $0xffff  }
0x79e: {  	v23 =	vor.u32 $0x1, v16;
	v24 =	vor.u32 $0x2, v16;
	v25 =	vor.u32 $0x3, v16;
	v26 =	vld.idx.msk [tilespmem:v4+s1+$0x0], $0xffff  }
0x79f: {  	v1 =	vor.u32 $0x4, v16;
	v27 =	vor.u32 $0x5, v16;
	v19 =	vshll.u32 v19, $0x3;
	[tilespmem:s2+$0xF3B0] =	vst v17;
	v17 =	vld.idx.msk [tilespmem:v0+s0+$0x0], $0xffff;
	v0 =	vmovc v15;
	s0 =	smov.u32 s1  }
0x7a0: {  	s1 =	simm.s32 $0x0;
	v28 =	vor.u32 $0x1, v19;
	v29 =	vor.u32 $0x2, v19;
	v15 =	vshll.u32 v18, $0x3;
	v18 =	vld.idx.msk [tilespmem:v20+s0+$0x0], $0xffff  }
0x7a1: {  	v30 =	vor.u32 $0x3, v19;
	v20 =	vor.u32 $0x1, v15;
	v31 =	vor.u32 $0x2, v15;
	v32 =	vld.idx.msk [tilespmem:v14+s1+$0x0], $0xffff  }
0x7a2: {  	v3 =	vor.u32 $0x4, v19;
	v11 =	vor.u32 $0x3, v15;
	v33 =	vld.idx.msk [tilespmem:v16+s1+$0x0], $0xffff;
	[tilespmem:s2+$0xF380] =	vst v21;
	v21 =	vor.u32 $0x6, v2  }
0x7a3: {  	v35 =	vor.u32 $0x1, v14;
	v34 =	vor.u32 $0x5, v19;
	v4 =	vor.u32 $0x4, v15;
	v36 =	vld.idx.msk [tilespmem:v5+s0+$0x0], $0xffff;
	[tilespmem:s2+$0xF390] =	vst v22;
	v5 =	vmovc v27  }
0x7a4: {  	v37 =	vor.u32 $0x6, v19;
	v38 =	vor.u32 $0x5, v15;
	v22 =	vor.u32 $0x6, v16;
	v27 =	vld.idx.msk [tilespmem:v19+s1+$0x0], $0xffff;
	[tilespmem:s2+$0xF3A0] =	vst v26  }
0x7a5: {  	v39 =	vor.u32 $0x7, v19;
	v26 =	vor.u32 $0x7, v16;
	v19 =	vor.u32 $0x6, v15;
	v16 =	vld.idx.msk [tilespmem:v15+s1+$0x0], $0xffff;
	[tilespmem:s31+$0x15FA0] =	vst v17;
	s31 =	smov.u32 s2;
	s2 =	smov.u32 s17  }
0x7a6: {  	v15 =	vor.u32 $0x7, v15;
	v17 =	vld.idx.msk [tilespmem:v8+s0+$0x0], $0xffff;
	[tilespmem:s31+$0x117B0] =	vst v18;
	v8 =	vmov v34  }
0x7a7: {  	[tilespmem:s2+$0x63B0] =	vst v32;
	v18 =	vld.idx.msk [tilespmem:v21+s0+$0x0], $0xffff  }
0x7a8: {  	[tilespmem:s2+$0x6380] =	vst v33;
	v21 =	vld.idx.msk [tilespmem:v35+s1+$0x0], $0xffff  }
0x7a9: {  	v32 =	vor.u32 $0x7, v2;
	v2 =	vmov v14;
	v23 =	vld.idx.msk [tilespmem:v23+s1+$0x0], $0xffff;
	[tilespmem:s31+$0x11780] =	vst v36  }
0x7aa: {  	v14 =	vor.u32 $0x2, v2;
	[tilespmem:s2+$0x6390] =	vst v27;
	v27 =	vld.idx.msk [tilespmem:v12+s0+$0x0], $0xffff;
	v12 =	vmov v38  }
0x7ab: {  	v28 =	vld.idx.msk [tilespmem:v28+s1+$0x0], $0xffff;
	[tilespmem:s2+$0x63A0] =	vst v16  }
0x7ac: {  	v16 =	vld.idx.msk [tilespmem:v20+s1+$0x0], $0xffff;
	[tilespmem:s31+$0x11790] =	vst v17  }
0x7ad: {  	v17 =	vld.idx.msk [tilespmem:v9+s0+$0x0], $0xffff;
	[tilespmem:s31+$0x13BB0] =	vst v18;
	v9 =	vmov v22  }
0x7ae: {  	[tilespmem:s2+$0x87B0] =	vst v21;
	v18 =	vld.idx.msk [tilespmem:v32+s0+$0x0], $0xffff  }
0x7af: {  	[tilespmem:s2+$0x8780] =	vst v23;
	v14 =	vld.idx.msk [tilespmem:v14+s1+$0x0], $0xffff  }
0x7b0: {  	v20 =	vld.idx.msk [tilespmem:v24+s1+$0x0], $0xffff;
	[tilespmem:s31+$0x117A0] =	vst v27  }
0x7b1: {  	v21 =	vor.u32 $0x3, v2;
	[tilespmem:s2+$0x8790] =	vst v28;
	v22 =	vld.idx.msk [tilespmem:v6+s0+$0x0], $0xffff;
	v6 =	vmov v37  }
0x7b2: {  	v23 =	vld.idx.msk [tilespmem:v29+s1+$0x0], $0xffff;
	[tilespmem:s2+$0x87A0] =	vst v16  }
0x7b3: {  	v24 =	vld.idx.msk [tilespmem:v31+s1+$0x0], $0xffff;
	[tilespmem:s31+$0x13B80] =	vst v17  }
0x7b4: {  	v16 =	vld.idx.msk [tilespmem:v13+s0+$0x0], $0xffff;
	[tilespmem:s31+$0x15FB0] =	vst v18;
	v13 =	vmov v19  }
.Ltmp40:
0x7b5: {  	[tilespmem:s2+$0xABB0] =	vst v14;
	v17 =	vld.idx.msk [tilespmem:v10+s0+$0x0], $0xffff;
	v10 =	vmov v26;
	(pc) =	sbr.rel @p3 .LBB2_81-.Ltmp40, $4  }
0x7b6: {  	[tilespmem:s2+$0xAB80] =	vst v20;
	v19 =	vld.idx.msk [tilespmem:v21+s1+$0x0], $0xffff  }
0x7b7: {  	v20 =	vld.idx.msk [tilespmem:v25+s1+$0x0], $0xffff;
	[tilespmem:s31+$0x13B90] =	vst v22  }
0x7b8: {  	v22 =	vor.u32 $0x4, v2;
	[tilespmem:s2+$0xAB90] =	vst v23;
	v18 =	vld.idx.msk [tilespmem:v7+s0+$0x0], $0xffff;
	v7 =	vmov v39  }
0x7b9: {  	s15 =	sadd.s32 $0x100, s15;
	v21 =	vld.idx.msk [tilespmem:v30+s1+$0x0], $0xffff;
	[tilespmem:s2+$0xABA0] =	vst v24  }
0x7ba: {  	v23 =	vmov v0  }
0x7bb: {  	s14 =	smov.u32 s31;
	s31 =	smov.u32 s2;
	v14 =	vmovc v2;
	v0 =	vmovc v15;
	v15 =	vmov v5;
	v5 =	vmov v13;
	v13 =	vmov v7  }
.LBB2_83:
0x7bc: {  	_ =	sdelay $0x3  }
0x7bd: {  	v2 =	vld.idx.msk [tilespmem:v11+s1+$0x0], $0xffff;
	_ =	sdelay $0x1  }
0x7be: {  	[tilespmem:s31+$0xCFB0] =	vst v19  }
0x7bf: {  	[tilespmem:s31+$0xCF80] =	vst v20;
	v7 =	vld.idx.msk [tilespmem:v22+s1+$0x0], $0xffff  }
0x7c0: {  	v11 =	vor.u32 $0x5, v14;
	v1 =	vld.idx.msk [tilespmem:v1+s1+$0x0], $0xffff;
	[tilespmem:s31+$0xCF90] =	vst v21  }
0x7c1: {  	[tilespmem:s31+$0xCFA0] =	vst v2;
	v2 =	vld.idx.msk [tilespmem:v3+s1+$0x0], $0xffff  }
0x7c2: {  	v3 =	vld.idx.msk [tilespmem:v4+s1+$0x0], $0xffff;
	_ =	sdelay $0x1  }
0x7c3: {  	[tilespmem:s31+$0xF3B0] =	vst v7  }
0x7c4: {  	[tilespmem:s31+$0xF380] =	vst v1;
	v4 =	vld.idx.msk [tilespmem:v11+s1+$0x0], $0xffff  }
0x7c5: {  	v1 =	vor.u32 $0x6, v14;
	v7 =	vld.idx.msk [tilespmem:v15+s1+$0x0], $0xffff;
	[tilespmem:s31+$0xF390] =	vst v2  }
0x7c6: {  	[tilespmem:s31+$0xF3A0] =	vst v3;
	v2 =	vld.idx.msk [tilespmem:v8+s1+$0x0], $0xffff  }
0x7c7: {  	v3 =	vld.idx.msk [tilespmem:v12+s1+$0x0], $0xffff;
	_ =	sdelay $0x1  }
0x7c8: {  	[tilespmem:s31+$0x117B0] =	vst v4  }
0x7c9: {  	[tilespmem:s31+$0x11780] =	vst v7;
	v1 =	vld.idx.msk [tilespmem:v1+s1+$0x0], $0xffff  }
0x7ca: {  	v4 =	vor.u32 $0x7, v14;
	[tilespmem:s31+$0x11790] =	vst v2;
	v2 =	vld.idx.msk [tilespmem:v9+s1+$0x0], $0xffff  }
0x7cb: {  	[tilespmem:s31+$0x117A0] =	vst v3;
	v3 =	vld.idx.msk [tilespmem:v6+s1+$0x0], $0xffff  }
0x7cc: {  	[tilespmem:s14+$0x13BA0] =	vst @p2 v16;
	v5 =	vld.idx.msk [tilespmem:v5+s1+$0x0], $0xffff  }
0x7cd: {  	[tilespmem:s14+$0x15F80] =	vst @p2 v17  }
0x7ce: {  	v6 =	vld.idx.msk @p2 [tilespmem:v23+s0+$0x0], $0xffff;
	[tilespmem:s31+$0x13BB0] =	vst v1  }
0x7cf: {  	v1 =	vld.idx.msk [tilespmem:v4+s1+$0x0], $0xffff;
	[tilespmem:s31+$0x13B80] =	vst v2  }
0x7d0: {  	v2 =	vld.idx.msk [tilespmem:v10+s1+$0x0], $0xffff;
	[tilespmem:s31+$0x13B90] =	vst v3  }
0x7d1: {  	v3 =	vld.idx.msk [tilespmem:v13+s1+$0x0], $0xffff;
	[tilespmem:s31+$0x13BA0] =	vst v5  }
0x7d2: {  	[tilespmem:s14+$0x15F90] =	vst @p2 v18;
	v0 =	vld.idx.msk [tilespmem:v0+s1+$0x0], $0xffff  }
0x7d3: {  	[tilespmem:s14+$0x15FA0] =	vst @p2 v6  }
0x7d4: {  	[tilespmem:s31+$0x15FB0] =	vst v1  }
0x7d5: {  	[tilespmem:s31+$0x15F80] =	vst v2  }
0x7d6: {  	[tilespmem:s31+$0x15F90] =	vst v3  }
0x7d7: {  	s0 =	sshra.s32 s1, $0x2;
	[tilespmem:s31+$0x15FA0] =	vst v0  }
0x7d8: {  	v0 =	vld [tilespmem:s0+$0x41F0]  }
0x7d9: {  	v1 =	vld [tilespmem:s0+$0x41C0]  }
0x7da: {  	v2 =	vld [tilespmem:s0+$0x41D0]  }
0x7db: {  	v3 =	vld [tilespmem:s0+$0x41E0];
	_ =	sdelay $0x1  }
0x7dc: {  	v14 =	vshll.u32 v0, $0x3  }
0x7dd: {  	v0 =	vshll.u32 v1, $0x3  }
0x7de: {  	v1 =	vshll.u32 v2, $0x3  }
0x7df: {  	v7 =	vshll.u32 v3, $0x3;
	_ =	sdelay $0x1  }
0x7e0: {  	v2 =	vld.idx.msk [tilespmem:v14+s3+$0x0], $0xffff  }
0x7e1: {  	v4 =	vor.u32 $0x1, v14;
	v3 =	vld.idx.msk [tilespmem:v0+s3+$0x0], $0xffff  }
0x7e2: {  	v5 =	vor.u32 $0x1, v0;
	v6 =	vld.idx.msk [tilespmem:v1+s3+$0x0], $0xffff  }
0x7e3: {  	v8 =	vor.u32 $0x1, v1;
	v9 =	vld.idx.msk [tilespmem:v7+s3+$0x0], $0xffff  }
0x7e4: {  	v10 =	vor.u32 $0x1, v7  }
0x7e5: {  	[tilespmem:s0+$0x65F0] =	vst v2  }
0x7e6: {  	[tilespmem:s0+$0x65C0] =	vst v3;
	v2 =	vld.idx.msk [tilespmem:v4+s3+$0x0], $0xffff  }
0x7e7: {  	[tilespmem:s0+$0x65D0] =	vst v6;
	v3 =	vld.idx.msk [tilespmem:v5+s3+$0x0], $0xffff;
	v4 =	vor.u32 $0x2, v14  }
0x7e8: {  	[tilespmem:s0+$0x65E0] =	vst v9;
	v5 =	vor.u32 $0x2, v0;
	v6 =	vld.idx.msk [tilespmem:v8+s3+$0x0], $0xffff  }
0x7e9: {  	v8 =	vor.u32 $0x2, v1;
	v9 =	vld.idx.msk [tilespmem:v10+s3+$0x0], $0xffff  }
0x7ea: {  	v10 =	vor.u32 $0x2, v7  }
0x7eb: {  	[tilespmem:s0+$0x89F0] =	vst v2  }
0x7ec: {  	[tilespmem:s0+$0x89C0] =	vst v3;
	v4 =	vld.idx.msk [tilespmem:v4+s3+$0x0], $0xffff  }
0x7ed: {  	v12 =	vor.u32 $0x3, v14;
	[tilespmem:s0+$0x89D0] =	vst v6;
	v5 =	vld.idx.msk [tilespmem:v5+s3+$0x0], $0xffff  }
0x7ee: {  	v16 =	vor.u32 $0x3, v0;
	[tilespmem:s0+$0x89E0] =	vst v9;
	v17 =	vld.idx.msk [tilespmem:v8+s3+$0x0], $0xffff  }
0x7ef: {  	v18 =	vor.u32 $0x3, v1;
	v23 =	vld.idx.msk [tilespmem:v10+s3+$0x0], $0xffff  }
.Ltmp41:
0x7f0: {  	v15 =	vor.u32 $0x5, v0;
	v11 =	vor.u32 $0x3, v7;
	(pc) =	sbr.rel @!p1 .LBB2_84-.Ltmp41, $4  }
0x7f1: {  	v13 =	vor.u32 $0x7, v1;
	v22 =	vor.u32 $0x4, v14;
	v2 =	vor.u32 $0x4, v0;
	[tilespmem:s0+$0xADF0] =	vst v4  }
0x7f2: {  	v3 =	vor.u32 $0x4, v1;
	v9 =	vor.u32 $0x5, v1;
	v6 =	vor.u32 $0x6, v1;
	[tilespmem:s0+$0xADC0] =	vst v5;
	v19 =	vld.idx.msk [tilespmem:v12+s3+$0x0], $0xffff  }
0x7f3: {  	v10 =	vor.u32 $0x6, v0;
	v8 =	vor.u32 $0x7, v0;
	v0 =	vor.u32 $0x7, v7;
	[tilespmem:s0+$0xADD0] =	vst v17;
	v20 =	vld.idx.msk [tilespmem:v16+s3+$0x0], $0xffff  }
0x7f4: {  	s14 =	sadd.s32 $0x100, s1;
	v4 =	vor.u32 $0x4, v7;
	v5 =	vor.u32 $0x6, v7;
	[tilespmem:s0+$0xADE0] =	vst v23;
	v12 =	vor.u32 $0x5, v7;
	v21 =	vld.idx.msk [tilespmem:v18+s3+$0x0], $0xffff  }
0x7f5: {  	_ =	sdelay $0x3  }
0x7f6: {  	s1 =	sshra.s32 s14, $0x2;
	v7 =	vld.idx.msk [tilespmem:v11+s3+$0x0], $0xffff  }
0x7f7: {  	v1 =	vld [tilespmem:s1+$0x41F0]  }
0x7f8: {  	v11 =	vld [tilespmem:s1+$0x41C0]  }
0x7f9: {  	v17 =	vld [tilespmem:s1+$0x41D0]  }
0x7fa: {  	v18 =	vld [tilespmem:s1+$0x41E0];
	[tilespmem:s0+$0xD1F0] =	vst v19  }
0x7fb: {  	v16 =	vld.idx.msk [tilespmem:v22+s3+$0x0], $0xffff;
	[tilespmem:s0+$0xD1C0] =	vst v20  }
0x7fc: {  	v19 =	vor.u32 $0x5, v14;
	v2 =	vld.idx.msk [tilespmem:v2+s3+$0x0], $0xffff;
	_ =	sdelay $0x1  }
0x7fd: {  	[tilespmem:s0+$0xD1D0] =	vst v21;
	v1 =	vshll.u32 v1, $0x3  }
0x7fe: {  	[tilespmem:s0+$0xD1E0] =	vst v7;
	v3 =	vld.idx.msk [tilespmem:v3+s3+$0x0], $0xffff;
	v21 =	vshll.u32 v11, $0x3  }
0x7ff: {  	v4 =	vld.idx.msk [tilespmem:v4+s3+$0x0], $0xffff;
	v7 =	vshll.u32 v17, $0x3;
	[tilespmem:s0+$0xF5F0] =	vst v16  }
0x800: {  	v22 =	vshll.u32 v18, $0x3;
	v11 =	vld.idx.msk [tilespmem:v19+s3+$0x0], $0xffff;
	[tilespmem:s0+$0xF5C0] =	vst v2  }
0x801: {  	v15 =	vld.idx.msk [tilespmem:v15+s3+$0x0], $0xffff  }
0x802: {  	v16 =	vld.idx.msk [tilespmem:v1+s3+$0x0], $0xffff  }
0x803: {  	v2 =	vor.u32 $0x6, v14;
	v17 =	vld.idx.msk [tilespmem:v21+s3+$0x0], $0xffff  }
0x804: {  	[tilespmem:s0+$0xF5D0] =	vst v3;
	v3 =	vld.idx.msk [tilespmem:v7+s3+$0x0], $0xffff  }
0x805: {  	v18 =	vor.u32 $0x1, v1;
	[tilespmem:s0+$0xF5E0] =	vst v4;
	v4 =	vld.idx.msk [tilespmem:v22+s3+$0x0], $0xffff  }
0x806: {  	v19 =	vor.u32 $0x1, v21;
	v9 =	vld.idx.msk [tilespmem:v9+s3+$0x0], $0xffff;
	[tilespmem:s0+$0x119F0] =	vst v11  }
0x807: {  	v20 =	vor.u32 $0x1, v7;
	v12 =	vld.idx.msk [tilespmem:v12+s3+$0x0], $0xffff;
	[tilespmem:s0+$0x119C0] =	vst v15  }
0x808: {  	v11 =	vor.u32 $0x1, v22;
	v2 =	vld.idx.msk [tilespmem:v2+s3+$0x0], $0xffff;
	[tilespmem:s1+$0x65F0] =	vst v16  }
0x809: {  	v14 =	vor.u32 $0x7, v14;
	[tilespmem:s1+$0x65C0] =	vst v17;
	v10 =	vld.idx.msk [tilespmem:v10+s3+$0x0], $0xffff  }
0x80a: {  	[tilespmem:s1+$0x65D0] =	vst v3;
	v16 =	vld.idx.msk [tilespmem:v18+s3+$0x0], $0xffff  }
0x80b: {  	v3 =	vor.u32 $0x2, v1;
	[tilespmem:s1+$0x65E0] =	vst v4;
	v17 =	vld.idx.msk [tilespmem:v19+s3+$0x0], $0xffff  }
0x80c: {  	v15 =	vor.u32 $0x2, v21;
	[tilespmem:s0+$0x119D0] =	vst v9;
	v18 =	vld.idx.msk [tilespmem:v20+s3+$0x0], $0xffff  }
0x80d: {  	v4 =	vld.idx.msk [tilespmem:v11+s3+$0x0], $0xffff;
	[tilespmem:s0+$0x13DF0] =	vst v2  }
0x80e: {  	v9 =	vor.u32 $0x2, v7;
	[tilespmem:s0+$0x119E0] =	vst v12;
	v11 =	vld.idx.msk [tilespmem:v14+s3+$0x0], $0xffff  }
0x80f: {  	v2 =	vor.u32 $0x2, v22;
	[tilespmem:s1+$0x89F0] =	vst v16;
	v16 =	vld.idx.msk [tilespmem:v5+s3+$0x0], $0xffff  }
0x810: {  	[tilespmem:s1+$0x89C0] =	vst v17;
	v3 =	vld.idx.msk [tilespmem:v3+s3+$0x0], $0xffff  }
0x811: {  	v12 =	vor.u32 $0x3, v1;
	[tilespmem:s0+$0x13DC0] =	vst v10;
	v14 =	vld.idx.msk [tilespmem:v15+s3+$0x0], $0xffff  }
0x812: {  	[tilespmem:s1+$0x89D0] =	vst v18;
	v18 =	vor.u32 $0x3, v21;
	v15 =	vld.idx.msk [tilespmem:v6+s3+$0x0], $0xffff  }
0x813: {  	v23 =	vld.idx.msk [tilespmem:v9+s3+$0x0], $0xffff;
	[tilespmem:s1+$0x89E0] =	vst v4  }
0x814: {  	p1 =	por $0x1, $0x1;
	v25 =	vor.u32 $0x3, v7;
	v24 =	vld.idx.msk [tilespmem:v2+s3+$0x0], $0xffff;
	[tilespmem:s0+$0x161F0] =	vst v11  }
.Ltmp42:
0x815: {  	v10 =	vor.u32 $0x6, v21;
	v17 =	vld.idx.msk [tilespmem:v8+s3+$0x0], $0xffff;
	v11 =	vor.u32 $0x3, v22;
	[tilespmem:s1+$0xADF0] =	vst v3;
	(pc) =	sbr.rel @!p1 .LBB2_86-.Ltmp42, $4  }
0x816: {  	v5 =	vor.u32 $0x5, v21;
	v8 =	vor.u32 $0x7, v21;
	v9 =	vor.u32 $0x5, v7;
	[tilespmem:s1+$0xADC0] =	vst v14;
	v19 =	vld.idx.msk [tilespmem:v12+s3+$0x0], $0xffff  }
0x817: {  	v6 =	vor.u32 $0x6, v7;
	v4 =	vor.u32 $0x4, v22;
	[tilespmem:s0+$0x13DD0] =	vst v15;
	v15 =	vor.u32 $0x7, v22;
	v20 =	vld.idx.msk [tilespmem:v18+s3+$0x0], $0xffff  }
0x818: {  	[tilespmem:s1+$0xADD0] =	vst v23;
	v12 =	vor.u32 $0x5, v22;
	v18 =	vld.idx.msk [tilespmem:v13+s3+$0x0], $0xffff;
	v13 =	vor.u32 $0x6, v22;
	v22 =	vor.u32 $0x4, v1  }
0x819: {  	s2 =	simm.s32 $0x4;
	s14 =	sadd.s32 $0x100, s14;
	p0 =	por $0x1, $0x1;
	v2 =	vor.u32 $0x4, v21;
	v3 =	vor.u32 $0x4, v7;
	v7 =	vor.u32 $0x7, v7;
	v21 =	vld.idx.msk [tilespmem:v25+s3+$0x0], $0xffff;
	[tilespmem:s1+$0xADE0] =	vst v24  }
.LBB2_87:
0x81a: {  	s15 =	sshra.s32 s14, $0x2;
	s2 =	sadd.s32 $0x4, s2;
	v11 =	vld.idx.msk [tilespmem:v11+s3+$0x0], $0xffff;
	[tilespmem:s0+$0x13DE0] =	vst v16  }
0x81b: {  	v14 =	vld [tilespmem:s15+$0x41F0];
	p1 =	slt.u32 s2, $0x20;
	[tilespmem:s0+$0x161C0] =	vst v17  }
0x81c: {  	v16 =	vld [tilespmem:s15+$0x41C0];
	[tilespmem:s1+$0xD1F0] =	vst v19  }
0x81d: {  	[tilespmem:s1+$0xD1C0] =	vst v20;
	v17 =	vld.idx.msk [tilespmem:v22+s3+$0x0], $0xffff  }
0x81e: {  	v19 =	vld [tilespmem:s15+$0x41D0];
	[tilespmem:s0+$0x161D0] =	vst v18  }
0x81f: {  	v20 =	vor.u32 $0x5, v1;
	v18 =	vld [tilespmem:s15+$0x41E0];
	[tilespmem:s1+$0xD1D0] =	vst v21  }
0x820: {  	v14 =	vshll.u32 v14, $0x3;
	v21 =	vld.idx.msk [tilespmem:v2+s3+$0x0], $0xffff;
	[tilespmem:s1+$0xD1E0] =	vst v11  }
0x821: {  	v16 =	vshll.u32 v16, $0x3;
	v22 =	vld.idx.msk [tilespmem:v3+s3+$0x0], $0xffff  }
0x822: {  	v23 =	vor.u32 $0x1, v16;
	v24 =	vor.u32 $0x2, v16;
	v25 =	vor.u32 $0x3, v16;
	v26 =	vld.idx.msk [tilespmem:v4+s3+$0x0], $0xffff  }
0x823: {  	v2 =	vor.u32 $0x4, v16;
	v27 =	vor.u32 $0x5, v16;
	v19 =	vshll.u32 v19, $0x3;
	[tilespmem:s1+$0xF5F0] =	vst v17;
	v17 =	vld.idx.msk [tilespmem:v0+s3+$0x0], $0xffff;
	v0 =	vmovc v15  }
0x824: {  	v28 =	vor.u32 $0x1, v19;
	v29 =	vor.u32 $0x2, v19;
	v15 =	vshll.u32 v18, $0x3;
	v18 =	vld.idx.msk [tilespmem:v20+s3+$0x0], $0xffff  }
0x825: {  	v30 =	vor.u32 $0x3, v19;
	v20 =	vor.u32 $0x1, v15;
	v31 =	vor.u32 $0x2, v15;
	v32 =	vld.idx.msk [tilespmem:v14+s3+$0x0], $0xffff  }
0x826: {  	v3 =	vor.u32 $0x4, v19;
	v11 =	vor.u32 $0x3, v15;
	v33 =	vld.idx.msk [tilespmem:v16+s3+$0x0], $0xffff;
	[tilespmem:s1+$0xF5C0] =	vst v21;
	v21 =	vor.u32 $0x6, v1  }
0x827: {  	v35 =	vor.u32 $0x1, v14;
	v34 =	vor.u32 $0x5, v19;
	v4 =	vor.u32 $0x4, v15;
	v36 =	vld.idx.msk [tilespmem:v5+s3+$0x0], $0xffff;
	[tilespmem:s1+$0xF5D0] =	vst v22;
	v5 =	vmovc v27  }
0x828: {  	v37 =	vor.u32 $0x6, v19;
	v38 =	vor.u32 $0x5, v15;
	v22 =	vor.u32 $0x6, v16;
	v27 =	vld.idx.msk [tilespmem:v19+s3+$0x0], $0xffff;
	[tilespmem:s1+$0xF5E0] =	vst v26  }
0x829: {  	v39 =	vor.u32 $0x7, v19;
	v26 =	vor.u32 $0x7, v16;
	v19 =	vor.u32 $0x6, v15;
	v16 =	vld.idx.msk [tilespmem:v15+s3+$0x0], $0xffff;
	[tilespmem:s0+$0x161E0] =	vst v17;
	s0 =	smov.u32 s1;
	s1 =	smov.u32 s15  }
0x82a: {  	v15 =	vor.u32 $0x7, v15;
	v17 =	vld.idx.msk [tilespmem:v9+s3+$0x0], $0xffff;
	[tilespmem:s0+$0x119F0] =	vst v18;
	v9 =	vmov v34  }
0x82b: {  	[tilespmem:s1+$0x65F0] =	vst v32;
	v18 =	vld.idx.msk [tilespmem:v21+s3+$0x0], $0xffff  }
0x82c: {  	[tilespmem:s1+$0x65C0] =	vst v33;
	v21 =	vld.idx.msk [tilespmem:v35+s3+$0x0], $0xffff  }
0x82d: {  	v32 =	vor.u32 $0x7, v1;
	v1 =	vmov v14;
	v23 =	vld.idx.msk [tilespmem:v23+s3+$0x0], $0xffff;
	[tilespmem:s0+$0x119C0] =	vst v36  }
0x82e: {  	v14 =	vor.u32 $0x2, v1;
	[tilespmem:s1+$0x65D0] =	vst v27;
	v27 =	vld.idx.msk [tilespmem:v12+s3+$0x0], $0xffff;
	v12 =	vmov v38  }
0x82f: {  	v28 =	vld.idx.msk [tilespmem:v28+s3+$0x0], $0xffff;
	[tilespmem:s1+$0x65E0] =	vst v16  }
0x830: {  	v16 =	vld.idx.msk [tilespmem:v20+s3+$0x0], $0xffff;
	[tilespmem:s0+$0x119D0] =	vst v17  }
0x831: {  	v17 =	vld.idx.msk [tilespmem:v10+s3+$0x0], $0xffff;
	[tilespmem:s0+$0x13DF0] =	vst v18;
	v10 =	vmov v22  }
0x832: {  	[tilespmem:s1+$0x89F0] =	vst v21;
	v18 =	vld.idx.msk [tilespmem:v32+s3+$0x0], $0xffff  }
0x833: {  	[tilespmem:s1+$0x89C0] =	vst v23;
	v14 =	vld.idx.msk [tilespmem:v14+s3+$0x0], $0xffff  }
0x834: {  	v20 =	vld.idx.msk [tilespmem:v24+s3+$0x0], $0xffff;
	[tilespmem:s0+$0x119E0] =	vst v27  }
0x835: {  	v21 =	vor.u32 $0x3, v1;
	[tilespmem:s1+$0x89D0] =	vst v28;
	v22 =	vld.idx.msk [tilespmem:v6+s3+$0x0], $0xffff;
	v6 =	vmov v37  }
0x836: {  	v23 =	vld.idx.msk [tilespmem:v29+s3+$0x0], $0xffff;
	[tilespmem:s1+$0x89E0] =	vst v16  }
0x837: {  	v24 =	vld.idx.msk [tilespmem:v31+s3+$0x0], $0xffff;
	[tilespmem:s0+$0x13DC0] =	vst v17  }
0x838: {  	v16 =	vld.idx.msk [tilespmem:v13+s3+$0x0], $0xffff;
	[tilespmem:s0+$0x161F0] =	vst v18;
	v13 =	vmov v19  }
.Ltmp43:
0x839: {  	[tilespmem:s1+$0xADF0] =	vst v14;
	v17 =	vld.idx.msk [tilespmem:v8+s3+$0x0], $0xffff;
	v8 =	vmov v26;
	(pc) =	sbr.rel @p1 .LBB2_87-.Ltmp43, $4  }
0x83a: {  	[tilespmem:s1+$0xADC0] =	vst v20;
	v19 =	vld.idx.msk [tilespmem:v21+s3+$0x0], $0xffff  }
0x83b: {  	v20 =	vld.idx.msk [tilespmem:v25+s3+$0x0], $0xffff;
	[tilespmem:s0+$0x13DD0] =	vst v22  }
0x83c: {  	v22 =	vor.u32 $0x4, v1;
	[tilespmem:s1+$0xADD0] =	vst v23;
	v18 =	vld.idx.msk [tilespmem:v7+s3+$0x0], $0xffff;
	v7 =	vmov v39  }
0x83d: {  	s14 =	sadd.s32 $0x100, s14;
	v21 =	vld.idx.msk [tilespmem:v30+s3+$0x0], $0xffff;
	[tilespmem:s1+$0xADE0] =	vst v24  }
0x83e: {  	v23 =	vmov v0  }
0x83f: {  	s2 =	smov.u32 s0;
	s0 =	smov.u32 s1;
	v14 =	vmovc v1;
	v0 =	vmovc v15;
	v15 =	vmov v5;
	v5 =	vmov v13;
	v13 =	vmov v7  }
.LBB2_89:
0x840: {  	_ =	sdelay $0x3  }
0x841: {  	v1 =	vld.idx.msk [tilespmem:v11+s3+$0x0], $0xffff;
	_ =	sdelay $0x1  }
0x842: {  	[tilespmem:s0+$0xD1F0] =	vst v19  }
0x843: {  	[tilespmem:s0+$0xD1C0] =	vst v20;
	v7 =	vld.idx.msk [tilespmem:v22+s3+$0x0], $0xffff  }
0x844: {  	v55 =	vor.u32 $0x5, v14;
	v2 =	vld.idx.msk [tilespmem:v2+s3+$0x0], $0xffff;
	[tilespmem:s0+$0xD1D0] =	vst v21  }
0x845: {  	v56 =	vld.idx.msk [tilespmem:v3+s3+$0x0], $0xffff;
	[tilespmem:s0+$0xD1E0] =	vst v1  }
0x846: {  	v57 =	vld.idx.msk [tilespmem:v4+s3+$0x0], $0xffff;
	_ =	sdelay $0x1  }
0x847: {  	[tilespmem:s0+$0xF5F0] =	vst v7  }
0x848: {  	[tilespmem:s0+$0xF5C0] =	vst v2;
	v58 =	vld.idx.msk [tilespmem:v55+s3+$0x0], $0xffff  }
0x849: {  	v59 =	vor.u32 $0x6, v14;
	v60 =	vld.idx.msk [tilespmem:v15+s3+$0x0], $0xffff;
	[tilespmem:s0+$0xF5D0] =	vst v56  }
0x84a: {  	v1 =	vld.idx.msk [tilespmem:v9+s3+$0x0], $0xffff;
	[tilespmem:s0+$0xF5E0] =	vst v57  }
0x84b: {  	v3 =	vld.idx.msk [tilespmem:v12+s3+$0x0], $0xffff;
	_ =	sdelay $0x1  }
0x84c: {  	[tilespmem:s0+$0x119F0] =	vst v58  }
0x84d: {  	[tilespmem:s0+$0x119C0] =	vst v60;
	v2 =	vld.idx.msk [tilespmem:v59+s3+$0x0], $0xffff  }
0x84e: {  	v61 =	vor.u32 $0x7, v14;
	v62 =	vld.idx.msk [tilespmem:v10+s3+$0x0], $0xffff;
	[tilespmem:s0+$0x119D0] =	vst v1  }
0x84f: {  	v63 =	vld.idx.msk [tilespmem:v6+s3+$0x0], $0xffff;
	[tilespmem:s0+$0x119E0] =	vst v3  }
0x850: {  	[tilespmem:s2+$0x13DE0] =	vst @p0 v16;
	v5 =	vld.idx.msk [tilespmem:v5+s3+$0x0], $0xffff  }
0x851: {  	[tilespmem:s2+$0x161C0] =	vst @p0 v17  }
0x852: {  	v6 =	vld.idx.msk @p0 [tilespmem:v23+s3+$0x0], $0xffff;
	[tilespmem:s0+$0x13DF0] =	vst v2  }
0x853: {  	[tilespmem:s0+$0x13DC0] =	vst v62;
	v2 =	vld.idx.msk [tilespmem:v61+s3+$0x0], $0xffff  }
0x854: {  	v1 =	vld.idx.msk [tilespmem:v8+s3+$0x0], $0xffff;
	[tilespmem:s0+$0x13DD0] =	vst v63  }
0x855: {  	v3 =	vld.idx.msk [tilespmem:v13+s3+$0x0], $0xffff;
	[tilespmem:s0+$0x13DE0] =	vst v5  }
0x856: {  	[tilespmem:s2+$0x161D0] =	vst @p0 v18;
	v0 =	vld.idx.msk [tilespmem:v0+s3+$0x0], $0xffff  }
0x857: {  	[tilespmem:s2+$0x161E0] =	vst @p0 v6  }
0x858: {  	[tilespmem:s0+$0x161F0] =	vst v2  }
0x859: {  	[tilespmem:s0+$0x161C0] =	vst v1  }
0x85a: {  	[tilespmem:s0+$0x161D0] =	vst v3  }
0x85b: {  	s31 =	simm.s32 $0x4400;
	[tilespmem:s0+$0x161E0] =	vst v0  }
0x85c: {  	[hbm4b:s5+s18] =	stream.strided.scatter [tilespmem:s31], [sflag:$0x1], $0x2400, s19, s18, $0x38;
	[tilespmem:$0x16400] =	vst v63  }
0x85d: {  	_ = 	snop  }
0x85e: {  	[hbm4b:s6+s18] =	stream.strided.scatter [tilespmem:s21], [sflag:$0x1], $0x2400, s19, s18, $0x38;
	[tilespmem:$0x16400] =	vst v63  }
0x85f: {  	_ = 	snop  }
0x860: {  	[hbm4b:s7+s18] =	stream.strided.scatter [tilespmem:s22], [sflag:$0x1], $0x2400, s19, s18, $0x38;
	[tilespmem:$0x16400] =	vst v63  }
0x861: {  	_ = 	snop  }
0x862: {  	[hbm4b:s8+s18] =	stream.strided.scatter [tilespmem:s23], [sflag:$0x1], $0x2400, s19, s18, $0x38;
	[tilespmem:$0x16400] =	vst v63  }
0x863: {  	_ = 	snop  }
0x864: {  	[hbm4b:s9+s18] =	stream.strided.scatter [tilespmem:s24], [sflag:$0x1], $0x2400, s19, s18, $0x38;
	[tilespmem:$0x16400] =	vst v63  }
0x865: {  	_ = 	snop  }
0x866: {  	[hbm4b:s10+s18] =	stream.strided.scatter [tilespmem:s25], [sflag:$0x1], $0x2400, s19, s18, $0x38;
	[tilespmem:$0x16400] =	vst v63  }
0x867: {  	_ = 	snop  }
0x868: {  	[hbm4b:s11+s18] =	stream.strided.scatter [tilespmem:s26], [sflag:$0x1], $0x2400, s19, s18, $0x38;
	[tilespmem:$0x16400] =	vst v63  }
0x869: {  	_ = 	snop  }
0x86a: {  	[hbm4b:s12+s18] =	stream.strided.scatter [tilespmem:s28], [sflag:$0x1], $0x2400, s19, s18, $0x38;
	[tilespmem:$0x16400] =	vst v63  }
0x86b: {  	_ =	swait.ge [sflag:s29], $0x2400  }
0x86c: {  	[sflag:s29] =	ssyncset.done $0x0  }
0x86d: {  	[sflag:s29] =	ssyncadd.s32 $0xFFFFDC00  }
0x86e: {  	_ =	swait.ge [sflag:s29], $0x2400  }
0x86f: {  	[sflag:s29] =	ssyncset.done $0x0  }
0x870: {  	[sflag:s29] =	ssyncadd.s32 $0xFFFFDC00  }
0x871: {  	_ =	swait.ge [sflag:s29], $0x2400  }
0x872: {  	[sflag:s29] =	ssyncset.done $0x0  }
0x873: {  	[sflag:s29] =	ssyncadd.s32 $0xFFFFDC00  }
0x874: {  	_ =	swait.ge [sflag:s29], $0x2400  }
0x875: {  	[sflag:s29] =	ssyncset.done $0x0  }
0x876: {  	[sflag:s29] =	ssyncadd.s32 $0xFFFFDC00  }
0x877: {  	_ =	swait.ge [sflag:s29], $0x2400  }
0x878: {  	[sflag:s29] =	ssyncset.done $0x0  }
0x879: {  	[sflag:s29] =	ssyncadd.s32 $0xFFFFDC00  }
0x87a: {  	_ =	swait.ge [sflag:s29], $0x2400  }
0x87b: {  	[sflag:s29] =	ssyncset.done $0x0  }
0x87c: {  	s30 =	sadd.s32 $0x1, s30;
	[sflag:s29] =	ssyncadd.s32 $0xFFFFDC00  }
0x87d: {  	p0 =	sne.s32 s30, s13;
	_ =	swait.ge [sflag:s29], $0x2400  }
.Ltmp44:
0x87e: {  	[sflag:s29] =	ssyncset.done $0x0;
	(pc) =	sbr.rel @p0 .LBB2_1-.Ltmp44, $4  }
.Ltmp45:
0x87f: {  	[sflag:s29] =	ssyncadd.s32 $0xFFFFDC00;
	(pc) =	sbr.rel @!p0 .LBB2_90-.Ltmp45, $4  }
0x880: {  	_ =	swait.ge [sflag:s29], $0x2400  }
0x881: {  	[sflag:s29] =	ssyncset.done $0x0  }
0x882: {  	[sflag:s29] =	ssyncadd.s32 $0xFFFFDC00  }
0x883: {  	_ = 	snop  }
.LBB2_6:
.Ltmp46:
0x884: {  	(pc) =	sbr.rel .LBB2_11-.Ltmp46, $2  }
0x885: {  	_ =	sdelay $0x2  }
0x886: {  	p2 =	por $0x0, $0x0  }
.LBB2_12:
.Ltmp47:
0x887: {  	(pc) =	sbr.rel .LBB2_17-.Ltmp47, $2  }
0x888: {  	_ =	sdelay $0x2  }
0x889: {  	s31 =	smov.u32 s14  }
.LBB2_18:
.Ltmp48:
0x88a: {  	(pc) =	sbr.rel .LBB2_23-.Ltmp48, $2  }
0x88b: {  	_ =	sdelay $0x2  }
0x88c: {  	p2 =	por $0x0, $0x0  }
.LBB2_24:
.Ltmp49:
0x88d: {  	(pc) =	sbr.rel .LBB2_29-.Ltmp49, $2  }
0x88e: {  	_ =	sdelay $0x2  }
0x88f: {  	s2 =	smov.u32 s31  }
.LBB2_30:
.Ltmp50:
0x890: {  	(pc) =	sbr.rel .LBB2_35-.Ltmp50, $2  }
0x891: {  	_ =	sdelay $0x2  }
0x892: {  	p2 =	por $0x0, $0x0  }
.LBB2_36:
.Ltmp51:
0x893: {  	(pc) =	sbr.rel .LBB2_41-.Ltmp51, $2  }
0x894: {  	_ =	sdelay $0x2  }
0x895: {  	s2 =	smov.u32 s31  }
.LBB2_42:
.Ltmp52:
0x896: {  	(pc) =	sbr.rel .LBB2_47-.Ltmp52, $2  }
0x897: {  	_ =	sdelay $0x2  }
0x898: {  	p2 =	por $0x0, $0x0  }
.LBB2_48:
.Ltmp53:
0x899: {  	(pc) =	sbr.rel .LBB2_53-.Ltmp53, $2  }
0x89a: {  	_ =	sdelay $0x2  }
0x89b: {  	s2 =	smov.u32 s31  }
.LBB2_54:
.Ltmp54:
0x89c: {  	(pc) =	sbr.rel .LBB2_59-.Ltmp54, $2  }
0x89d: {  	_ =	sdelay $0x2  }
0x89e: {  	p2 =	por $0x0, $0x0  }
.LBB2_60:
.Ltmp55:
0x89f: {  	(pc) =	sbr.rel .LBB2_65-.Ltmp55, $2  }
0x8a0: {  	_ =	sdelay $0x2  }
0x8a1: {  	s2 =	smov.u32 s31  }
.LBB2_66:
.Ltmp56:
0x8a2: {  	(pc) =	sbr.rel .LBB2_71-.Ltmp56, $2  }
0x8a3: {  	_ =	sdelay $0x2  }
0x8a4: {  	p2 =	por $0x0, $0x0  }
.LBB2_72:
.Ltmp57:
0x8a5: {  	(pc) =	sbr.rel .LBB2_77-.Ltmp57, $2  }
0x8a6: {  	_ =	sdelay $0x2  }
0x8a7: {  	s2 =	smov.u32 s31  }
.LBB2_78:
.Ltmp58:
0x8a8: {  	(pc) =	sbr.rel .LBB2_83-.Ltmp58, $2  }
0x8a9: {  	_ =	sdelay $0x2  }
0x8aa: {  	p2 =	por $0x0, $0x0  }
.LBB2_84:
.Ltmp59:
0x8ab: {  	(pc) =	sbr.rel .LBB2_89-.Ltmp59, $2  }
0x8ac: {  	_ =	sdelay $0x2  }
0x8ad: {  	_ = 	snop  }
.LBB2_8:
.Ltmp60:
0x8ae: {  	(pc) =	sbr.rel .LBB2_11-.Ltmp60, $3  }
0x8af: {  	_ =	sdelay $0x1  }
0x8b0: {  	v23 =	vmov v0  }
0x8b1: {  	s14 =	simm.s32 $0x0;
	s0 =	simm.s32 $0x40;
	v14 =	vmovc v2;
	s2 =	simm.s32 $0x0;
	v0 =	vmovc v15;
	v15 =	vmov v5;
	v5 =	vmov v13;
	v13 =	vmov v7  }
.LBB2_14:
.Ltmp61:
0x8b2: {  	(pc) =	sbr.rel .LBB2_17-.Ltmp61, $3  }
0x8b3: {  	_ =	sdelay $0x1  }
0x8b4: {  	v23 =	vmov v0  }
0x8b5: {  	s2 =	smov.u32 s14;
	v14 =	vmovc v1;
	v0 =	vmovc v15;
	v15 =	vmov v5;
	v5 =	vmov v13;
	v13 =	vmov v7  }
.LBB2_20:
.Ltmp62:
0x8b6: {  	(pc) =	sbr.rel .LBB2_23-.Ltmp62, $3  }
0x8b7: {  	_ =	sdelay $0x1  }
0x8b8: {  	v23 =	vmov v0  }
0x8b9: {  	s2 =	smov.u32 s14;
	s14 =	smov.u32 s31;
	v14 =	vmovc v2;
	s0 =	simm.s32 $0x0;
	v0 =	vmovc v15;
	v15 =	vmov v5;
	v5 =	vmov v13;
	v13 =	vmov v7  }
.LBB2_26:
.Ltmp63:
0x8ba: {  	(pc) =	sbr.rel .LBB2_29-.Ltmp63, $3  }
0x8bb: {  	_ =	sdelay $0x1  }
0x8bc: {  	v23 =	vmov v0  }
0x8bd: {  	s14 =	smov.u32 s31;
	v14 =	vmovc v1;
	v0 =	vmovc v15;
	v15 =	vmov v5;
	v5 =	vmov v13;
	v13 =	vmov v7  }
.LBB2_32:
.Ltmp64:
0x8be: {  	(pc) =	sbr.rel .LBB2_35-.Ltmp64, $3  }
0x8bf: {  	_ =	sdelay $0x1  }
0x8c0: {  	v23 =	vmov v0  }
0x8c1: {  	s14 =	smov.u32 s31;
	s31 =	smov.u32 s2;
	v14 =	vmovc v2;
	s0 =	simm.s32 $0x0;
	v0 =	vmovc v15;
	v15 =	vmov v5;
	v5 =	vmov v13;
	v13 =	vmov v7  }
.LBB2_38:
.Ltmp65:
0x8c2: {  	(pc) =	sbr.rel .LBB2_41-.Ltmp65, $3  }
0x8c3: {  	_ =	sdelay $0x1  }
0x8c4: {  	v23 =	vmov v0  }
0x8c5: {  	s14 =	smov.u32 s31;
	v14 =	vmovc v1;
	v0 =	vmovc v15;
	v15 =	vmov v5;
	v5 =	vmov v13;
	v13 =	vmov v7  }
.LBB2_44:
.Ltmp66:
0x8c6: {  	(pc) =	sbr.rel .LBB2_47-.Ltmp66, $3  }
0x8c7: {  	_ =	sdelay $0x1  }
0x8c8: {  	v23 =	vmov v0  }
0x8c9: {  	s14 =	smov.u32 s31;
	s31 =	smov.u32 s2;
	v14 =	vmovc v2;
	s0 =	simm.s32 $0x0;
	v0 =	vmovc v15;
	v15 =	vmov v5;
	v5 =	vmov v13;
	v13 =	vmov v7  }
.LBB2_50:
.Ltmp67:
0x8ca: {  	(pc) =	sbr.rel .LBB2_53-.Ltmp67, $3  }
0x8cb: {  	_ =	sdelay $0x1  }
0x8cc: {  	v23 =	vmov v0  }
0x8cd: {  	s14 =	smov.u32 s31;
	v14 =	vmovc v1;
	v0 =	vmovc v15;
	v15 =	vmov v5;
	v5 =	vmov v13;
	v13 =	vmov v7  }
.LBB2_56:
.Ltmp68:
0x8ce: {  	(pc) =	sbr.rel .LBB2_59-.Ltmp68, $3  }
0x8cf: {  	_ =	sdelay $0x1  }
0x8d0: {  	v23 =	vmov v0  }
0x8d1: {  	s14 =	smov.u32 s31;
	s31 =	smov.u32 s2;
	v14 =	vmovc v2;
	s0 =	simm.s32 $0x0;
	v0 =	vmovc v15;
	v15 =	vmov v5;
	v5 =	vmov v13;
	v13 =	vmov v7  }
.LBB2_62:
.Ltmp69:
0x8d2: {  	(pc) =	sbr.rel .LBB2_65-.Ltmp69, $3  }
0x8d3: {  	_ =	sdelay $0x1  }
0x8d4: {  	v23 =	vmov v0  }
0x8d5: {  	s14 =	smov.u32 s31;
	v14 =	vmovc v1;
	v0 =	vmovc v15;
	v15 =	vmov v5;
	v5 =	vmov v13;
	v13 =	vmov v7  }
.LBB2_68:
.Ltmp70:
0x8d6: {  	(pc) =	sbr.rel .LBB2_71-.Ltmp70, $3  }
0x8d7: {  	_ =	sdelay $0x1  }
0x8d8: {  	v23 =	vmov v0  }
0x8d9: {  	s14 =	smov.u32 s31;
	s31 =	smov.u32 s2;
	v14 =	vmovc v2;
	s0 =	simm.s32 $0x0;
	v0 =	vmovc v15;
	v15 =	vmov v5;
	v5 =	vmov v13;
	v13 =	vmov v7  }
.LBB2_74:
.Ltmp71:
0x8da: {  	(pc) =	sbr.rel .LBB2_77-.Ltmp71, $3  }
0x8db: {  	_ =	sdelay $0x1  }
0x8dc: {  	v23 =	vmov v0  }
0x8dd: {  	s14 =	smov.u32 s31;
	v14 =	vmovc v1;
	v0 =	vmovc v15;
	v15 =	vmov v5;
	v5 =	vmov v13;
	v13 =	vmov v7  }
.LBB2_80:
.Ltmp72:
0x8de: {  	(pc) =	sbr.rel .LBB2_83-.Ltmp72, $3  }
0x8df: {  	_ =	sdelay $0x1  }
0x8e0: {  	v23 =	vmov v0  }
0x8e1: {  	s14 =	smov.u32 s31;
	s31 =	smov.u32 s2;
	v14 =	vmovc v2;
	s0 =	simm.s32 $0x0;
	v0 =	vmovc v15;
	v15 =	vmov v5;
	v5 =	vmov v13;
	v13 =	vmov v7  }
.LBB2_86:
.Ltmp73:
0x8e2: {  	(pc) =	sbr.rel .LBB2_89-.Ltmp73, $3  }
0x8e3: {  	_ =	sdelay $0x1  }
0x8e4: {  	v23 =	vmov v0  }
0x8e5: {  	s2 =	smov.u32 s0;
	s0 =	smov.u32 s1;
	v14 =	vmovc v1;
	v0 =	vmovc v15;
	v15 =	vmov v5;
	v5 =	vmov v13;
	v13 =	vmov v7  }
.LBB2_90:
0x8e6: {  	_ =	sfence.sel $0x180000  }
0x8e7: {  	[bflag:$0x0] =	sbarrier.arrive $0xFFFF  }
0x8e8: {  	_ =	strace $0x90000047  }
0x8e9: {  	s0 =	stileid.u32;
	[bflag:$0x2] =	sbarrier.arrive $0xFFFF  }
0x8ea: {  	p0 =	sne.s32 s0, $0x0;
	s0 =	rddreg [dreg:$0x3]  }
0x8eb: {  	s0 =	sadd.s32 @!p0 $0x100000, s0  }
0x8ec: {  	[sflag:s0] =	ssyncadd.tile.s32 @!p0 $0x1;
	_ =	shalt  }
.Lfunc_end2:
_tile_overlayer_lowered:
.L_overlay_start_2:
0x8ed: {  	(tag) =	ssettag $0x2  }
0x8ee: {  	s0 =	rddreg [dreg:$0x0];
	s2 =	stileid.u32  }
0x8ef: {  	s1 =	rddreg [dreg:$0x1];
	p0 =	sne.s32 s2, $0x0  }
0x8f0: {  	s3 =	rddreg [dreg:$0x2];
	[bflag:$0x3] =	sbarrier.arrive $0xFFFF;
	s2 =	simm.s32 @!p0 $0x1C02  }
0x8f1: {  	[timem:s3], [sflag:s2] =	dma.local @!p0 [hbm:s0], s1  }
0x8f2: {  	s0 =	simm.s32 @!p0 $0x2  }
0x8f3: {  	_ =	swait.ge @!p0 [sflag:s0], s1  }
0x8f4: {  	s1 =	ssub.s32 @!p0 $0x0, s1;
	[sflag:s0] =	ssyncset.done @!p0 $0x0  }
0x8f5: {  	[sflag:s0] =	ssyncadd.s32 @!p0 s1  }
0x8f6: {  	[bflag:$0x3] =	sbarrier.arrive $0xFFFF  }
0x8f7: {  	_ =	shalt  }

</sc_bundles>
